<compile_context>
chip_gen: v7x
topology: tpu7x:2x2x1
jax: 0.10.2.dev20260603
libtpu: 0.0.44.dev20260713+nightly
codegen_flags: <defaults>
</compile_context>

<pallas_src>
import dataclasses
import functools

import jax
import jax.numpy as jnp
from jax import lax
from jax.experimental import pallas as pl
from jax.experimental.pallas import tpu as pltpu
from jax.experimental.pallas import tpu_sc as plsc

N = 10000
D = 128
E = 320000
NP = 10112
NTILES = 32
C = 96
CH0 = 128
CH1 = 82
EP = 16 * (CH0 + CH1) * C
MAXPAIRS = CH0 // 2
RPS = NP // 16
EDT = E // NTILES

_MESH = plsc.VectorSubcoreMesh(core_axis_name="c", subcore_axis_name="s")

_CP = pltpu.CompilerParams()
if "needs_layout_passes" in pltpu.CompilerParams.__dataclass_fields__:
  _CP = dataclasses.replace(_CP, needs_layout_passes=False)

_RPS_PIECES = []
_r = 0
while _r < RPS:
  _RPS_PIECES.append((min(C, RPS - _r), _r))
  _r += min(C, RPS - _r)


@functools.partial(
    pl.kernel,
    out_type=jax.ShapeDtypeStruct((2, NP, D), jnp.float32),
    mesh=_MESH,
    scratch_types=[
        pltpu.VMEM((2, C), jnp.int32),
        pltpu.VMEM((2, C), jnp.int32),
        pltpu.VMEM((C, D), jnp.float32),
        pltpu.VMEM((C, D), jnp.float32),
        pltpu.VMEM_SHARED((NP, D), jnp.float32),
        pltpu.SemaphoreType.DMA,
        pltpu.SemaphoreType.DMA,
        pltpu.SemaphoreType.DMA,
        pltpu.SemaphoreType.DMA,
    ])
def _segsum(x_hbm, idx_hbm, out_hbm,
            i0, i1, buf0, buf1, acc, g0, g1, sa, sb):
  cid = lax.axis_index("c")
  sid = lax.axis_index("s")
  wid = cid * 16 + sid

  @pl.loop(0, C)
  def _(i):
    for c in range(D // 16):
      buf0.at[pl.ds(i, 1), pl.ds(c * 16, 16)][...] = jnp.zeros(
          (1, 16), jnp.float32)

  for sz, off in _RPS_PIECES:
    pltpu.sync_copy(buf0.at[pl.ds(0, sz)], acc.at[pl.ds(sid * RPS + off, sz)])
  plsc.subcore_barrier()

  cbase = jnp.where(cid == 0, sid * CH0, 16 * CH0 + sid * CH1)
  mypairs = jnp.where(cid == 0, CH0 // 2, CH1 // 2)

  @pl.loop(0, MAXPAIRS)
  def _(j2):
    @pl.when(j2 < mypairs)
    def _():
      c0 = cbase + j2 * 2
      pltpu.sync_copy(idx_hbm.at[c0], i0)
      h0 = pltpu.async_copy(x_hbm.at[i0.at[1]], buf0, g0)
      pltpu.sync_copy(idx_hbm.at[c0 + 1], i1)
      h1 = pltpu.async_copy(x_hbm.at[i1.at[1]], buf1, g1)
      h0.wait()
      hs0 = pltpu.async_copy(buf0, acc.at[i0.at[0]], sa, add=True)
      h1.wait()
      hs1 = pltpu.async_copy(buf1, acc.at[i1.at[0]], sb, add=True)
      hs0.wait()
      hs1.wait()

  plsc.subcore_barrier()
  for sz, off in _RPS_PIECES:
    r0 = sid * RPS + off
    pltpu.sync_copy(acc.at[pl.ds(r0, sz)], out_hbm.at[cid].at[pl.ds(r0, sz)])


@functools.partial(
    pl.kernel,
    out_type=jax.ShapeDtypeStruct((NTILES, NP), jnp.float32),
    mesh=_MESH,
    compiler_params=_CP,
    scratch_types=[
        pltpu.VMEM((EDT,), jnp.int32),
        pltpu.VMEM((NP,), jnp.float32),
    ])
def _deghist(dst_hbm, out_hbm, didx, hist):
  cid = lax.axis_index("c")
  sid = lax.axis_index("s")
  wid = cid * 16 + sid

  @pl.loop(0, NP // 16)
  def _(i):
    hist.at[pl.ds(i * 16, 16)][...] = jnp.zeros((16,), jnp.float32)

  pltpu.sync_copy(dst_hbm.at[pl.ds(wid * EDT, EDT)], didx)
  ones16 = jnp.ones((16,), jnp.float32)

  @pl.loop(0, EDT // 16)
  def _(k):
    idx = didx[pl.ds(k * 16, 16)]
    plsc.addupdate_scatter(hist, [idx], ones16)

  pltpu.sync_copy(hist, out_hbm.at[wid])


def _make_tc(with_relu: bool, final: bool):
  def body(p_ref, dg_ref, w_ref, b_ref, *rest):
    if final:
      w3_ref, b3_ref, o_ref = rest
    else:
      (o_ref,) = rest
    g = p_ref[0] + p_ref[1]
    deg = jnp.sum(dg_ref[...], axis=0)[:, None]
    xx = jnp.dot(g, w_ref[...], preferred_element_type=jnp.float32,
                 precision=lax.Precision.HIGHEST)
    xx = xx + deg * b_ref[...]
    if with_relu:
      xx = jnp.maximum(xx, 0.0)
    if final:
      xx = jnp.dot(xx, w3_ref[...], preferred_element_type=jnp.float32,
                   precision=lax.Precision.HIGHEST) + b3_ref[...]
    o_ref[...] = xx

  return pl.pallas_call(
      body, out_shape=jax.ShapeDtypeStruct((NP, D), jnp.float32))


_tc_step = _make_tc(False, False)
_tc_step_relu = _make_tc(True, False)
_tc_final = _make_tc(True, True)


def kernel(x, edge_index, W1, b1, W2, b2, W3, b3):
  src = edge_index[0].astype(jnp.int32)
  dst = edge_index[1].astype(jnp.int32)
  pad = EP - E
  pad_src = jnp.full((pad,), N, jnp.int32)
  pad_dst = jnp.arange(pad, dtype=jnp.int32) % N
  src1 = jnp.concatenate([src, pad_src]).reshape(EP // C, C)
  dst1 = jnp.concatenate([dst, pad_dst]).reshape(EP // C, C)
  idx2 = jnp.stack([dst1, src1], axis=1)
  xp = jnp.pad(x, ((0, NP - N), (0, 0)))
  b1r, b2r, b3r = b1.reshape(1, D), b2.reshape(1, D), b3.reshape(1, D)

  degp = _deghist(dst)
  P = _segsum(xp, idx2)
  x1 = _tc_step(P, degp, W1, b1r)
  P = _segsum(x1, idx2)
  x2 = _tc_step_relu(P, degp, W1, b1r)
  P = _segsum(x2, idx2)
  x3 = _tc_step(P, degp, W2, b2r)
  P = _segsum(x3, idx2)
  out = _tc_final(P, degp, W2, b2r, W3, b3r)
  return out[:N]

# --- scband reference (transcript-rebuilt; emitter-appended) ---
"""Pipeline reference for scband-graph-transformer-with-pooling-50749333569685 (READ-ONLY COPY).

The authoritative reference and input builder live on the scoring server;
editing this copy changes nothing except your own understanding.
"""

import jax, jax.numpy as jnp
import numpy as np

N_NODES = 10000
N_EDGES = 320000
D = 128
NUM_POOL_LAYERS = 2


def setup_inputs(seed: int = 0) -> dict:
    key = jax.random.key(seed)
    ks = jax.random.split(key, 8)
    x = jax.random.normal(ks[0], (N_NODES, D), dtype=jnp.float32)
    edge_index = jax.random.randint(ks[1], (2, N_EDGES), 0, N_NODES, dtype=jnp.int64)
    # Learned params: conv1.lin, conv2.lin (Linear D->D), final lin (D->D)
    s = 1.0 / np.sqrt(D)
    W1 = jax.random.uniform(ks[2], (D, D), dtype=jnp.float32, minval=-s, maxval=s)
    b1 = jax.random.uniform(ks[3], (D,), dtype=jnp.float32, minval=-s, maxval=s)
    W2 = jax.random.uniform(ks[4], (D, D), dtype=jnp.float32, minval=-s, maxval=s)
    b2 = jax.random.uniform(ks[5], (D,), dtype=jnp.float32, minval=-s, maxval=s)
    W3 = jax.random.uniform(ks[6], (D, D), dtype=jnp.float32, minval=-s, maxval=s)
    b3 = jax.random.uniform(ks[7], (D,), dtype=jnp.float32, minval=-s, maxval=s)
    return {"x": x, "edge_index": edge_index, "W1": W1, "b1": b1, "W2": W2, "b2": b2, "W3": W3, "b3": b3}


def _gauss_seidel_pool(x, src, dst, W, b, num_layers, n_nodes):
    # PyG MessagePassing with aggr='add': message = lin(x_j) where j = edge_index[0],
    # aggregated (scatter-add) at i = edge_index[1]. Repeated num_layers times.
    for _ in range(num_layers):
        msg = x[src] @ W + b
        x = jax.ops.segment_sum(msg, dst, num_segments=n_nodes)
    return x


def reference(x, edge_index, W1, b1, W2, b2, W3, b3):
    src = edge_index[0]
    dst = edge_index[1]
    n = x.shape[0]
    x = _gauss_seidel_pool(x, src, dst, W1, b1, NUM_POOL_LAYERS, n)
    x = jax.nn.relu(x)
    # dropout_rate=0.0 -> identity
    x = _gauss_seidel_pool(x, src, dst, W2, b2, NUM_POOL_LAYERS, n)
    x = jax.nn.relu(x)
    x = x @ W3 + b3
    return x

if __name__ == "__main__":
    import jax
    _d = setup_inputs()
    print(jax.jit(kernel)(*tuple(_d.values())))

</pallas_src>

<mosaic_0001>
#map = affine_map<(d0, d1) -> (0)>
#map1 = affine_map<(d0, d1) -> (0, 0)>
module attributes {stable_mosaic.version = 14 : i64} {
  func.func @_deghist(%arg0: i32, %arg1: i32, %arg2: memref<320000xi32, #tpu.memory_space<hbm>>, %arg3: memref<32x10112xf32, #tpu.memory_space<hbm>>, %arg4: memref<10000xi32, #tpu.memory_space<vmem>>, %arg5: memref<10112xf32, #tpu.memory_space<vmem>>) attributes {dimension_semantics = [#tpu.dimension_semantics<core_parallel>, #tpu.dimension_semantics<subcore_parallel>], iteration_bounds = array<i64: 2, 16>, scalar_prefetch = 0 : i64, scratch_operands = 2 : i64, tpu.core_type = #tpu.core_type<sc_vector_subcore>, window_params = [{transform_indices = #map}, {transform_indices = #map1}]} {
    %mul3A = arith.constant 16 : i32
    %mul3A_0 = arith.muli %arg0, %mul3A : i32
    %add3A = arith.addi %mul3A_0, %arg1 : i32
    %scan3A = arith.constant 0 : i32
    %scan3A_1 = arith.constant 632 : i32
    %scan3A_2 = arith.addi %scan3A, %scan3A_1 : i32
    %scan3A_3 = arith.constant 1 : i32
    scf.for %scan3A_13 = %scan3A to %scan3A_2 step %scan3A_3  : i32 {
      %mul3A_14 = arith.constant 1 : i32
      %mul3A_15 = arith.muli %scan3A_13, %mul3A_14 : i32
      %add3A_16 = arith.constant 0 : i32
      %add3A_17 = arith.addi %add3A_16, %mul3A_15 : i32
      %broadcast_in_dim3A_18 = arith.constant 0.000000e+00 : f32
      %broadcast_in_dim3A_19 = vector.broadcast %broadcast_in_dim3A_18 : f32 to vector<16xf32>
      %mul3A_20 = arith.constant 16 : i32
      %mul3A_21 = arith.muli %add3A_17, %mul3A_20 : i32
      %swap3A = arith.index_cast %mul3A_21 : i32 to index
      %swap3A_22 = tpu.vector_load %arg5[%swap3A] {strides = array<i32>} : memref<10112xf32, #tpu.memory_space<vmem>>, vector<16xf32>,
      tpu.vector_store %arg5[%swap3A], %broadcast_in_dim3A_19 {strides = array<i32>} : memref<10112xf32, #tpu.memory_space<vmem>>, vector<16xf32>,
    }
    %scan3A_4 = arith.constant 632 : i32
    %mul3A_5 = arith.constant 10000 : i32
    %mul3A_6 = arith.muli %add3A, %mul3A_5 : i32
    "tpu.region"() ({
      %run_scoped3A = tpu.sem_alloc : memref<!tpu.dma_semaphore, #tpu.memory_space<semaphore_mem>>
      %dma_start3A = tpu.memref_slice %arg2[%mul3A_6] : memref<320000xi32, #tpu.memory_space<hbm>> -> memref<10000xi32, #tpu.memory_space<hbm>>
      %dma_start3A_13 = tpu.memref_slice %arg2[%mul3A_6] : memref<320000xi32, #tpu.memory_space<hbm>> -> memref<10000xi32, #tpu.memory_space<hbm>>
      tpu.enqueue_dma source(%dma_start3A_13 : memref<10000xi32, #tpu.memory_space<hbm>>) target(%arg4 : memref<10000xi32, #tpu.memory_space<vmem>>) target_semaphore(%run_scoped3A : memref<!tpu.dma_semaphore, #tpu.memory_space<semaphore_mem>>)
      %dma_wait3A = tpu.memref_slice %arg2[%mul3A_6] : memref<320000xi32, #tpu.memory_space<hbm>> -> memref<10000xi32, #tpu.memory_space<hbm>>
      %dma_wait3A_14 = tpu.memref_slice %arg2[%mul3A_6] : memref<320000xi32, #tpu.memory_space<hbm>> -> memref<10000xi32, #tpu.memory_space<hbm>>
      tpu.wait_dma2 semaphore(%run_scoped3A : memref<!tpu.dma_semaphore, #tpu.memory_space<semaphore_mem>>) src(%dma_wait3A_14 : memref<10000xi32, #tpu.memory_space<hbm>>) dst(%arg4 : memref<10000xi32, #tpu.memory_space<vmem>>)
      tpu.yield
    }) : () -> ()
    %broadcast_in_dim3A = arith.constant 1.000000e+00 : f32
    %broadcast_in_dim3A_7 = vector.broadcast %broadcast_in_dim3A : f32 to vector<16xf32>
    %scan3A_8 = arith.constant 0 : i32
    %scan3A_9 = arith.constant 625 : i32
    %scan3A_10 = arith.addi %scan3A_8, %scan3A_9 : i32
    %scan3A_11 = arith.constant 1 : i32
    scf.for %scan3A_13 = %scan3A_8 to %scan3A_10 step %scan3A_11  : i32 {
      %mul3A_14 = arith.constant 1 : i32
      %mul3A_15 = arith.muli %scan3A_13, %mul3A_14 : i32
      %add3A_16 = arith.constant 0 : i32
      %add3A_17 = arith.addi %add3A_16, %mul3A_15 : i32
      %mul3A_18 = arith.constant 16 : i32
      %mul3A_19 = arith.muli %add3A_17, %mul3A_18 : i32
      %get3A = arith.index_cast %mul3A_19 : i32 to index
      %get3A_20 = tpu.vector_load %arg4[%get3A] {strides = array<i32>} : memref<10000xi32, #tpu.memory_space<vmem>>, vector<16xi32>,
      tpu.vector_store_idx %arg5[%get3A_20], %broadcast_in_dim3A_7 {add = true} : memref<10112xf32, #tpu.memory_space<vmem>>[vector<16xi32>], vector<16xf32>,
    }
    %scan3A_12 = arith.constant 625 : i32
    "tpu.region"() ({
      %run_scoped3A = tpu.sem_alloc : memref<!tpu.dma_semaphore, #tpu.memory_space<semaphore_mem>>
      %dma_start3A = arith.constant 0 : i32
      %dma_start3A_13 = tpu.memref_slice %arg3[%add3A, %dma_start3A] : memref<32x10112xf32, #tpu.memory_space<hbm>> -> memref<1x10112xf32, #tpu.memory_space<hbm>>
      %dma_start3A_14 = tpu.memref_squeeze %dma_start3A_13 : memref<1x10112xf32, #tpu.memory_space<hbm>> -> memref<10112xf32, #tpu.memory_space<hbm>>
      %dma_start3A_15 = arith.constant 0 : i32
      %dma_start3A_16 = tpu.memref_slice %arg3[%add3A, %dma_start3A_15] : memref<32x10112xf32, #tpu.memory_space<hbm>> -> memref<1x10112xf32, #tpu.memory_space<hbm>>
      %dma_start3A_17 = tpu.memref_squeeze %dma_start3A_16 : memref<1x10112xf32, #tpu.memory_space<hbm>> -> memref<10112xf32, #tpu.memory_space<hbm>>
      tpu.enqueue_dma source(%arg5 : memref<10112xf32, #tpu.memory_space<vmem>>) target(%dma_start3A_17 : memref<10112xf32, #tpu.memory_space<hbm>>) target_semaphore(%run_scoped3A : memref<!tpu.dma_semaphore, #tpu.memory_space<semaphore_mem>>)
      %dma_wait3A = arith.constant 0 : i32
      %dma_wait3A_18 = tpu.memref_slice %arg3[%add3A, %dma_wait3A] : memref<32x10112xf32, #tpu.memory_space<hbm>> -> memref<1x10112xf32, #tpu.memory_space<hbm>>
      %dma_wait3A_19 = tpu.memref_squeeze %dma_wait3A_18 : memref<1x10112xf32, #tpu.memory_space<hbm>> -> memref<10112xf32, #tpu.memory_space<hbm>>
      %dma_wait3A_20 = arith.constant 0 : i32
      %dma_wait3A_21 = tpu.memref_slice %arg3[%add3A, %dma_wait3A_20] : memref<32x10112xf32, #tpu.memory_space<hbm>> -> memref<1x10112xf32, #tpu.memory_space<hbm>>
      %dma_wait3A_22 = tpu.memref_squeeze %dma_wait3A_21 : memref<1x10112xf32, #tpu.memory_space<hbm>> -> memref<10112xf32, #tpu.memory_space<hbm>>
      tpu.wait_dma2 semaphore(%run_scoped3A : memref<!tpu.dma_semaphore, #tpu.memory_space<semaphore_mem>>) src(%arg5 : memref<10112xf32, #tpu.memory_space<vmem>>) dst(%dma_wait3A_22 : memref<10112xf32, #tpu.memory_space<hbm>>)
      tpu.yield
    }) : () -> ()
    return
  }
}

#map = affine_map<(d0, d1) -> (0, 0)>
#map1 = affine_map<(d0, d1) -> (0, 0, 0)>
module attributes {stable_mosaic.version = 14 : i64} {
  func.func @_segsum(%arg0: i32, %arg1: i32, %arg2: memref<10112x128xf32, #tpu.memory_space<hbm>>, %arg3: memref<3360x2x96xi32, #tpu.memory_space<hbm>>, %arg4: memref<2x10112x128xf32, #tpu.memory_space<hbm>>, %arg5: memref<2x96xi32, #tpu.memory_space<vmem>>, %arg6: memref<2x96xi32, #tpu.memory_space<vmem>>, %arg7: memref<96x128xf32, #tpu.memory_space<vmem>>, %arg8: memref<96x128xf32, #tpu.memory_space<vmem>>, %arg9: memref<10112x128xf32, #tpu.memory_space<vmem_shared>>, %arg10: memref<!tpu.dma_semaphore, #tpu.memory_space<semaphore_mem>>, %arg11: memref<!tpu.dma_semaphore, #tpu.memory_space<semaphore_mem>>, %arg12: memref<!tpu.dma_semaphore, #tpu.memory_space<semaphore_mem>>, %arg13: memref<!tpu.dma_semaphore, #tpu.memory_space<semaphore_mem>>) attributes {dimension_semantics = [#tpu.dimension_semantics<core_parallel>, #tpu.dimension_semantics<subcore_parallel>], iteration_bounds = array<i64: 2, 16>, scalar_prefetch = 0 : i64, scratch_operands = 9 : i64, tpu.core_type = #tpu.core_type<sc_vector_subcore>, window_params = [{transform_indices = #map}, {transform_indices = #map1}, {transform_indices = #map1}]} {
    %mul3A = arith.constant 16 : i32
    %mul3A_0 = arith.muli %arg0, %mul3A : i32
    %add3A = arith.addi %mul3A_0, %arg1 : i32
    %scan3A = arith.constant 0 : i32
    %scan3A_1 = arith.constant 96 : i32
    %scan3A_2 = arith.addi %scan3A, %scan3A_1 : i32
    %scan3A_3 = arith.constant 1 : i32
    scf.for %scan3A_78 = %scan3A to %scan3A_2 step %scan3A_3  : i32 {
      %mul3A_79 = arith.constant 1 : i32
      %mul3A_80 = arith.muli %scan3A_78, %mul3A_79 : i32
      %add3A_81 = arith.constant 0 : i32
      %add3A_82 = arith.addi %add3A_81, %mul3A_80 : i32
      %broadcast_in_dim3A = arith.constant 0.000000e+00 : f32
      %broadcast_in_dim3A_83 = vector.broadcast %broadcast_in_dim3A : f32 to vector<1x16xf32>
      %swap3A = arith.index_cast %add3A_82 : i32 to index
      %swap3A_84 = arith.constant 0 : index
      %swap3A_85 = tpu.vector_load %arg7[%swap3A, %swap3A_84] {strides = array<i32>} : memref<96x128xf32, #tpu.memory_space<vmem>>, vector<1x16xf32>,
      %swap3A_86 = vector.shape_cast %swap3A_85 : vector<1x16xf32> to vector<1x16xf32>
      %swap3A_87 = vector.shape_cast %broadcast_in_dim3A_83 : vector<1x16xf32> to vector<1x16xf32>
      tpu.vector_store %arg7[%swap3A, %swap3A_84], %swap3A_87 {strides = array<i32>} : memref<96x128xf32, #tpu.memory_space<vmem>>, vector<1x16xf32>,
      %broadcast_in_dim3A_88 = arith.constant 0.000000e+00 : f32
      %broadcast_in_dim3A_89 = vector.broadcast %broadcast_in_dim3A_88 : f32 to vector<1x16xf32>
      %swap3A_90 = arith.index_cast %add3A_82 : i32 to index
      %swap3A_91 = arith.constant 16 : index
      %swap3A_92 = tpu.vector_load %arg7[%swap3A_90, %swap3A_91] {strides = array<i32>} : memref<96x128xf32, #tpu.memory_space<vmem>>, vector<1x16xf32>,
      %swap3A_93 = vector.shape_cast %swap3A_92 : vector<1x16xf32> to vector<1x16xf32>
      %swap3A_94 = vector.shape_cast %broadcast_in_dim3A_89 : vector<1x16xf32> to vector<1x16xf32>
      tpu.vector_store %arg7[%swap3A_90, %swap3A_91], %swap3A_94 {strides = array<i32>} : memref<96x128xf32, #tpu.memory_space<vmem>>, vector<1x16xf32>,
      %broadcast_in_dim3A_95 = arith.constant 0.000000e+00 : f32
      %broadcast_in_dim3A_96 = vector.broadcast %broadcast_in_dim3A_95 : f32 to vector<1x16xf32>
      %swap3A_97 = arith.index_cast %add3A_82 : i32 to index
      %swap3A_98 = arith.constant 32 : index
      %swap3A_99 = tpu.vector_load %arg7[%swap3A_97, %swap3A_98] {strides = array<i32>} : memref<96x128xf32, #tpu.memory_space<vmem>>, vector<1x16xf32>,
      %swap3A_100 = vector.shape_cast %swap3A_99 : vector<1x16xf32> to vector<1x16xf32>
      %swap3A_101 = vector.shape_cast %broadcast_in_dim3A_96 : vector<1x16xf32> to vector<1x16xf32>
      tpu.vector_store %arg7[%swap3A_97, %swap3A_98], %swap3A_101 {strides = array<i32>} : memref<96x128xf32, #tpu.memory_space<vmem>>, vector<1x16xf32>,
      %broadcast_in_dim3A_102 = arith.constant 0.000000e+00 : f32
      %broadcast_in_dim3A_103 = vector.broadcast %broadcast_in_dim3A_102 : f32 to vector<1x16xf32>
      %swap3A_104 = arith.index_cast %add3A_82 : i32 to index
      %swap3A_105 = arith.constant 48 : index
      %swap3A_106 = tpu.vector_load %arg7[%swap3A_104, %swap3A_105] {strides = array<i32>} : memref<96x128xf32, #tpu.memory_space<vmem>>, vector<1x16xf32>,
      %swap3A_107 = vector.shape_cast %swap3A_106 : vector<1x16xf32> to vector<1x16xf32>
      %swap3A_108 = vector.shape_cast %broadcast_in_dim3A_103 : vector<1x16xf32> to vector<1x16xf32>
      tpu.vector_store %arg7[%swap3A_104, %swap3A_105], %swap3A_108 {strides = array<i32>} : memref<96x128xf32, #tpu.memory_space<vmem>>, vector<1x16xf32>,
      %broadcast_in_dim3A_109 = arith.constant 0.000000e+00 : f32
      %broadcast_in_dim3A_110 = vector.broadcast %broadcast_in_dim3A_109 : f32 to vector<1x16xf32>
      %swap3A_111 = arith.index_cast %add3A_82 : i32 to index
      %swap3A_112 = arith.constant 64 : index
      %swap3A_113 = tpu.vector_load %arg7[%swap3A_111, %swap3A_112] {strides = array<i32>} : memref<96x128xf32, #tpu.memory_space<vmem>>, vector<1x16xf32>,
      %swap3A_114 = vector.shape_cast %swap3A_113 : vector<1x16xf32> to vector<1x16xf32>
      %swap3A_115 = vector.shape_cast %broadcast_in_dim3A_110 : vector<1x16xf32> to vector<1x16xf32>
      tpu.vector_store %arg7[%swap3A_111, %swap3A_112], %swap3A_115 {strides = array<i32>} : memref<96x128xf32, #tpu.memory_space<vmem>>, vector<1x16xf32>,
      %broadcast_in_dim3A_116 = arith.constant 0.000000e+00 : f32
      %broadcast_in_dim3A_117 = vector.broadcast %broadcast_in_dim3A_116 : f32 to vector<1x16xf32>
      %swap3A_118 = arith.index_cast %add3A_82 : i32 to index
      %swap3A_119 = arith.constant 80 : index
      %swap3A_120 = tpu.vector_load %arg7[%swap3A_118, %swap3A_119] {strides = array<i32>} : memref<96x128xf32, #tpu.memory_space<vmem>>, vector<1x16xf32>,
      %swap3A_121 = vector.shape_cast %swap3A_120 : vector<1x16xf32> to vector<1x16xf32>
      %swap3A_122 = vector.shape_cast %broadcast_in_dim3A_117 : vector<1x16xf32> to vector<1x16xf32>
      tpu.vector_store %arg7[%swap3A_118, %swap3A_119], %swap3A_122 {strides = array<i32>} : memref<96x128xf32, #tpu.memory_space<vmem>>, vector<1x16xf32>,
      %broadcast_in_dim3A_123 = arith.constant 0.000000e+00 : f32
      %broadcast_in_dim3A_124 = vector.broadcast %broadcast_in_dim3A_123 : f32 to vector<1x16xf32>
      %swap3A_125 = arith.index_cast %add3A_82 : i32 to index
      %swap3A_126 = arith.constant 96 : index
      %swap3A_127 = tpu.vector_load %arg7[%swap3A_125, %swap3A_126] {strides = array<i32>} : memref<96x128xf32, #tpu.memory_space<vmem>>, vector<1x16xf32>,
      %swap3A_128 = vector.shape_cast %swap3A_127 : vector<1x16xf32> to vector<1x16xf32>
      %swap3A_129 = vector.shape_cast %broadcast_in_dim3A_124 : vector<1x16xf32> to vector<1x16xf32>
      tpu.vector_store %arg7[%swap3A_125, %swap3A_126], %swap3A_129 {strides = array<i32>} : memref<96x128xf32, #tpu.memory_space<vmem>>, vector<1x16xf32>,
      %broadcast_in_dim3A_130 = arith.constant 0.000000e+00 : f32
      %broadcast_in_dim3A_131 = vector.broadcast %broadcast_in_dim3A_130 : f32 to vector<1x16xf32>
      %swap3A_132 = arith.index_cast %add3A_82 : i32 to index
      %swap3A_133 = arith.constant 112 : index
      %swap3A_134 = tpu.vector_load %arg7[%swap3A_132, %swap3A_133] {strides = array<i32>} : memref<96x128xf32, #tpu.memory_space<vmem>>, vector<1x16xf32>,
      %swap3A_135 = vector.shape_cast %swap3A_134 : vector<1x16xf32> to vector<1x16xf32>
      %swap3A_136 = vector.shape_cast %broadcast_in_dim3A_131 : vector<1x16xf32> to vector<1x16xf32>
      tpu.vector_store %arg7[%swap3A_132, %swap3A_133], %swap3A_136 {strides = array<i32>} : memref<96x128xf32, #tpu.memory_space<vmem>>, vector<1x16xf32>,
    }
    %scan3A_4 = arith.constant 96 : i32
    %mul3A_5 = arith.constant 632 : i32
    %mul3A_6 = arith.muli %arg1, %mul3A_5 : i32
    %add3A_7 = arith.constant 0 : i32
    %add3A_8 = arith.addi %mul3A_6, %add3A_7 : i32
    "tpu.region"() ({
      %run_scoped3A = tpu.sem_alloc : memref<!tpu.dma_semaphore, #tpu.memory_space<semaphore_mem>>
      %dma_start3A = arith.constant 0 : i32
      %dma_start3A_78 = arith.constant 0 : i32
      %dma_start3A_79 = tpu.memref_slice %arg7[%dma_start3A, %dma_start3A_78] : memref<96x128xf32, #tpu.memory_space<vmem>> -> memref<96x128xf32, #tpu.memory_space<vmem>>
      %dma_start3A_80 = arith.constant 0 : i32
      %dma_start3A_81 = tpu.memref_slice %arg9[%add3A_8, %dma_start3A_80] : memref<10112x128xf32, #tpu.memory_space<vmem_shared>> -> memref<96x128xf32, #tpu.memory_space<vmem_shared>>
      %dma_start3A_82 = arith.constant 0 : i32
      %dma_start3A_83 = tpu.memref_slice %arg9[%add3A_8, %dma_start3A_82] : memref<10112x128xf32, #tpu.memory_space<vmem_shared>> -> memref<96x128xf32, #tpu.memory_space<vmem_shared>>
      %dma_start3A_84 = arith.constant 0 : i32
      %dma_start3A_85 = arith.constant 0 : i32
      %dma_start3A_86 = tpu.memref_slice %arg7[%dma_start3A_84, %dma_start3A_85] : memref<96x128xf32, #tpu.memory_space<vmem>> -> memref<96x128xf32, #tpu.memory_space<vmem>>
      tpu.enqueue_dma source(%dma_start3A_86 : memref<96x128xf32, #tpu.memory_space<vmem>>) target(%dma_start3A_83 : memref<96x128xf32, #tpu.memory_space<vmem_shared>>) target_semaphore(%run_scoped3A : memref<!tpu.dma_semaphore, #tpu.memory_space<semaphore_mem>>)
      %dma_wait3A = arith.constant 0 : i32
      %dma_wait3A_87 = arith.constant 0 : i32
      %dma_wait3A_88 = tpu.memref_slice %arg7[%dma_wait3A, %dma_wait3A_87] : memref<96x128xf32, #tpu.memory_space<vmem>> -> memref<96x128xf32, #tpu.memory_space<vmem>>
      %dma_wait3A_89 = arith.constant 0 : i32
      %dma_wait3A_90 = tpu.memref_slice %arg9[%add3A_8, %dma_wait3A_89] : memref<10112x128xf32, #tpu.memory_space<vmem_shared>> -> memref<96x128xf32, #tpu.memory_space<vmem_shared>>
      %dma_wait3A_91 = arith.constant 0 : i32
      %dma_wait3A_92 = tpu.memref_slice %arg9[%add3A_8, %dma_wait3A_91] : memref<10112x128xf32, #tpu.memory_space<vmem_shared>> -> memref<96x128xf32, #tpu.memory_space<vmem_shared>>
      %dma_wait3A_93 = arith.constant 0 : i32
      %dma_wait3A_94 = arith.constant 0 : i32
      %dma_wait3A_95 = tpu.memref_slice %arg7[%dma_wait3A_93, %dma_wait3A_94] : memref<96x128xf32, #tpu.memory_space<vmem>> -> memref<96x128xf32, #tpu.memory_space<vmem>>
      tpu.wait_dma2 semaphore(%run_scoped3A : memref<!tpu.dma_semaphore, #tpu.memory_space<semaphore_mem>>) src(%dma_wait3A_95 : memref<96x128xf32, #tpu.memory_space<vmem>>) dst(%dma_wait3A_92 : memref<96x128xf32, #tpu.memory_space<vmem_shared>>)
      tpu.yield
    }) : () -> ()
    %mul3A_9 = arith.constant 632 : i32
    %mul3A_10 = arith.muli %arg1, %mul3A_9 : i32
    %add3A_11 = arith.constant 96 : i32
    %add3A_12 = arith.addi %mul3A_10, %add3A_11 : i32
    "tpu.region"() ({
      %run_scoped3A = tpu.sem_alloc : memref<!tpu.dma_semaphore, #tpu.memory_space<semaphore_mem>>
      %dma_start3A = arith.constant 0 : i32
      %dma_start3A_78 = arith.constant 0 : i32
      %dma_start3A_79 = tpu.memref_slice %arg7[%dma_start3A, %dma_start3A_78] : memref<96x128xf32, #tpu.memory_space<vmem>> -> memref<96x128xf32, #tpu.memory_space<vmem>>
      %dma_start3A_80 = arith.constant 0 : i32
      %dma_start3A_81 = tpu.memref_slice %arg9[%add3A_12, %dma_start3A_80] : memref<10112x128xf32, #tpu.memory_space<vmem_shared>> -> memref<96x128xf32, #tpu.memory_space<vmem_shared>>
      %dma_start3A_82 = arith.constant 0 : i32
      %dma_start3A_83 = tpu.memref_slice %arg9[%add3A_12, %dma_start3A_82] : memref<10112x128xf32, #tpu.memory_space<vmem_shared>> -> memref<96x128xf32, #tpu.memory_space<vmem_shared>>
      %dma_start3A_84 = arith.constant 0 : i32
      %dma_start3A_85 = arith.constant 0 : i32
      %dma_start3A_86 = tpu.memref_slice %arg7[%dma_start3A_84, %dma_start3A_85] : memref<96x128xf32, #tpu.memory_space<vmem>> -> memref<96x128xf32, #tpu.memory_space<vmem>>
      tpu.enqueue_dma source(%dma_start3A_86 : memref<96x128xf32, #tpu.memory_space<vmem>>) target(%dma_start3A_83 : memref<96x128xf32, #tpu.memory_space<vmem_shared>>) target_semaphore(%run_scoped3A : memref<!tpu.dma_semaphore, #tpu.memory_space<semaphore_mem>>)
      %dma_wait3A = arith.constant 0 : i32
      %dma_wait3A_87 = arith.constant 0 : i32
      %dma_wait3A_88 = tpu.memref_slice %arg7[%dma_wait3A, %dma_wait3A_87] : memref<96x128xf32, #tpu.memory_space<vmem>> -> memref<96x128xf32, #tpu.memory_space<vmem>>
      %dma_wait3A_89 = arith.constant 0 : i32
      %dma_wait3A_90 = tpu.memref_slice %arg9[%add3A_12, %dma_wait3A_89] : memref<10112x128xf32, #tpu.memory_space<vmem_shared>> -> memref<96x128xf32, #tpu.memory_space<vmem_shared>>
      %dma_wait3A_91 = arith.constant 0 : i32
      %dma_wait3A_92 = tpu.memref_slice %arg9[%add3A_12, %dma_wait3A_91] : memref<10112x128xf32, #tpu.memory_space<vmem_shared>> -> memref<96x128xf32, #tpu.memory_space<vmem_shared>>
      %dma_wait3A_93 = arith.constant 0 : i32
      %dma_wait3A_94 = arith.constant 0 : i32
      %dma_wait3A_95 = tpu.memref_slice %arg7[%dma_wait3A_93, %dma_wait3A_94] : memref<96x128xf32, #tpu.memory_space<vmem>> -> memref<96x128xf32, #tpu.memory_space<vmem>>
      tpu.wait_dma2 semaphore(%run_scoped3A : memref<!tpu.dma_semaphore, #tpu.memory_space<semaphore_mem>>) src(%dma_wait3A_95 : memref<96x128xf32, #tpu.memory_space<vmem>>) dst(%dma_wait3A_92 : memref<96x128xf32, #tpu.memory_space<vmem_shared>>)
      tpu.yield
    }) : () -> ()
    %mul3A_13 = arith.constant 632 : i32
    %mul3A_14 = arith.muli %arg1, %mul3A_13 : i32
    %add3A_15 = arith.constant 192 : i32
    %add3A_16 = arith.addi %mul3A_14, %add3A_15 : i32
    "tpu.region"() ({
      %run_scoped3A = tpu.sem_alloc : memref<!tpu.dma_semaphore, #tpu.memory_space<semaphore_mem>>
      %dma_start3A = arith.constant 0 : i32
      %dma_start3A_78 = arith.constant 0 : i32
      %dma_start3A_79 = tpu.memref_slice %arg7[%dma_start3A, %dma_start3A_78] : memref<96x128xf32, #tpu.memory_space<vmem>> -> memref<96x128xf32, #tpu.memory_space<vmem>>
      %dma_start3A_80 = arith.constant 0 : i32
      %dma_start3A_81 = tpu.memref_slice %arg9[%add3A_16, %dma_start3A_80] : memref<10112x128xf32, #tpu.memory_space<vmem_shared>> -> memref<96x128xf32, #tpu.memory_space<vmem_shared>>
      %dma_start3A_82 = arith.constant 0 : i32
      %dma_start3A_83 = tpu.memref_slice %arg9[%add3A_16, %dma_start3A_82] : memref<10112x128xf32, #tpu.memory_space<vmem_shared>> -> memref<96x128xf32, #tpu.memory_space<vmem_shared>>
      %dma_start3A_84 = arith.constant 0 : i32
      %dma_start3A_85 = arith.constant 0 : i32
      %dma_start3A_86 = tpu.memref_slice %arg7[%dma_start3A_84, %dma_start3A_85] : memref<96x128xf32, #tpu.memory_space<vmem>> -> memref<96x128xf32, #tpu.memory_space<vmem>>
      tpu.enqueue_dma source(%dma_start3A_86 : memref<96x128xf32, #tpu.memory_space<vmem>>) target(%dma_start3A_83 : memref<96x128xf32, #tpu.memory_space<vmem_shared>>) target_semaphore(%run_scoped3A : memref<!tpu.dma_semaphore, #tpu.memory_space<semaphore_mem>>)
      %dma_wait3A = arith.constant 0 : i32
      %dma_wait3A_87 = arith.constant 0 : i32
      %dma_wait3A_88 = tpu.memref_slice %arg7[%dma_wait3A, %dma_wait3A_87] : memref<96x128xf32, #tpu.memory_space<vmem>> -> memref<96x128xf32, #tpu.memory_space<vmem>>
      %dma_wait3A_89 = arith.constant 0 : i32
      %dma_wait3A_90 = tpu.memref_slice %arg9[%add3A_16, %dma_wait3A_89] : memref<10112x128xf32, #tpu.memory_space<vmem_shared>> -> memref<96x128xf32, #tpu.memory_space<vmem_shared>>
      %dma_wait3A_91 = arith.constant 0 : i32
      %dma_wait3A_92 = tpu.memref_slice %arg9[%add3A_16, %dma_wait3A_91] : memref<10112x128xf32, #tpu.memory_space<vmem_shared>> -> memref<96x128xf32, #tpu.memory_space<vmem_shared>>
      %dma_wait3A_93 = arith.constant 0 : i32
      %dma_wait3A_94 = arith.constant 0 : i32
      %dma_wait3A_95 = tpu.memref_slice %arg7[%dma_wait3A_93, %dma_wait3A_94] : memref<96x128xf32, #tpu.memory_space<vmem>> -> memref<96x128xf32, #tpu.memory_space<vmem>>
      tpu.wait_dma2 semaphore(%run_scoped3A : memref<!tpu.dma_semaphore, #tpu.memory_space<semaphore_mem>>) src(%dma_wait3A_95 : memref<96x128xf32, #tpu.memory_space<vmem>>) dst(%dma_wait3A_92 : memref<96x128xf32, #tpu.memory_space<vmem_shared>>)
      tpu.yield
    }) : () -> ()
    %mul3A_17 = arith.constant 632 : i32
    %mul3A_18 = arith.muli %arg1, %mul3A_17 : i32
    %add3A_19 = arith.constant 288 : i32
    %add3A_20 = arith.addi %mul3A_18, %add3A_19 : i32
    "tpu.region"() ({
      %run_scoped3A = tpu.sem_alloc : memref<!tpu.dma_semaphore, #tpu.memory_space<semaphore_mem>>
      %dma_start3A = arith.constant 0 : i32
      %dma_start3A_78 = arith.constant 0 : i32
      %dma_start3A_79 = tpu.memref_slice %arg7[%dma_start3A, %dma_start3A_78] : memref<96x128xf32, #tpu.memory_space<vmem>> -> memref<96x128xf32, #tpu.memory_space<vmem>>
      %dma_start3A_80 = arith.constant 0 : i32
      %dma_start3A_81 = tpu.memref_slice %arg9[%add3A_20, %dma_start3A_80] : memref<10112x128xf32, #tpu.memory_space<vmem_shared>> -> memref<96x128xf32, #tpu.memory_space<vmem_shared>>
      %dma_start3A_82 = arith.constant 0 : i32
      %dma_start3A_83 = tpu.memref_slice %arg9[%add3A_20, %dma_start3A_82] : memref<10112x128xf32, #tpu.memory_space<vmem_shared>> -> memref<96x128xf32, #tpu.memory_space<vmem_shared>>
      %dma_start3A_84 = arith.constant 0 : i32
      %dma_start3A_85 = arith.constant 0 : i32
      %dma_start3A_86 = tpu.memref_slice %arg7[%dma_start3A_84, %dma_start3A_85] : memref<96x128xf32, #tpu.memory_space<vmem>> -> memref<96x128xf32, #tpu.memory_space<vmem>>
      tpu.enqueue_dma source(%dma_start3A_86 : memref<96x128xf32, #tpu.memory_space<vmem>>) target(%dma_start3A_83 : memref<96x128xf32, #tpu.memory_space<vmem_shared>>) target_semaphore(%run_scoped3A : memref<!tpu.dma_semaphore, #tpu.memory_space<semaphore_mem>>)
      %dma_wait3A = arith.constant 0 : i32
      %dma_wait3A_87 = arith.constant 0 : i32
      %dma_wait3A_88 = tpu.memref_slice %arg7[%dma_wait3A, %dma_wait3A_87] : memref<96x128xf32, #tpu.memory_space<vmem>> -> memref<96x128xf32, #tpu.memory_space<vmem>>
      %dma_wait3A_89 = arith.constant 0 : i32
      %dma_wait3A_90 = tpu.memref_slice %arg9[%add3A_20, %dma_wait3A_89] : memref<10112x128xf32, #tpu.memory_space<vmem_shared>> -> memref<96x128xf32, #tpu.memory_space<vmem_shared>>
      %dma_wait3A_91 = arith.constant 0 : i32
      %dma_wait3A_92 = tpu.memref_slice %arg9[%add3A_20, %dma_wait3A_91] : memref<10112x128xf32, #tpu.memory_space<vmem_shared>> -> memref<96x128xf32, #tpu.memory_space<vmem_shared>>
      %dma_wait3A_93 = arith.constant 0 : i32
      %dma_wait3A_94 = arith.constant 0 : i32
      %dma_wait3A_95 = tpu.memref_slice %arg7[%dma_wait3A_93, %dma_wait3A_94] : memref<96x128xf32, #tpu.memory_space<vmem>> -> memref<96x128xf32, #tpu.memory_space<vmem>>
      tpu.wait_dma2 semaphore(%run_scoped3A : memref<!tpu.dma_semaphore, #tpu.memory_space<semaphore_mem>>) src(%dma_wait3A_95 : memref<96x128xf32, #tpu.memory_space<vmem>>) dst(%dma_wait3A_92 : memref<96x128xf32, #tpu.memory_space<vmem_shared>>)
      tpu.yield
    }) : () -> ()
    %mul3A_21 = arith.constant 632 : i32
    %mul3A_22 = arith.muli %arg1, %mul3A_21 : i32
    %add3A_23 = arith.constant 384 : i32
    %add3A_24 = arith.addi %mul3A_22, %add3A_23 : i32
    "tpu.region"() ({
      %run_scoped3A = tpu.sem_alloc : memref<!tpu.dma_semaphore, #tpu.memory_space<semaphore_mem>>
      %dma_start3A = arith.constant 0 : i32
      %dma_start3A_78 = arith.constant 0 : i32
      %dma_start3A_79 = tpu.memref_slice %arg7[%dma_start3A, %dma_start3A_78] : memref<96x128xf32, #tpu.memory_space<vmem>> -> memref<96x128xf32, #tpu.memory_space<vmem>>
      %dma_start3A_80 = arith.constant 0 : i32
      %dma_start3A_81 = tpu.memref_slice %arg9[%add3A_24, %dma_start3A_80] : memref<10112x128xf32, #tpu.memory_space<vmem_shared>> -> memref<96x128xf32, #tpu.memory_space<vmem_shared>>
      %dma_start3A_82 = arith.constant 0 : i32
      %dma_start3A_83 = tpu.memref_slice %arg9[%add3A_24, %dma_start3A_82] : memref<10112x128xf32, #tpu.memory_space<vmem_shared>> -> memref<96x128xf32, #tpu.memory_space<vmem_shared>>
      %dma_start3A_84 = arith.constant 0 : i32
      %dma_start3A_85 = arith.constant 0 : i32
      %dma_start3A_86 = tpu.memref_slice %arg7[%dma_start3A_84, %dma_start3A_85] : memref<96x128xf32, #tpu.memory_space<vmem>> -> memref<96x128xf32, #tpu.memory_space<vmem>>
      tpu.enqueue_dma source(%dma_start3A_86 : memref<96x128xf32, #tpu.memory_space<vmem>>) target(%dma_start3A_83 : memref<96x128xf32, #tpu.memory_space<vmem_shared>>) target_semaphore(%run_scoped3A : memref<!tpu.dma_semaphore, #tpu.memory_space<semaphore_mem>>)
      %dma_wait3A = arith.constant 0 : i32
      %dma_wait3A_87 = arith.constant 0 : i32
      %dma_wait3A_88 = tpu.memref_slice %arg7[%dma_wait3A, %dma_wait3A_87] : memref<96x128xf32, #tpu.memory_space<vmem>> -> memref<96x128xf32, #tpu.memory_space<vmem>>
      %dma_wait3A_89 = arith.constant 0 : i32
      %dma_wait3A_90 = tpu.memref_slice %arg9[%add3A_24, %dma_wait3A_89] : memref<10112x128xf32, #tpu.memory_space<vmem_shared>> -> memref<96x128xf32, #tpu.memory_space<vmem_shared>>
      %dma_wait3A_91 = arith.constant 0 : i32
      %dma_wait3A_92 = tpu.memref_slice %arg9[%add3A_24, %dma_wait3A_91] : memref<10112x128xf32, #tpu.memory_space<vmem_shared>> -> memref<96x128xf32, #tpu.memory_space<vmem_shared>>
      %dma_wait3A_93 = arith.constant 0 : i32
      %dma_wait3A_94 = arith.constant 0 : i32
      %dma_wait3A_95 = tpu.memref_slice %arg7[%dma_wait3A_93, %dma_wait3A_94] : memref<96x128xf32, #tpu.memory_space<vmem>> -> memref<96x128xf32, #tpu.memory_space<vmem>>
      tpu.wait_dma2 semaphore(%run_scoped3A : memref<!tpu.dma_semaphore, #tpu.memory_space<semaphore_mem>>) src(%dma_wait3A_95 : memref<96x128xf32, #tpu.memory_space<vmem>>) dst(%dma_wait3A_92 : memref<96x128xf32, #tpu.memory_space<vmem_shared>>)
      tpu.yield
    }) : () -> ()
    %mul3A_25 = arith.constant 632 : i32
    %mul3A_26 = arith.muli %arg1, %mul3A_25 : i32
    %add3A_27 = arith.constant 480 : i32
    %add3A_28 = arith.addi %mul3A_26, %add3A_27 : i32
    "tpu.region"() ({
      %run_scoped3A = tpu.sem_alloc : memref<!tpu.dma_semaphore, #tpu.memory_space<semaphore_mem>>
      %dma_start3A = arith.constant 0 : i32
      %dma_start3A_78 = arith.constant 0 : i32
      %dma_start3A_79 = tpu.memref_slice %arg7[%dma_start3A, %dma_start3A_78] : memref<96x128xf32, #tpu.memory_space<vmem>> -> memref<96x128xf32, #tpu.memory_space<vmem>>
      %dma_start3A_80 = arith.constant 0 : i32
      %dma_start3A_81 = tpu.memref_slice %arg9[%add3A_28, %dma_start3A_80] : memref<10112x128xf32, #tpu.memory_space<vmem_shared>> -> memref<96x128xf32, #tpu.memory_space<vmem_shared>>
      %dma_start3A_82 = arith.constant 0 : i32
      %dma_start3A_83 = tpu.memref_slice %arg9[%add3A_28, %dma_start3A_82] : memref<10112x128xf32, #tpu.memory_space<vmem_shared>> -> memref<96x128xf32, #tpu.memory_space<vmem_shared>>
      %dma_start3A_84 = arith.constant 0 : i32
      %dma_start3A_85 = arith.constant 0 : i32
      %dma_start3A_86 = tpu.memref_slice %arg7[%dma_start3A_84, %dma_start3A_85] : memref<96x128xf32, #tpu.memory_space<vmem>> -> memref<96x128xf32, #tpu.memory_space<vmem>>
      tpu.enqueue_dma source(%dma_start3A_86 : memref<96x128xf32, #tpu.memory_space<vmem>>) target(%dma_start3A_83 : memref<96x128xf32, #tpu.memory_space<vmem_shared>>) target_semaphore(%run_scoped3A : memref<!tpu.dma_semaphore, #tpu.memory_space<semaphore_mem>>)
      %dma_wait3A = arith.constant 0 : i32
      %dma_wait3A_87 = arith.constant 0 : i32
      %dma_wait3A_88 = tpu.memref_slice %arg7[%dma_wait3A, %dma_wait3A_87] : memref<96x128xf32, #tpu.memory_space<vmem>> -> memref<96x128xf32, #tpu.memory_space<vmem>>
      %dma_wait3A_89 = arith.constant 0 : i32
      %dma_wait3A_90 = tpu.memref_slice %arg9[%add3A_28, %dma_wait3A_89] : memref<10112x128xf32, #tpu.memory_space<vmem_shared>> -> memref<96x128xf32, #tpu.memory_space<vmem_shared>>
      %dma_wait3A_91 = arith.constant 0 : i32
      %dma_wait3A_92 = tpu.memref_slice %arg9[%add3A_28, %dma_wait3A_91] : memref<10112x128xf32, #tpu.memory_space<vmem_shared>> -> memref<96x128xf32, #tpu.memory_space<vmem_shared>>
      %dma_wait3A_93 = arith.constant 0 : i32
      %dma_wait3A_94 = arith.constant 0 : i32
      %dma_wait3A_95 = tpu.memref_slice %arg7[%dma_wait3A_93, %dma_wait3A_94] : memref<96x128xf32, #tpu.memory_space<vmem>> -> memref<96x128xf32, #tpu.memory_space<vmem>>
      tpu.wait_dma2 semaphore(%run_scoped3A : memref<!tpu.dma_semaphore, #tpu.memory_space<semaphore_mem>>) src(%dma_wait3A_95 : memref<96x128xf32, #tpu.memory_space<vmem>>) dst(%dma_wait3A_92 : memref<96x128xf32, #tpu.memory_space<vmem_shared>>)
      tpu.yield
    }) : () -> ()
    %mul3A_29 = arith.constant 632 : i32
    %mul3A_30 = arith.muli %arg1, %mul3A_29 : i32
    %add3A_31 = arith.constant 576 : i32
    %add3A_32 = arith.addi %mul3A_30, %add3A_31 : i32
    "tpu.region"() ({
      %run_scoped3A = tpu.sem_alloc : memref<!tpu.dma_semaphore, #tpu.memory_space<semaphore_mem>>
      %dma_start3A = arith.constant 0 : i32
      %dma_start3A_78 = arith.constant 0 : i32
      %dma_start3A_79 = tpu.memref_slice %arg7[%dma_start3A, %dma_start3A_78] : memref<96x128xf32, #tpu.memory_space<vmem>> -> memref<56x128xf32, #tpu.memory_space<vmem>>
      %dma_start3A_80 = arith.constant 0 : i32
      %dma_start3A_81 = tpu.memref_slice %arg9[%add3A_32, %dma_start3A_80] : memref<10112x128xf32, #tpu.memory_space<vmem_shared>> -> memref<56x128xf32, #tpu.memory_space<vmem_shared>>
      %dma_start3A_82 = arith.constant 0 : i32
      %dma_start3A_83 = tpu.memref_slice %arg9[%add3A_32, %dma_start3A_82] : memref<10112x128xf32, #tpu.memory_space<vmem_shared>> -> memref<56x128xf32, #tpu.memory_space<vmem_shared>>
      %dma_start3A_84 = arith.constant 0 : i32
      %dma_start3A_85 = arith.constant 0 : i32
      %dma_start3A_86 = tpu.memref_slice %arg7[%dma_start3A_84, %dma_start3A_85] : memref<96x128xf32, #tpu.memory_space<vmem>> -> memref<56x128xf32, #tpu.memory_space<vmem>>
      tpu.enqueue_dma source(%dma_start3A_86 : memref<56x128xf32, #tpu.memory_space<vmem>>) target(%dma_start3A_83 : memref<56x128xf32, #tpu.memory_space<vmem_shared>>) target_semaphore(%run_scoped3A : memref<!tpu.dma_semaphore, #tpu.memory_space<semaphore_mem>>)
      %dma_wait3A = arith.constant 0 : i32
      %dma_wait3A_87 = arith.constant 0 : i32
      %dma_wait3A_88 = tpu.memref_slice %arg7[%dma_wait3A, %dma_wait3A_87] : memref<96x128xf32, #tpu.memory_space<vmem>> -> memref<56x128xf32, #tpu.memory_space<vmem>>
      %dma_wait3A_89 = arith.constant 0 : i32
      %dma_wait3A_90 = tpu.memref_slice %arg9[%add3A_32, %dma_wait3A_89] : memref<10112x128xf32, #tpu.memory_space<vmem_shared>> -> memref<56x128xf32, #tpu.memory_space<vmem_shared>>
      %dma_wait3A_91 = arith.constant 0 : i32
      %dma_wait3A_92 = tpu.memref_slice %arg9[%add3A_32, %dma_wait3A_91] : memref<10112x128xf32, #tpu.memory_space<vmem_shared>> -> memref<56x128xf32, #tpu.memory_space<vmem_shared>>
      %dma_wait3A_93 = arith.constant 0 : i32
      %dma_wait3A_94 = arith.constant 0 : i32
      %dma_wait3A_95 = tpu.memref_slice %arg7[%dma_wait3A_93, %dma_wait3A_94] : memref<96x128xf32, #tpu.memory_space<vmem>> -> memref<56x128xf32, #tpu.memory_space<vmem>>
      tpu.wait_dma2 semaphore(%run_scoped3A : memref<!tpu.dma_semaphore, #tpu.memory_space<semaphore_mem>>) src(%dma_wait3A_95 : memref<56x128xf32, #tpu.memory_space<vmem>>) dst(%dma_wait3A_92 : memref<56x128xf32, #tpu.memory_space<vmem_shared>>)
      tpu.yield
    }) : () -> ()
    %barrier3A = arith.constant 0 : index
    tpu.barrier barrier_id(%barrier3A)
    %eq3A = arith.constant 0 : i32
    %eq3A_33 = arith.cmpi eq, %arg0, %eq3A : i32
    %mul3A_34 = arith.constant 128 : i32
    %mul3A_35 = arith.muli %arg1, %mul3A_34 : i32
    %mul3A_36 = arith.constant 82 : i32
    %mul3A_37 = arith.muli %arg1, %mul3A_36 : i32
    %add3A_38 = arith.constant 2048 : i32
    %add3A_39 = arith.addi %add3A_38, %mul3A_37 : i32
    %select_n3A = arith.select %eq3A_33, %mul3A_35, %add3A_39 : i32
    %eq3A_40 = arith.constant 0 : i32
    %eq3A_41 = arith.cmpi eq, %arg0, %eq3A_40 : i32
    %jit3A = arith.constant 64 : i32
    %jit3A_42 = arith.constant 41 : i32
    %select_n3A_43 = arith.select %eq3A_41, %jit3A, %jit3A_42 : i32
    %scan3A_44 = arith.constant 0 : i32
    %scan3A_45 = arith.constant 64 : i32
    %scan3A_46 = arith.addi %scan3A_44, %scan3A_45 : i32
    %scan3A_47 = arith.constant 1 : i32
    scf.for %scan3A_78 = %scan3A_44 to %scan3A_46 step %scan3A_47  : i32 {
      %mul3A_79 = arith.constant 1 : i32
      %mul3A_80 = arith.muli %scan3A_78, %mul3A_79 : i32
      %add3A_81 = arith.constant 0 : i32
      %add3A_82 = arith.addi %add3A_81, %mul3A_80 : i32
      %lt3A = arith.cmpi slt, %add3A_82, %select_n3A_43 : i32
      %convert_element_type3A = arith.extui %lt3A : i1 to i32
      %cond3A = arith.constant 0 : i32
      %cond3A_83 = arith.cmpi ne, %convert_element_type3A, %cond3A : i32
      scf.if %cond3A_83 {
        %mul3A_84 = arith.constant 2 : i32
        %mul3A_85 = arith.muli %add3A_82, %mul3A_84 : i32
        %add3A_86 = arith.addi %select_n3A, %mul3A_85 : i32
        "tpu.region"() ({
          %run_scoped3A = tpu.sem_alloc : memref<!tpu.dma_semaphore, #tpu.memory_space<semaphore_mem>>
          %dma_start3A_143 = arith.constant 0 : i32
          %dma_start3A_144 = arith.constant 0 : i32
          %dma_start3A_145 = tpu.memref_slice %arg3[%add3A_86, %dma_start3A_143, %dma_start3A_144] : memref<3360x2x96xi32, #tpu.memory_space<hbm>> -> memref<1x2x96xi32, #tpu.memory_space<hbm>>
          %dma_start3A_146 = tpu.memref_squeeze %dma_start3A_145 : memref<1x2x96xi32, #tpu.memory_space<hbm>> -> memref<2x96xi32, #tpu.memory_space<hbm>>
          %dma_start3A_147 = arith.constant 0 : i32
          %dma_start3A_148 = arith.constant 0 : i32
          %dma_start3A_149 = tpu.memref_slice %arg3[%add3A_86, %dma_start3A_147, %dma_start3A_148] : memref<3360x2x96xi32, #tpu.memory_space<hbm>> -> memref<1x2x96xi32, #tpu.memory_space<hbm>>
          %dma_start3A_150 = tpu.memref_squeeze %dma_start3A_149 : memref<1x2x96xi32, #tpu.memory_space<hbm>> -> memref<2x96xi32, #tpu.memory_space<hbm>>
          tpu.enqueue_dma source(%dma_start3A_150 : memref<2x96xi32, #tpu.memory_space<hbm>>) target(%arg5 : memref<2x96xi32, #tpu.memory_space<vmem>>) target_semaphore(%run_scoped3A : memref<!tpu.dma_semaphore, #tpu.memory_space<semaphore_mem>>)
          %dma_wait3A_151 = arith.constant 0 : i32
          %dma_wait3A_152 = arith.constant 0 : i32
          %dma_wait3A_153 = tpu.memref_slice %arg3[%add3A_86, %dma_wait3A_151, %dma_wait3A_152] : memref<3360x2x96xi32, #tpu.memory_space<hbm>> -> memref<1x2x96xi32, #tpu.memory_space<hbm>>
          %dma_wait3A_154 = tpu.memref_squeeze %dma_wait3A_153 : memref<1x2x96xi32, #tpu.memory_space<hbm>> -> memref<2x96xi32, #tpu.memory_space<hbm>>
          %dma_wait3A_155 = arith.constant 0 : i32
          %dma_wait3A_156 = arith.constant 0 : i32
          %dma_wait3A_157 = tpu.memref_slice %arg3[%add3A_86, %dma_wait3A_155, %dma_wait3A_156] : memref<3360x2x96xi32, #tpu.memory_space<hbm>> -> memref<1x2x96xi32, #tpu.memory_space<hbm>>
          %dma_wait3A_158 = tpu.memref_squeeze %dma_wait3A_157 : memref<1x2x96xi32, #tpu.memory_space<hbm>> -> memref<2x96xi32, #tpu.memory_space<hbm>>
          tpu.wait_dma2 semaphore(%run_scoped3A : memref<!tpu.dma_semaphore, #tpu.memory_space<semaphore_mem>>) src(%dma_wait3A_158 : memref<2x96xi32, #tpu.memory_space<hbm>>) dst(%arg5 : memref<2x96xi32, #tpu.memory_space<vmem>>)
          tpu.yield
        }) : () -> ()
        %dma_start3A = arith.constant 1 : i32
        %dma_start3A_87 = arith.constant 0 : i32
        %dma_start3A_88 = tpu.memref_slice %arg5[%dma_start3A, %dma_start3A_87] : memref<2x96xi32, #tpu.memory_space<vmem>> -> memref<1x96xi32, #tpu.memory_space<vmem>>
        %dma_start3A_89 = tpu.memref_squeeze %dma_start3A_88 : memref<1x96xi32, #tpu.memory_space<vmem>> -> memref<96xi32, #tpu.memory_space<vmem>>
        %dma_start3A_90 = arith.constant 0 : i32
        %dma_start3A_91 = arith.constant 0 : i32
        %dma_start3A_92 = tpu.memref_slice %arg2[%dma_start3A_90, %dma_start3A_91] : memref<10112x128xf32, #tpu.memory_space<hbm>> -> memref<10112x128xf32, #tpu.memory_space<hbm>>
        tpu.enqueue_indirect_dma source(%dma_start3A_92 : memref<10112x128xf32, #tpu.memory_space<hbm>>) target(%arg7 : memref<96x128xf32, #tpu.memory_space<vmem>>) offsets(%dma_start3A_89 : memref<96xi32, #tpu.memory_space<vmem>>) semaphore(%arg10 : memref<!tpu.dma_semaphore, #tpu.memory_space<semaphore_mem>>)
        %add3A_93 = arith.constant 1 : i32
        %add3A_94 = arith.addi %add3A_86, %add3A_93 : i32
        "tpu.region"() ({
          %run_scoped3A = tpu.sem_alloc : memref<!tpu.dma_semaphore, #tpu.memory_space<semaphore_mem>>
          %dma_start3A_143 = arith.constant 0 : i32
          %dma_start3A_144 = arith.constant 0 : i32
          %dma_start3A_145 = tpu.memref_slice %arg3[%add3A_94, %dma_start3A_143, %dma_start3A_144] : memref<3360x2x96xi32, #tpu.memory_space<hbm>> -> memref<1x2x96xi32, #tpu.memory_space<hbm>>
          %dma_start3A_146 = tpu.memref_squeeze %dma_start3A_145 : memref<1x2x96xi32, #tpu.memory_space<hbm>> -> memref<2x96xi32, #tpu.memory_space<hbm>>
          %dma_start3A_147 = arith.constant 0 : i32
          %dma_start3A_148 = arith.constant 0 : i32
          %dma_start3A_149 = tpu.memref_slice %arg3[%add3A_94, %dma_start3A_147, %dma_start3A_148] : memref<3360x2x96xi32, #tpu.memory_space<hbm>> -> memref<1x2x96xi32, #tpu.memory_space<hbm>>
          %dma_start3A_150 = tpu.memref_squeeze %dma_start3A_149 : memref<1x2x96xi32, #tpu.memory_space<hbm>> -> memref<2x96xi32, #tpu.memory_space<hbm>>
          tpu.enqueue_dma source(%dma_start3A_150 : memref<2x96xi32, #tpu.memory_space<hbm>>) target(%arg6 : memref<2x96xi32, #tpu.memory_space<vmem>>) target_semaphore(%run_scoped3A : memref<!tpu.dma_semaphore, #tpu.memory_space<semaphore_mem>>)
          %dma_wait3A_151 = arith.constant 0 : i32
          %dma_wait3A_152 = arith.constant 0 : i32
          %dma_wait3A_153 = tpu.memref_slice %arg3[%add3A_94, %dma_wait3A_151, %dma_wait3A_152] : memref<3360x2x96xi32, #tpu.memory_space<hbm>> -> memref<1x2x96xi32, #tpu.memory_space<hbm>>
          %dma_wait3A_154 = tpu.memref_squeeze %dma_wait3A_153 : memref<1x2x96xi32, #tpu.memory_space<hbm>> -> memref<2x96xi32, #tpu.memory_space<hbm>>
          %dma_wait3A_155 = arith.constant 0 : i32
          %dma_wait3A_156 = arith.constant 0 : i32
          %dma_wait3A_157 = tpu.memref_slice %arg3[%add3A_94, %dma_wait3A_155, %dma_wait3A_156] : memref<3360x2x96xi32, #tpu.memory_space<hbm>> -> memref<1x2x96xi32, #tpu.memory_space<hbm>>
          %dma_wait3A_158 = tpu.memref_squeeze %dma_wait3A_157 : memref<1x2x96xi32, #tpu.memory_space<hbm>> -> memref<2x96xi32, #tpu.memory_space<hbm>>
          tpu.wait_dma2 semaphore(%run_scoped3A : memref<!tpu.dma_semaphore, #tpu.memory_space<semaphore_mem>>) src(%dma_wait3A_158 : memref<2x96xi32, #tpu.memory_space<hbm>>) dst(%arg6 : memref<2x96xi32, #tpu.memory_space<vmem>>)
          tpu.yield
        }) : () -> ()
        %dma_start3A_95 = arith.constant 1 : i32
        %dma_start3A_96 = arith.constant 0 : i32
        %dma_start3A_97 = tpu.memref_slice %arg6[%dma_start3A_95, %dma_start3A_96] : memref<2x96xi32, #tpu.memory_space<vmem>> -> memref<1x96xi32, #tpu.memory_space<vmem>>
        %dma_start3A_98 = tpu.memref_squeeze %dma_start3A_97 : memref<1x96xi32, #tpu.memory_space<vmem>> -> memref<96xi32, #tpu.memory_space<vmem>>
        %dma_start3A_99 = arith.constant 0 : i32
        %dma_start3A_100 = arith.constant 0 : i32
        %dma_start3A_101 = tpu.memref_slice %arg2[%dma_start3A_99, %dma_start3A_100] : memref<10112x128xf32, #tpu.memory_space<hbm>> -> memref<10112x128xf32, #tpu.memory_space<hbm>>
        tpu.enqueue_indirect_dma source(%dma_start3A_101 : memref<10112x128xf32, #tpu.memory_space<hbm>>) target(%arg8 : memref<96x128xf32, #tpu.memory_space<vmem>>) offsets(%dma_start3A_98 : memref<96xi32, #tpu.memory_space<vmem>>) semaphore(%arg11 : memref<!tpu.dma_semaphore, #tpu.memory_space<semaphore_mem>>)
        %dma_wait3A = arith.constant 1 : i32
        %dma_wait3A_102 = arith.constant 0 : i32
        %dma_wait3A_103 = tpu.memref_slice %arg5[%dma_wait3A, %dma_wait3A_102] : memref<2x96xi32, #tpu.memory_space<vmem>> -> memref<1x96xi32, #tpu.memory_space<vmem>>
        %dma_wait3A_104 = tpu.memref_squeeze %dma_wait3A_103 : memref<1x96xi32, #tpu.memory_space<vmem>> -> memref<96xi32, #tpu.memory_space<vmem>>
        %dma_wait3A_105 = arith.constant 0 : i32
        %dma_wait3A_106 = arith.constant 0 : i32
        %dma_wait3A_107 = tpu.memref_slice %arg2[%dma_wait3A_105, %dma_wait3A_106] : memref<10112x128xf32, #tpu.memory_space<hbm>> -> memref<10112x128xf32, #tpu.memory_space<hbm>>
        tpu.wait_indirect_dma semaphore(%arg10 : memref<!tpu.dma_semaphore, #tpu.memory_space<semaphore_mem>>) src(%dma_wait3A_107 : memref<10112x128xf32, #tpu.memory_space<hbm>>) dst(%arg7 : memref<96x128xf32, #tpu.memory_space<vmem>>)
        %dma_start3A_108 = arith.constant 0 : i32
        %dma_start3A_109 = arith.constant 0 : i32
        %dma_start3A_110 = tpu.memref_slice %arg5[%dma_start3A_108, %dma_start3A_109] : memref<2x96xi32, #tpu.memory_space<vmem>> -> memref<1x96xi32, #tpu.memory_space<vmem>>
        %dma_start3A_111 = tpu.memref_squeeze %dma_start3A_110 : memref<1x96xi32, #tpu.memory_space<vmem>> -> memref<96xi32, #tpu.memory_space<vmem>>
        %dma_start3A_112 = arith.constant 0 : i32
        %dma_start3A_113 = arith.constant 0 : i32
        %dma_start3A_114 = tpu.memref_slice %arg9[%dma_start3A_112, %dma_start3A_113] : memref<10112x128xf32, #tpu.memory_space<vmem_shared>> -> memref<10112x128xf32, #tpu.memory_space<vmem_shared>>
        tpu.enqueue_indirect_dma source(%arg7 : memref<96x128xf32, #tpu.memory_space<vmem>>) target(%dma_start3A_114 : memref<10112x128xf32, #tpu.memory_space<vmem_shared>>) offsets(%dma_start3A_111 : memref<96xi32, #tpu.memory_space<vmem>>) semaphore(%arg12 : memref<!tpu.dma_semaphore, #tpu.memory_space<semaphore_mem>>) {add = true}
        %dma_wait3A_115 = arith.constant 1 : i32
        %dma_wait3A_116 = arith.constant 0 : i32
        %dma_wait3A_117 = tpu.memref_slice %arg6[%dma_wait3A_115, %dma_wait3A_116] : memref<2x96xi32, #tpu.memory_space<vmem>> -> memref<1x96xi32, #tpu.memory_space<vmem>>
        %dma_wait3A_118 = tpu.memref_squeeze %dma_wait3A_117 : memref<1x96xi32, #tpu.memory_space<vmem>> -> memref<96xi32, #tpu.memory_space<vmem>>
        %dma_wait3A_119 = arith.constant 0 : i32
        %dma_wait3A_120 = arith.constant 0 : i32
        %dma_wait3A_121 = tpu.memref_slice %arg2[%dma_wait3A_119, %dma_wait3A_120] : memref<10112x128xf32, #tpu.memory_space<hbm>> -> memref<10112x128xf32, #tpu.memory_space<hbm>>
        tpu.wait_indirect_dma semaphore(%arg11 : memref<!tpu.dma_semaphore, #tpu.memory_space<semaphore_mem>>) src(%dma_wait3A_121 : memref<10112x128xf32, #tpu.memory_space<hbm>>) dst(%arg8 : memref<96x128xf32, #tpu.memory_space<vmem>>)
        %dma_start3A_122 = arith.constant 0 : i32
        %dma_start3A_123 = arith.constant 0 : i32
        %dma_start3A_124 = tpu.memref_slice %arg6[%dma_start3A_122, %dma_start3A_123] : memref<2x96xi32, #tpu.memory_space<vmem>> -> memref<1x96xi32, #tpu.memory_space<vmem>>
        %dma_start3A_125 = tpu.memref_squeeze %dma_start3A_124 : memref<1x96xi32, #tpu.memory_space<vmem>> -> memref<96xi32, #tpu.memory_space<vmem>>
        %dma_start3A_126 = arith.constant 0 : i32
        %dma_start3A_127 = arith.constant 0 : i32
        %dma_start3A_128 = tpu.memref_slice %arg9[%dma_start3A_126, %dma_start3A_127] : memref<10112x128xf32, #tpu.memory_space<vmem_shared>> -> memref<10112x128xf32, #tpu.memory_space<vmem_shared>>
        tpu.enqueue_indirect_dma source(%arg8 : memref<96x128xf32, #tpu.memory_space<vmem>>) target(%dma_start3A_128 : memref<10112x128xf32, #tpu.memory_space<vmem_shared>>) offsets(%dma_start3A_125 : memref<96xi32, #tpu.memory_space<vmem>>) semaphore(%arg13 : memref<!tpu.dma_semaphore, #tpu.memory_space<semaphore_mem>>) {add = true}
        %dma_wait3A_129 = arith.constant 0 : i32
        %dma_wait3A_130 = arith.constant 0 : i32
        %dma_wait3A_131 = tpu.memref_slice %arg5[%dma_wait3A_129, %dma_wait3A_130] : memref<2x96xi32, #tpu.memory_space<vmem>> -> memref<1x96xi32, #tpu.memory_space<vmem>>
        %dma_wait3A_132 = tpu.memref_squeeze %dma_wait3A_131 : memref<1x96xi32, #tpu.memory_space<vmem>> -> memref<96xi32, #tpu.memory_space<vmem>>
        %dma_wait3A_133 = arith.constant 0 : i32
        %dma_wait3A_134 = arith.constant 0 : i32
        %dma_wait3A_135 = tpu.memref_slice %arg9[%dma_wait3A_133, %dma_wait3A_134] : memref<10112x128xf32, #tpu.memory_space<vmem_shared>> -> memref<10112x128xf32, #tpu.memory_space<vmem_shared>>
        tpu.wait_indirect_dma semaphore(%arg12 : memref<!tpu.dma_semaphore, #tpu.memory_space<semaphore_mem>>) src(%arg7 : memref<96x128xf32, #tpu.memory_space<vmem>>) dst(%dma_wait3A_135 : memref<10112x128xf32, #tpu.memory_space<vmem_shared>>)
        %dma_wait3A_136 = arith.constant 0 : i32
        %dma_wait3A_137 = arith.constant 0 : i32
        %dma_wait3A_138 = tpu.memref_slice %arg6[%dma_wait3A_136, %dma_wait3A_137] : memref<2x96xi32, #tpu.memory_space<vmem>> -> memref<1x96xi32, #tpu.memory_space<vmem>>
        %dma_wait3A_139 = tpu.memref_squeeze %dma_wait3A_138 : memref<1x96xi32, #tpu.memory_space<vmem>> -> memref<96xi32, #tpu.memory_space<vmem>>
        %dma_wait3A_140 = arith.constant 0 : i32
        %dma_wait3A_141 = arith.constant 0 : i32
        %dma_wait3A_142 = tpu.memref_slice %arg9[%dma_wait3A_140, %dma_wait3A_141] : memref<10112x128xf32, #tpu.memory_space<vmem_shared>> -> memref<10112x128xf32, #tpu.memory_space<vmem_shared>>
        tpu.wait_indirect_dma semaphore(%arg13 : memref<!tpu.dma_semaphore, #tpu.memory_space<semaphore_mem>>) src(%arg8 : memref<96x128xf32, #tpu.memory_space<vmem>>) dst(%dma_wait3A_142 : memref<10112x128xf32, #tpu.memory_space<vmem_shared>>)
      } else {
      }
    }
    %scan3A_48 = arith.constant 64 : i32
    %barrier3A_49 = arith.constant 0 : index
    tpu.barrier barrier_id(%barrier3A_49)
    %mul3A_50 = arith.constant 632 : i32
    %mul3A_51 = arith.muli %arg1, %mul3A_50 : i32
    %add3A_52 = arith.constant 0 : i32
    %add3A_53 = arith.addi %mul3A_51, %add3A_52 : i32
    "tpu.region"() ({
      %run_scoped3A = tpu.sem_alloc : memref<!tpu.dma_semaphore, #tpu.memory_space<semaphore_mem>>
      %dma_start3A = arith.constant 0 : i32
      %dma_start3A_78 = arith.constant 0 : i32
      %dma_start3A_79 = tpu.memref_slice %arg4[%arg0, %dma_start3A, %dma_start3A_78] : memref<2x10112x128xf32, #tpu.memory_space<hbm>> -> memref<1x10112x128xf32, #tpu.memory_space<hbm>>
      %dma_start3A_80 = tpu.memref_squeeze %dma_start3A_79 : memref<1x10112x128xf32, #tpu.memory_space<hbm>> -> memref<10112x128xf32, #tpu.memory_space<hbm>>
      %dma_start3A_81 = arith.constant 0 : i32
      %dma_start3A_82 = tpu.memref_slice %dma_start3A_80[%add3A_53, %dma_start3A_81] : memref<10112x128xf32, #tpu.memory_space<hbm>> -> memref<96x128xf32, #tpu.memory_space<hbm>>
      %dma_start3A_83 = arith.constant 0 : i32
      %dma_start3A_84 = tpu.memref_slice %arg9[%add3A_53, %dma_start3A_83] : memref<10112x128xf32, #tpu.memory_space<vmem_shared>> -> memref<96x128xf32, #tpu.memory_space<vmem_shared>>
      tpu.enqueue_dma source(%dma_start3A_84 : memref<96x128xf32, #tpu.memory_space<vmem_shared>>) target(%dma_start3A_82 : memref<96x128xf32, #tpu.memory_space<hbm>>) target_semaphore(%run_scoped3A : memref<!tpu.dma_semaphore, #tpu.memory_space<semaphore_mem>>)
      %dma_wait3A = arith.constant 0 : i32
      %dma_wait3A_85 = arith.constant 0 : i32
      %dma_wait3A_86 = tpu.memref_slice %arg4[%arg0, %dma_wait3A, %dma_wait3A_85] : memref<2x10112x128xf32, #tpu.memory_space<hbm>> -> memref<1x10112x128xf32, #tpu.memory_space<hbm>>
      %dma_wait3A_87 = tpu.memref_squeeze %dma_wait3A_86 : memref<1x10112x128xf32, #tpu.memory_space<hbm>> -> memref<10112x128xf32, #tpu.memory_space<hbm>>
      %dma_wait3A_88 = arith.constant 0 : i32
      %dma_wait3A_89 = tpu.memref_slice %dma_wait3A_87[%add3A_53, %dma_wait3A_88] : memref<10112x128xf32, #tpu.memory_space<hbm>> -> memref<96x128xf32, #tpu.memory_space<hbm>>
      %dma_wait3A_90 = arith.constant 0 : i32
      %dma_wait3A_91 = tpu.memref_slice %arg9[%add3A_53, %dma_wait3A_90] : memref<10112x128xf32, #tpu.memory_space<vmem_shared>> -> memref<96x128xf32, #tpu.memory_space<vmem_shared>>
      tpu.wait_dma2 semaphore(%run_scoped3A : memref<!tpu.dma_semaphore, #tpu.memory_space<semaphore_mem>>) src(%dma_wait3A_91 : memref<96x128xf32, #tpu.memory_space<vmem_shared>>) dst(%dma_wait3A_89 : memref<96x128xf32, #tpu.memory_space<hbm>>)
      tpu.yield
    }) : () -> ()
    %mul3A_54 = arith.constant 632 : i32
    %mul3A_55 = arith.muli %arg1, %mul3A_54 : i32
    %add3A_56 = arith.constant 96 : i32
    %add3A_57 = arith.addi %mul3A_55, %add3A_56 : i32
    "tpu.region"() ({
      %run_scoped3A = tpu.sem_alloc : memref<!tpu.dma_semaphore, #tpu.memory_space<semaphore_mem>>
      %dma_start3A = arith.constant 0 : i32
      %dma_start3A_78 = arith.constant 0 : i32
      %dma_start3A_79 = tpu.memref_slice %arg4[%arg0, %dma_start3A, %dma_start3A_78] : memref<2x10112x128xf32, #tpu.memory_space<hbm>> -> memref<1x10112x128xf32, #tpu.memory_space<hbm>>
      %dma_start3A_80 = tpu.memref_squeeze %dma_start3A_79 : memref<1x10112x128xf32, #tpu.memory_space<hbm>> -> memref<10112x128xf32, #tpu.memory_space<hbm>>
      %dma_start3A_81 = arith.constant 0 : i32
      %dma_start3A_82 = tpu.memref_slice %dma_start3A_80[%add3A_57, %dma_start3A_81] : memref<10112x128xf32, #tpu.memory_space<hbm>> -> memref<96x128xf32, #tpu.memory_space<hbm>>
      %dma_start3A_83 = arith.constant 0 : i32
      %dma_start3A_84 = tpu.memref_slice %arg9[%add3A_57, %dma_start3A_83] : memref<10112x128xf32, #tpu.memory_space<vmem_shared>> -> memref<96x128xf32, #tpu.memory_space<vmem_shared>>
      tpu.enqueue_dma source(%dma_start3A_84 : memref<96x128xf32, #tpu.memory_space<vmem_shared>>) target(%dma_start3A_82 : memref<96x128xf32, #tpu.memory_space<hbm>>) target_semaphore(%run_scoped3A : memref<!tpu.dma_semaphore, #tpu.memory_space<semaphore_mem>>)
      %dma_wait3A = arith.constant 0 : i32
      %dma_wait3A_85 = arith.constant 0 : i32
      %dma_wait3A_86 = tpu.memref_slice %arg4[%arg0, %dma_wait3A, %dma_wait3A_85] : memref<2x10112x128xf32, #tpu.memory_space<hbm>> -> memref<1x10112x128xf32, #tpu.memory_space<hbm>>
      %dma_wait3A_87 = tpu.memref_squeeze %dma_wait3A_86 : memref<1x10112x128xf32, #tpu.memory_space<hbm>> -> memref<10112x128xf32, #tpu.memory_space<hbm>>
      %dma_wait3A_88 = arith.constant 0 : i32
      %dma_wait3A_89 = tpu.memref_slice %dma_wait3A_87[%add3A_57, %dma_wait3A_88] : memref<10112x128xf32, #tpu.memory_space<hbm>> -> memref<96x128xf32, #tpu.memory_space<hbm>>
      %dma_wait3A_90 = arith.constant 0 : i32
      %dma_wait3A_91 = tpu.memref_slice %arg9[%add3A_57, %dma_wait3A_90] : memref<10112x128xf32, #tpu.memory_space<vmem_shared>> -> memref<96x128xf32, #tpu.memory_space<vmem_shared>>
      tpu.wait_dma2 semaphore(%run_scoped3A : memref<!tpu.dma_semaphore, #tpu.memory_space<semaphore_mem>>) src(%dma_wait3A_91 : memref<96x128xf32, #tpu.memory_space<vmem_shared>>) dst(%dma_wait3A_89 : memref<96x128xf32, #tpu.memory_space<hbm>>)
      tpu.yield
    }) : () -> ()
    %mul3A_58 = arith.constant 632 : i32
    %mul3A_59 = arith.muli %arg1, %mul3A_58 : i32
    %add3A_60 = arith.constant 192 : i32
    %add3A_61 = arith.addi %mul3A_59, %add3A_60 : i32
    "tpu.region"() ({
      %run_scoped3A = tpu.sem_alloc : memref<!tpu.dma_semaphore, #tpu.memory_space<semaphore_mem>>
      %dma_start3A = arith.constant 0 : i32
      %dma_start3A_78 = arith.constant 0 : i32
      %dma_start3A_79 = tpu.memref_slice %arg4[%arg0, %dma_start3A, %dma_start3A_78] : memref<2x10112x128xf32, #tpu.memory_space<hbm>> -> memref<1x10112x128xf32, #tpu.memory_space<hbm>>
      %dma_start3A_80 = tpu.memref_squeeze %dma_start3A_79 : memref<1x10112x128xf32, #tpu.memory_space<hbm>> -> memref<10112x128xf32, #tpu.memory_space<hbm>>
      %dma_start3A_81 = arith.constant 0 : i32
      %dma_start3A_82 = tpu.memref_slice %dma_start3A_80[%add3A_61, %dma_start3A_81] : memref<10112x128xf32, #tpu.memory_space<hbm>> -> memref<96x128xf32, #tpu.memory_space<hbm>>
      %dma_start3A_83 = arith.constant 0 : i32
      %dma_start3A_84 = tpu.memref_slice %arg9[%add3A_61, %dma_start3A_83] : memref<10112x128xf32, #tpu.memory_space<vmem_shared>> -> memref<96x128xf32, #tpu.memory_space<vmem_shared>>
      tpu.enqueue_dma source(%dma_start3A_84 : memref<96x128xf32, #tpu.memory_space<vmem_shared>>) target(%dma_start3A_82 : memref<96x128xf32, #tpu.memory_space<hbm>>) target_semaphore(%run_scoped3A : memref<!tpu.dma_semaphore, #tpu.memory_space<semaphore_mem>>)
      %dma_wait3A = arith.constant 0 : i32
      %dma_wait3A_85 = arith.constant 0 : i32
      %dma_wait3A_86 = tpu.memref_slice %arg4[%arg0, %dma_wait3A, %dma_wait3A_85] : memref<2x10112x128xf32, #tpu.memory_space<hbm>> -> memref<1x10112x128xf32, #tpu.memory_space<hbm>>
      %dma_wait3A_87 = tpu.memref_squeeze %dma_wait3A_86 : memref<1x10112x128xf32, #tpu.memory_space<hbm>> -> memref<10112x128xf32, #tpu.memory_space<hbm>>
      %dma_wait3A_88 = arith.constant 0 : i32
      %dma_wait3A_89 = tpu.memref_slice %dma_wait3A_87[%add3A_61, %dma_wait3A_88] : memref<10112x128xf32, #tpu.memory_space<hbm>> -> memref<96x128xf32, #tpu.memory_space<hbm>>
      %dma_wait3A_90 = arith.constant 0 : i32
      %dma_wait3A_91 = tpu.memref_slice %arg9[%add3A_61, %dma_wait3A_90] : memref<10112x128xf32, #tpu.memory_space<vmem_shared>> -> memref<96x128xf32, #tpu.memory_space<vmem_shared>>
      tpu.wait_dma2 semaphore(%run_scoped3A : memref<!tpu.dma_semaphore, #tpu.memory_space<semaphore_mem>>) src(%dma_wait3A_91 : memref<96x128xf32, #tpu.memory_space<vmem_shared>>) dst(%dma_wait3A_89 : memref<96x128xf32, #tpu.memory_space<hbm>>)
      tpu.yield
    }) : () -> ()
    %mul3A_62 = arith.constant 632 : i32
    %mul3A_63 = arith.muli %arg1, %mul3A_62 : i32
    %add3A_64 = arith.constant 288 : i32
    %add3A_65 = arith.addi %mul3A_63, %add3A_64 : i32
    "tpu.region"() ({
      %run_scoped3A = tpu.sem_alloc : memref<!tpu.dma_semaphore, #tpu.memory_space<semaphore_mem>>
      %dma_start3A = arith.constant 0 : i32
      %dma_start3A_78 = arith.constant 0 : i32
      %dma_start3A_79 = tpu.memref_slice %arg4[%arg0, %dma_start3A, %dma_start3A_78] : memref<2x10112x128xf32, #tpu.memory_space<hbm>> -> memref<1x10112x128xf32, #tpu.memory_space<hbm>>
      %dma_start3A_80 = tpu.memref_squeeze %dma_start3A_79 : memref<1x10112x128xf32, #tpu.memory_space<hbm>> -> memref<10112x128xf32, #tpu.memory_space<hbm>>
      %dma_start3A_81 = arith.constant 0 : i32
      %dma_start3A_82 = tpu.memref_slice %dma_start3A_80[%add3A_65, %dma_start3A_81] : memref<10112x128xf32, #tpu.memory_space<hbm>> -> memref<96x128xf32, #tpu.memory_space<hbm>>
      %dma_start3A_83 = arith.constant 0 : i32
      %dma_start3A_84 = tpu.memref_slice %arg9[%add3A_65, %dma_start3A_83] : memref<10112x128xf32, #tpu.memory_space<vmem_shared>> -> memref<96x128xf32, #tpu.memory_space<vmem_shared>>
      tpu.enqueue_dma source(%dma_start3A_84 : memref<96x128xf32, #tpu.memory_space<vmem_shared>>) target(%dma_start3A_82 : memref<96x128xf32, #tpu.memory_space<hbm>>) target_semaphore(%run_scoped3A : memref<!tpu.dma_semaphore, #tpu.memory_space<semaphore_mem>>)
      %dma_wait3A = arith.constant 0 : i32
      %dma_wait3A_85 = arith.constant 0 : i32
      %dma_wait3A_86 = tpu.memref_slice %arg4[%arg0, %dma_wait3A, %dma_wait3A_85] : memref<2x10112x128xf32, #tpu.memory_space<hbm>> -> memref<1x10112x128xf32, #tpu.memory_space<hbm>>
      %dma_wait3A_87 = tpu.memref_squeeze %dma_wait3A_86 : memref<1x10112x128xf32, #tpu.memory_space<hbm>> -> memref<10112x128xf32, #tpu.memory_space<hbm>>
      %dma_wait3A_88 = arith.constant 0 : i32
      %dma_wait3A_89 = tpu.memref_slice %dma_wait3A_87[%add3A_65, %dma_wait3A_88] : memref<10112x128xf32, #tpu.memory_space<hbm>> -> memref<96x128xf32, #tpu.memory_space<hbm>>
      %dma_wait3A_90 = arith.constant 0 : i32
      %dma_wait3A_91 = tpu.memref_slice %arg9[%add3A_65, %dma_wait3A_90] : memref<10112x128xf32, #tpu.memory_space<vmem_shared>> -> memref<96x128xf32, #tpu.memory_space<vmem_shared>>
      tpu.wait_dma2 semaphore(%run_scoped3A : memref<!tpu.dma_semaphore, #tpu.memory_space<semaphore_mem>>) src(%dma_wait3A_91 : memref<96x128xf32, #tpu.memory_space<vmem_shared>>) dst(%dma_wait3A_89 : memref<96x128xf32, #tpu.memory_space<hbm>>)
      tpu.yield
    }) : () -> ()
    %mul3A_66 = arith.constant 632 : i32
    %mul3A_67 = arith.muli %arg1, %mul3A_66 : i32
    %add3A_68 = arith.constant 384 : i32
    %add3A_69 = arith.addi %mul3A_67, %add3A_68 : i32
    "tpu.region"() ({
      %run_scoped3A = tpu.sem_alloc : memref<!tpu.dma_semaphore, #tpu.memory_space<semaphore_mem>>
      %dma_start3A = arith.constant 0 : i32
      %dma_start3A_78 = arith.constant 0 : i32
      %dma_start3A_79 = tpu.memref_slice %arg4[%arg0, %dma_start3A, %dma_start3A_78] : memref<2x10112x128xf32, #tpu.memory_space<hbm>> -> memref<1x10112x128xf32, #tpu.memory_space<hbm>>
      %dma_start3A_80 = tpu.memref_squeeze %dma_start3A_79 : memref<1x10112x128xf32, #tpu.memory_space<hbm>> -> memref<10112x128xf32, #tpu.memory_space<hbm>>
      %dma_start3A_81 = arith.constant 0 : i32
      %dma_start3A_82 = tpu.memref_slice %dma_start3A_80[%add3A_69, %dma_start3A_81] : memref<10112x128xf32, #tpu.memory_space<hbm>> -> memref<96x128xf32, #tpu.memory_space<hbm>>
      %dma_start3A_83 = arith.constant 0 : i32
      %dma_start3A_84 = tpu.memref_slice %arg9[%add3A_69, %dma_start3A_83] : memref<10112x128xf32, #tpu.memory_space<vmem_shared>> -> memref<96x128xf32, #tpu.memory_space<vmem_shared>>
      tpu.enqueue_dma source(%dma_start3A_84 : memref<96x128xf32, #tpu.memory_space<vmem_shared>>) target(%dma_start3A_82 : memref<96x128xf32, #tpu.memory_space<hbm>>) target_semaphore(%run_scoped3A : memref<!tpu.dma_semaphore, #tpu.memory_space<semaphore_mem>>)
      %dma_wait3A = arith.constant 0 : i32
      %dma_wait3A_85 = arith.constant 0 : i32
      %dma_wait3A_86 = tpu.memref_slice %arg4[%arg0, %dma_wait3A, %dma_wait3A_85] : memref<2x10112x128xf32, #tpu.memory_space<hbm>> -> memref<1x10112x128xf32, #tpu.memory_space<hbm>>
      %dma_wait3A_87 = tpu.memref_squeeze %dma_wait3A_86 : memref<1x10112x128xf32, #tpu.memory_space<hbm>> -> memref<10112x128xf32, #tpu.memory_space<hbm>>
      %dma_wait3A_88 = arith.constant 0 : i32
      %dma_wait3A_89 = tpu.memref_slice %dma_wait3A_87[%add3A_69, %dma_wait3A_88] : memref<10112x128xf32, #tpu.memory_space<hbm>> -> memref<96x128xf32, #tpu.memory_space<hbm>>
      %dma_wait3A_90 = arith.constant 0 : i32
      %dma_wait3A_91 = tpu.memref_slice %arg9[%add3A_69, %dma_wait3A_90] : memref<10112x128xf32, #tpu.memory_space<vmem_shared>> -> memref<96x128xf32, #tpu.memory_space<vmem_shared>>
      tpu.wait_dma2 semaphore(%run_scoped3A : memref<!tpu.dma_semaphore, #tpu.memory_space<semaphore_mem>>) src(%dma_wait3A_91 : memref<96x128xf32, #tpu.memory_space<vmem_shared>>) dst(%dma_wait3A_89 : memref<96x128xf32, #tpu.memory_space<hbm>>)
      tpu.yield
    }) : () -> ()
    %mul3A_70 = arith.constant 632 : i32
    %mul3A_71 = arith.muli %arg1, %mul3A_70 : i32
    %add3A_72 = arith.constant 480 : i32
    %add3A_73 = arith.addi %mul3A_71, %add3A_72 : i32
    "tpu.region"() ({
      %run_scoped3A = tpu.sem_alloc : memref<!tpu.dma_semaphore, #tpu.memory_space<semaphore_mem>>
      %dma_start3A = arith.constant 0 : i32
      %dma_start3A_78 = arith.constant 0 : i32
      %dma_start3A_79 = tpu.memref_slice %arg4[%arg0, %dma_start3A, %dma_start3A_78] : memref<2x10112x128xf32, #tpu.memory_space<hbm>> -> memref<1x10112x128xf32, #tpu.memory_space<hbm>>
      %dma_start3A_80 = tpu.memref_squeeze %dma_start3A_79 : memref<1x10112x128xf32, #tpu.memory_space<hbm>> -> memref<10112x128xf32, #tpu.memory_space<hbm>>
      %dma_start3A_81 = arith.constant 0 : i32
      %dma_start3A_82 = tpu.memref_slice %dma_start3A_80[%add3A_73, %dma_start3A_81] : memref<10112x128xf32, #tpu.memory_space<hbm>> -> memref<96x128xf32, #tpu.memory_space<hbm>>
      %dma_start3A_83 = arith.constant 0 : i32
      %dma_start3A_84 = tpu.memref_slice %arg9[%add3A_73, %dma_start3A_83] : memref<10112x128xf32, #tpu.memory_space<vmem_shared>> -> memref<96x128xf32, #tpu.memory_space<vmem_shared>>
      tpu.enqueue_dma source(%dma_start3A_84 : memref<96x128xf32, #tpu.memory_space<vmem_shared>>) target(%dma_start3A_82 : memref<96x128xf32, #tpu.memory_space<hbm>>) target_semaphore(%run_scoped3A : memref<!tpu.dma_semaphore, #tpu.memory_space<semaphore_mem>>)
      %dma_wait3A = arith.constant 0 : i32
      %dma_wait3A_85 = arith.constant 0 : i32
      %dma_wait3A_86 = tpu.memref_slice %arg4[%arg0, %dma_wait3A, %dma_wait3A_85] : memref<2x10112x128xf32, #tpu.memory_space<hbm>> -> memref<1x10112x128xf32, #tpu.memory_space<hbm>>
      %dma_wait3A_87 = tpu.memref_squeeze %dma_wait3A_86 : memref<1x10112x128xf32, #tpu.memory_space<hbm>> -> memref<10112x128xf32, #tpu.memory_space<hbm>>
      %dma_wait3A_88 = arith.constant 0 : i32
      %dma_wait3A_89 = tpu.memref_slice %dma_wait3A_87[%add3A_73, %dma_wait3A_88] : memref<10112x128xf32, #tpu.memory_space<hbm>> -> memref<96x128xf32, #tpu.memory_space<hbm>>
      %dma_wait3A_90 = arith.constant 0 : i32
      %dma_wait3A_91 = tpu.memref_slice %arg9[%add3A_73, %dma_wait3A_90] : memref<10112x128xf32, #tpu.memory_space<vmem_shared>> -> memref<96x128xf32, #tpu.memory_space<vmem_shared>>
      tpu.wait_dma2 semaphore(%run_scoped3A : memref<!tpu.dma_semaphore, #tpu.memory_space<semaphore_mem>>) src(%dma_wait3A_91 : memref<96x128xf32, #tpu.memory_space<vmem_shared>>) dst(%dma_wait3A_89 : memref<96x128xf32, #tpu.memory_space<hbm>>)
      tpu.yield
    }) : () -> ()
    %mul3A_74 = arith.constant 632 : i32
    %mul3A_75 = arith.muli %arg1, %mul3A_74 : i32
    %add3A_76 = arith.constant 576 : i32
    %add3A_77 = arith.addi %mul3A_75, %add3A_76 : i32
    "tpu.region"() ({
      %run_scoped3A = tpu.sem_alloc : memref<!tpu.dma_semaphore, #tpu.memory_space<semaphore_mem>>
      %dma_start3A = arith.constant 0 : i32
      %dma_start3A_78 = arith.constant 0 : i32
      %dma_start3A_79 = tpu.memref_slice %arg4[%arg0, %dma_start3A, %dma_start3A_78] : memref<2x10112x128xf32, #tpu.memory_space<hbm>> -> memref<1x10112x128xf32, #tpu.memory_space<hbm>>
      %dma_start3A_80 = tpu.memref_squeeze %dma_start3A_79 : memref<1x10112x128xf32, #tpu.memory_space<hbm>> -> memref<10112x128xf32, #tpu.memory_space<hbm>>
      %dma_start3A_81 = arith.constant 0 : i32
      %dma_start3A_82 = tpu.memref_slice %dma_start3A_80[%add3A_77, %dma_start3A_81] : memref<10112x128xf32, #tpu.memory_space<hbm>> -> memref<56x128xf32, #tpu.memory_space<hbm>>
      %dma_start3A_83 = arith.constant 0 : i32
      %dma_start3A_84 = tpu.memref_slice %arg9[%add3A_77, %dma_start3A_83] : memref<10112x128xf32, #tpu.memory_space<vmem_shared>> -> memref<56x128xf32, #tpu.memory_space<vmem_shared>>
      tpu.enqueue_dma source(%dma_start3A_84 : memref<56x128xf32, #tpu.memory_space<vmem_shared>>) target(%dma_start3A_82 : memref<56x128xf32, #tpu.memory_space<hbm>>) target_semaphore(%run_scoped3A : memref<!tpu.dma_semaphore, #tpu.memory_space<semaphore_mem>>)
      %dma_wait3A = arith.constant 0 : i32
      %dma_wait3A_85 = arith.constant 0 : i32
      %dma_wait3A_86 = tpu.memref_slice %arg4[%arg0, %dma_wait3A, %dma_wait3A_85] : memref<2x10112x128xf32, #tpu.memory_space<hbm>> -> memref<1x10112x128xf32, #tpu.memory_space<hbm>>
      %dma_wait3A_87 = tpu.memref_squeeze %dma_wait3A_86 : memref<1x10112x128xf32, #tpu.memory_space<hbm>> -> memref<10112x128xf32, #tpu.memory_space<hbm>>
      %dma_wait3A_88 = arith.constant 0 : i32
      %dma_wait3A_89 = tpu.memref_slice %dma_wait3A_87[%add3A_77, %dma_wait3A_88] : memref<10112x128xf32, #tpu.memory_space<hbm>> -> memref<56x128xf32, #tpu.memory_space<hbm>>
      %dma_wait3A_90 = arith.constant 0 : i32
      %dma_wait3A_91 = tpu.memref_slice %arg9[%add3A_77, %dma_wait3A_90] : memref<10112x128xf32, #tpu.memory_space<vmem_shared>> -> memref<56x128xf32, #tpu.memory_space<vmem_shared>>
      tpu.wait_dma2 semaphore(%run_scoped3A : memref<!tpu.dma_semaphore, #tpu.memory_space<semaphore_mem>>) src(%dma_wait3A_91 : memref<56x128xf32, #tpu.memory_space<vmem_shared>>) dst(%dma_wait3A_89 : memref<56x128xf32, #tpu.memory_space<hbm>>)
      tpu.yield
    }) : () -> ()
    return
  }
}

#map = affine_map<(d0, d1) -> (0, 0)>
#map1 = affine_map<(d0, d1) -> (0, 0, 0)>
module attributes {stable_mosaic.version = 14 : i64} {
  func.func @_segsum(%arg0: i32, %arg1: i32, %arg2: memref<10112x128xf32, #tpu.memory_space<hbm>>, %arg3: memref<3360x2x96xi32, #tpu.memory_space<hbm>>, %arg4: memref<2x10112x128xf32, #tpu.memory_space<hbm>>, %arg5: memref<2x96xi32, #tpu.memory_space<vmem>>, %arg6: memref<2x96xi32, #tpu.memory_space<vmem>>, %arg7: memref<96x128xf32, #tpu.memory_space<vmem>>, %arg8: memref<96x128xf32, #tpu.memory_space<vmem>>, %arg9: memref<10112x128xf32, #tpu.memory_space<vmem_shared>>, %arg10: memref<!tpu.dma_semaphore, #tpu.memory_space<semaphore_mem>>, %arg11: memref<!tpu.dma_semaphore, #tpu.memory_space<semaphore_mem>>, %arg12: memref<!tpu.dma_semaphore, #tpu.memory_space<semaphore_mem>>, %arg13: memref<!tpu.dma_semaphore, #tpu.memory_space<semaphore_mem>>) attributes {dimension_semantics = [#tpu.dimension_semantics<core_parallel>, #tpu.dimension_semantics<subcore_parallel>], iteration_bounds = array<i64: 2, 16>, scalar_prefetch = 0 : i64, scratch_operands = 9 : i64, tpu.core_type = #tpu.core_type<sc_vector_subcore>, window_params = [{transform_indices = #map}, {transform_indices = #map1}, {transform_indices = #map1}]} {
    %mul3A = arith.constant 16 : i32
    %mul3A_0 = arith.muli %arg0, %mul3A : i32
    %add3A = arith.addi %mul3A_0, %arg1 : i32
    %scan3A = arith.constant 0 : i32
    %scan3A_1 = arith.constant 96 : i32
    %scan3A_2 = arith.addi %scan3A, %scan3A_1 : i32
    %scan3A_3 = arith.constant 1 : i32
    scf.for %scan3A_78 = %scan3A to %scan3A_2 step %scan3A_3  : i32 {
      %mul3A_79 = arith.constant 1 : i32
      %mul3A_80 = arith.muli %scan3A_78, %mul3A_79 : i32
      %add3A_81 = arith.constant 0 : i32
      %add3A_82 = arith.addi %add3A_81, %mul3A_80 : i32
      %broadcast_in_dim3A = arith.constant 0.000000e+00 : f32
      %broadcast_in_dim3A_83 = vector.broadcast %broadcast_in_dim3A : f32 to vector<1x16xf32>
      %swap3A = arith.index_cast %add3A_82 : i32 to index
      %swap3A_84 = arith.constant 0 : index
      %swap3A_85 = tpu.vector_load %arg7[%swap3A, %swap3A_84] {strides = array<i32>} : memref<96x128xf32, #tpu.memory_space<vmem>>, vector<1x16xf32>,
      %swap3A_86 = vector.shape_cast %swap3A_85 : vector<1x16xf32> to vector<1x16xf32>
      %swap3A_87 = vector.shape_cast %broadcast_in_dim3A_83 : vector<1x16xf32> to vector<1x16xf32>
      tpu.vector_store %arg7[%swap3A, %swap3A_84], %swap3A_87 {strides = array<i32>} : memref<96x128xf32, #tpu.memory_space<vmem>>, vector<1x16xf32>,
      %broadcast_in_dim3A_88 = arith.constant 0.000000e+00 : f32
      %broadcast_in_dim3A_89 = vector.broadcast %broadcast_in_dim3A_88 : f32 to vector<1x16xf32>
      %swap3A_90 = arith.index_cast %add3A_82 : i32 to index
      %swap3A_91 = arith.constant 16 : index
      %swap3A_92 = tpu.vector_load %arg7[%swap3A_90, %swap3A_91] {strides = array<i32>} : memref<96x128xf32, #tpu.memory_space<vmem>>, vector<1x16xf32>,
      %swap3A_93 = vector.shape_cast %swap3A_92 : vector<1x16xf32> to vector<1x16xf32>
      %swap3A_94 = vector.shape_cast %broadcast_in_dim3A_89 : vector<1x16xf32> to vector<1x16xf32>
      tpu.vector_store %arg7[%swap3A_90, %swap3A_91], %swap3A_94 {strides = array<i32>} : memref<96x128xf32, #tpu.memory_space<vmem>>, vector<1x16xf32>,
      %broadcast_in_dim3A_95 = arith.constant 0.000000e+00 : f32
      %broadcast_in_dim3A_96 = vector.broadcast %broadcast_in_dim3A_95 : f32 to vector<1x16xf32>
      %swap3A_97 = arith.index_cast %add3A_82 : i32 to index
      %swap3A_98 = arith.constant 32 : index
      %swap3A_99 = tpu.vector_load %arg7[%swap3A_97, %swap3A_98] {strides = array<i32>} : memref<96x128xf32, #tpu.memory_space<vmem>>, vector<1x16xf32>,
      %swap3A_100 = vector.shape_cast %swap3A_99 : vector<1x16xf32> to vector<1x16xf32>
      %swap3A_101 = vector.shape_cast %broadcast_in_dim3A_96 : vector<1x16xf32> to vector<1x16xf32>
      tpu.vector_store %arg7[%swap3A_97, %swap3A_98], %swap3A_101 {strides = array<i32>} : memref<96x128xf32, #tpu.memory_space<vmem>>, vector<1x16xf32>,
      %broadcast_in_dim3A_102 = arith.constant 0.000000e+00 : f32
      %broadcast_in_dim3A_103 = vector.broadcast %broadcast_in_dim3A_102 : f32 to vector<1x16xf32>
      %swap3A_104 = arith.index_cast %add3A_82 : i32 to index
      %swap3A_105 = arith.constant 48 : index
      %swap3A_106 = tpu.vector_load %arg7[%swap3A_104, %swap3A_105] {strides = array<i32>} : memref<96x128xf32, #tpu.memory_space<vmem>>, vector<1x16xf32>,
      %swap3A_107 = vector.shape_cast %swap3A_106 : vector<1x16xf32> to vector<1x16xf32>
      %swap3A_108 = vector.shape_cast %broadcast_in_dim3A_103 : vector<1x16xf32> to vector<1x16xf32>
      tpu.vector_store %arg7[%swap3A_104, %swap3A_105], %swap3A_108 {strides = array<i32>} : memref<96x128xf32, #tpu.memory_space<vmem>>, vector<1x16xf32>,
      %broadcast_in_dim3A_109 = arith.constant 0.000000e+00 : f32
      %broadcast_in_dim3A_110 = vector.broadcast %broadcast_in_dim3A_109 : f32 to vector<1x16xf32>
      %swap3A_111 = arith.index_cast %add3A_82 : i32 to index
      %swap3A_112 = arith.constant 64 : index
      %swap3A_113 = tpu.vector_load %arg7[%swap3A_111, %swap3A_112] {strides = array<i32>} : memref<96x128xf32, #tpu.memory_space<vmem>>, vector<1x16xf32>,
      %swap3A_114 = vector.shape_cast %swap3A_113 : vector<1x16xf32> to vector<1x16xf32>
      %swap3A_115 = vector.shape_cast %broadcast_in_dim3A_110 : vector<1x16xf32> to vector<1x16xf32>
      tpu.vector_store %arg7[%swap3A_111, %swap3A_112], %swap3A_115 {strides = array<i32>} : memref<96x128xf32, #tpu.memory_space<vmem>>, vector<1x16xf32>,
      %broadcast_in_dim3A_116 = arith.constant 0.000000e+00 : f32
      %broadcast_in_dim3A_117 = vector.broadcast %broadcast_in_dim3A_116 : f32 to vector<1x16xf32>
      %swap3A_118 = arith.index_cast %add3A_82 : i32 to index
      %swap3A_119 = arith.constant 80 : index
      %swap3A_120 = tpu.vector_load %arg7[%swap3A_118, %swap3A_119] {strides = array<i32>} : memref<96x128xf32, #tpu.memory_space<vmem>>, vector<1x16xf32>,
      %swap3A_121 = vector.shape_cast %swap3A_120 : vector<1x16xf32> to vector<1x16xf32>
      %swap3A_122 = vector.shape_cast %broadcast_in_dim3A_117 : vector<1x16xf32> to vector<1x16xf32>
      tpu.vector_store %arg7[%swap3A_118, %swap3A_119], %swap3A_122 {strides = array<i32>} : memref<96x128xf32, #tpu.memory_space<vmem>>, vector<1x16xf32>,
      %broadcast_in_dim3A_123 = arith.constant 0.000000e+00 : f32
      %broadcast_in_dim3A_124 = vector.broadcast %broadcast_in_dim3A_123 : f32 to vector<1x16xf32>
      %swap3A_125 = arith.index_cast %add3A_82 : i32 to index
      %swap3A_126 = arith.constant 96 : index
      %swap3A_127 = tpu.vector_load %arg7[%swap3A_125, %swap3A_126] {strides = array<i32>} : memref<96x128xf32, #tpu.memory_space<vmem>>, vector<1x16xf32>,
      %swap3A_128 = vector.shape_cast %swap3A_127 : vector<1x16xf32> to vector<1x16xf32>
      %swap3A_129 = vector.shape_cast %broadcast_in_dim3A_124 : vector<1x16xf32> to vector<1x16xf32>
      tpu.vector_store %arg7[%swap3A_125, %swap3A_126], %swap3A_129 {strides = array<i32>} : memref<96x128xf32, #tpu.memory_space<vmem>>, vector<1x16xf32>,
      %broadcast_in_dim3A_130 = arith.constant 0.000000e+00 : f32
      %broadcast_in_dim3A_131 = vector.broadcast %broadcast_in_dim3A_130 : f32 to vector<1x16xf32>
      %swap3A_132 = arith.index_cast %add3A_82 : i32 to index
      %swap3A_133 = arith.constant 112 : index
      %swap3A_134 = tpu.vector_load %arg7[%swap3A_132, %swap3A_133] {strides = array<i32>} : memref<96x128xf32, #tpu.memory_space<vmem>>, vector<1x16xf32>,
      %swap3A_135 = vector.shape_cast %swap3A_134 : vector<1x16xf32> to vector<1x16xf32>
      %swap3A_136 = vector.shape_cast %broadcast_in_dim3A_131 : vector<1x16xf32> to vector<1x16xf32>
      tpu.vector_store %arg7[%swap3A_132, %swap3A_133], %swap3A_136 {strides = array<i32>} : memref<96x128xf32, #tpu.memory_space<vmem>>, vector<1x16xf32>,
    }
    %scan3A_4 = arith.constant 96 : i32
    %mul3A_5 = arith.constant 632 : i32
    %mul3A_6 = arith.muli %arg1, %mul3A_5 : i32
    %add3A_7 = arith.constant 0 : i32
    %add3A_8 = arith.addi %mul3A_6, %add3A_7 : i32
    "tpu.region"() ({
      %run_scoped3A = tpu.sem_alloc : memref<!tpu.dma_semaphore, #tpu.memory_space<semaphore_mem>>
      %dma_start3A = arith.constant 0 : i32
      %dma_start3A_78 = arith.constant 0 : i32
      %dma_start3A_79 = tpu.memref_slice %arg7[%dma_start3A, %dma_start3A_78] : memref<96x128xf32, #tpu.memory_space<vmem>> -> memref<96x128xf32, #tpu.memory_space<vmem>>
      %dma_start3A_80 = arith.constant 0 : i32
      %dma_start3A_81 = tpu.memref_slice %arg9[%add3A_8, %dma_start3A_80] : memref<10112x128xf32, #tpu.memory_space<vmem_shared>> -> memref<96x128xf32, #tpu.memory_space<vmem_shared>>
      %dma_start3A_82 = arith.constant 0 : i32
      %dma_start3A_83 = tpu.memref_slice %arg9[%add3A_8, %dma_start3A_82] : memref<10112x128xf32, #tpu.memory_space<vmem_shared>> -> memref<96x128xf32, #tpu.memory_space<vmem_shared>>
      %dma_start3A_84 = arith.constant 0 : i32
      %dma_start3A_85 = arith.constant 0 : i32
      %dma_start3A_86 = tpu.memref_slice %arg7[%dma_start3A_84, %dma_start3A_85] : memref<96x128xf32, #tpu.memory_space<vmem>> -> memref<96x128xf32, #tpu.memory_space<vmem>>
      tpu.enqueue_dma source(%dma_start3A_86 : memref<96x128xf32, #tpu.memory_space<vmem>>) target(%dma_start3A_83 : memref<96x128xf32, #tpu.memory_space<vmem_shared>>) target_semaphore(%run_scoped3A : memref<!tpu.dma_semaphore, #tpu.memory_space<semaphore_mem>>)
      %dma_wait3A = arith.constant 0 : i32
      %dma_wait3A_87 = arith.constant 0 : i32
      %dma_wait3A_88 = tpu.memref_slice %arg7[%dma_wait3A, %dma_wait3A_87] : memref<96x128xf32, #tpu.memory_space<vmem>> -> memref<96x128xf32, #tpu.memory_space<vmem>>
      %dma_wait3A_89 = arith.constant 0 : i32
      %dma_wait3A_90 = tpu.memref_slice %arg9[%add3A_8, %dma_wait3A_89] : memref<10112x128xf32, #tpu.memory_space<vmem_shared>> -> memref<96x128xf32, #tpu.memory_space<vmem_shared>>
      %dma_wait3A_91 = arith.constant 0 : i32
      %dma_wait3A_92 = tpu.memref_slice %arg9[%add3A_8, %dma_wait3A_91] : memref<10112x128xf32, #tpu.memory_space<vmem_shared>> -> memref<96x128xf32, #tpu.memory_space<vmem_shared>>
      %dma_wait3A_93 = arith.constant 0 : i32
      %dma_wait3A_94 = arith.constant 0 : i32
      %dma_wait3A_95 = tpu.memref_slice %arg7[%dma_wait3A_93, %dma_wait3A_94] : memref<96x128xf32, #tpu.memory_space<vmem>> -> memref<96x128xf32, #tpu.memory_space<vmem>>
      tpu.wait_dma2 semaphore(%run_scoped3A : memref<!tpu.dma_semaphore, #tpu.memory_space<semaphore_mem>>) src(%dma_wait3A_95 : memref<96x128xf32, #tpu.memory_space<vmem>>) dst(%dma_wait3A_92 : memref<96x128xf32, #tpu.memory_space<vmem_shared>>)
      tpu.yield
    }) : () -> ()
    %mul3A_9 = arith.constant 632 : i32
    %mul3A_10 = arith.muli %arg1, %mul3A_9 : i32
    %add3A_11 = arith.constant 96 : i32
    %add3A_12 = arith.addi %mul3A_10, %add3A_11 : i32
    "tpu.region"() ({
      %run_scoped3A = tpu.sem_alloc : memref<!tpu.dma_semaphore, #tpu.memory_space<semaphore_mem>>
      %dma_start3A = arith.constant 0 : i32
      %dma_start3A_78 = arith.constant 0 : i32
      %dma_start3A_79 = tpu.memref_slice %arg7[%dma_start3A, %dma_start3A_78] : memref<96x128xf32, #tpu.memory_space<vmem>> -> memref<96x128xf32, #tpu.memory_space<vmem>>
      %dma_start3A_80 = arith.constant 0 : i32
      %dma_start3A_81 = tpu.memref_slice %arg9[%add3A_12, %dma_start3A_80] : memref<10112x128xf32, #tpu.memory_space<vmem_shared>> -> memref<96x128xf32, #tpu.memory_space<vmem_shared>>
      %dma_start3A_82 = arith.constant 0 : i32
      %dma_start3A_83 = tpu.memref_slice %arg9[%add3A_12, %dma_start3A_82] : memref<10112x128xf32, #tpu.memory_space<vmem_shared>> -> memref<96x128xf32, #tpu.memory_space<vmem_shared>>
      %dma_start3A_84 = arith.constant 0 : i32
      %dma_start3A_85 = arith.constant 0 : i32
      %dma_start3A_86 = tpu.memref_slice %arg7[%dma_start3A_84, %dma_start3A_85] : memref<96x128xf32, #tpu.memory_space<vmem>> -> memref<96x128xf32, #tpu.memory_space<vmem>>
      tpu.enqueue_dma source(%dma_start3A_86 : memref<96x128xf32, #tpu.memory_space<vmem>>) target(%dma_start3A_83 : memref<96x128xf32, #tpu.memory_space<vmem_shared>>) target_semaphore(%run_scoped3A : memref<!tpu.dma_semaphore, #tpu.memory_space<semaphore_mem>>)
      %dma_wait3A = arith.constant 0 : i32
      %dma_wait3A_87 = arith.constant 0 : i32
      %dma_wait3A_88 = tpu.memref_slice %arg7[%dma_wait3A, %dma_wait3A_87] : memref<96x128xf32, #tpu.memory_space<vmem>> -> memref<96x128xf32, #tpu.memory_space<vmem>>
      %dma_wait3A_89 = arith.constant 0 : i32
      %dma_wait3A_90 = tpu.memref_slice %arg9[%add3A_12, %dma_wait3A_89] : memref<10112x128xf32, #tpu.memory_space<vmem_shared>> -> memref<96x128xf32, #tpu.memory_space<vmem_shared>>
      %dma_wait3A_91 = arith.constant 0 : i32
      %dma_wait3A_92 = tpu.memref_slice %arg9[%add3A_12, %dma_wait3A_91] : memref<10112x128xf32, #tpu.memory_space<vmem_shared>> -> memref<96x128xf32, #tpu.memory_space<vmem_shared>>
      %dma_wait3A_93 = arith.constant 0 : i32
      %dma_wait3A_94 = arith.constant 0 : i32
      %dma_wait3A_95 = tpu.memref_slice %arg7[%dma_wait3A_93, %dma_wait3A_94] : memref<96x128xf32, #tpu.memory_space<vmem>> -> memref<96x128xf32, #tpu.memory_space<vmem>>
      tpu.wait_dma2 semaphore(%run_scoped3A : memref<!tpu.dma_semaphore, #tpu.memory_space<semaphore_mem>>) src(%dma_wait3A_95 : memref<96x128xf32, #tpu.memory_space<vmem>>) dst(%dma_wait3A_92 : memref<96x128xf32, #tpu.memory_space<vmem_shared>>)
      tpu.yield
    }) : () -> ()
    %mul3A_13 = arith.constant 632 : i32
    %mul3A_14 = arith.muli %arg1, %mul3A_13 : i32
    %add3A_15 = arith.constant 192 : i32
    %add3A_16 = arith.addi %mul3A_14, %add3A_15 : i32
    "tpu.region"() ({
      %run_scoped3A = tpu.sem_alloc : memref<!tpu.dma_semaphore, #tpu.memory_space<semaphore_mem>>
      %dma_start3A = arith.constant 0 : i32
      %dma_start3A_78 = arith.constant 0 : i32
      %dma_start3A_79 = tpu.memref_slice %arg7[%dma_start3A, %dma_start3A_78] : memref<96x128xf32, #tpu.memory_space<vmem>> -> memref<96x128xf32, #tpu.memory_space<vmem>>
      %dma_start3A_80 = arith.constant 0 : i32
      %dma_start3A_81 = tpu.memref_slice %arg9[%add3A_16, %dma_start3A_80] : memref<10112x128xf32, #tpu.memory_space<vmem_shared>> -> memref<96x128xf32, #tpu.memory_space<vmem_shared>>
      %dma_start3A_82 = arith.constant 0 : i32
      %dma_start3A_83 = tpu.memref_slice %arg9[%add3A_16, %dma_start3A_82] : memref<10112x128xf32, #tpu.memory_space<vmem_shared>> -> memref<96x128xf32, #tpu.memory_space<vmem_shared>>
      %dma_start3A_84 = arith.constant 0 : i32
      %dma_start3A_85 = arith.constant 0 : i32
      %dma_start3A_86 = tpu.memref_slice %arg7[%dma_start3A_84, %dma_start3A_85] : memref<96x128xf32, #tpu.memory_space<vmem>> -> memref<96x128xf32, #tpu.memory_space<vmem>>
      tpu.enqueue_dma source(%dma_start3A_86 : memref<96x128xf32, #tpu.memory_space<vmem>>) target(%dma_start3A_83 : memref<96x128xf32, #tpu.memory_space<vmem_shared>>) target_semaphore(%run_scoped3A : memref<!tpu.dma_semaphore, #tpu.memory_space<semaphore_mem>>)
      %dma_wait3A = arith.constant 0 : i32
      %dma_wait3A_87 = arith.constant 0 : i32
      %dma_wait3A_88 = tpu.memref_slice %arg7[%dma_wait3A, %dma_wait3A_87] : memref<96x128xf32, #tpu.memory_space<vmem>> -> memref<96x128xf32, #tpu.memory_space<vmem>>
      %dma_wait3A_89 = arith.constant 0 : i32
      %dma_wait3A_90 = tpu.memref_slice %arg9[%add3A_16, %dma_wait3A_89] : memref<10112x128xf32, #tpu.memory_space<vmem_shared>> -> memref<96x128xf32, #tpu.memory_space<vmem_shared>>
      %dma_wait3A_91 = arith.constant 0 : i32
      %dma_wait3A_92 = tpu.memref_slice %arg9[%add3A_16, %dma_wait3A_91] : memref<10112x128xf32, #tpu.memory_space<vmem_shared>> -> memref<96x128xf32, #tpu.memory_space<vmem_shared>>
      %dma_wait3A_93 = arith.constant 0 : i32
      %dma_wait3A_94 = arith.constant 0 : i32
      %dma_wait3A_95 = tpu.memref_slice %arg7[%dma_wait3A_93, %dma_wait3A_94] : memref<96x128xf32, #tpu.memory_space<vmem>> -> memref<96x128xf32, #tpu.memory_space<vmem>>
      tpu.wait_dma2 semaphore(%run_scoped3A : memref<!tpu.dma_semaphore, #tpu.memory_space<semaphore_mem>>) src(%dma_wait3A_95 : memref<96x128xf32, #tpu.memory_space<vmem>>) dst(%dma_wait3A_92 : memref<96x128xf32, #tpu.memory_space<vmem_shared>>)
      tpu.yield
    }) : () -> ()
    %mul3A_17 = arith.constant 632 : i32
    %mul3A_18 = arith.muli %arg1, %mul3A_17 : i32
    %add3A_19 = arith.constant 288 : i32
    %add3A_20 = arith.addi %mul3A_18, %add3A_19 : i32
    "tpu.region"() ({
      %run_scoped3A = tpu.sem_alloc : memref<!tpu.dma_semaphore, #tpu.memory_space<semaphore_mem>>
      %dma_start3A = arith.constant 0 : i32
      %dma_start3A_78 = arith.constant 0 : i32
      %dma_start3A_79 = tpu.memref_slice %arg7[%dma_start3A, %dma_start3A_78] : memref<96x128xf32, #tpu.memory_space<vmem>> -> memref<96x128xf32, #tpu.memory_space<vmem>>
      %dma_start3A_80 = arith.constant 0 : i32
      %dma_start3A_81 = tpu.memref_slice %arg9[%add3A_20, %dma_start3A_80] : memref<10112x128xf32, #tpu.memory_space<vmem_shared>> -> memref<96x128xf32, #tpu.memory_space<vmem_shared>>
      %dma_start3A_82 = arith.constant 0 : i32
      %dma_start3A_83 = tpu.memref_slice %arg9[%add3A_20, %dma_start3A_82] : memref<10112x128xf32, #tpu.memory_space<vmem_shared>> -> memref<96x128xf32, #tpu.memory_space<vmem_shared>>
      %dma_start3A_84 = arith.constant 0 : i32
      %dma_start3A_85 = arith.constant 0 : i32
      %dma_start3A_86 = tpu.memref_slice %arg7[%dma_start3A_84, %dma_start3A_85] : memref<96x128xf32, #tpu.memory_space<vmem>> -> memref<96x128xf32, #tpu.memory_space<vmem>>
      tpu.enqueue_dma source(%dma_start3A_86 : memref<96x128xf32, #tpu.memory_space<vmem>>) target(%dma_start3A_83 : memref<96x128xf32, #tpu.memory_space<vmem_shared>>) target_semaphore(%run_scoped3A : memref<!tpu.dma_semaphore, #tpu.memory_space<semaphore_mem>>)
      %dma_wait3A = arith.constant 0 : i32
      %dma_wait3A_87 = arith.constant 0 : i32
      %dma_wait3A_88 = tpu.memref_slice %arg7[%dma_wait3A, %dma_wait3A_87] : memref<96x128xf32, #tpu.memory_space<vmem>> -> memref<96x128xf32, #tpu.memory_space<vmem>>
      %dma_wait3A_89 = arith.constant 0 : i32
      %dma_wait3A_90 = tpu.memref_slice %arg9[%add3A_20, %dma_wait3A_89] : memref<10112x128xf32, #tpu.memory_space<vmem_shared>> -> memref<96x128xf32, #tpu.memory_space<vmem_shared>>
      %dma_wait3A_91 = arith.constant 0 : i32
      %dma_wait3A_92 = tpu.memref_slice %arg9[%add3A_20, %dma_wait3A_91] : memref<10112x128xf32, #tpu.memory_space<vmem_shared>> -> memref<96x128xf32, #tpu.memory_space<vmem_shared>>
      %dma_wait3A_93 = arith.constant 0 : i32
      %dma_wait3A_94 = arith.constant 0 : i32
      %dma_wait3A_95 = tpu.memref_slice %arg7[%dma_wait3A_93, %dma_wait3A_94] : memref<96x128xf32, #tpu.memory_space<vmem>> -> memref<96x128xf32, #tpu.memory_space<vmem>>
      tpu.wait_dma2 semaphore(%run_scoped3A : memref<!tpu.dma_semaphore, #tpu.memory_space<semaphore_mem>>) src(%dma_wait3A_95 : memref<96x128xf32, #tpu.memory_space<vmem>>) dst(%dma_wait3A_92 : memref<96x128xf32, #tpu.memory_space<vmem_shared>>)
      tpu.yield
    }) : () -> ()
    %mul3A_21 = arith.constant 632 : i32
    %mul3A_22 = arith.muli %arg1, %mul3A_21 : i32
    %add3A_23 = arith.constant 384 : i32
    %add3A_24 = arith.addi %mul3A_22, %add3A_23 : i32
    "tpu.region"() ({
      %run_scoped3A = tpu.sem_alloc : memref<!tpu.dma_semaphore, #tpu.memory_space<semaphore_mem>>
      %dma_start3A = arith.constant 0 : i32
      %dma_start3A_78 = arith.constant 0 : i32
      %dma_start3A_79 = tpu.memref_slice %arg7[%dma_start3A, %dma_start3A_78] : memref<96x128xf32, #tpu.memory_space<vmem>> -> memref<96x128xf32, #tpu.memory_space<vmem>>
      %dma_start3A_80 = arith.constant 0 : i32
      %dma_start3A_81 = tpu.memref_slice %arg9[%add3A_24, %dma_start3A_80] : memref<10112x128xf32, #tpu.memory_space<vmem_shared>> -> memref<96x128xf32, #tpu.memory_space<vmem_shared>>
      %dma_start3A_82 = arith.constant 0 : i32
      %dma_start3A_83 = tpu.memref_slice %arg9[%add3A_24, %dma_start3A_82] : memref<10112x128xf32, #tpu.memory_space<vmem_shared>> -> memref<96x128xf32, #tpu.memory_space<vmem_shared>>
      %dma_start3A_84 = arith.constant 0 : i32
      %dma_start3A_85 = arith.constant 0 : i32
      %dma_start3A_86 = tpu.memref_slice %arg7[%dma_start3A_84, %dma_start3A_85] : memref<96x128xf32, #tpu.memory_space<vmem>> -> memref<96x128xf32, #tpu.memory_space<vmem>>
      tpu.enqueue_dma source(%dma_start3A_86 : memref<96x128xf32, #tpu.memory_space<vmem>>) target(%dma_start3A_83 : memref<96x128xf32, #tpu.memory_space<vmem_shared>>) target_semaphore(%run_scoped3A : memref<!tpu.dma_semaphore, #tpu.memory_space<semaphore_mem>>)
      %dma_wait3A = arith.constant 0 : i32
      %dma_wait3A_87 = arith.constant 0 : i32
      %dma_wait3A_88 = tpu.memref_slice %arg7[%dma_wait3A, %dma_wait3A_87] : memref<96x128xf32, #tpu.memory_space<vmem>> -> memref<96x128xf32, #tpu.memory_space<vmem>>
      %dma_wait3A_89 = arith.constant 0 : i32
      %dma_wait3A_90 = tpu.memref_slice %arg9[%add3A_24, %dma_wait3A_89] : memref<10112x128xf32, #tpu.memory_space<vmem_shared>> -> memref<96x128xf32, #tpu.memory_space<vmem_shared>>
      %dma_wait3A_91 = arith.constant 0 : i32
      %dma_wait3A_92 = tpu.memref_slice %arg9[%add3A_24, %dma_wait3A_91] : memref<10112x128xf32, #tpu.memory_space<vmem_shared>> -> memref<96x128xf32, #tpu.memory_space<vmem_shared>>
      %dma_wait3A_93 = arith.constant 0 : i32
      %dma_wait3A_94 = arith.constant 0 : i32
      %dma_wait3A_95 = tpu.memref_slice %arg7[%dma_wait3A_93, %dma_wait3A_94] : memref<96x128xf32, #tpu.memory_space<vmem>> -> memref<96x128xf32, #tpu.memory_space<vmem>>
      tpu.wait_dma2 semaphore(%run_scoped3A : memref<!tpu.dma_semaphore, #tpu.memory_space<semaphore_mem>>) src(%dma_wait3A_95 : memref<96x128xf32, #tpu.memory_space<vmem>>) dst(%dma_wait3A_92 : memref<96x128xf32, #tpu.memory_space<vmem_shared>>)
      tpu.yield
    }) : () -> ()
    %mul3A_25 = arith.constant 632 : i32
    %mul3A_26 = arith.muli %arg1, %mul3A_25 : i32
    %add3A_27 = arith.constant 480 : i32
    %add3A_28 = arith.addi %mul3A_26, %add3A_27 : i32
    "tpu.region"() ({
      %run_scoped3A = tpu.sem_alloc : memref<!tpu.dma_semaphore, #tpu.memory_space<semaphore_mem>>
      %dma_start3A = arith.constant 0 : i32
      %dma_start3A_78 = arith.constant 0 : i32
      %dma_start3A_79 = tpu.memref_slice %arg7[%dma_start3A, %dma_start3A_78] : memref<96x128xf32, #tpu.memory_space<vmem>> -> memref<96x128xf32, #tpu.memory_space<vmem>>
      %dma_start3A_80 = arith.constant 0 : i32
      %dma_start3A_81 = tpu.memref_slice %arg9[%add3A_28, %dma_start3A_80] : memref<10112x128xf32, #tpu.memory_space<vmem_shared>> -> memref<96x128xf32, #tpu.memory_space<vmem_shared>>
      %dma_start3A_82 = arith.constant 0 : i32
      %dma_start3A_83 = tpu.memref_slice %arg9[%add3A_28, %dma_start3A_82] : memref<10112x128xf32, #tpu.memory_space<vmem_shared>> -> memref<96x128xf32, #tpu.memory_space<vmem_shared>>
      %dma_start3A_84 = arith.constant 0 : i32
      %dma_start3A_85 = arith.constant 0 : i32
      %dma_start3A_86 = tpu.memref_slice %arg7[%dma_start3A_84, %dma_start3A_85] : memref<96x128xf32, #tpu.memory_space<vmem>> -> memref<96x128xf32, #tpu.memory_space<vmem>>
      tpu.enqueue_dma source(%dma_start3A_86 : memref<96x128xf32, #tpu.memory_space<vmem>>) target(%dma_start3A_83 : memref<96x128xf32, #tpu.memory_space<vmem_shared>>) target_semaphore(%run_scoped3A : memref<!tpu.dma_semaphore, #tpu.memory_space<semaphore_mem>>)
      %dma_wait3A = arith.constant 0 : i32
      %dma_wait3A_87 = arith.constant 0 : i32
      %dma_wait3A_88 = tpu.memref_slice %arg7[%dma_wait3A, %dma_wait3A_87] : memref<96x128xf32, #tpu.memory_space<vmem>> -> memref<96x128xf32, #tpu.memory_space<vmem>>
      %dma_wait3A_89 = arith.constant 0 : i32
      %dma_wait3A_90 = tpu.memref_slice %arg9[%add3A_28, %dma_wait3A_89] : memref<10112x128xf32, #tpu.memory_space<vmem_shared>> -> memref<96x128xf32, #tpu.memory_space<vmem_shared>>
      %dma_wait3A_91 = arith.constant 0 : i32
      %dma_wait3A_92 = tpu.memref_slice %arg9[%add3A_28, %dma_wait3A_91] : memref<10112x128xf32, #tpu.memory_space<vmem_shared>> -> memref<96x128xf32, #tpu.memory_space<vmem_shared>>
      %dma_wait3A_93 = arith.constant 0 : i32
      %dma_wait3A_94 = arith.constant 0 : i32
      %dma_wait3A_95 = tpu.memref_slice %arg7[%dma_wait3A_93, %dma_wait3A_94] : memref<96x128xf32, #tpu.memory_space<vmem>> -> memref<96x128xf32, #tpu.memory_space<vmem>>
      tpu.wait_dma2 semaphore(%run_scoped3A : memref<!tpu.dma_semaphore, #tpu.memory_space<semaphore_mem>>) src(%dma_wait3A_95 : memref<96x128xf32, #tpu.memory_space<vmem>>) dst(%dma_wait3A_92 : memref<96x128xf32, #tpu.memory_space<vmem_shared>>)
      tpu.yield
    }) : () -> ()
    %mul3A_29 = arith.constant 632 : i32
    %mul3A_30 = arith.muli %arg1, %mul3A_29 : i32
    %add3A_31 = arith.constant 576 : i32
    %add3A_32 = arith.addi %mul3A_30, %add3A_31 : i32
    "tpu.region"() ({
      %run_scoped3A = tpu.sem_alloc : memref<!tpu.dma_semaphore, #tpu.memory_space<semaphore_mem>>
      %dma_start3A = arith.constant 0 : i32
      %dma_start3A_78 = arith.constant 0 : i32
      %dma_start3A_79 = tpu.memref_slice %arg7[%dma_start3A, %dma_start3A_78] : memref<96x128xf32, #tpu.memory_space<vmem>> -> memref<56x128xf32, #tpu.memory_space<vmem>>
      %dma_start3A_80 = arith.constant 0 : i32
      %dma_start3A_81 = tpu.memref_slice %arg9[%add3A_32, %dma_start3A_80] : memref<10112x128xf32, #tpu.memory_space<vmem_shared>> -> memref<56x128xf32, #tpu.memory_space<vmem_shared>>
      %dma_start3A_82 = arith.constant 0 : i32
      %dma_start3A_83 = tpu.memref_slice %arg9[%add3A_32, %dma_start3A_82] : memref<10112x128xf32, #tpu.memory_space<vmem_shared>> -> memref<56x128xf32, #tpu.memory_space<vmem_shared>>
      %dma_start3A_84 = arith.constant 0 : i32
      %dma_start3A_85 = arith.constant 0 : i32
      %dma_start3A_86 = tpu.memref_slice %arg7[%dma_start3A_84, %dma_start3A_85] : memref<96x128xf32, #tpu.memory_space<vmem>> -> memref<56x128xf32, #tpu.memory_space<vmem>>
      tpu.enqueue_dma source(%dma_start3A_86 : memref<56x128xf32, #tpu.memory_space<vmem>>) target(%dma_start3A_83 : memref<56x128xf32, #tpu.memory_space<vmem_shared>>) target_semaphore(%run_scoped3A : memref<!tpu.dma_semaphore, #tpu.memory_space<semaphore_mem>>)
      %dma_wait3A = arith.constant 0 : i32
      %dma_wait3A_87 = arith.constant 0 : i32
      %dma_wait3A_88 = tpu.memref_slice %arg7[%dma_wait3A, %dma_wait3A_87] : memref<96x128xf32, #tpu.memory_space<vmem>> -> memref<56x128xf32, #tpu.memory_space<vmem>>
      %dma_wait3A_89 = arith.constant 0 : i32
      %dma_wait3A_90 = tpu.memref_slice %arg9[%add3A_32, %dma_wait3A_89] : memref<10112x128xf32, #tpu.memory_space<vmem_shared>> -> memref<56x128xf32, #tpu.memory_space<vmem_shared>>
      %dma_wait3A_91 = arith.constant 0 : i32
      %dma_wait3A_92 = tpu.memref_slice %arg9[%add3A_32, %dma_wait3A_91] : memref<10112x128xf32, #tpu.memory_space<vmem_shared>> -> memref<56x128xf32, #tpu.memory_space<vmem_shared>>
      %dma_wait3A_93 = arith.constant 0 : i32
      %dma_wait3A_94 = arith.constant 0 : i32
      %dma_wait3A_95 = tpu.memref_slice %arg7[%dma_wait3A_93, %dma_wait3A_94] : memref<96x128xf32, #tpu.memory_space<vmem>> -> memref<56x128xf32, #tpu.memory_space<vmem>>
      tpu.wait_dma2 semaphore(%run_scoped3A : memref<!tpu.dma_semaphore, #tpu.memory_space<semaphore_mem>>) src(%dma_wait3A_95 : memref<56x128xf32, #tpu.memory_space<vmem>>) dst(%dma_wait3A_92 : memref<56x128xf32, #tpu.memory_space<vmem_shared>>)
      tpu.yield
    }) : () -> ()
    %barrier3A = arith.constant 0 : index
    tpu.barrier barrier_id(%barrier3A)
    %eq3A = arith.constant 0 : i32
    %eq3A_33 = arith.cmpi eq, %arg0, %eq3A : i32
    %mul3A_34 = arith.constant 128 : i32
    %mul3A_35 = arith.muli %arg1, %mul3A_34 : i32
    %mul3A_36 = arith.constant 82 : i32
    %mul3A_37 = arith.muli %arg1, %mul3A_36 : i32
    %add3A_38 = arith.constant 2048 : i32
    %add3A_39 = arith.addi %add3A_38, %mul3A_37 : i32
    %select_n3A = arith.select %eq3A_33, %mul3A_35, %add3A_39 : i32
    %eq3A_40 = arith.constant 0 : i32
    %eq3A_41 = arith.cmpi eq, %arg0, %eq3A_40 : i32
    %jit3A = arith.constant 64 : i32
    %jit3A_42 = arith.constant 41 : i32
    %select_n3A_43 = arith.select %eq3A_41, %jit3A, %jit3A_42 : i32
    %scan3A_44 = arith.constant 0 : i32
    %scan3A_45 = arith.constant 64 : i32
    %scan3A_46 = arith.addi %scan3A_44, %scan3A_45 : i32
    %scan3A_47 = arith.constant 1 : i32
    scf.for %scan3A_78 = %scan3A_44 to %scan3A_46 step %scan3A_47  : i32 {
      %mul3A_79 = arith.constant 1 : i32
      %mul3A_80 = arith.muli %scan3A_78, %mul3A_79 : i32
      %add3A_81 = arith.constant 0 : i32
      %add3A_82 = arith.addi %add3A_81, %mul3A_80 : i32
      %lt3A = arith.cmpi slt, %add3A_82, %select_n3A_43 : i32
      %convert_element_type3A = arith.extui %lt3A : i1 to i32
      %cond3A = arith.constant 0 : i32
      %cond3A_83 = arith.cmpi ne, %convert_element_type3A, %cond3A : i32
      scf.if %cond3A_83 {
        %mul3A_84 = arith.constant 2 : i32
        %mul3A_85 = arith.muli %add3A_82, %mul3A_84 : i32
        %add3A_86 = arith.addi %select_n3A, %mul3A_85 : i32
        "tpu.region"() ({
          %run_scoped3A = tpu.sem_alloc : memref<!tpu.dma_semaphore, #tpu.memory_space<semaphore_mem>>
          %dma_start3A_143 = arith.constant 0 : i32
          %dma_start3A_144 = arith.constant 0 : i32
          %dma_start3A_145 = tpu.memref_slice %arg3[%add3A_86, %dma_start3A_143, %dma_start3A_144] : memref<3360x2x96xi32, #tpu.memory_space<hbm>> -> memref<1x2x96xi32, #tpu.memory_space<hbm>>
          %dma_start3A_146 = tpu.memref_squeeze %dma_start3A_145 : memref<1x2x96xi32, #tpu.memory_space<hbm>> -> memref<2x96xi32, #tpu.memory_space<hbm>>
          %dma_start3A_147 = arith.constant 0 : i32
          %dma_start3A_148 = arith.constant 0 : i32
          %dma_start3A_149 = tpu.memref_slice %arg3[%add3A_86, %dma_start3A_147, %dma_start3A_148] : memref<3360x2x96xi32, #tpu.memory_space<hbm>> -> memref<1x2x96xi32, #tpu.memory_space<hbm>>
          %dma_start3A_150 = tpu.memref_squeeze %dma_start3A_149 : memref<1x2x96xi32, #tpu.memory_space<hbm>> -> memref<2x96xi32, #tpu.memory_space<hbm>>
          tpu.enqueue_dma source(%dma_start3A_150 : memref<2x96xi32, #tpu.memory_space<hbm>>) target(%arg5 : memref<2x96xi32, #tpu.memory_space<vmem>>) target_semaphore(%run_scoped3A : memref<!tpu.dma_semaphore, #tpu.memory_space<semaphore_mem>>)
          %dma_wait3A_151 = arith.constant 0 : i32
          %dma_wait3A_152 = arith.constant 0 : i32
          %dma_wait3A_153 = tpu.memref_slice %arg3[%add3A_86, %dma_wait3A_151, %dma_wait3A_152] : memref<3360x2x96xi32, #tpu.memory_space<hbm>> -> memref<1x2x96xi32, #tpu.memory_space<hbm>>
          %dma_wait3A_154 = tpu.memref_squeeze %dma_wait3A_153 : memref<1x2x96xi32, #tpu.memory_space<hbm>> -> memref<2x96xi32, #tpu.memory_space<hbm>>
          %dma_wait3A_155 = arith.constant 0 : i32
          %dma_wait3A_156 = arith.constant 0 : i32
          %dma_wait3A_157 = tpu.memref_slice %arg3[%add3A_86, %dma_wait3A_155, %dma_wait3A_156] : memref<3360x2x96xi32, #tpu.memory_space<hbm>> -> memref<1x2x96xi32, #tpu.memory_space<hbm>>
          %dma_wait3A_158 = tpu.memref_squeeze %dma_wait3A_157 : memref<1x2x96xi32, #tpu.memory_space<hbm>> -> memref<2x96xi32, #tpu.memory_space<hbm>>
          tpu.wait_dma2 semaphore(%run_scoped3A : memref<!tpu.dma_semaphore, #tpu.memory_space<semaphore_mem>>) src(%dma_wait3A_158 : memref<2x96xi32, #tpu.memory_space<hbm>>) dst(%arg5 : memref<2x96xi32, #tpu.memory_space<vmem>>)
          tpu.yield
        }) : () -> ()
        %dma_start3A = arith.constant 1 : i32
        %dma_start3A_87 = arith.constant 0 : i32
        %dma_start3A_88 = tpu.memref_slice %arg5[%dma_start3A, %dma_start3A_87] : memref<2x96xi32, #tpu.memory_space<vmem>> -> memref<1x96xi32, #tpu.memory_space<vmem>>
        %dma_start3A_89 = tpu.memref_squeeze %dma_start3A_88 : memref<1x96xi32, #tpu.memory_space<vmem>> -> memref<96xi32, #tpu.memory_space<vmem>>
        %dma_start3A_90 = arith.constant 0 : i32
        %dma_start3A_91 = arith.constant 0 : i32
        %dma_start3A_92 = tpu.memref_slice %arg2[%dma_start3A_90, %dma_start3A_91] : memref<10112x128xf32, #tpu.memory_space<hbm>> -> memref<10112x128xf32, #tpu.memory_space<hbm>>
        tpu.enqueue_indirect_dma source(%dma_start3A_92 : memref<10112x128xf32, #tpu.memory_space<hbm>>) target(%arg7 : memref<96x128xf32, #tpu.memory_space<vmem>>) offsets(%dma_start3A_89 : memref<96xi32, #tpu.memory_space<vmem>>) semaphore(%arg10 : memref<!tpu.dma_semaphore, #tpu.memory_space<semaphore_mem>>)
        %add3A_93 = arith.constant 1 : i32
        %add3A_94 = arith.addi %add3A_86, %add3A_93 : i32
        "tpu.region"() ({
          %run_scoped3A = tpu.sem_alloc : memref<!tpu.dma_semaphore, #tpu.memory_space<semaphore_mem>>
          %dma_start3A_143 = arith.constant 0 : i32
          %dma_start3A_144 = arith.constant 0 : i32
          %dma_start3A_145 = tpu.memref_slice %arg3[%add3A_94, %dma_start3A_143, %dma_start3A_144] : memref<3360x2x96xi32, #tpu.memory_space<hbm>> -> memref<1x2x96xi32, #tpu.memory_space<hbm>>
          %dma_start3A_146 = tpu.memref_squeeze %dma_start3A_145 : memref<1x2x96xi32, #tpu.memory_space<hbm>> -> memref<2x96xi32, #tpu.memory_space<hbm>>
          %dma_start3A_147 = arith.constant 0 : i32
          %dma_start3A_148 = arith.constant 0 : i32
          %dma_start3A_149 = tpu.memref_slice %arg3[%add3A_94, %dma_start3A_147, %dma_start3A_148] : memref<3360x2x96xi32, #tpu.memory_space<hbm>> -> memref<1x2x96xi32, #tpu.memory_space<hbm>>
          %dma_start3A_150 = tpu.memref_squeeze %dma_start3A_149 : memref<1x2x96xi32, #tpu.memory_space<hbm>> -> memref<2x96xi32, #tpu.memory_space<hbm>>
          tpu.enqueue_dma source(%dma_start3A_150 : memref<2x96xi32, #tpu.memory_space<hbm>>) target(%arg6 : memref<2x96xi32, #tpu.memory_space<vmem>>) target_semaphore(%run_scoped3A : memref<!tpu.dma_semaphore, #tpu.memory_space<semaphore_mem>>)
          %dma_wait3A_151 = arith.constant 0 : i32
          %dma_wait3A_152 = arith.constant 0 : i32
          %dma_wait3A_153 = tpu.memref_slice %arg3[%add3A_94, %dma_wait3A_151, %dma_wait3A_152] : memref<3360x2x96xi32, #tpu.memory_space<hbm>> -> memref<1x2x96xi32, #tpu.memory_space<hbm>>
          %dma_wait3A_154 = tpu.memref_squeeze %dma_wait3A_153 : memref<1x2x96xi32, #tpu.memory_space<hbm>> -> memref<2x96xi32, #tpu.memory_space<hbm>>
          %dma_wait3A_155 = arith.constant 0 : i32
          %dma_wait3A_156 = arith.constant 0 : i32
          %dma_wait3A_157 = tpu.memref_slice %arg3[%add3A_94, %dma_wait3A_155, %dma_wait3A_156] : memref<3360x2x96xi32, #tpu.memory_space<hbm>> -> memref<1x2x96xi32, #tpu.memory_space<hbm>>
          %dma_wait3A_158 = tpu.memref_squeeze %dma_wait3A_157 : memref<1x2x96xi32, #tpu.memory_space<hbm>> -> memref<2x96xi32, #tpu.memory_space<hbm>>
          tpu.wait_dma2 semaphore(%run_scoped3A : memref<!tpu.dma_semaphore, #tpu.memory_space<semaphore_mem>>) src(%dma_wait3A_158 : memref<2x96xi32, #tpu.memory_space<hbm>>) dst(%arg6 : memref<2x96xi32, #tpu.memory_space<vmem>>)
          tpu.yield
        }) : () -> ()
        %dma_start3A_95 = arith.constant 1 : i32
        %dma_start3A_96 = arith.constant 0 : i32
        %dma_start3A_97 = tpu.memref_slice %arg6[%dma_start3A_95, %dma_start3A_96] : memref<2x96xi32, #tpu.memory_space<vmem>> -> memref<1x96xi32, #tpu.memory_space<vmem>>
        %dma_start3A_98 = tpu.memref_squeeze %dma_start3A_97 : memref<1x96xi32, #tpu.memory_space<vmem>> -> memref<96xi32, #tpu.memory_space<vmem>>
        %dma_start3A_99 = arith.constant 0 : i32
        %dma_start3A_100 = arith.constant 0 : i32
        %dma_start3A_101 = tpu.memref_slice %arg2[%dma_start3A_99, %dma_start3A_100] : memref<10112x128xf32, #tpu.memory_space<hbm>> -> memref<10112x128xf32, #tpu.memory_space<hbm>>
        tpu.enqueue_indirect_dma source(%dma_start3A_101 : memref<10112x128xf32, #tpu.memory_space<hbm>>) target(%arg8 : memref<96x128xf32, #tpu.memory_space<vmem>>) offsets(%dma_start3A_98 : memref<96xi32, #tpu.memory_space<vmem>>) semaphore(%arg11 : memref<!tpu.dma_semaphore, #tpu.memory_space<semaphore_mem>>)
        %dma_wait3A = arith.constant 1 : i32
        %dma_wait3A_102 = arith.constant 0 : i32
        %dma_wait3A_103 = tpu.memref_slice %arg5[%dma_wait3A, %dma_wait3A_102] : memref<2x96xi32, #tpu.memory_space<vmem>> -> memref<1x96xi32, #tpu.memory_space<vmem>>
        %dma_wait3A_104 = tpu.memref_squeeze %dma_wait3A_103 : memref<1x96xi32, #tpu.memory_space<vmem>> -> memref<96xi32, #tpu.memory_space<vmem>>
        %dma_wait3A_105 = arith.constant 0 : i32
        %dma_wait3A_106 = arith.constant 0 : i32
        %dma_wait3A_107 = tpu.memref_slice %arg2[%dma_wait3A_105, %dma_wait3A_106] : memref<10112x128xf32, #tpu.memory_space<hbm>> -> memref<10112x128xf32, #tpu.memory_space<hbm>>
        tpu.wait_indirect_dma semaphore(%arg10 : memref<!tpu.dma_semaphore, #tpu.memory_space<semaphore_mem>>) src(%dma_wait3A_107 : memref<10112x128xf32, #tpu.memory_space<hbm>>) dst(%arg7 : memref<96x128xf32, #tpu.memory_space<vmem>>)
        %dma_start3A_108 = arith.constant 0 : i32
        %dma_start3A_109 = arith.constant 0 : i32
        %dma_start3A_110 = tpu.memref_slice %arg5[%dma_start3A_108, %dma_start3A_109] : memref<2x96xi32, #tpu.memory_space<vmem>> -> memref<1x96xi32, #tpu.memory_space<vmem>>
        %dma_start3A_111 = tpu.memref_squeeze %dma_start3A_110 : memref<1x96xi32, #tpu.memory_space<vmem>> -> memref<96xi32, #tpu.memory_space<vmem>>
        %dma_start3A_112 = arith.constant 0 : i32
        %dma_start3A_113 = arith.constant 0 : i32
        %dma_start3A_114 = tpu.memref_slice %arg9[%dma_start3A_112, %dma_start3A_113] : memref<10112x128xf32, #tpu.memory_space<vmem_shared>> -> memref<10112x128xf32, #tpu.memory_space<vmem_shared>>
        tpu.enqueue_indirect_dma source(%arg7 : memref<96x128xf32, #tpu.memory_space<vmem>>) target(%dma_start3A_114 : memref<10112x128xf32, #tpu.memory_space<vmem_shared>>) offsets(%dma_start3A_111 : memref<96xi32, #tpu.memory_space<vmem>>) semaphore(%arg12 : memref<!tpu.dma_semaphore, #tpu.memory_space<semaphore_mem>>) {add = true}
        %dma_wait3A_115 = arith.constant 1 : i32
        %dma_wait3A_116 = arith.constant 0 : i32
        %dma_wait3A_117 = tpu.memref_slice %arg6[%dma_wait3A_115, %dma_wait3A_116] : memref<2x96xi32, #tpu.memory_space<vmem>> -> memref<1x96xi32, #tpu.memory_space<vmem>>
        %dma_wait3A_118 = tpu.memref_squeeze %dma_wait3A_117 : memref<1x96xi32, #tpu.memory_space<vmem>> -> memref<96xi32, #tpu.memory_space<vmem>>
        %dma_wait3A_119 = arith.constant 0 : i32
        %dma_wait3A_120 = arith.constant 0 : i32
        %dma_wait3A_121 = tpu.memref_slice %arg2[%dma_wait3A_119, %dma_wait3A_120] : memref<10112x128xf32, #tpu.memory_space<hbm>> -> memref<10112x128xf32, #tpu.memory_space<hbm>>
        tpu.wait_indirect_dma semaphore(%arg11 : memref<!tpu.dma_semaphore, #tpu.memory_space<semaphore_mem>>) src(%dma_wait3A_121 : memref<10112x128xf32, #tpu.memory_space<hbm>>) dst(%arg8 : memref<96x128xf32, #tpu.memory_space<vmem>>)
        %dma_start3A_122 = arith.constant 0 : i32
        %dma_start3A_123 = arith.constant 0 : i32
        %dma_start3A_124 = tpu.memref_slice %arg6[%dma_start3A_122, %dma_start3A_123] : memref<2x96xi32, #tpu.memory_space<vmem>> -> memref<1x96xi32, #tpu.memory_space<vmem>>
        %dma_start3A_125 = tpu.memref_squeeze %dma_start3A_124 : memref<1x96xi32, #tpu.memory_space<vmem>> -> memref<96xi32, #tpu.memory_space<vmem>>
        %dma_start3A_126 = arith.constant 0 : i32
        %dma_start3A_127 = arith.constant 0 : i32
        %dma_start3A_128 = tpu.memref_slice %arg9[%dma_start3A_126, %dma_start3A_127] : memref<10112x128xf32, #tpu.memory_space<vmem_shared>> -> memref<10112x128xf32, #tpu.memory_space<vmem_shared>>
        tpu.enqueue_indirect_dma source(%arg8 : memref<96x128xf32, #tpu.memory_space<vmem>>) target(%dma_start3A_128 : memref<10112x128xf32, #tpu.memory_space<vmem_shared>>) offsets(%dma_start3A_125 : memref<96xi32, #tpu.memory_space<vmem>>) semaphore(%arg13 : memref<!tpu.dma_semaphore, #tpu.memory_space<semaphore_mem>>) {add = true}
        %dma_wait3A_129 = arith.constant 0 : i32
        %dma_wait3A_130 = arith.constant 0 : i32
        %dma_wait3A_131 = tpu.memref_slice %arg5[%dma_wait3A_129, %dma_wait3A_130] : memref<2x96xi32, #tpu.memory_space<vmem>> -> memref<1x96xi32, #tpu.memory_space<vmem>>
        %dma_wait3A_132 = tpu.memref_squeeze %dma_wait3A_131 : memref<1x96xi32, #tpu.memory_space<vmem>> -> memref<96xi32, #tpu.memory_space<vmem>>
        %dma_wait3A_133 = arith.constant 0 : i32
        %dma_wait3A_134 = arith.constant 0 : i32
        %dma_wait3A_135 = tpu.memref_slice %arg9[%dma_wait3A_133, %dma_wait3A_134] : memref<10112x128xf32, #tpu.memory_space<vmem_shared>> -> memref<10112x128xf32, #tpu.memory_space<vmem_shared>>
        tpu.wait_indirect_dma semaphore(%arg12 : memref<!tpu.dma_semaphore, #tpu.memory_space<semaphore_mem>>) src(%arg7 : memref<96x128xf32, #tpu.memory_space<vmem>>) dst(%dma_wait3A_135 : memref<10112x128xf32, #tpu.memory_space<vmem_shared>>)
        %dma_wait3A_136 = arith.constant 0 : i32
        %dma_wait3A_137 = arith.constant 0 : i32
        %dma_wait3A_138 = tpu.memref_slice %arg6[%dma_wait3A_136, %dma_wait3A_137] : memref<2x96xi32, #tpu.memory_space<vmem>> -> memref<1x96xi32, #tpu.memory_space<vmem>>
        %dma_wait3A_139 = tpu.memref_squeeze %dma_wait3A_138 : memref<1x96xi32, #tpu.memory_space<vmem>> -> memref<96xi32, #tpu.memory_space<vmem>>
        %dma_wait3A_140 = arith.constant 0 : i32
        %dma_wait3A_141 = arith.constant 0 : i32
        %dma_wait3A_142 = tpu.memref_slice %arg9[%dma_wait3A_140, %dma_wait3A_141] : memref<10112x128xf32, #tpu.memory_space<vmem_shared>> -> memref<10112x128xf32, #tpu.memory_space<vmem_shared>>
        tpu.wait_indirect_dma semaphore(%arg13 : memref<!tpu.dma_semaphore, #tpu.memory_space<semaphore_mem>>) src(%arg8 : memref<96x128xf32, #tpu.memory_space<vmem>>) dst(%dma_wait3A_142 : memref<10112x128xf32, #tpu.memory_space<vmem_shared>>)
      } else {
      }
    }
    %scan3A_48 = arith.constant 64 : i32
    %barrier3A_49 = arith.constant 0 : index
    tpu.barrier barrier_id(%barrier3A_49)
    %mul3A_50 = arith.constant 632 : i32
    %mul3A_51 = arith.muli %arg1, %mul3A_50 : i32
    %add3A_52 = arith.constant 0 : i32
    %add3A_53 = arith.addi %mul3A_51, %add3A_52 : i32
    "tpu.region"() ({
      %run_scoped3A = tpu.sem_alloc : memref<!tpu.dma_semaphore, #tpu.memory_space<semaphore_mem>>
      %dma_start3A = arith.constant 0 : i32
      %dma_start3A_78 = arith.constant 0 : i32
      %dma_start3A_79 = tpu.memref_slice %arg4[%arg0, %dma_start3A, %dma_start3A_78] : memref<2x10112x128xf32, #tpu.memory_space<hbm>> -> memref<1x10112x128xf32, #tpu.memory_space<hbm>>
      %dma_start3A_80 = tpu.memref_squeeze %dma_start3A_79 : memref<1x10112x128xf32, #tpu.memory_space<hbm>> -> memref<10112x128xf32, #tpu.memory_space<hbm>>
      %dma_start3A_81 = arith.constant 0 : i32
      %dma_start3A_82 = tpu.memref_slice %dma_start3A_80[%add3A_53, %dma_start3A_81] : memref<10112x128xf32, #tpu.memory_space<hbm>> -> memref<96x128xf32, #tpu.memory_space<hbm>>
      %dma_start3A_83 = arith.constant 0 : i32
      %dma_start3A_84 = tpu.memref_slice %arg9[%add3A_53, %dma_start3A_83] : memref<10112x128xf32, #tpu.memory_space<vmem_shared>> -> memref<96x128xf32, #tpu.memory_space<vmem_shared>>
      tpu.enqueue_dma source(%dma_start3A_84 : memref<96x128xf32, #tpu.memory_space<vmem_shared>>) target(%dma_start3A_82 : memref<96x128xf32, #tpu.memory_space<hbm>>) target_semaphore(%run_scoped3A : memref<!tpu.dma_semaphore, #tpu.memory_space<semaphore_mem>>)
      %dma_wait3A = arith.constant 0 : i32
      %dma_wait3A_85 = arith.constant 0 : i32
      %dma_wait3A_86 = tpu.memref_slice %arg4[%arg0, %dma_wait3A, %dma_wait3A_85] : memref<2x10112x128xf32, #tpu.memory_space<hbm>> -> memref<1x10112x128xf32, #tpu.memory_space<hbm>>
      %dma_wait3A_87 = tpu.memref_squeeze %dma_wait3A_86 : memref<1x10112x128xf32, #tpu.memory_space<hbm>> -> memref<10112x128xf32, #tpu.memory_space<hbm>>
      %dma_wait3A_88 = arith.constant 0 : i32
      %dma_wait3A_89 = tpu.memref_slice %dma_wait3A_87[%add3A_53, %dma_wait3A_88] : memref<10112x128xf32, #tpu.memory_space<hbm>> -> memref<96x128xf32, #tpu.memory_space<hbm>>
      %dma_wait3A_90 = arith.constant 0 : i32
      %dma_wait3A_91 = tpu.memref_slice %arg9[%add3A_53, %dma_wait3A_90] : memref<10112x128xf32, #tpu.memory_space<vmem_shared>> -> memref<96x128xf32, #tpu.memory_space<vmem_shared>>
      tpu.wait_dma2 semaphore(%run_scoped3A : memref<!tpu.dma_semaphore, #tpu.memory_space<semaphore_mem>>) src(%dma_wait3A_91 : memref<96x128xf32, #tpu.memory_space<vmem_shared>>) dst(%dma_wait3A_89 : memref<96x128xf32, #tpu.memory_space<hbm>>)
      tpu.yield
    }) : () -> ()
    %mul3A_54 = arith.constant 632 : i32
    %mul3A_55 = arith.muli %arg1, %mul3A_54 : i32
    %add3A_56 = arith.constant 96 : i32
    %add3A_57 = arith.addi %mul3A_55, %add3A_56 : i32
    "tpu.region"() ({
      %run_scoped3A = tpu.sem_alloc : memref<!tpu.dma_semaphore, #tpu.memory_space<semaphore_mem>>
      %dma_start3A = arith.constant 0 : i32
      %dma_start3A_78 = arith.constant 0 : i32
      %dma_start3A_79 = tpu.memref_slice %arg4[%arg0, %dma_start3A, %dma_start3A_78] : memref<2x10112x128xf32, #tpu.memory_space<hbm>> -> memref<1x10112x128xf32, #tpu.memory_space<hbm>>
      %dma_start3A_80 = tpu.memref_squeeze %dma_start3A_79 : memref<1x10112x128xf32, #tpu.memory_space<hbm>> -> memref<10112x128xf32, #tpu.memory_space<hbm>>
      %dma_start3A_81 = arith.constant 0 : i32
      %dma_start3A_82 = tpu.memref_slice %dma_start3A_80[%add3A_57, %dma_start3A_81] : memref<10112x128xf32, #tpu.memory_space<hbm>> -> memref<96x128xf32, #tpu.memory_space<hbm>>
      %dma_start3A_83 = arith.constant 0 : i32
      %dma_start3A_84 = tpu.memref_slice %arg9[%add3A_57, %dma_start3A_83] : memref<10112x128xf32, #tpu.memory_space<vmem_shared>> -> memref<96x128xf32, #tpu.memory_space<vmem_shared>>
      tpu.enqueue_dma source(%dma_start3A_84 : memref<96x128xf32, #tpu.memory_space<vmem_shared>>) target(%dma_start3A_82 : memref<96x128xf32, #tpu.memory_space<hbm>>) target_semaphore(%run_scoped3A : memref<!tpu.dma_semaphore, #tpu.memory_space<semaphore_mem>>)
      %dma_wait3A = arith.constant 0 : i32
      %dma_wait3A_85 = arith.constant 0 : i32
      %dma_wait3A_86 = tpu.memref_slice %arg4[%arg0, %dma_wait3A, %dma_wait3A_85] : memref<2x10112x128xf32, #tpu.memory_space<hbm>> -> memref<1x10112x128xf32, #tpu.memory_space<hbm>>
      %dma_wait3A_87 = tpu.memref_squeeze %dma_wait3A_86 : memref<1x10112x128xf32, #tpu.memory_space<hbm>> -> memref<10112x128xf32, #tpu.memory_space<hbm>>
      %dma_wait3A_88 = arith.constant 0 : i32
      %dma_wait3A_89 = tpu.memref_slice %dma_wait3A_87[%add3A_57, %dma_wait3A_88] : memref<10112x128xf32, #tpu.memory_space<hbm>> -> memref<96x128xf32, #tpu.memory_space<hbm>>
      %dma_wait3A_90 = arith.constant 0 : i32
      %dma_wait3A_91 = tpu.memref_slice %arg9[%add3A_57, %dma_wait3A_90] : memref<10112x128xf32, #tpu.memory_space<vmem_shared>> -> memref<96x128xf32, #tpu.memory_space<vmem_shared>>
      tpu.wait_dma2 semaphore(%run_scoped3A : memref<!tpu.dma_semaphore, #tpu.memory_space<semaphore_mem>>) src(%dma_wait3A_91 : memref<96x128xf32, #tpu.memory_space<vmem_shared>>) dst(%dma_wait3A_89 : memref<96x128xf32, #tpu.memory_space<hbm>>)
      tpu.yield
    }) : () -> ()
    %mul3A_58 = arith.constant 632 : i32
    %mul3A_59 = arith.muli %arg1, %mul3A_58 : i32
    %add3A_60 = arith.constant 192 : i32
    %add3A_61 = arith.addi %mul3A_59, %add3A_60 : i32
    "tpu.region"() ({
      %run_scoped3A = tpu.sem_alloc : memref<!tpu.dma_semaphore, #tpu.memory_space<semaphore_mem>>
      %dma_start3A = arith.constant 0 : i32
      %dma_start3A_78 = arith.constant 0 : i32
      %dma_start3A_79 = tpu.memref_slice %arg4[%arg0, %dma_start3A, %dma_start3A_78] : memref<2x10112x128xf32, #tpu.memory_space<hbm>> -> memref<1x10112x128xf32, #tpu.memory_space<hbm>>
      %dma_start3A_80 = tpu.memref_squeeze %dma_start3A_79 : memref<1x10112x128xf32, #tpu.memory_space<hbm>> -> memref<10112x128xf32, #tpu.memory_space<hbm>>
      %dma_start3A_81 = arith.constant 0 : i32
      %dma_start3A_82 = tpu.memref_slice %dma_start3A_80[%add3A_61, %dma_start3A_81] : memref<10112x128xf32, #tpu.memory_space<hbm>> -> memref<96x128xf32, #tpu.memory_space<hbm>>
      %dma_start3A_83 = arith.constant 0 : i32
      %dma_start3A_84 = tpu.memref_slice %arg9[%add3A_61, %dma_start3A_83] : memref<10112x128xf32, #tpu.memory_space<vmem_shared>> -> memref<96x128xf32, #tpu.memory_space<vmem_shared>>
      tpu.enqueue_dma source(%dma_start3A_84 : memref<96x128xf32, #tpu.memory_space<vmem_shared>>) target(%dma_start3A_82 : memref<96x128xf32, #tpu.memory_space<hbm>>) target_semaphore(%run_scoped3A : memref<!tpu.dma_semaphore, #tpu.memory_space<semaphore_mem>>)
      %dma_wait3A = arith.constant 0 : i32
      %dma_wait3A_85 = arith.constant 0 : i32
      %dma_wait3A_86 = tpu.memref_slice %arg4[%arg0, %dma_wait3A, %dma_wait3A_85] : memref<2x10112x128xf32, #tpu.memory_space<hbm>> -> memref<1x10112x128xf32, #tpu.memory_space<hbm>>
      %dma_wait3A_87 = tpu.memref_squeeze %dma_wait3A_86 : memref<1x10112x128xf32, #tpu.memory_space<hbm>> -> memref<10112x128xf32, #tpu.memory_space<hbm>>
      %dma_wait3A_88 = arith.constant 0 : i32
      %dma_wait3A_89 = tpu.memref_slice %dma_wait3A_87[%add3A_61, %dma_wait3A_88] : memref<10112x128xf32, #tpu.memory_space<hbm>> -> memref<96x128xf32, #tpu.memory_space<hbm>>
      %dma_wait3A_90 = arith.constant 0 : i32
      %dma_wait3A_91 = tpu.memref_slice %arg9[%add3A_61, %dma_wait3A_90] : memref<10112x128xf32, #tpu.memory_space<vmem_shared>> -> memref<96x128xf32, #tpu.memory_space<vmem_shared>>
      tpu.wait_dma2 semaphore(%run_scoped3A : memref<!tpu.dma_semaphore, #tpu.memory_space<semaphore_mem>>) src(%dma_wait3A_91 : memref<96x128xf32, #tpu.memory_space<vmem_shared>>) dst(%dma_wait3A_89 : memref<96x128xf32, #tpu.memory_space<hbm>>)
      tpu.yield
    }) : () -> ()
    %mul3A_62 = arith.constant 632 : i32
    %mul3A_63 = arith.muli %arg1, %mul3A_62 : i32
    %add3A_64 = arith.constant 288 : i32
    %add3A_65 = arith.addi %mul3A_63, %add3A_64 : i32
    "tpu.region"() ({
      %run_scoped3A = tpu.sem_alloc : memref<!tpu.dma_semaphore, #tpu.memory_space<semaphore_mem>>
      %dma_start3A = arith.constant 0 : i32
      %dma_start3A_78 = arith.constant 0 : i32
      %dma_start3A_79 = tpu.memref_slice %arg4[%arg0, %dma_start3A, %dma_start3A_78] : memref<2x10112x128xf32, #tpu.memory_space<hbm>> -> memref<1x10112x128xf32, #tpu.memory_space<hbm>>
      %dma_start3A_80 = tpu.memref_squeeze %dma_start3A_79 : memref<1x10112x128xf32, #tpu.memory_space<hbm>> -> memref<10112x128xf32, #tpu.memory_space<hbm>>
      %dma_start3A_81 = arith.constant 0 : i32
      %dma_start3A_82 = tpu.memref_slice %dma_start3A_80[%add3A_65, %dma_start3A_81] : memref<10112x128xf32, #tpu.memory_space<hbm>> -> memref<96x128xf32, #tpu.memory_space<hbm>>
      %dma_start3A_83 = arith.constant 0 : i32
      %dma_start3A_84 = tpu.memref_slice %arg9[%add3A_65, %dma_start3A_83] : memref<10112x128xf32, #tpu.memory_space<vmem_shared>> -> memref<96x128xf32, #tpu.memory_space<vmem_shared>>
      tpu.enqueue_dma source(%dma_start3A_84 : memref<96x128xf32, #tpu.memory_space<vmem_shared>>) target(%dma_start3A_82 : memref<96x128xf32, #tpu.memory_space<hbm>>) target_semaphore(%run_scoped3A : memref<!tpu.dma_semaphore, #tpu.memory_space<semaphore_mem>>)
      %dma_wait3A = arith.constant 0 : i32
      %dma_wait3A_85 = arith.constant 0 : i32
      %dma_wait3A_86 = tpu.memref_slice %arg4[%arg0, %dma_wait3A, %dma_wait3A_85] : memref<2x10112x128xf32, #tpu.memory_space<hbm>> -> memref<1x10112x128xf32, #tpu.memory_space<hbm>>
      %dma_wait3A_87 = tpu.memref_squeeze %dma_wait3A_86 : memref<1x10112x128xf32, #tpu.memory_space<hbm>> -> memref<10112x128xf32, #tpu.memory_space<hbm>>
      %dma_wait3A_88 = arith.constant 0 : i32
      %dma_wait3A_89 = tpu.memref_slice %dma_wait3A_87[%add3A_65, %dma_wait3A_88] : memref<10112x128xf32, #tpu.memory_space<hbm>> -> memref<96x128xf32, #tpu.memory_space<hbm>>
      %dma_wait3A_90 = arith.constant 0 : i32
      %dma_wait3A_91 = tpu.memref_slice %arg9[%add3A_65, %dma_wait3A_90] : memref<10112x128xf32, #tpu.memory_space<vmem_shared>> -> memref<96x128xf32, #tpu.memory_space<vmem_shared>>
      tpu.wait_dma2 semaphore(%run_scoped3A : memref<!tpu.dma_semaphore, #tpu.memory_space<semaphore_mem>>) src(%dma_wait3A_91 : memref<96x128xf32, #tpu.memory_space<vmem_shared>>) dst(%dma_wait3A_89 : memref<96x128xf32, #tpu.memory_space<hbm>>)
      tpu.yield
    }) : () -> ()
    %mul3A_66 = arith.constant 632 : i32
    %mul3A_67 = arith.muli %arg1, %mul3A_66 : i32
    %add3A_68 = arith.constant 384 : i32
    %add3A_69 = arith.addi %mul3A_67, %add3A_68 : i32
    "tpu.region"() ({
      %run_scoped3A = tpu.sem_alloc : memref<!tpu.dma_semaphore, #tpu.memory_space<semaphore_mem>>
      %dma_start3A = arith.constant 0 : i32
      %dma_start3A_78 = arith.constant 0 : i32
      %dma_start3A_79 = tpu.memref_slice %arg4[%arg0, %dma_start3A, %dma_start3A_78] : memref<2x10112x128xf32, #tpu.memory_space<hbm>> -> memref<1x10112x128xf32, #tpu.memory_space<hbm>>
      %dma_start3A_80 = tpu.memref_squeeze %dma_start3A_79 : memref<1x10112x128xf32, #tpu.memory_space<hbm>> -> memref<10112x128xf32, #tpu.memory_space<hbm>>
      %dma_start3A_81 = arith.constant 0 : i32
      %dma_start3A_82 = tpu.memref_slice %dma_start3A_80[%add3A_69, %dma_start3A_81] : memref<10112x128xf32, #tpu.memory_space<hbm>> -> memref<96x128xf32, #tpu.memory_space<hbm>>
      %dma_start3A_83 = arith.constant 0 : i32
      %dma_start3A_84 = tpu.memref_slice %arg9[%add3A_69, %dma_start3A_83] : memref<10112x128xf32, #tpu.memory_space<vmem_shared>> -> memref<96x128xf32, #tpu.memory_space<vmem_shared>>
      tpu.enqueue_dma source(%dma_start3A_84 : memref<96x128xf32, #tpu.memory_space<vmem_shared>>) target(%dma_start3A_82 : memref<96x128xf32, #tpu.memory_space<hbm>>) target_semaphore(%run_scoped3A : memref<!tpu.dma_semaphore, #tpu.memory_space<semaphore_mem>>)
      %dma_wait3A = arith.constant 0 : i32
      %dma_wait3A_85 = arith.constant 0 : i32
      %dma_wait3A_86 = tpu.memref_slice %arg4[%arg0, %dma_wait3A, %dma_wait3A_85] : memref<2x10112x128xf32, #tpu.memory_space<hbm>> -> memref<1x10112x128xf32, #tpu.memory_space<hbm>>
      %dma_wait3A_87 = tpu.memref_squeeze %dma_wait3A_86 : memref<1x10112x128xf32, #tpu.memory_space<hbm>> -> memref<10112x128xf32, #tpu.memory_space<hbm>>
      %dma_wait3A_88 = arith.constant 0 : i32
      %dma_wait3A_89 = tpu.memref_slice %dma_wait3A_87[%add3A_69, %dma_wait3A_88] : memref<10112x128xf32, #tpu.memory_space<hbm>> -> memref<96x128xf32, #tpu.memory_space<hbm>>
      %dma_wait3A_90 = arith.constant 0 : i32
      %dma_wait3A_91 = tpu.memref_slice %arg9[%add3A_69, %dma_wait3A_90] : memref<10112x128xf32, #tpu.memory_space<vmem_shared>> -> memref<96x128xf32, #tpu.memory_space<vmem_shared>>
      tpu.wait_dma2 semaphore(%run_scoped3A : memref<!tpu.dma_semaphore, #tpu.memory_space<semaphore_mem>>) src(%dma_wait3A_91 : memref<96x128xf32, #tpu.memory_space<vmem_shared>>) dst(%dma_wait3A_89 : memref<96x128xf32, #tpu.memory_space<hbm>>)
      tpu.yield
    }) : () -> ()
    %mul3A_70 = arith.constant 632 : i32
    %mul3A_71 = arith.muli %arg1, %mul3A_70 : i32
    %add3A_72 = arith.constant 480 : i32
    %add3A_73 = arith.addi %mul3A_71, %add3A_72 : i32
    "tpu.region"() ({
      %run_scoped3A = tpu.sem_alloc : memref<!tpu.dma_semaphore, #tpu.memory_space<semaphore_mem>>
      %dma_start3A = arith.constant 0 : i32
      %dma_start3A_78 = arith.constant 0 : i32
      %dma_start3A_79 = tpu.memref_slice %arg4[%arg0, %dma_start3A, %dma_start3A_78] : memref<2x10112x128xf32, #tpu.memory_space<hbm>> -> memref<1x10112x128xf32, #tpu.memory_space<hbm>>
      %dma_start3A_80 = tpu.memref_squeeze %dma_start3A_79 : memref<1x10112x128xf32, #tpu.memory_space<hbm>> -> memref<10112x128xf32, #tpu.memory_space<hbm>>
      %dma_start3A_81 = arith.constant 0 : i32
      %dma_start3A_82 = tpu.memref_slice %dma_start3A_80[%add3A_73, %dma_start3A_81] : memref<10112x128xf32, #tpu.memory_space<hbm>> -> memref<96x128xf32, #tpu.memory_space<hbm>>
      %dma_start3A_83 = arith.constant 0 : i32
      %dma_start3A_84 = tpu.memref_slice %arg9[%add3A_73, %dma_start3A_83] : memref<10112x128xf32, #tpu.memory_space<vmem_shared>> -> memref<96x128xf32, #tpu.memory_space<vmem_shared>>
      tpu.enqueue_dma source(%dma_start3A_84 : memref<96x128xf32, #tpu.memory_space<vmem_shared>>) target(%dma_start3A_82 : memref<96x128xf32, #tpu.memory_space<hbm>>) target_semaphore(%run_scoped3A : memref<!tpu.dma_semaphore, #tpu.memory_space<semaphore_mem>>)
      %dma_wait3A = arith.constant 0 : i32
      %dma_wait3A_85 = arith.constant 0 : i32
      %dma_wait3A_86 = tpu.memref_slice %arg4[%arg0, %dma_wait3A, %dma_wait3A_85] : memref<2x10112x128xf32, #tpu.memory_space<hbm>> -> memref<1x10112x128xf32, #tpu.memory_space<hbm>>
      %dma_wait3A_87 = tpu.memref_squeeze %dma_wait3A_86 : memref<1x10112x128xf32, #tpu.memory_space<hbm>> -> memref<10112x128xf32, #tpu.memory_space<hbm>>
      %dma_wait3A_88 = arith.constant 0 : i32
      %dma_wait3A_89 = tpu.memref_slice %dma_wait3A_87[%add3A_73, %dma_wait3A_88] : memref<10112x128xf32, #tpu.memory_space<hbm>> -> memref<96x128xf32, #tpu.memory_space<hbm>>
      %dma_wait3A_90 = arith.constant 0 : i32
      %dma_wait3A_91 = tpu.memref_slice %arg9[%add3A_73, %dma_wait3A_90] : memref<10112x128xf32, #tpu.memory_space<vmem_shared>> -> memref<96x128xf32, #tpu.memory_space<vmem_shared>>
      tpu.wait_dma2 semaphore(%run_scoped3A : memref<!tpu.dma_semaphore, #tpu.memory_space<semaphore_mem>>) src(%dma_wait3A_91 : memref<96x128xf32, #tpu.memory_space<vmem_shared>>) dst(%dma_wait3A_89 : memref<96x128xf32, #tpu.memory_space<hbm>>)
      tpu.yield
    }) : () -> ()
    %mul3A_74 = arith.constant 632 : i32
    %mul3A_75 = arith.muli %arg1, %mul3A_74 : i32
    %add3A_76 = arith.constant 576 : i32
    %add3A_77 = arith.addi %mul3A_75, %add3A_76 : i32
    "tpu.region"() ({
      %run_scoped3A = tpu.sem_alloc : memref<!tpu.dma_semaphore, #tpu.memory_space<semaphore_mem>>
      %dma_start3A = arith.constant 0 : i32
      %dma_start3A_78 = arith.constant 0 : i32
      %dma_start3A_79 = tpu.memref_slice %arg4[%arg0, %dma_start3A, %dma_start3A_78] : memref<2x10112x128xf32, #tpu.memory_space<hbm>> -> memref<1x10112x128xf32, #tpu.memory_space<hbm>>
      %dma_start3A_80 = tpu.memref_squeeze %dma_start3A_79 : memref<1x10112x128xf32, #tpu.memory_space<hbm>> -> memref<10112x128xf32, #tpu.memory_space<hbm>>
      %dma_start3A_81 = arith.constant 0 : i32
      %dma_start3A_82 = tpu.memref_slice %dma_start3A_80[%add3A_77, %dma_start3A_81] : memref<10112x128xf32, #tpu.memory_space<hbm>> -> memref<56x128xf32, #tpu.memory_space<hbm>>
      %dma_start3A_83 = arith.constant 0 : i32
      %dma_start3A_84 = tpu.memref_slice %arg9[%add3A_77, %dma_start3A_83] : memref<10112x128xf32, #tpu.memory_space<vmem_shared>> -> memref<56x128xf32, #tpu.memory_space<vmem_shared>>
      tpu.enqueue_dma source(%dma_start3A_84 : memref<56x128xf32, #tpu.memory_space<vmem_shared>>) target(%dma_start3A_82 : memref<56x128xf32, #tpu.memory_space<hbm>>) target_semaphore(%run_scoped3A : memref<!tpu.dma_semaphore, #tpu.memory_space<semaphore_mem>>)
      %dma_wait3A = arith.constant 0 : i32
      %dma_wait3A_85 = arith.constant 0 : i32
      %dma_wait3A_86 = tpu.memref_slice %arg4[%arg0, %dma_wait3A, %dma_wait3A_85] : memref<2x10112x128xf32, #tpu.memory_space<hbm>> -> memref<1x10112x128xf32, #tpu.memory_space<hbm>>
      %dma_wait3A_87 = tpu.memref_squeeze %dma_wait3A_86 : memref<1x10112x128xf32, #tpu.memory_space<hbm>> -> memref<10112x128xf32, #tpu.memory_space<hbm>>
      %dma_wait3A_88 = arith.constant 0 : i32
      %dma_wait3A_89 = tpu.memref_slice %dma_wait3A_87[%add3A_77, %dma_wait3A_88] : memref<10112x128xf32, #tpu.memory_space<hbm>> -> memref<56x128xf32, #tpu.memory_space<hbm>>
      %dma_wait3A_90 = arith.constant 0 : i32
      %dma_wait3A_91 = tpu.memref_slice %arg9[%add3A_77, %dma_wait3A_90] : memref<10112x128xf32, #tpu.memory_space<vmem_shared>> -> memref<56x128xf32, #tpu.memory_space<vmem_shared>>
      tpu.wait_dma2 semaphore(%run_scoped3A : memref<!tpu.dma_semaphore, #tpu.memory_space<semaphore_mem>>) src(%dma_wait3A_91 : memref<56x128xf32, #tpu.memory_space<vmem_shared>>) dst(%dma_wait3A_89 : memref<56x128xf32, #tpu.memory_space<hbm>>)
      tpu.yield
    }) : () -> ()
    return
  }
}

#map = affine_map<(d0, d1) -> (0, 0)>
#map1 = affine_map<(d0, d1) -> (0, 0, 0)>
module attributes {stable_mosaic.version = 14 : i64} {
  func.func @_segsum(%arg0: i32, %arg1: i32, %arg2: memref<10112x128xf32, #tpu.memory_space<hbm>>, %arg3: memref<3360x2x96xi32, #tpu.memory_space<hbm>>, %arg4: memref<2x10112x128xf32, #tpu.memory_space<hbm>>, %arg5: memref<2x96xi32, #tpu.memory_space<vmem>>, %arg6: memref<2x96xi32, #tpu.memory_space<vmem>>, %arg7: memref<96x128xf32, #tpu.memory_space<vmem>>, %arg8: memref<96x128xf32, #tpu.memory_space<vmem>>, %arg9: memref<10112x128xf32, #tpu.memory_space<vmem_shared>>, %arg10: memref<!tpu.dma_semaphore, #tpu.memory_space<semaphore_mem>>, %arg11: memref<!tpu.dma_semaphore, #tpu.memory_space<semaphore_mem>>, %arg12: memref<!tpu.dma_semaphore, #tpu.memory_space<semaphore_mem>>, %arg13: memref<!tpu.dma_semaphore, #tpu.memory_space<semaphore_mem>>) attributes {dimension_semantics = [#tpu.dimension_semantics<core_parallel>, #tpu.dimension_semantics<subcore_parallel>], iteration_bounds = array<i64: 2, 16>, scalar_prefetch = 0 : i64, scratch_operands = 9 : i64, tpu.core_type = #tpu.core_type<sc_vector_subcore>, window_params = [{transform_indices = #map}, {transform_indices = #map1}, {transform_indices = #map1}]} {
    %mul3A = arith.constant 16 : i32
    %mul3A_0 = arith.muli %arg0, %mul3A : i32
    %add3A = arith.addi %mul3A_0, %arg1 : i32
    %scan3A = arith.constant 0 : i32
    %scan3A_1 = arith.constant 96 : i32
    %scan3A_2 = arith.addi %scan3A, %scan3A_1 : i32
    %scan3A_3 = arith.constant 1 : i32
    scf.for %scan3A_78 = %scan3A to %scan3A_2 step %scan3A_3  : i32 {
      %mul3A_79 = arith.constant 1 : i32
      %mul3A_80 = arith.muli %scan3A_78, %mul3A_79 : i32
      %add3A_81 = arith.constant 0 : i32
      %add3A_82 = arith.addi %add3A_81, %mul3A_80 : i32
      %broadcast_in_dim3A = arith.constant 0.000000e+00 : f32
      %broadcast_in_dim3A_83 = vector.broadcast %broadcast_in_dim3A : f32 to vector<1x16xf32>
      %swap3A = arith.index_cast %add3A_82 : i32 to index
      %swap3A_84 = arith.constant 0 : index
      %swap3A_85 = tpu.vector_load %arg7[%swap3A, %swap3A_84] {strides = array<i32>} : memref<96x128xf32, #tpu.memory_space<vmem>>, vector<1x16xf32>,
      %swap3A_86 = vector.shape_cast %swap3A_85 : vector<1x16xf32> to vector<1x16xf32>
      %swap3A_87 = vector.shape_cast %broadcast_in_dim3A_83 : vector<1x16xf32> to vector<1x16xf32>
      tpu.vector_store %arg7[%swap3A, %swap3A_84], %swap3A_87 {strides = array<i32>} : memref<96x128xf32, #tpu.memory_space<vmem>>, vector<1x16xf32>,
      %broadcast_in_dim3A_88 = arith.constant 0.000000e+00 : f32
      %broadcast_in_dim3A_89 = vector.broadcast %broadcast_in_dim3A_88 : f32 to vector<1x16xf32>
      %swap3A_90 = arith.index_cast %add3A_82 : i32 to index
      %swap3A_91 = arith.constant 16 : index
      %swap3A_92 = tpu.vector_load %arg7[%swap3A_90, %swap3A_91] {strides = array<i32>} : memref<96x128xf32, #tpu.memory_space<vmem>>, vector<1x16xf32>,
      %swap3A_93 = vector.shape_cast %swap3A_92 : vector<1x16xf32> to vector<1x16xf32>
      %swap3A_94 = vector.shape_cast %broadcast_in_dim3A_89 : vector<1x16xf32> to vector<1x16xf32>
      tpu.vector_store %arg7[%swap3A_90, %swap3A_91], %swap3A_94 {strides = array<i32>} : memref<96x128xf32, #tpu.memory_space<vmem>>, vector<1x16xf32>,
      %broadcast_in_dim3A_95 = arith.constant 0.000000e+00 : f32
      %broadcast_in_dim3A_96 = vector.broadcast %broadcast_in_dim3A_95 : f32 to vector<1x16xf32>
      %swap3A_97 = arith.index_cast %add3A_82 : i32 to index
      %swap3A_98 = arith.constant 32 : index
      %swap3A_99 = tpu.vector_load %arg7[%swap3A_97, %swap3A_98] {strides = array<i32>} : memref<96x128xf32, #tpu.memory_space<vmem>>, vector<1x16xf32>,
      %swap3A_100 = vector.shape_cast %swap3A_99 : vector<1x16xf32> to vector<1x16xf32>
      %swap3A_101 = vector.shape_cast %broadcast_in_dim3A_96 : vector<1x16xf32> to vector<1x16xf32>
      tpu.vector_store %arg7[%swap3A_97, %swap3A_98], %swap3A_101 {strides = array<i32>} : memref<96x128xf32, #tpu.memory_space<vmem>>, vector<1x16xf32>,
      %broadcast_in_dim3A_102 = arith.constant 0.000000e+00 : f32
      %broadcast_in_dim3A_103 = vector.broadcast %broadcast_in_dim3A_102 : f32 to vector<1x16xf32>
      %swap3A_104 = arith.index_cast %add3A_82 : i32 to index
      %swap3A_105 = arith.constant 48 : index
      %swap3A_106 = tpu.vector_load %arg7[%swap3A_104, %swap3A_105] {strides = array<i32>} : memref<96x128xf32, #tpu.memory_space<vmem>>, vector<1x16xf32>,
      %swap3A_107 = vector.shape_cast %swap3A_106 : vector<1x16xf32> to vector<1x16xf32>
      %swap3A_108 = vector.shape_cast %broadcast_in_dim3A_103 : vector<1x16xf32> to vector<1x16xf32>
      tpu.vector_store %arg7[%swap3A_104, %swap3A_105], %swap3A_108 {strides = array<i32>} : memref<96x128xf32, #tpu.memory_space<vmem>>, vector<1x16xf32>,
      %broadcast_in_dim3A_109 = arith.constant 0.000000e+00 : f32
      %broadcast_in_dim3A_110 = vector.broadcast %broadcast_in_dim3A_109 : f32 to vector<1x16xf32>
      %swap3A_111 = arith.index_cast %add3A_82 : i32 to index
      %swap3A_112 = arith.constant 64 : index
      %swap3A_113 = tpu.vector_load %arg7[%swap3A_111, %swap3A_112] {strides = array<i32>} : memref<96x128xf32, #tpu.memory_space<vmem>>, vector<1x16xf32>,
      %swap3A_114 = vector.shape_cast %swap3A_113 : vector<1x16xf32> to vector<1x16xf32>
      %swap3A_115 = vector.shape_cast %broadcast_in_dim3A_110 : vector<1x16xf32> to vector<1x16xf32>
      tpu.vector_store %arg7[%swap3A_111, %swap3A_112], %swap3A_115 {strides = array<i32>} : memref<96x128xf32, #tpu.memory_space<vmem>>, vector<1x16xf32>,
      %broadcast_in_dim3A_116 = arith.constant 0.000000e+00 : f32
      %broadcast_in_dim3A_117 = vector.broadcast %broadcast_in_dim3A_116 : f32 to vector<1x16xf32>
      %swap3A_118 = arith.index_cast %add3A_82 : i32 to index
      %swap3A_119 = arith.constant 80 : index
      %swap3A_120 = tpu.vector_load %arg7[%swap3A_118, %swap3A_119] {strides = array<i32>} : memref<96x128xf32, #tpu.memory_space<vmem>>, vector<1x16xf32>,
      %swap3A_121 = vector.shape_cast %swap3A_120 : vector<1x16xf32> to vector<1x16xf32>
      %swap3A_122 = vector.shape_cast %broadcast_in_dim3A_117 : vector<1x16xf32> to vector<1x16xf32>
      tpu.vector_store %arg7[%swap3A_118, %swap3A_119], %swap3A_122 {strides = array<i32>} : memref<96x128xf32, #tpu.memory_space<vmem>>, vector<1x16xf32>,
      %broadcast_in_dim3A_123 = arith.constant 0.000000e+00 : f32
      %broadcast_in_dim3A_124 = vector.broadcast %broadcast_in_dim3A_123 : f32 to vector<1x16xf32>
      %swap3A_125 = arith.index_cast %add3A_82 : i32 to index
      %swap3A_126 = arith.constant 96 : index
      %swap3A_127 = tpu.vector_load %arg7[%swap3A_125, %swap3A_126] {strides = array<i32>} : memref<96x128xf32, #tpu.memory_space<vmem>>, vector<1x16xf32>,
      %swap3A_128 = vector.shape_cast %swap3A_127 : vector<1x16xf32> to vector<1x16xf32>
      %swap3A_129 = vector.shape_cast %broadcast_in_dim3A_124 : vector<1x16xf32> to vector<1x16xf32>
      tpu.vector_store %arg7[%swap3A_125, %swap3A_126], %swap3A_129 {strides = array<i32>} : memref<96x128xf32, #tpu.memory_space<vmem>>, vector<1x16xf32>,
      %broadcast_in_dim3A_130 = arith.constant 0.000000e+00 : f32
      %broadcast_in_dim3A_131 = vector.broadcast %broadcast_in_dim3A_130 : f32 to vector<1x16xf32>
      %swap3A_132 = arith.index_cast %add3A_82 : i32 to index
      %swap3A_133 = arith.constant 112 : index
      %swap3A_134 = tpu.vector_load %arg7[%swap3A_132, %swap3A_133] {strides = array<i32>} : memref<96x128xf32, #tpu.memory_space<vmem>>, vector<1x16xf32>,
      %swap3A_135 = vector.shape_cast %swap3A_134 : vector<1x16xf32> to vector<1x16xf32>
      %swap3A_136 = vector.shape_cast %broadcast_in_dim3A_131 : vector<1x16xf32> to vector<1x16xf32>
      tpu.vector_store %arg7[%swap3A_132, %swap3A_133], %swap3A_136 {strides = array<i32>} : memref<96x128xf32, #tpu.memory_space<vmem>>, vector<1x16xf32>,
    }
    %scan3A_4 = arith.constant 96 : i32
    %mul3A_5 = arith.constant 632 : i32
    %mul3A_6 = arith.muli %arg1, %mul3A_5 : i32
    %add3A_7 = arith.constant 0 : i32
    %add3A_8 = arith.addi %mul3A_6, %add3A_7 : i32
    "tpu.region"() ({
      %run_scoped3A = tpu.sem_alloc : memref<!tpu.dma_semaphore, #tpu.memory_space<semaphore_mem>>
      %dma_start3A = arith.constant 0 : i32
      %dma_start3A_78 = arith.constant 0 : i32
      %dma_start3A_79 = tpu.memref_slice %arg7[%dma_start3A, %dma_start3A_78] : memref<96x128xf32, #tpu.memory_space<vmem>> -> memref<96x128xf32, #tpu.memory_space<vmem>>
      %dma_start3A_80 = arith.constant 0 : i32
      %dma_start3A_81 = tpu.memref_slice %arg9[%add3A_8, %dma_start3A_80] : memref<10112x128xf32, #tpu.memory_space<vmem_shared>> -> memref<96x128xf32, #tpu.memory_space<vmem_shared>>
      %dma_start3A_82 = arith.constant 0 : i32
      %dma_start3A_83 = tpu.memref_slice %arg9[%add3A_8, %dma_start3A_82] : memref<10112x128xf32, #tpu.memory_space<vmem_shared>> -> memref<96x128xf32, #tpu.memory_space<vmem_shared>>
      %dma_start3A_84 = arith.constant 0 : i32
      %dma_start3A_85 = arith.constant 0 : i32
      %dma_start3A_86 = tpu.memref_slice %arg7[%dma_start3A_84, %dma_start3A_85] : memref<96x128xf32, #tpu.memory_space<vmem>> -> memref<96x128xf32, #tpu.memory_space<vmem>>
      tpu.enqueue_dma source(%dma_start3A_86 : memref<96x128xf32, #tpu.memory_space<vmem>>) target(%dma_start3A_83 : memref<96x128xf32, #tpu.memory_space<vmem_shared>>) target_semaphore(%run_scoped3A : memref<!tpu.dma_semaphore, #tpu.memory_space<semaphore_mem>>)
      %dma_wait3A = arith.constant 0 : i32
      %dma_wait3A_87 = arith.constant 0 : i32
      %dma_wait3A_88 = tpu.memref_slice %arg7[%dma_wait3A, %dma_wait3A_87] : memref<96x128xf32, #tpu.memory_space<vmem>> -> memref<96x128xf32, #tpu.memory_space<vmem>>
      %dma_wait3A_89 = arith.constant 0 : i32
      %dma_wait3A_90 = tpu.memref_slice %arg9[%add3A_8, %dma_wait3A_89] : memref<10112x128xf32, #tpu.memory_space<vmem_shared>> -> memref<96x128xf32, #tpu.memory_space<vmem_shared>>
      %dma_wait3A_91 = arith.constant 0 : i32
      %dma_wait3A_92 = tpu.memref_slice %arg9[%add3A_8, %dma_wait3A_91] : memref<10112x128xf32, #tpu.memory_space<vmem_shared>> -> memref<96x128xf32, #tpu.memory_space<vmem_shared>>
      %dma_wait3A_93 = arith.constant 0 : i32
      %dma_wait3A_94 = arith.constant 0 : i32
      %dma_wait3A_95 = tpu.memref_slice %arg7[%dma_wait3A_93, %dma_wait3A_94] : memref<96x128xf32, #tpu.memory_space<vmem>> -> memref<96x128xf32, #tpu.memory_space<vmem>>
      tpu.wait_dma2 semaphore(%run_scoped3A : memref<!tpu.dma_semaphore, #tpu.memory_space<semaphore_mem>>) src(%dma_wait3A_95 : memref<96x128xf32, #tpu.memory_space<vmem>>) dst(%dma_wait3A_92 : memref<96x128xf32, #tpu.memory_space<vmem_shared>>)
      tpu.yield
    }) : () -> ()
    %mul3A_9 = arith.constant 632 : i32
    %mul3A_10 = arith.muli %arg1, %mul3A_9 : i32
    %add3A_11 = arith.constant 96 : i32
    %add3A_12 = arith.addi %mul3A_10, %add3A_11 : i32
    "tpu.region"() ({
      %run_scoped3A = tpu.sem_alloc : memref<!tpu.dma_semaphore, #tpu.memory_space<semaphore_mem>>
      %dma_start3A = arith.constant 0 : i32
      %dma_start3A_78 = arith.constant 0 : i32
      %dma_start3A_79 = tpu.memref_slice %arg7[%dma_start3A, %dma_start3A_78] : memref<96x128xf32, #tpu.memory_space<vmem>> -> memref<96x128xf32, #tpu.memory_space<vmem>>
      %dma_start3A_80 = arith.constant 0 : i32
      %dma_start3A_81 = tpu.memref_slice %arg9[%add3A_12, %dma_start3A_80] : memref<10112x128xf32, #tpu.memory_space<vmem_shared>> -> memref<96x128xf32, #tpu.memory_space<vmem_shared>>
      %dma_start3A_82 = arith.constant 0 : i32
      %dma_start3A_83 = tpu.memref_slice %arg9[%add3A_12, %dma_start3A_82] : memref<10112x128xf32, #tpu.memory_space<vmem_shared>> -> memref<96x128xf32, #tpu.memory_space<vmem_shared>>
      %dma_start3A_84 = arith.constant 0 : i32
      %dma_start3A_85 = arith.constant 0 : i32
      %dma_start3A_86 = tpu.memref_slice %arg7[%dma_start3A_84, %dma_start3A_85] : memref<96x128xf32, #tpu.memory_space<vmem>> -> memref<96x128xf32, #tpu.memory_space<vmem>>
      tpu.enqueue_dma source(%dma_start3A_86 : memref<96x128xf32, #tpu.memory_space<vmem>>) target(%dma_start3A_83 : memref<96x128xf32, #tpu.memory_space<vmem_shared>>) target_semaphore(%run_scoped3A : memref<!tpu.dma_semaphore, #tpu.memory_space<semaphore_mem>>)
      %dma_wait3A = arith.constant 0 : i32
      %dma_wait3A_87 = arith.constant 0 : i32
      %dma_wait3A_88 = tpu.memref_slice %arg7[%dma_wait3A, %dma_wait3A_87] : memref<96x128xf32, #tpu.memory_space<vmem>> -> memref<96x128xf32, #tpu.memory_space<vmem>>
      %dma_wait3A_89 = arith.constant 0 : i32
      %dma_wait3A_90 = tpu.memref_slice %arg9[%add3A_12, %dma_wait3A_89] : memref<10112x128xf32, #tpu.memory_space<vmem_shared>> -> memref<96x128xf32, #tpu.memory_space<vmem_shared>>
      %dma_wait3A_91 = arith.constant 0 : i32
      %dma_wait3A_92 = tpu.memref_slice %arg9[%add3A_12, %dma_wait3A_91] : memref<10112x128xf32, #tpu.memory_space<vmem_shared>> -> memref<96x128xf32, #tpu.memory_space<vmem_shared>>
      %dma_wait3A_93 = arith.constant 0 : i32
      %dma_wait3A_94 = arith.constant 0 : i32
      %dma_wait3A_95 = tpu.memref_slice %arg7[%dma_wait3A_93, %dma_wait3A_94] : memref<96x128xf32, #tpu.memory_space<vmem>> -> memref<96x128xf32, #tpu.memory_space<vmem>>
      tpu.wait_dma2 semaphore(%run_scoped3A : memref<!tpu.dma_semaphore, #tpu.memory_space<semaphore_mem>>) src(%dma_wait3A_95 : memref<96x128xf32, #tpu.memory_space<vmem>>) dst(%dma_wait3A_92 : memref<96x128xf32, #tpu.memory_space<vmem_shared>>)
      tpu.yield
    }) : () -> ()
    %mul3A_13 = arith.constant 632 : i32
    %mul3A_14 = arith.muli %arg1, %mul3A_13 : i32
    %add3A_15 = arith.constant 192 : i32
    %add3A_16 = arith.addi %mul3A_14, %add3A_15 : i32
    "tpu.region"() ({
      %run_scoped3A = tpu.sem_alloc : memref<!tpu.dma_semaphore, #tpu.memory_space<semaphore_mem>>
      %dma_start3A = arith.constant 0 : i32
      %dma_start3A_78 = arith.constant 0 : i32
      %dma_start3A_79 = tpu.memref_slice %arg7[%dma_start3A, %dma_start3A_78] : memref<96x128xf32, #tpu.memory_space<vmem>> -> memref<96x128xf32, #tpu.memory_space<vmem>>
      %dma_start3A_80 = arith.constant 0 : i32
      %dma_start3A_81 = tpu.memref_slice %arg9[%add3A_16, %dma_start3A_80] : memref<10112x128xf32, #tpu.memory_space<vmem_shared>> -> memref<96x128xf32, #tpu.memory_space<vmem_shared>>
      %dma_start3A_82 = arith.constant 0 : i32
      %dma_start3A_83 = tpu.memref_slice %arg9[%add3A_16, %dma_start3A_82] : memref<10112x128xf32, #tpu.memory_space<vmem_shared>> -> memref<96x128xf32, #tpu.memory_space<vmem_shared>>
      %dma_start3A_84 = arith.constant 0 : i32
      %dma_start3A_85 = arith.constant 0 : i32
      %dma_start3A_86 = tpu.memref_slice %arg7[%dma_start3A_84, %dma_start3A_85] : memref<96x128xf32, #tpu.memory_space<vmem>> -> memref<96x128xf32, #tpu.memory_space<vmem>>
      tpu.enqueue_dma source(%dma_start3A_86 : memref<96x128xf32, #tpu.memory_space<vmem>>) target(%dma_start3A_83 : memref<96x128xf32, #tpu.memory_space<vmem_shared>>) target_semaphore(%run_scoped3A : memref<!tpu.dma_semaphore, #tpu.memory_space<semaphore_mem>>)
      %dma_wait3A = arith.constant 0 : i32
      %dma_wait3A_87 = arith.constant 0 : i32
      %dma_wait3A_88 = tpu.memref_slice %arg7[%dma_wait3A, %dma_wait3A_87] : memref<96x128xf32, #tpu.memory_space<vmem>> -> memref<96x128xf32, #tpu.memory_space<vmem>>
      %dma_wait3A_89 = arith.constant 0 : i32
      %dma_wait3A_90 = tpu.memref_slice %arg9[%add3A_16, %dma_wait3A_89] : memref<10112x128xf32, #tpu.memory_space<vmem_shared>> -> memref<96x128xf32, #tpu.memory_space<vmem_shared>>
      %dma_wait3A_91 = arith.constant 0 : i32
      %dma_wait3A_92 = tpu.memref_slice %arg9[%add3A_16, %dma_wait3A_91] : memref<10112x128xf32, #tpu.memory_space<vmem_shared>> -> memref<96x128xf32, #tpu.memory_space<vmem_shared>>
      %dma_wait3A_93 = arith.constant 0 : i32
      %dma_wait3A_94 = arith.constant 0 : i32
      %dma_wait3A_95 = tpu.memref_slice %arg7[%dma_wait3A_93, %dma_wait3A_94] : memref<96x128xf32, #tpu.memory_space<vmem>> -> memref<96x128xf32, #tpu.memory_space<vmem>>
      tpu.wait_dma2 semaphore(%run_scoped3A : memref<!tpu.dma_semaphore, #tpu.memory_space<semaphore_mem>>) src(%dma_wait3A_95 : memref<96x128xf32, #tpu.memory_space<vmem>>) dst(%dma_wait3A_92 : memref<96x128xf32, #tpu.memory_space<vmem_shared>>)
      tpu.yield
    }) : () -> ()
    %mul3A_17 = arith.constant 632 : i32
    %mul3A_18 = arith.muli %arg1, %mul3A_17 : i32
    %add3A_19 = arith.constant 288 : i32
    %add3A_20 = arith.addi %mul3A_18, %add3A_19 : i32
    "tpu.region"() ({
      %run_scoped3A = tpu.sem_alloc : memref<!tpu.dma_semaphore, #tpu.memory_space<semaphore_mem>>
      %dma_start3A = arith.constant 0 : i32
      %dma_start3A_78 = arith.constant 0 : i32
      %dma_start3A_79 = tpu.memref_slice %arg7[%dma_start3A, %dma_start3A_78] : memref<96x128xf32, #tpu.memory_space<vmem>> -> memref<96x128xf32, #tpu.memory_space<vmem>>
      %dma_start3A_80 = arith.constant 0 : i32
      %dma_start3A_81 = tpu.memref_slice %arg9[%add3A_20, %dma_start3A_80] : memref<10112x128xf32, #tpu.memory_space<vmem_shared>> -> memref<96x128xf32, #tpu.memory_space<vmem_shared>>
      %dma_start3A_82 = arith.constant 0 : i32
      %dma_start3A_83 = tpu.memref_slice %arg9[%add3A_20, %dma_start3A_82] : memref<10112x128xf32, #tpu.memory_space<vmem_shared>> -> memref<96x128xf32, #tpu.memory_space<vmem_shared>>
      %dma_start3A_84 = arith.constant 0 : i32
      %dma_start3A_85 = arith.constant 0 : i32
      %dma_start3A_86 = tpu.memref_slice %arg7[%dma_start3A_84, %dma_start3A_85] : memref<96x128xf32, #tpu.memory_space<vmem>> -> memref<96x128xf32, #tpu.memory_space<vmem>>
      tpu.enqueue_dma source(%dma_start3A_86 : memref<96x128xf32, #tpu.memory_space<vmem>>) target(%dma_start3A_83 : memref<96x128xf32, #tpu.memory_space<vmem_shared>>) target_semaphore(%run_scoped3A : memref<!tpu.dma_semaphore, #tpu.memory_space<semaphore_mem>>)
      %dma_wait3A = arith.constant 0 : i32
      %dma_wait3A_87 = arith.constant 0 : i32
      %dma_wait3A_88 = tpu.memref_slice %arg7[%dma_wait3A, %dma_wait3A_87] : memref<96x128xf32, #tpu.memory_space<vmem>> -> memref<96x128xf32, #tpu.memory_space<vmem>>
      %dma_wait3A_89 = arith.constant 0 : i32
      %dma_wait3A_90 = tpu.memref_slice %arg9[%add3A_20, %dma_wait3A_89] : memref<10112x128xf32, #tpu.memory_space<vmem_shared>> -> memref<96x128xf32, #tpu.memory_space<vmem_shared>>
      %dma_wait3A_91 = arith.constant 0 : i32
      %dma_wait3A_92 = tpu.memref_slice %arg9[%add3A_20, %dma_wait3A_91] : memref<10112x128xf32, #tpu.memory_space<vmem_shared>> -> memref<96x128xf32, #tpu.memory_space<vmem_shared>>
      %dma_wait3A_93 = arith.constant 0 : i32
      %dma_wait3A_94 = arith.constant 0 : i32
      %dma_wait3A_95 = tpu.memref_slice %arg7[%dma_wait3A_93, %dma_wait3A_94] : memref<96x128xf32, #tpu.memory_space<vmem>> -> memref<96x128xf32, #tpu.memory_space<vmem>>
      tpu.wait_dma2 semaphore(%run_scoped3A : memref<!tpu.dma_semaphore, #tpu.memory_space<semaphore_mem>>) src(%dma_wait3A_95 : memref<96x128xf32, #tpu.memory_space<vmem>>) dst(%dma_wait3A_92 : memref<96x128xf32, #tpu.memory_space<vmem_shared>>)
      tpu.yield
    }) : () -> ()
    %mul3A_21 = arith.constant 632 : i32
    %mul3A_22 = arith.muli %arg1, %mul3A_21 : i32
    %add3A_23 = arith.constant 384 : i32
    %add3A_24 = arith.addi %mul3A_22, %add3A_23 : i32
    "tpu.region"() ({
      %run_scoped3A = tpu.sem_alloc : memref<!tpu.dma_semaphore, #tpu.memory_space<semaphore_mem>>
      %dma_start3A = arith.constant 0 : i32
      %dma_start3A_78 = arith.constant 0 : i32
      %dma_start3A_79 = tpu.memref_slice %arg7[%dma_start3A, %dma_start3A_78] : memref<96x128xf32, #tpu.memory_space<vmem>> -> memref<96x128xf32, #tpu.memory_space<vmem>>
      %dma_start3A_80 = arith.constant 0 : i32
      %dma_start3A_81 = tpu.memref_slice %arg9[%add3A_24, %dma_start3A_80] : memref<10112x128xf32, #tpu.memory_space<vmem_shared>> -> memref<96x128xf32, #tpu.memory_space<vmem_shared>>
      %dma_start3A_82 = arith.constant 0 : i32
      %dma_start3A_83 = tpu.memref_slice %arg9[%add3A_24, %dma_start3A_82] : memref<10112x128xf32, #tpu.memory_space<vmem_shared>> -> memref<96x128xf32, #tpu.memory_space<vmem_shared>>
      %dma_start3A_84 = arith.constant 0 : i32
      %dma_start3A_85 = arith.constant 0 : i32
      %dma_start3A_86 = tpu.memref_slice %arg7[%dma_start3A_84, %dma_start3A_85] : memref<96x128xf32, #tpu.memory_space<vmem>> -> memref<96x128xf32, #tpu.memory_space<vmem>>
      tpu.enqueue_dma source(%dma_start3A_86 : memref<96x128xf32, #tpu.memory_space<vmem>>) target(%dma_start3A_83 : memref<96x128xf32, #tpu.memory_space<vmem_shared>>) target_semaphore(%run_scoped3A : memref<!tpu.dma_semaphore, #tpu.memory_space<semaphore_mem>>)
      %dma_wait3A = arith.constant 0 : i32
      %dma_wait3A_87 = arith.constant 0 : i32
      %dma_wait3A_88 = tpu.memref_slice %arg7[%dma_wait3A, %dma_wait3A_87] : memref<96x128xf32, #tpu.memory_space<vmem>> -> memref<96x128xf32, #tpu.memory_space<vmem>>
      %dma_wait3A_89 = arith.constant 0 : i32
      %dma_wait3A_90 = tpu.memref_slice %arg9[%add3A_24, %dma_wait3A_89] : memref<10112x128xf32, #tpu.memory_space<vmem_shared>> -> memref<96x128xf32, #tpu.memory_space<vmem_shared>>
      %dma_wait3A_91 = arith.constant 0 : i32
      %dma_wait3A_92 = tpu.memref_slice %arg9[%add3A_24, %dma_wait3A_91] : memref<10112x128xf32, #tpu.memory_space<vmem_shared>> -> memref<96x128xf32, #tpu.memory_space<vmem_shared>>
      %dma_wait3A_93 = arith.constant 0 : i32
      %dma_wait3A_94 = arith.constant 0 : i32
      %dma_wait3A_95 = tpu.memref_slice %arg7[%dma_wait3A_93, %dma_wait3A_94] : memref<96x128xf32, #tpu.memory_space<vmem>> -> memref<96x128xf32, #tpu.memory_space<vmem>>
      tpu.wait_dma2 semaphore(%run_scoped3A : memref<!tpu.dma_semaphore, #tpu.memory_space<semaphore_mem>>) src(%dma_wait3A_95 : memref<96x128xf32, #tpu.memory_space<vmem>>) dst(%dma_wait3A_92 : memref<96x128xf32, #tpu.memory_space<vmem_shared>>)
      tpu.yield
    }) : () -> ()
    %mul3A_25 = arith.constant 632 : i32
    %mul3A_26 = arith.muli %arg1, %mul3A_25 : i32
    %add3A_27 = arith.constant 480 : i32
    %add3A_28 = arith.addi %mul3A_26, %add3A_27 : i32
    "tpu.region"() ({
      %run_scoped3A = tpu.sem_alloc : memref<!tpu.dma_semaphore, #tpu.memory_space<semaphore_mem>>
      %dma_start3A = arith.constant 0 : i32
      %dma_start3A_78 = arith.constant 0 : i32
      %dma_start3A_79 = tpu.memref_slice %arg7[%dma_start3A, %dma_start3A_78] : memref<96x128xf32, #tpu.memory_space<vmem>> -> memref<96x128xf32, #tpu.memory_space<vmem>>
      %dma_start3A_80 = arith.constant 0 : i32
      %dma_start3A_81 = tpu.memref_slice %arg9[%add3A_28, %dma_start3A_80] : memref<10112x128xf32, #tpu.memory_space<vmem_shared>> -> memref<96x128xf32, #tpu.memory_space<vmem_shared>>
      %dma_start3A_82 = arith.constant 0 : i32
      %dma_start3A_83 = tpu.memref_slice %arg9[%add3A_28, %dma_start3A_82] : memref<10112x128xf32, #tpu.memory_space<vmem_shared>> -> memref<96x128xf32, #tpu.memory_space<vmem_shared>>
      %dma_start3A_84 = arith.constant 0 : i32
      %dma_start3A_85 = arith.constant 0 : i32
      %dma_start3A_86 = tpu.memref_slice %arg7[%dma_start3A_84, %dma_start3A_85] : memref<96x128xf32, #tpu.memory_space<vmem>> -> memref<96x128xf32, #tpu.memory_space<vmem>>
      tpu.enqueue_dma source(%dma_start3A_86 : memref<96x128xf32, #tpu.memory_space<vmem>>) target(%dma_start3A_83 : memref<96x128xf32, #tpu.memory_space<vmem_shared>>) target_semaphore(%run_scoped3A : memref<!tpu.dma_semaphore, #tpu.memory_space<semaphore_mem>>)
      %dma_wait3A = arith.constant 0 : i32
      %dma_wait3A_87 = arith.constant 0 : i32
      %dma_wait3A_88 = tpu.memref_slice %arg7[%dma_wait3A, %dma_wait3A_87] : memref<96x128xf32, #tpu.memory_space<vmem>> -> memref<96x128xf32, #tpu.memory_space<vmem>>
      %dma_wait3A_89 = arith.constant 0 : i32
      %dma_wait3A_90 = tpu.memref_slice %arg9[%add3A_28, %dma_wait3A_89] : memref<10112x128xf32, #tpu.memory_space<vmem_shared>> -> memref<96x128xf32, #tpu.memory_space<vmem_shared>>
      %dma_wait3A_91 = arith.constant 0 : i32
      %dma_wait3A_92 = tpu.memref_slice %arg9[%add3A_28, %dma_wait3A_91] : memref<10112x128xf32, #tpu.memory_space<vmem_shared>> -> memref<96x128xf32, #tpu.memory_space<vmem_shared>>
      %dma_wait3A_93 = arith.constant 0 : i32
      %dma_wait3A_94 = arith.constant 0 : i32
      %dma_wait3A_95 = tpu.memref_slice %arg7[%dma_wait3A_93, %dma_wait3A_94] : memref<96x128xf32, #tpu.memory_space<vmem>> -> memref<96x128xf32, #tpu.memory_space<vmem>>
      tpu.wait_dma2 semaphore(%run_scoped3A : memref<!tpu.dma_semaphore, #tpu.memory_space<semaphore_mem>>) src(%dma_wait3A_95 : memref<96x128xf32, #tpu.memory_space<vmem>>) dst(%dma_wait3A_92 : memref<96x128xf32, #tpu.memory_space<vmem_shared>>)
      tpu.yield
    }) : () -> ()
    %mul3A_29 = arith.constant 632 : i32
    %mul3A_30 = arith.muli %arg1, %mul3A_29 : i32
    %add3A_31 = arith.constant 576 : i32
    %add3A_32 = arith.addi %mul3A_30, %add3A_31 : i32
    "tpu.region"() ({
      %run_scoped3A = tpu.sem_alloc : memref<!tpu.dma_semaphore, #tpu.memory_space<semaphore_mem>>
      %dma_start3A = arith.constant 0 : i32
      %dma_start3A_78 = arith.constant 0 : i32
      %dma_start3A_79 = tpu.memref_slice %arg7[%dma_start3A, %dma_start3A_78] : memref<96x128xf32, #tpu.memory_space<vmem>> -> memref<56x128xf32, #tpu.memory_space<vmem>>
      %dma_start3A_80 = arith.constant 0 : i32
      %dma_start3A_81 = tpu.memref_slice %arg9[%add3A_32, %dma_start3A_80] : memref<10112x128xf32, #tpu.memory_space<vmem_shared>> -> memref<56x128xf32, #tpu.memory_space<vmem_shared>>
      %dma_start3A_82 = arith.constant 0 : i32
      %dma_start3A_83 = tpu.memref_slice %arg9[%add3A_32, %dma_start3A_82] : memref<10112x128xf32, #tpu.memory_space<vmem_shared>> -> memref<56x128xf32, #tpu.memory_space<vmem_shared>>
      %dma_start3A_84 = arith.constant 0 : i32
      %dma_start3A_85 = arith.constant 0 : i32
      %dma_start3A_86 = tpu.memref_slice %arg7[%dma_start3A_84, %dma_start3A_85] : memref<96x128xf32, #tpu.memory_space<vmem>> -> memref<56x128xf32, #tpu.memory_space<vmem>>
      tpu.enqueue_dma source(%dma_start3A_86 : memref<56x128xf32, #tpu.memory_space<vmem>>) target(%dma_start3A_83 : memref<56x128xf32, #tpu.memory_space<vmem_shared>>) target_semaphore(%run_scoped3A : memref<!tpu.dma_semaphore, #tpu.memory_space<semaphore_mem>>)
      %dma_wait3A = arith.constant 0 : i32
      %dma_wait3A_87 = arith.constant 0 : i32
      %dma_wait3A_88 = tpu.memref_slice %arg7[%dma_wait3A, %dma_wait3A_87] : memref<96x128xf32, #tpu.memory_space<vmem>> -> memref<56x128xf32, #tpu.memory_space<vmem>>
      %dma_wait3A_89 = arith.constant 0 : i32
      %dma_wait3A_90 = tpu.memref_slice %arg9[%add3A_32, %dma_wait3A_89] : memref<10112x128xf32, #tpu.memory_space<vmem_shared>> -> memref<56x128xf32, #tpu.memory_space<vmem_shared>>
      %dma_wait3A_91 = arith.constant 0 : i32
      %dma_wait3A_92 = tpu.memref_slice %arg9[%add3A_32, %dma_wait3A_91] : memref<10112x128xf32, #tpu.memory_space<vmem_shared>> -> memref<56x128xf32, #tpu.memory_space<vmem_shared>>
      %dma_wait3A_93 = arith.constant 0 : i32
      %dma_wait3A_94 = arith.constant 0 : i32
      %dma_wait3A_95 = tpu.memref_slice %arg7[%dma_wait3A_93, %dma_wait3A_94] : memref<96x128xf32, #tpu.memory_space<vmem>> -> memref<56x128xf32, #tpu.memory_space<vmem>>
      tpu.wait_dma2 semaphore(%run_scoped3A : memref<!tpu.dma_semaphore, #tpu.memory_space<semaphore_mem>>) src(%dma_wait3A_95 : memref<56x128xf32, #tpu.memory_space<vmem>>) dst(%dma_wait3A_92 : memref<56x128xf32, #tpu.memory_space<vmem_shared>>)
      tpu.yield
    }) : () -> ()
    %barrier3A = arith.constant 0 : index
    tpu.barrier barrier_id(%barrier3A)
    %eq3A = arith.constant 0 : i32
    %eq3A_33 = arith.cmpi eq, %arg0, %eq3A : i32
    %mul3A_34 = arith.constant 128 : i32
    %mul3A_35 = arith.muli %arg1, %mul3A_34 : i32
    %mul3A_36 = arith.constant 82 : i32
    %mul3A_37 = arith.muli %arg1, %mul3A_36 : i32
    %add3A_38 = arith.constant 2048 : i32
    %add3A_39 = arith.addi %add3A_38, %mul3A_37 : i32
    %select_n3A = arith.select %eq3A_33, %mul3A_35, %add3A_39 : i32
    %eq3A_40 = arith.constant 0 : i32
    %eq3A_41 = arith.cmpi eq, %arg0, %eq3A_40 : i32
    %jit3A = arith.constant 64 : i32
    %jit3A_42 = arith.constant 41 : i32
    %select_n3A_43 = arith.select %eq3A_41, %jit3A, %jit3A_42 : i32
    %scan3A_44 = arith.constant 0 : i32
    %scan3A_45 = arith.constant 64 : i32
    %scan3A_46 = arith.addi %scan3A_44, %scan3A_45 : i32
    %scan3A_47 = arith.constant 1 : i32
    scf.for %scan3A_78 = %scan3A_44 to %scan3A_46 step %scan3A_47  : i32 {
      %mul3A_79 = arith.constant 1 : i32
      %mul3A_80 = arith.muli %scan3A_78, %mul3A_79 : i32
      %add3A_81 = arith.constant 0 : i32
      %add3A_82 = arith.addi %add3A_81, %mul3A_80 : i32
      %lt3A = arith.cmpi slt, %add3A_82, %select_n3A_43 : i32
      %convert_element_type3A = arith.extui %lt3A : i1 to i32
      %cond3A = arith.constant 0 : i32
      %cond3A_83 = arith.cmpi ne, %convert_element_type3A, %cond3A : i32
      scf.if %cond3A_83 {
        %mul3A_84 = arith.constant 2 : i32
        %mul3A_85 = arith.muli %add3A_82, %mul3A_84 : i32
        %add3A_86 = arith.addi %select_n3A, %mul3A_85 : i32
        "tpu.region"() ({
          %run_scoped3A = tpu.sem_alloc : memref<!tpu.dma_semaphore, #tpu.memory_space<semaphore_mem>>
          %dma_start3A_143 = arith.constant 0 : i32
          %dma_start3A_144 = arith.constant 0 : i32
          %dma_start3A_145 = tpu.memref_slice %arg3[%add3A_86, %dma_start3A_143, %dma_start3A_144] : memref<3360x2x96xi32, #tpu.memory_space<hbm>> -> memref<1x2x96xi32, #tpu.memory_space<hbm>>
          %dma_start3A_146 = tpu.memref_squeeze %dma_start3A_145 : memref<1x2x96xi32, #tpu.memory_space<hbm>> -> memref<2x96xi32, #tpu.memory_space<hbm>>
          %dma_start3A_147 = arith.constant 0 : i32
          %dma_start3A_148 = arith.constant 0 : i32
          %dma_start3A_149 = tpu.memref_slice %arg3[%add3A_86, %dma_start3A_147, %dma_start3A_148] : memref<3360x2x96xi32, #tpu.memory_space<hbm>> -> memref<1x2x96xi32, #tpu.memory_space<hbm>>
          %dma_start3A_150 = tpu.memref_squeeze %dma_start3A_149 : memref<1x2x96xi32, #tpu.memory_space<hbm>> -> memref<2x96xi32, #tpu.memory_space<hbm>>
          tpu.enqueue_dma source(%dma_start3A_150 : memref<2x96xi32, #tpu.memory_space<hbm>>) target(%arg5 : memref<2x96xi32, #tpu.memory_space<vmem>>) target_semaphore(%run_scoped3A : memref<!tpu.dma_semaphore, #tpu.memory_space<semaphore_mem>>)
          %dma_wait3A_151 = arith.constant 0 : i32
          %dma_wait3A_152 = arith.constant 0 : i32
          %dma_wait3A_153 = tpu.memref_slice %arg3[%add3A_86, %dma_wait3A_151, %dma_wait3A_152] : memref<3360x2x96xi32, #tpu.memory_space<hbm>> -> memref<1x2x96xi32, #tpu.memory_space<hbm>>
          %dma_wait3A_154 = tpu.memref_squeeze %dma_wait3A_153 : memref<1x2x96xi32, #tpu.memory_space<hbm>> -> memref<2x96xi32, #tpu.memory_space<hbm>>
          %dma_wait3A_155 = arith.constant 0 : i32
          %dma_wait3A_156 = arith.constant 0 : i32
          %dma_wait3A_157 = tpu.memref_slice %arg3[%add3A_86, %dma_wait3A_155, %dma_wait3A_156] : memref<3360x2x96xi32, #tpu.memory_space<hbm>> -> memref<1x2x96xi32, #tpu.memory_space<hbm>>
          %dma_wait3A_158 = tpu.memref_squeeze %dma_wait3A_157 : memref<1x2x96xi32, #tpu.memory_space<hbm>> -> memref<2x96xi32, #tpu.memory_space<hbm>>
          tpu.wait_dma2 semaphore(%run_scoped3A : memref<!tpu.dma_semaphore, #tpu.memory_space<semaphore_mem>>) src(%dma_wait3A_158 : memref<2x96xi32, #tpu.memory_space<hbm>>) dst(%arg5 : memref<2x96xi32, #tpu.memory_space<vmem>>)
          tpu.yield
        }) : () -> ()
        %dma_start3A = arith.constant 1 : i32
        %dma_start3A_87 = arith.constant 0 : i32
        %dma_start3A_88 = tpu.memref_slice %arg5[%dma_start3A, %dma_start3A_87] : memref<2x96xi32, #tpu.memory_space<vmem>> -> memref<1x96xi32, #tpu.memory_space<vmem>>
        %dma_start3A_89 = tpu.memref_squeeze %dma_start3A_88 : memref<1x96xi32, #tpu.memory_space<vmem>> -> memref<96xi32, #tpu.memory_space<vmem>>
        %dma_start3A_90 = arith.constant 0 : i32
        %dma_start3A_91 = arith.constant 0 : i32
        %dma_start3A_92 = tpu.memref_slice %arg2[%dma_start3A_90, %dma_start3A_91] : memref<10112x128xf32, #tpu.memory_space<hbm>> -> memref<10112x128xf32, #tpu.memory_space<hbm>>
        tpu.enqueue_indirect_dma source(%dma_start3A_92 : memref<10112x128xf32, #tpu.memory_space<hbm>>) target(%arg7 : memref<96x128xf32, #tpu.memory_space<vmem>>) offsets(%dma_start3A_89 : memref<96xi32, #tpu.memory_space<vmem>>) semaphore(%arg10 : memref<!tpu.dma_semaphore, #tpu.memory_space<semaphore_mem>>)
        %add3A_93 = arith.constant 1 : i32
        %add3A_94 = arith.addi %add3A_86, %add3A_93 : i32
        "tpu.region"() ({
          %run_scoped3A = tpu.sem_alloc : memref<!tpu.dma_semaphore, #tpu.memory_space<semaphore_mem>>
          %dma_start3A_143 = arith.constant 0 : i32
          %dma_start3A_144 = arith.constant 0 : i32
          %dma_start3A_145 = tpu.memref_slice %arg3[%add3A_94, %dma_start3A_143, %dma_start3A_144] : memref<3360x2x96xi32, #tpu.memory_space<hbm>> -> memref<1x2x96xi32, #tpu.memory_space<hbm>>
          %dma_start3A_146 = tpu.memref_squeeze %dma_start3A_145 : memref<1x2x96xi32, #tpu.memory_space<hbm>> -> memref<2x96xi32, #tpu.memory_space<hbm>>
          %dma_start3A_147 = arith.constant 0 : i32
          %dma_start3A_148 = arith.constant 0 : i32
          %dma_start3A_149 = tpu.memref_slice %arg3[%add3A_94, %dma_start3A_147, %dma_start3A_148] : memref<3360x2x96xi32, #tpu.memory_space<hbm>> -> memref<1x2x96xi32, #tpu.memory_space<hbm>>
          %dma_start3A_150 = tpu.memref_squeeze %dma_start3A_149 : memref<1x2x96xi32, #tpu.memory_space<hbm>> -> memref<2x96xi32, #tpu.memory_space<hbm>>
          tpu.enqueue_dma source(%dma_start3A_150 : memref<2x96xi32, #tpu.memory_space<hbm>>) target(%arg6 : memref<2x96xi32, #tpu.memory_space<vmem>>) target_semaphore(%run_scoped3A : memref<!tpu.dma_semaphore, #tpu.memory_space<semaphore_mem>>)
          %dma_wait3A_151 = arith.constant 0 : i32
          %dma_wait3A_152 = arith.constant 0 : i32
          %dma_wait3A_153 = tpu.memref_slice %arg3[%add3A_94, %dma_wait3A_151, %dma_wait3A_152] : memref<3360x2x96xi32, #tpu.memory_space<hbm>> -> memref<1x2x96xi32, #tpu.memory_space<hbm>>
          %dma_wait3A_154 = tpu.memref_squeeze %dma_wait3A_153 : memref<1x2x96xi32, #tpu.memory_space<hbm>> -> memref<2x96xi32, #tpu.memory_space<hbm>>
          %dma_wait3A_155 = arith.constant 0 : i32
          %dma_wait3A_156 = arith.constant 0 : i32
          %dma_wait3A_157 = tpu.memref_slice %arg3[%add3A_94, %dma_wait3A_155, %dma_wait3A_156] : memref<3360x2x96xi32, #tpu.memory_space<hbm>> -> memref<1x2x96xi32, #tpu.memory_space<hbm>>
          %dma_wait3A_158 = tpu.memref_squeeze %dma_wait3A_157 : memref<1x2x96xi32, #tpu.memory_space<hbm>> -> memref<2x96xi32, #tpu.memory_space<hbm>>
          tpu.wait_dma2 semaphore(%run_scoped3A : memref<!tpu.dma_semaphore, #tpu.memory_space<semaphore_mem>>) src(%dma_wait3A_158 : memref<2x96xi32, #tpu.memory_space<hbm>>) dst(%arg6 : memref<2x96xi32, #tpu.memory_space<vmem>>)
          tpu.yield
        }) : () -> ()
        %dma_start3A_95 = arith.constant 1 : i32
        %dma_start3A_96 = arith.constant 0 : i32
        %dma_start3A_97 = tpu.memref_slice %arg6[%dma_start3A_95, %dma_start3A_96] : memref<2x96xi32, #tpu.memory_space<vmem>> -> memref<1x96xi32, #tpu.memory_space<vmem>>
        %dma_start3A_98 = tpu.memref_squeeze %dma_start3A_97 : memref<1x96xi32, #tpu.memory_space<vmem>> -> memref<96xi32, #tpu.memory_space<vmem>>
        %dma_start3A_99 = arith.constant 0 : i32
        %dma_start3A_100 = arith.constant 0 : i32
        %dma_start3A_101 = tpu.memref_slice %arg2[%dma_start3A_99, %dma_start3A_100] : memref<10112x128xf32, #tpu.memory_space<hbm>> -> memref<10112x128xf32, #tpu.memory_space<hbm>>
        tpu.enqueue_indirect_dma source(%dma_start3A_101 : memref<10112x128xf32, #tpu.memory_space<hbm>>) target(%arg8 : memref<96x128xf32, #tpu.memory_space<vmem>>) offsets(%dma_start3A_98 : memref<96xi32, #tpu.memory_space<vmem>>) semaphore(%arg11 : memref<!tpu.dma_semaphore, #tpu.memory_space<semaphore_mem>>)
        %dma_wait3A = arith.constant 1 : i32
        %dma_wait3A_102 = arith.constant 0 : i32
        %dma_wait3A_103 = tpu.memref_slice %arg5[%dma_wait3A, %dma_wait3A_102] : memref<2x96xi32, #tpu.memory_space<vmem>> -> memref<1x96xi32, #tpu.memory_space<vmem>>
        %dma_wait3A_104 = tpu.memref_squeeze %dma_wait3A_103 : memref<1x96xi32, #tpu.memory_space<vmem>> -> memref<96xi32, #tpu.memory_space<vmem>>
        %dma_wait3A_105 = arith.constant 0 : i32
        %dma_wait3A_106 = arith.constant 0 : i32
        %dma_wait3A_107 = tpu.memref_slice %arg2[%dma_wait3A_105, %dma_wait3A_106] : memref<10112x128xf32, #tpu.memory_space<hbm>> -> memref<10112x128xf32, #tpu.memory_space<hbm>>
        tpu.wait_indirect_dma semaphore(%arg10 : memref<!tpu.dma_semaphore, #tpu.memory_space<semaphore_mem>>) src(%dma_wait3A_107 : memref<10112x128xf32, #tpu.memory_space<hbm>>) dst(%arg7 : memref<96x128xf32, #tpu.memory_space<vmem>>)
        %dma_start3A_108 = arith.constant 0 : i32
        %dma_start3A_109 = arith.constant 0 : i32
        %dma_start3A_110 = tpu.memref_slice %arg5[%dma_start3A_108, %dma_start3A_109] : memref<2x96xi32, #tpu.memory_space<vmem>> -> memref<1x96xi32, #tpu.memory_space<vmem>>
        %dma_start3A_111 = tpu.memref_squeeze %dma_start3A_110 : memref<1x96xi32, #tpu.memory_space<vmem>> -> memref<96xi32, #tpu.memory_space<vmem>>
        %dma_start3A_112 = arith.constant 0 : i32
        %dma_start3A_113 = arith.constant 0 : i32
        %dma_start3A_114 = tpu.memref_slice %arg9[%dma_start3A_112, %dma_start3A_113] : memref<10112x128xf32, #tpu.memory_space<vmem_shared>> -> memref<10112x128xf32, #tpu.memory_space<vmem_shared>>
        tpu.enqueue_indirect_dma source(%arg7 : memref<96x128xf32, #tpu.memory_space<vmem>>) target(%dma_start3A_114 : memref<10112x128xf32, #tpu.memory_space<vmem_shared>>) offsets(%dma_start3A_111 : memref<96xi32, #tpu.memory_space<vmem>>) semaphore(%arg12 : memref<!tpu.dma_semaphore, #tpu.memory_space<semaphore_mem>>) {add = true}
        %dma_wait3A_115 = arith.constant 1 : i32
        %dma_wait3A_116 = arith.constant 0 : i32
        %dma_wait3A_117 = tpu.memref_slice %arg6[%dma_wait3A_115, %dma_wait3A_116] : memref<2x96xi32, #tpu.memory_space<vmem>> -> memref<1x96xi32, #tpu.memory_space<vmem>>
        %dma_wait3A_118 = tpu.memref_squeeze %dma_wait3A_117 : memref<1x96xi32, #tpu.memory_space<vmem>> -> memref<96xi32, #tpu.memory_space<vmem>>
        %dma_wait3A_119 = arith.constant 0 : i32
        %dma_wait3A_120 = arith.constant 0 : i32
        %dma_wait3A_121 = tpu.memref_slice %arg2[%dma_wait3A_119, %dma_wait3A_120] : memref<10112x128xf32, #tpu.memory_space<hbm>> -> memref<10112x128xf32, #tpu.memory_space<hbm>>
        tpu.wait_indirect_dma semaphore(%arg11 : memref<!tpu.dma_semaphore, #tpu.memory_space<semaphore_mem>>) src(%dma_wait3A_121 : memref<10112x128xf32, #tpu.memory_space<hbm>>) dst(%arg8 : memref<96x128xf32, #tpu.memory_space<vmem>>)
        %dma_start3A_122 = arith.constant 0 : i32
        %dma_start3A_123 = arith.constant 0 : i32
        %dma_start3A_124 = tpu.memref_slice %arg6[%dma_start3A_122, %dma_start3A_123] : memref<2x96xi32, #tpu.memory_space<vmem>> -> memref<1x96xi32, #tpu.memory_space<vmem>>
        %dma_start3A_125 = tpu.memref_squeeze %dma_start3A_124 : memref<1x96xi32, #tpu.memory_space<vmem>> -> memref<96xi32, #tpu.memory_space<vmem>>
        %dma_start3A_126 = arith.constant 0 : i32
        %dma_start3A_127 = arith.constant 0 : i32
        %dma_start3A_128 = tpu.memref_slice %arg9[%dma_start3A_126, %dma_start3A_127] : memref<10112x128xf32, #tpu.memory_space<vmem_shared>> -> memref<10112x128xf32, #tpu.memory_space<vmem_shared>>
        tpu.enqueue_indirect_dma source(%arg8 : memref<96x128xf32, #tpu.memory_space<vmem>>) target(%dma_start3A_128 : memref<10112x128xf32, #tpu.memory_space<vmem_shared>>) offsets(%dma_start3A_125 : memref<96xi32, #tpu.memory_space<vmem>>) semaphore(%arg13 : memref<!tpu.dma_semaphore, #tpu.memory_space<semaphore_mem>>) {add = true}
        %dma_wait3A_129 = arith.constant 0 : i32
        %dma_wait3A_130 = arith.constant 0 : i32
        %dma_wait3A_131 = tpu.memref_slice %arg5[%dma_wait3A_129, %dma_wait3A_130] : memref<2x96xi32, #tpu.memory_space<vmem>> -> memref<1x96xi32, #tpu.memory_space<vmem>>
        %dma_wait3A_132 = tpu.memref_squeeze %dma_wait3A_131 : memref<1x96xi32, #tpu.memory_space<vmem>> -> memref<96xi32, #tpu.memory_space<vmem>>
        %dma_wait3A_133 = arith.constant 0 : i32
        %dma_wait3A_134 = arith.constant 0 : i32
        %dma_wait3A_135 = tpu.memref_slice %arg9[%dma_wait3A_133, %dma_wait3A_134] : memref<10112x128xf32, #tpu.memory_space<vmem_shared>> -> memref<10112x128xf32, #tpu.memory_space<vmem_shared>>
        tpu.wait_indirect_dma semaphore(%arg12 : memref<!tpu.dma_semaphore, #tpu.memory_space<semaphore_mem>>) src(%arg7 : memref<96x128xf32, #tpu.memory_space<vmem>>) dst(%dma_wait3A_135 : memref<10112x128xf32, #tpu.memory_space<vmem_shared>>)
        %dma_wait3A_136 = arith.constant 0 : i32
        %dma_wait3A_137 = arith.constant 0 : i32
        %dma_wait3A_138 = tpu.memref_slice %arg6[%dma_wait3A_136, %dma_wait3A_137] : memref<2x96xi32, #tpu.memory_space<vmem>> -> memref<1x96xi32, #tpu.memory_space<vmem>>
        %dma_wait3A_139 = tpu.memref_squeeze %dma_wait3A_138 : memref<1x96xi32, #tpu.memory_space<vmem>> -> memref<96xi32, #tpu.memory_space<vmem>>
        %dma_wait3A_140 = arith.constant 0 : i32
        %dma_wait3A_141 = arith.constant 0 : i32
        %dma_wait3A_142 = tpu.memref_slice %arg9[%dma_wait3A_140, %dma_wait3A_141] : memref<10112x128xf32, #tpu.memory_space<vmem_shared>> -> memref<10112x128xf32, #tpu.memory_space<vmem_shared>>
        tpu.wait_indirect_dma semaphore(%arg13 : memref<!tpu.dma_semaphore, #tpu.memory_space<semaphore_mem>>) src(%arg8 : memref<96x128xf32, #tpu.memory_space<vmem>>) dst(%dma_wait3A_142 : memref<10112x128xf32, #tpu.memory_space<vmem_shared>>)
      } else {
      }
    }
    %scan3A_48 = arith.constant 64 : i32
    %barrier3A_49 = arith.constant 0 : index
    tpu.barrier barrier_id(%barrier3A_49)
    %mul3A_50 = arith.constant 632 : i32
    %mul3A_51 = arith.muli %arg1, %mul3A_50 : i32
    %add3A_52 = arith.constant 0 : i32
    %add3A_53 = arith.addi %mul3A_51, %add3A_52 : i32
    "tpu.region"() ({
      %run_scoped3A = tpu.sem_alloc : memref<!tpu.dma_semaphore, #tpu.memory_space<semaphore_mem>>
      %dma_start3A = arith.constant 0 : i32
      %dma_start3A_78 = arith.constant 0 : i32
      %dma_start3A_79 = tpu.memref_slice %arg4[%arg0, %dma_start3A, %dma_start3A_78] : memref<2x10112x128xf32, #tpu.memory_space<hbm>> -> memref<1x10112x128xf32, #tpu.memory_space<hbm>>
      %dma_start3A_80 = tpu.memref_squeeze %dma_start3A_79 : memref<1x10112x128xf32, #tpu.memory_space<hbm>> -> memref<10112x128xf32, #tpu.memory_space<hbm>>
      %dma_start3A_81 = arith.constant 0 : i32
      %dma_start3A_82 = tpu.memref_slice %dma_start3A_80[%add3A_53, %dma_start3A_81] : memref<10112x128xf32, #tpu.memory_space<hbm>> -> memref<96x128xf32, #tpu.memory_space<hbm>>
      %dma_start3A_83 = arith.constant 0 : i32
      %dma_start3A_84 = tpu.memref_slice %arg9[%add3A_53, %dma_start3A_83] : memref<10112x128xf32, #tpu.memory_space<vmem_shared>> -> memref<96x128xf32, #tpu.memory_space<vmem_shared>>
      tpu.enqueue_dma source(%dma_start3A_84 : memref<96x128xf32, #tpu.memory_space<vmem_shared>>) target(%dma_start3A_82 : memref<96x128xf32, #tpu.memory_space<hbm>>) target_semaphore(%run_scoped3A : memref<!tpu.dma_semaphore, #tpu.memory_space<semaphore_mem>>)
      %dma_wait3A = arith.constant 0 : i32
      %dma_wait3A_85 = arith.constant 0 : i32
      %dma_wait3A_86 = tpu.memref_slice %arg4[%arg0, %dma_wait3A, %dma_wait3A_85] : memref<2x10112x128xf32, #tpu.memory_space<hbm>> -> memref<1x10112x128xf32, #tpu.memory_space<hbm>>
      %dma_wait3A_87 = tpu.memref_squeeze %dma_wait3A_86 : memref<1x10112x128xf32, #tpu.memory_space<hbm>> -> memref<10112x128xf32, #tpu.memory_space<hbm>>
      %dma_wait3A_88 = arith.constant 0 : i32
      %dma_wait3A_89 = tpu.memref_slice %dma_wait3A_87[%add3A_53, %dma_wait3A_88] : memref<10112x128xf32, #tpu.memory_space<hbm>> -> memref<96x128xf32, #tpu.memory_space<hbm>>
      %dma_wait3A_90 = arith.constant 0 : i32
      %dma_wait3A_91 = tpu.memref_slice %arg9[%add3A_53, %dma_wait3A_90] : memref<10112x128xf32, #tpu.memory_space<vmem_shared>> -> memref<96x128xf32, #tpu.memory_space<vmem_shared>>
      tpu.wait_dma2 semaphore(%run_scoped3A : memref<!tpu.dma_semaphore, #tpu.memory_space<semaphore_mem>>) src(%dma_wait3A_91 : memref<96x128xf32, #tpu.memory_space<vmem_shared>>) dst(%dma_wait3A_89 : memref<96x128xf32, #tpu.memory_space<hbm>>)
      tpu.yield
    }) : () -> ()
    %mul3A_54 = arith.constant 632 : i32
    %mul3A_55 = arith.muli %arg1, %mul3A_54 : i32
    %add3A_56 = arith.constant 96 : i32
    %add3A_57 = arith.addi %mul3A_55, %add3A_56 : i32
    "tpu.region"() ({
      %run_scoped3A = tpu.sem_alloc : memref<!tpu.dma_semaphore, #tpu.memory_space<semaphore_mem>>
      %dma_start3A = arith.constant 0 : i32
      %dma_start3A_78 = arith.constant 0 : i32
      %dma_start3A_79 = tpu.memref_slice %arg4[%arg0, %dma_start3A, %dma_start3A_78] : memref<2x10112x128xf32, #tpu.memory_space<hbm>> -> memref<1x10112x128xf32, #tpu.memory_space<hbm>>
      %dma_start3A_80 = tpu.memref_squeeze %dma_start3A_79 : memref<1x10112x128xf32, #tpu.memory_space<hbm>> -> memref<10112x128xf32, #tpu.memory_space<hbm>>
      %dma_start3A_81 = arith.constant 0 : i32
      %dma_start3A_82 = tpu.memref_slice %dma_start3A_80[%add3A_57, %dma_start3A_81] : memref<10112x128xf32, #tpu.memory_space<hbm>> -> memref<96x128xf32, #tpu.memory_space<hbm>>
      %dma_start3A_83 = arith.constant 0 : i32
      %dma_start3A_84 = tpu.memref_slice %arg9[%add3A_57, %dma_start3A_83] : memref<10112x128xf32, #tpu.memory_space<vmem_shared>> -> memref<96x128xf32, #tpu.memory_space<vmem_shared>>
      tpu.enqueue_dma source(%dma_start3A_84 : memref<96x128xf32, #tpu.memory_space<vmem_shared>>) target(%dma_start3A_82 : memref<96x128xf32, #tpu.memory_space<hbm>>) target_semaphore(%run_scoped3A : memref<!tpu.dma_semaphore, #tpu.memory_space<semaphore_mem>>)
      %dma_wait3A = arith.constant 0 : i32
      %dma_wait3A_85 = arith.constant 0 : i32
      %dma_wait3A_86 = tpu.memref_slice %arg4[%arg0, %dma_wait3A, %dma_wait3A_85] : memref<2x10112x128xf32, #tpu.memory_space<hbm>> -> memref<1x10112x128xf32, #tpu.memory_space<hbm>>
      %dma_wait3A_87 = tpu.memref_squeeze %dma_wait3A_86 : memref<1x10112x128xf32, #tpu.memory_space<hbm>> -> memref<10112x128xf32, #tpu.memory_space<hbm>>
      %dma_wait3A_88 = arith.constant 0 : i32
      %dma_wait3A_89 = tpu.memref_slice %dma_wait3A_87[%add3A_57, %dma_wait3A_88] : memref<10112x128xf32, #tpu.memory_space<hbm>> -> memref<96x128xf32, #tpu.memory_space<hbm>>
      %dma_wait3A_90 = arith.constant 0 : i32
      %dma_wait3A_91 = tpu.memref_slice %arg9[%add3A_57, %dma_wait3A_90] : memref<10112x128xf32, #tpu.memory_space<vmem_shared>> -> memref<96x128xf32, #tpu.memory_space<vmem_shared>>
      tpu.wait_dma2 semaphore(%run_scoped3A : memref<!tpu.dma_semaphore, #tpu.memory_space<semaphore_mem>>) src(%dma_wait3A_91 : memref<96x128xf32, #tpu.memory_space<vmem_shared>>) dst(%dma_wait3A_89 : memref<96x128xf32, #tpu.memory_space<hbm>>)
      tpu.yield
    }) : () -> ()
    %mul3A_58 = arith.constant 632 : i32
    %mul3A_59 = arith.muli %arg1, %mul3A_58 : i32
    %add3A_60 = arith.constant 192 : i32
    %add3A_61 = arith.addi %mul3A_59, %add3A_60 : i32
    "tpu.region"() ({
      %run_scoped3A = tpu.sem_alloc : memref<!tpu.dma_semaphore, #tpu.memory_space<semaphore_mem>>
      %dma_start3A = arith.constant 0 : i32
      %dma_start3A_78 = arith.constant 0 : i32
      %dma_start3A_79 = tpu.memref_slice %arg4[%arg0, %dma_start3A, %dma_start3A_78] : memref<2x10112x128xf32, #tpu.memory_space<hbm>> -> memref<1x10112x128xf32, #tpu.memory_space<hbm>>
      %dma_start3A_80 = tpu.memref_squeeze %dma_start3A_79 : memref<1x10112x128xf32, #tpu.memory_space<hbm>> -> memref<10112x128xf32, #tpu.memory_space<hbm>>
      %dma_start3A_81 = arith.constant 0 : i32
      %dma_start3A_82 = tpu.memref_slice %dma_start3A_80[%add3A_61, %dma_start3A_81] : memref<10112x128xf32, #tpu.memory_space<hbm>> -> memref<96x128xf32, #tpu.memory_space<hbm>>
      %dma_start3A_83 = arith.constant 0 : i32
      %dma_start3A_84 = tpu.memref_slice %arg9[%add3A_61, %dma_start3A_83] : memref<10112x128xf32, #tpu.memory_space<vmem_shared>> -> memref<96x128xf32, #tpu.memory_space<vmem_shared>>
      tpu.enqueue_dma source(%dma_start3A_84 : memref<96x128xf32, #tpu.memory_space<vmem_shared>>) target(%dma_start3A_82 : memref<96x128xf32, #tpu.memory_space<hbm>>) target_semaphore(%run_scoped3A : memref<!tpu.dma_semaphore, #tpu.memory_space<semaphore_mem>>)
      %dma_wait3A = arith.constant 0 : i32
      %dma_wait3A_85 = arith.constant 0 : i32
      %dma_wait3A_86 = tpu.memref_slice %arg4[%arg0, %dma_wait3A, %dma_wait3A_85] : memref<2x10112x128xf32, #tpu.memory_space<hbm>> -> memref<1x10112x128xf32, #tpu.memory_space<hbm>>
      %dma_wait3A_87 = tpu.memref_squeeze %dma_wait3A_86 : memref<1x10112x128xf32, #tpu.memory_space<hbm>> -> memref<10112x128xf32, #tpu.memory_space<hbm>>
      %dma_wait3A_88 = arith.constant 0 : i32
      %dma_wait3A_89 = tpu.memref_slice %dma_wait3A_87[%add3A_61, %dma_wait3A_88] : memref<10112x128xf32, #tpu.memory_space<hbm>> -> memref<96x128xf32, #tpu.memory_space<hbm>>
      %dma_wait3A_90 = arith.constant 0 : i32
      %dma_wait3A_91 = tpu.memref_slice %arg9[%add3A_61, %dma_wait3A_90] : memref<10112x128xf32, #tpu.memory_space<vmem_shared>> -> memref<96x128xf32, #tpu.memory_space<vmem_shared>>
      tpu.wait_dma2 semaphore(%run_scoped3A : memref<!tpu.dma_semaphore, #tpu.memory_space<semaphore_mem>>) src(%dma_wait3A_91 : memref<96x128xf32, #tpu.memory_space<vmem_shared>>) dst(%dma_wait3A_89 : memref<96x128xf32, #tpu.memory_space<hbm>>)
      tpu.yield
    }) : () -> ()
    %mul3A_62 = arith.constant 632 : i32
    %mul3A_63 = arith.muli %arg1, %mul3A_62 : i32
    %add3A_64 = arith.constant 288 : i32
    %add3A_65 = arith.addi %mul3A_63, %add3A_64 : i32
    "tpu.region"() ({
      %run_scoped3A = tpu.sem_alloc : memref<!tpu.dma_semaphore, #tpu.memory_space<semaphore_mem>>
      %dma_start3A = arith.constant 0 : i32
      %dma_start3A_78 = arith.constant 0 : i32
      %dma_start3A_79 = tpu.memref_slice %arg4[%arg0, %dma_start3A, %dma_start3A_78] : memref<2x10112x128xf32, #tpu.memory_space<hbm>> -> memref<1x10112x128xf32, #tpu.memory_space<hbm>>
      %dma_start3A_80 = tpu.memref_squeeze %dma_start3A_79 : memref<1x10112x128xf32, #tpu.memory_space<hbm>> -> memref<10112x128xf32, #tpu.memory_space<hbm>>
      %dma_start3A_81 = arith.constant 0 : i32
      %dma_start3A_82 = tpu.memref_slice %dma_start3A_80[%add3A_65, %dma_start3A_81] : memref<10112x128xf32, #tpu.memory_space<hbm>> -> memref<96x128xf32, #tpu.memory_space<hbm>>
      %dma_start3A_83 = arith.constant 0 : i32
      %dma_start3A_84 = tpu.memref_slice %arg9[%add3A_65, %dma_start3A_83] : memref<10112x128xf32, #tpu.memory_space<vmem_shared>> -> memref<96x128xf32, #tpu.memory_space<vmem_shared>>
      tpu.enqueue_dma source(%dma_start3A_84 : memref<96x128xf32, #tpu.memory_space<vmem_shared>>) target(%dma_start3A_82 : memref<96x128xf32, #tpu.memory_space<hbm>>) target_semaphore(%run_scoped3A : memref<!tpu.dma_semaphore, #tpu.memory_space<semaphore_mem>>)
      %dma_wait3A = arith.constant 0 : i32
      %dma_wait3A_85 = arith.constant 0 : i32
      %dma_wait3A_86 = tpu.memref_slice %arg4[%arg0, %dma_wait3A, %dma_wait3A_85] : memref<2x10112x128xf32, #tpu.memory_space<hbm>> -> memref<1x10112x128xf32, #tpu.memory_space<hbm>>
      %dma_wait3A_87 = tpu.memref_squeeze %dma_wait3A_86 : memref<1x10112x128xf32, #tpu.memory_space<hbm>> -> memref<10112x128xf32, #tpu.memory_space<hbm>>
      %dma_wait3A_88 = arith.constant 0 : i32
      %dma_wait3A_89 = tpu.memref_slice %dma_wait3A_87[%add3A_65, %dma_wait3A_88] : memref<10112x128xf32, #tpu.memory_space<hbm>> -> memref<96x128xf32, #tpu.memory_space<hbm>>
      %dma_wait3A_90 = arith.constant 0 : i32
      %dma_wait3A_91 = tpu.memref_slice %arg9[%add3A_65, %dma_wait3A_90] : memref<10112x128xf32, #tpu.memory_space<vmem_shared>> -> memref<96x128xf32, #tpu.memory_space<vmem_shared>>
      tpu.wait_dma2 semaphore(%run_scoped3A : memref<!tpu.dma_semaphore, #tpu.memory_space<semaphore_mem>>) src(%dma_wait3A_91 : memref<96x128xf32, #tpu.memory_space<vmem_shared>>) dst(%dma_wait3A_89 : memref<96x128xf32, #tpu.memory_space<hbm>>)
      tpu.yield
    }) : () -> ()
    %mul3A_66 = arith.constant 632 : i32
    %mul3A_67 = arith.muli %arg1, %mul3A_66 : i32
    %add3A_68 = arith.constant 384 : i32
    %add3A_69 = arith.addi %mul3A_67, %add3A_68 : i32
    "tpu.region"() ({
      %run_scoped3A = tpu.sem_alloc : memref<!tpu.dma_semaphore, #tpu.memory_space<semaphore_mem>>
      %dma_start3A = arith.constant 0 : i32
      %dma_start3A_78 = arith.constant 0 : i32
      %dma_start3A_79 = tpu.memref_slice %arg4[%arg0, %dma_start3A, %dma_start3A_78] : memref<2x10112x128xf32, #tpu.memory_space<hbm>> -> memref<1x10112x128xf32, #tpu.memory_space<hbm>>
      %dma_start3A_80 = tpu.memref_squeeze %dma_start3A_79 : memref<1x10112x128xf32, #tpu.memory_space<hbm>> -> memref<10112x128xf32, #tpu.memory_space<hbm>>
      %dma_start3A_81 = arith.constant 0 : i32
      %dma_start3A_82 = tpu.memref_slice %dma_start3A_80[%add3A_69, %dma_start3A_81] : memref<10112x128xf32, #tpu.memory_space<hbm>> -> memref<96x128xf32, #tpu.memory_space<hbm>>
      %dma_start3A_83 = arith.constant 0 : i32
      %dma_start3A_84 = tpu.memref_slice %arg9[%add3A_69, %dma_start3A_83] : memref<10112x128xf32, #tpu.memory_space<vmem_shared>> -> memref<96x128xf32, #tpu.memory_space<vmem_shared>>
      tpu.enqueue_dma source(%dma_start3A_84 : memref<96x128xf32, #tpu.memory_space<vmem_shared>>) target(%dma_start3A_82 : memref<96x128xf32, #tpu.memory_space<hbm>>) target_semaphore(%run_scoped3A : memref<!tpu.dma_semaphore, #tpu.memory_space<semaphore_mem>>)
      %dma_wait3A = arith.constant 0 : i32
      %dma_wait3A_85 = arith.constant 0 : i32
      %dma_wait3A_86 = tpu.memref_slice %arg4[%arg0, %dma_wait3A, %dma_wait3A_85] : memref<2x10112x128xf32, #tpu.memory_space<hbm>> -> memref<1x10112x128xf32, #tpu.memory_space<hbm>>
      %dma_wait3A_87 = tpu.memref_squeeze %dma_wait3A_86 : memref<1x10112x128xf32, #tpu.memory_space<hbm>> -> memref<10112x128xf32, #tpu.memory_space<hbm>>
      %dma_wait3A_88 = arith.constant 0 : i32
      %dma_wait3A_89 = tpu.memref_slice %dma_wait3A_87[%add3A_69, %dma_wait3A_88] : memref<10112x128xf32, #tpu.memory_space<hbm>> -> memref<96x128xf32, #tpu.memory_space<hbm>>
      %dma_wait3A_90 = arith.constant 0 : i32
      %dma_wait3A_91 = tpu.memref_slice %arg9[%add3A_69, %dma_wait3A_90] : memref<10112x128xf32, #tpu.memory_space<vmem_shared>> -> memref<96x128xf32, #tpu.memory_space<vmem_shared>>
      tpu.wait_dma2 semaphore(%run_scoped3A : memref<!tpu.dma_semaphore, #tpu.memory_space<semaphore_mem>>) src(%dma_wait3A_91 : memref<96x128xf32, #tpu.memory_space<vmem_shared>>) dst(%dma_wait3A_89 : memref<96x128xf32, #tpu.memory_space<hbm>>)
      tpu.yield
    }) : () -> ()
    %mul3A_70 = arith.constant 632 : i32
    %mul3A_71 = arith.muli %arg1, %mul3A_70 : i32
    %add3A_72 = arith.constant 480 : i32
    %add3A_73 = arith.addi %mul3A_71, %add3A_72 : i32
    "tpu.region"() ({
      %run_scoped3A = tpu.sem_alloc : memref<!tpu.dma_semaphore, #tpu.memory_space<semaphore_mem>>
      %dma_start3A = arith.constant 0 : i32
      %dma_start3A_78 = arith.constant 0 : i32
      %dma_start3A_79 = tpu.memref_slice %arg4[%arg0, %dma_start3A, %dma_start3A_78] : memref<2x10112x128xf32, #tpu.memory_space<hbm>> -> memref<1x10112x128xf32, #tpu.memory_space<hbm>>
      %dma_start3A_80 = tpu.memref_squeeze %dma_start3A_79 : memref<1x10112x128xf32, #tpu.memory_space<hbm>> -> memref<10112x128xf32, #tpu.memory_space<hbm>>
      %dma_start3A_81 = arith.constant 0 : i32
      %dma_start3A_82 = tpu.memref_slice %dma_start3A_80[%add3A_73, %dma_start3A_81] : memref<10112x128xf32, #tpu.memory_space<hbm>> -> memref<96x128xf32, #tpu.memory_space<hbm>>
      %dma_start3A_83 = arith.constant 0 : i32
      %dma_start3A_84 = tpu.memref_slice %arg9[%add3A_73, %dma_start3A_83] : memref<10112x128xf32, #tpu.memory_space<vmem_shared>> -> memref<96x128xf32, #tpu.memory_space<vmem_shared>>
      tpu.enqueue_dma source(%dma_start3A_84 : memref<96x128xf32, #tpu.memory_space<vmem_shared>>) target(%dma_start3A_82 : memref<96x128xf32, #tpu.memory_space<hbm>>) target_semaphore(%run_scoped3A : memref<!tpu.dma_semaphore, #tpu.memory_space<semaphore_mem>>)
      %dma_wait3A = arith.constant 0 : i32
      %dma_wait3A_85 = arith.constant 0 : i32
      %dma_wait3A_86 = tpu.memref_slice %arg4[%arg0, %dma_wait3A, %dma_wait3A_85] : memref<2x10112x128xf32, #tpu.memory_space<hbm>> -> memref<1x10112x128xf32, #tpu.memory_space<hbm>>
      %dma_wait3A_87 = tpu.memref_squeeze %dma_wait3A_86 : memref<1x10112x128xf32, #tpu.memory_space<hbm>> -> memref<10112x128xf32, #tpu.memory_space<hbm>>
      %dma_wait3A_88 = arith.constant 0 : i32
      %dma_wait3A_89 = tpu.memref_slice %dma_wait3A_87[%add3A_73, %dma_wait3A_88] : memref<10112x128xf32, #tpu.memory_space<hbm>> -> memref<96x128xf32, #tpu.memory_space<hbm>>
      %dma_wait3A_90 = arith.constant 0 : i32
      %dma_wait3A_91 = tpu.memref_slice %arg9[%add3A_73, %dma_wait3A_90] : memref<10112x128xf32, #tpu.memory_space<vmem_shared>> -> memref<96x128xf32, #tpu.memory_space<vmem_shared>>
      tpu.wait_dma2 semaphore(%run_scoped3A : memref<!tpu.dma_semaphore, #tpu.memory_space<semaphore_mem>>) src(%dma_wait3A_91 : memref<96x128xf32, #tpu.memory_space<vmem_shared>>) dst(%dma_wait3A_89 : memref<96x128xf32, #tpu.memory_space<hbm>>)
      tpu.yield
    }) : () -> ()
    %mul3A_74 = arith.constant 632 : i32
    %mul3A_75 = arith.muli %arg1, %mul3A_74 : i32
    %add3A_76 = arith.constant 576 : i32
    %add3A_77 = arith.addi %mul3A_75, %add3A_76 : i32
    "tpu.region"() ({
      %run_scoped3A = tpu.sem_alloc : memref<!tpu.dma_semaphore, #tpu.memory_space<semaphore_mem>>
      %dma_start3A = arith.constant 0 : i32
      %dma_start3A_78 = arith.constant 0 : i32
      %dma_start3A_79 = tpu.memref_slice %arg4[%arg0, %dma_start3A, %dma_start3A_78] : memref<2x10112x128xf32, #tpu.memory_space<hbm>> -> memref<1x10112x128xf32, #tpu.memory_space<hbm>>
      %dma_start3A_80 = tpu.memref_squeeze %dma_start3A_79 : memref<1x10112x128xf32, #tpu.memory_space<hbm>> -> memref<10112x128xf32, #tpu.memory_space<hbm>>
      %dma_start3A_81 = arith.constant 0 : i32
      %dma_start3A_82 = tpu.memref_slice %dma_start3A_80[%add3A_77, %dma_start3A_81] : memref<10112x128xf32, #tpu.memory_space<hbm>> -> memref<56x128xf32, #tpu.memory_space<hbm>>
      %dma_start3A_83 = arith.constant 0 : i32
      %dma_start3A_84 = tpu.memref_slice %arg9[%add3A_77, %dma_start3A_83] : memref<10112x128xf32, #tpu.memory_space<vmem_shared>> -> memref<56x128xf32, #tpu.memory_space<vmem_shared>>
      tpu.enqueue_dma source(%dma_start3A_84 : memref<56x128xf32, #tpu.memory_space<vmem_shared>>) target(%dma_start3A_82 : memref<56x128xf32, #tpu.memory_space<hbm>>) target_semaphore(%run_scoped3A : memref<!tpu.dma_semaphore, #tpu.memory_space<semaphore_mem>>)
      %dma_wait3A = arith.constant 0 : i32
      %dma_wait3A_85 = arith.constant 0 : i32
      %dma_wait3A_86 = tpu.memref_slice %arg4[%arg0, %dma_wait3A, %dma_wait3A_85] : memref<2x10112x128xf32, #tpu.memory_space<hbm>> -> memref<1x10112x128xf32, #tpu.memory_space<hbm>>
      %dma_wait3A_87 = tpu.memref_squeeze %dma_wait3A_86 : memref<1x10112x128xf32, #tpu.memory_space<hbm>> -> memref<10112x128xf32, #tpu.memory_space<hbm>>
      %dma_wait3A_88 = arith.constant 0 : i32
      %dma_wait3A_89 = tpu.memref_slice %dma_wait3A_87[%add3A_77, %dma_wait3A_88] : memref<10112x128xf32, #tpu.memory_space<hbm>> -> memref<56x128xf32, #tpu.memory_space<hbm>>
      %dma_wait3A_90 = arith.constant 0 : i32
      %dma_wait3A_91 = tpu.memref_slice %arg9[%add3A_77, %dma_wait3A_90] : memref<10112x128xf32, #tpu.memory_space<vmem_shared>> -> memref<56x128xf32, #tpu.memory_space<vmem_shared>>
      tpu.wait_dma2 semaphore(%run_scoped3A : memref<!tpu.dma_semaphore, #tpu.memory_space<semaphore_mem>>) src(%dma_wait3A_91 : memref<56x128xf32, #tpu.memory_space<vmem_shared>>) dst(%dma_wait3A_89 : memref<56x128xf32, #tpu.memory_space<hbm>>)
      tpu.yield
    }) : () -> ()
    return
  }
}

#map = affine_map<(d0, d1) -> (0, 0)>
#map1 = affine_map<(d0, d1) -> (0, 0, 0)>
module attributes {stable_mosaic.version = 14 : i64} {
  func.func @_segsum(%arg0: i32, %arg1: i32, %arg2: memref<10112x128xf32, #tpu.memory_space<hbm>>, %arg3: memref<3360x2x96xi32, #tpu.memory_space<hbm>>, %arg4: memref<2x10112x128xf32, #tpu.memory_space<hbm>>, %arg5: memref<2x96xi32, #tpu.memory_space<vmem>>, %arg6: memref<2x96xi32, #tpu.memory_space<vmem>>, %arg7: memref<96x128xf32, #tpu.memory_space<vmem>>, %arg8: memref<96x128xf32, #tpu.memory_space<vmem>>, %arg9: memref<10112x128xf32, #tpu.memory_space<vmem_shared>>, %arg10: memref<!tpu.dma_semaphore, #tpu.memory_space<semaphore_mem>>, %arg11: memref<!tpu.dma_semaphore, #tpu.memory_space<semaphore_mem>>, %arg12: memref<!tpu.dma_semaphore, #tpu.memory_space<semaphore_mem>>, %arg13: memref<!tpu.dma_semaphore, #tpu.memory_space<semaphore_mem>>) attributes {dimension_semantics = [#tpu.dimension_semantics<core_parallel>, #tpu.dimension_semantics<subcore_parallel>], iteration_bounds = array<i64: 2, 16>, scalar_prefetch = 0 : i64, scratch_operands = 9 : i64, tpu.core_type = #tpu.core_type<sc_vector_subcore>, window_params = [{transform_indices = #map}, {transform_indices = #map1}, {transform_indices = #map1}]} {
    %mul3A = arith.constant 16 : i32
    %mul3A_0 = arith.muli %arg0, %mul3A : i32
    %add3A = arith.addi %mul3A_0, %arg1 : i32
    %scan3A = arith.constant 0 : i32
    %scan3A_1 = arith.constant 96 : i32
    %scan3A_2 = arith.addi %scan3A, %scan3A_1 : i32
    %scan3A_3 = arith.constant 1 : i32
    scf.for %scan3A_78 = %scan3A to %scan3A_2 step %scan3A_3  : i32 {
      %mul3A_79 = arith.constant 1 : i32
      %mul3A_80 = arith.muli %scan3A_78, %mul3A_79 : i32
      %add3A_81 = arith.constant 0 : i32
      %add3A_82 = arith.addi %add3A_81, %mul3A_80 : i32
      %broadcast_in_dim3A = arith.constant 0.000000e+00 : f32
      %broadcast_in_dim3A_83 = vector.broadcast %broadcast_in_dim3A : f32 to vector<1x16xf32>
      %swap3A = arith.index_cast %add3A_82 : i32 to index
      %swap3A_84 = arith.constant 0 : index
      %swap3A_85 = tpu.vector_load %arg7[%swap3A, %swap3A_84] {strides = array<i32>} : memref<96x128xf32, #tpu.memory_space<vmem>>, vector<1x16xf32>,
      %swap3A_86 = vector.shape_cast %swap3A_85 : vector<1x16xf32> to vector<1x16xf32>
      %swap3A_87 = vector.shape_cast %broadcast_in_dim3A_83 : vector<1x16xf32> to vector<1x16xf32>
      tpu.vector_store %arg7[%swap3A, %swap3A_84], %swap3A_87 {strides = array<i32>} : memref<96x128xf32, #tpu.memory_space<vmem>>, vector<1x16xf32>,
      %broadcast_in_dim3A_88 = arith.constant 0.000000e+00 : f32
      %broadcast_in_dim3A_89 = vector.broadcast %broadcast_in_dim3A_88 : f32 to vector<1x16xf32>
      %swap3A_90 = arith.index_cast %add3A_82 : i32 to index
      %swap3A_91 = arith.constant 16 : index
      %swap3A_92 = tpu.vector_load %arg7[%swap3A_90, %swap3A_91] {strides = array<i32>} : memref<96x128xf32, #tpu.memory_space<vmem>>, vector<1x16xf32>,
      %swap3A_93 = vector.shape_cast %swap3A_92 : vector<1x16xf32> to vector<1x16xf32>
      %swap3A_94 = vector.shape_cast %broadcast_in_dim3A_89 : vector<1x16xf32> to vector<1x16xf32>
      tpu.vector_store %arg7[%swap3A_90, %swap3A_91], %swap3A_94 {strides = array<i32>} : memref<96x128xf32, #tpu.memory_space<vmem>>, vector<1x16xf32>,
      %broadcast_in_dim3A_95 = arith.constant 0.000000e+00 : f32
      %broadcast_in_dim3A_96 = vector.broadcast %broadcast_in_dim3A_95 : f32 to vector<1x16xf32>
      %swap3A_97 = arith.index_cast %add3A_82 : i32 to index
      %swap3A_98 = arith.constant 32 : index
      %swap3A_99 = tpu.vector_load %arg7[%swap3A_97, %swap3A_98] {strides = array<i32>} : memref<96x128xf32, #tpu.memory_space<vmem>>, vector<1x16xf32>,
      %swap3A_100 = vector.shape_cast %swap3A_99 : vector<1x16xf32> to vector<1x16xf32>
      %swap3A_101 = vector.shape_cast %broadcast_in_dim3A_96 : vector<1x16xf32> to vector<1x16xf32>
      tpu.vector_store %arg7[%swap3A_97, %swap3A_98], %swap3A_101 {strides = array<i32>} : memref<96x128xf32, #tpu.memory_space<vmem>>, vector<1x16xf32>,
      %broadcast_in_dim3A_102 = arith.constant 0.000000e+00 : f32
      %broadcast_in_dim3A_103 = vector.broadcast %broadcast_in_dim3A_102 : f32 to vector<1x16xf32>
      %swap3A_104 = arith.index_cast %add3A_82 : i32 to index
      %swap3A_105 = arith.constant 48 : index
      %swap3A_106 = tpu.vector_load %arg7[%swap3A_104, %swap3A_105] {strides = array<i32>} : memref<96x128xf32, #tpu.memory_space<vmem>>, vector<1x16xf32>,
      %swap3A_107 = vector.shape_cast %swap3A_106 : vector<1x16xf32> to vector<1x16xf32>
      %swap3A_108 = vector.shape_cast %broadcast_in_dim3A_103 : vector<1x16xf32> to vector<1x16xf32>
      tpu.vector_store %arg7[%swap3A_104, %swap3A_105], %swap3A_108 {strides = array<i32>} : memref<96x128xf32, #tpu.memory_space<vmem>>, vector<1x16xf32>,
      %broadcast_in_dim3A_109 = arith.constant 0.000000e+00 : f32
      %broadcast_in_dim3A_110 = vector.broadcast %broadcast_in_dim3A_109 : f32 to vector<1x16xf32>
      %swap3A_111 = arith.index_cast %add3A_82 : i32 to index
      %swap3A_112 = arith.constant 64 : index
      %swap3A_113 = tpu.vector_load %arg7[%swap3A_111, %swap3A_112] {strides = array<i32>} : memref<96x128xf32, #tpu.memory_space<vmem>>, vector<1x16xf32>,
      %swap3A_114 = vector.shape_cast %swap3A_113 : vector<1x16xf32> to vector<1x16xf32>
      %swap3A_115 = vector.shape_cast %broadcast_in_dim3A_110 : vector<1x16xf32> to vector<1x16xf32>
      tpu.vector_store %arg7[%swap3A_111, %swap3A_112], %swap3A_115 {strides = array<i32>} : memref<96x128xf32, #tpu.memory_space<vmem>>, vector<1x16xf32>,
      %broadcast_in_dim3A_116 = arith.constant 0.000000e+00 : f32
      %broadcast_in_dim3A_117 = vector.broadcast %broadcast_in_dim3A_116 : f32 to vector<1x16xf32>
      %swap3A_118 = arith.index_cast %add3A_82 : i32 to index
      %swap3A_119 = arith.constant 80 : index
      %swap3A_120 = tpu.vector_load %arg7[%swap3A_118, %swap3A_119] {strides = array<i32>} : memref<96x128xf32, #tpu.memory_space<vmem>>, vector<1x16xf32>,
      %swap3A_121 = vector.shape_cast %swap3A_120 : vector<1x16xf32> to vector<1x16xf32>
      %swap3A_122 = vector.shape_cast %broadcast_in_dim3A_117 : vector<1x16xf32> to vector<1x16xf32>
      tpu.vector_store %arg7[%swap3A_118, %swap3A_119], %swap3A_122 {strides = array<i32>} : memref<96x128xf32, #tpu.memory_space<vmem>>, vector<1x16xf32>,
      %broadcast_in_dim3A_123 = arith.constant 0.000000e+00 : f32
      %broadcast_in_dim3A_124 = vector.broadcast %broadcast_in_dim3A_123 : f32 to vector<1x16xf32>
      %swap3A_125 = arith.index_cast %add3A_82 : i32 to index
      %swap3A_126 = arith.constant 96 : index
      %swap3A_127 = tpu.vector_load %arg7[%swap3A_125, %swap3A_126] {strides = array<i32>} : memref<96x128xf32, #tpu.memory_space<vmem>>, vector<1x16xf32>,
      %swap3A_128 = vector.shape_cast %swap3A_127 : vector<1x16xf32> to vector<1x16xf32>
      %swap3A_129 = vector.shape_cast %broadcast_in_dim3A_124 : vector<1x16xf32> to vector<1x16xf32>
      tpu.vector_store %arg7[%swap3A_125, %swap3A_126], %swap3A_129 {strides = array<i32>} : memref<96x128xf32, #tpu.memory_space<vmem>>, vector<1x16xf32>,
      %broadcast_in_dim3A_130 = arith.constant 0.000000e+00 : f32
      %broadcast_in_dim3A_131 = vector.broadcast %broadcast_in_dim3A_130 : f32 to vector<1x16xf32>
      %swap3A_132 = arith.index_cast %add3A_82 : i32 to index
      %swap3A_133 = arith.constant 112 : index
      %swap3A_134 = tpu.vector_load %arg7[%swap3A_132, %swap3A_133] {strides = array<i32>} : memref<96x128xf32, #tpu.memory_space<vmem>>, vector<1x16xf32>,
      %swap3A_135 = vector.shape_cast %swap3A_134 : vector<1x16xf32> to vector<1x16xf32>
      %swap3A_136 = vector.shape_cast %broadcast_in_dim3A_131 : vector<1x16xf32> to vector<1x16xf32>
      tpu.vector_store %arg7[%swap3A_132, %swap3A_133], %swap3A_136 {strides = array<i32>} : memref<96x128xf32, #tpu.memory_space<vmem>>, vector<1x16xf32>,
    }
    %scan3A_4 = arith.constant 96 : i32
    %mul3A_5 = arith.constant 632 : i32
    %mul3A_6 = arith.muli %arg1, %mul3A_5 : i32
    %add3A_7 = arith.constant 0 : i32
    %add3A_8 = arith.addi %mul3A_6, %add3A_7 : i32
    "tpu.region"() ({
      %run_scoped3A = tpu.sem_alloc : memref<!tpu.dma_semaphore, #tpu.memory_space<semaphore_mem>>
      %dma_start3A = arith.constant 0 : i32
      %dma_start3A_78 = arith.constant 0 : i32
      %dma_start3A_79 = tpu.memref_slice %arg7[%dma_start3A, %dma_start3A_78] : memref<96x128xf32, #tpu.memory_space<vmem>> -> memref<96x128xf32, #tpu.memory_space<vmem>>
      %dma_start3A_80 = arith.constant 0 : i32
      %dma_start3A_81 = tpu.memref_slice %arg9[%add3A_8, %dma_start3A_80] : memref<10112x128xf32, #tpu.memory_space<vmem_shared>> -> memref<96x128xf32, #tpu.memory_space<vmem_shared>>
      %dma_start3A_82 = arith.constant 0 : i32
      %dma_start3A_83 = tpu.memref_slice %arg9[%add3A_8, %dma_start3A_82] : memref<10112x128xf32, #tpu.memory_space<vmem_shared>> -> memref<96x128xf32, #tpu.memory_space<vmem_shared>>
      %dma_start3A_84 = arith.constant 0 : i32
      %dma_start3A_85 = arith.constant 0 : i32
      %dma_start3A_86 = tpu.memref_slice %arg7[%dma_start3A_84, %dma_start3A_85] : memref<96x128xf32, #tpu.memory_space<vmem>> -> memref<96x128xf32, #tpu.memory_space<vmem>>
      tpu.enqueue_dma source(%dma_start3A_86 : memref<96x128xf32, #tpu.memory_space<vmem>>) target(%dma_start3A_83 : memref<96x128xf32, #tpu.memory_space<vmem_shared>>) target_semaphore(%run_scoped3A : memref<!tpu.dma_semaphore, #tpu.memory_space<semaphore_mem>>)
      %dma_wait3A = arith.constant 0 : i32
      %dma_wait3A_87 = arith.constant 0 : i32
      %dma_wait3A_88 = tpu.memref_slice %arg7[%dma_wait3A, %dma_wait3A_87] : memref<96x128xf32, #tpu.memory_space<vmem>> -> memref<96x128xf32, #tpu.memory_space<vmem>>
      %dma_wait3A_89 = arith.constant 0 : i32
      %dma_wait3A_90 = tpu.memref_slice %arg9[%add3A_8, %dma_wait3A_89] : memref<10112x128xf32, #tpu.memory_space<vmem_shared>> -> memref<96x128xf32, #tpu.memory_space<vmem_shared>>
      %dma_wait3A_91 = arith.constant 0 : i32
      %dma_wait3A_92 = tpu.memref_slice %arg9[%add3A_8, %dma_wait3A_91] : memref<10112x128xf32, #tpu.memory_space<vmem_shared>> -> memref<96x128xf32, #tpu.memory_space<vmem_shared>>
      %dma_wait3A_93 = arith.constant 0 : i32
      %dma_wait3A_94 = arith.constant 0 : i32
      %dma_wait3A_95 = tpu.memref_slice %arg7[%dma_wait3A_93, %dma_wait3A_94] : memref<96x128xf32, #tpu.memory_space<vmem>> -> memref<96x128xf32, #tpu.memory_space<vmem>>
      tpu.wait_dma2 semaphore(%run_scoped3A : memref<!tpu.dma_semaphore, #tpu.memory_space<semaphore_mem>>) src(%dma_wait3A_95 : memref<96x128xf32, #tpu.memory_space<vmem>>) dst(%dma_wait3A_92 : memref<96x128xf32, #tpu.memory_space<vmem_shared>>)
      tpu.yield
    }) : () -> ()
    %mul3A_9 = arith.constant 632 : i32
    %mul3A_10 = arith.muli %arg1, %mul3A_9 : i32
    %add3A_11 = arith.constant 96 : i32
    %add3A_12 = arith.addi %mul3A_10, %add3A_11 : i32
    "tpu.region"() ({
      %run_scoped3A = tpu.sem_alloc : memref<!tpu.dma_semaphore, #tpu.memory_space<semaphore_mem>>
      %dma_start3A = arith.constant 0 : i32
      %dma_start3A_78 = arith.constant 0 : i32
      %dma_start3A_79 = tpu.memref_slice %arg7[%dma_start3A, %dma_start3A_78] : memref<96x128xf32, #tpu.memory_space<vmem>> -> memref<96x128xf32, #tpu.memory_space<vmem>>
      %dma_start3A_80 = arith.constant 0 : i32
      %dma_start3A_81 = tpu.memref_slice %arg9[%add3A_12, %dma_start3A_80] : memref<10112x128xf32, #tpu.memory_space<vmem_shared>> -> memref<96x128xf32, #tpu.memory_space<vmem_shared>>
      %dma_start3A_82 = arith.constant 0 : i32
      %dma_start3A_83 = tpu.memref_slice %arg9[%add3A_12, %dma_start3A_82] : memref<10112x128xf32, #tpu.memory_space<vmem_shared>> -> memref<96x128xf32, #tpu.memory_space<vmem_shared>>
      %dma_start3A_84 = arith.constant 0 : i32
      %dma_start3A_85 = arith.constant 0 : i32
      %dma_start3A_86 = tpu.memref_slice %arg7[%dma_start3A_84, %dma_start3A_85] : memref<96x128xf32, #tpu.memory_space<vmem>> -> memref<96x128xf32, #tpu.memory_space<vmem>>
      tpu.enqueue_dma source(%dma_start3A_86 : memref<96x128xf32, #tpu.memory_space<vmem>>) target(%dma_start3A_83 : memref<96x128xf32, #tpu.memory_space<vmem_shared>>) target_semaphore(%run_scoped3A : memref<!tpu.dma_semaphore, #tpu.memory_space<semaphore_mem>>)
      %dma_wait3A = arith.constant 0 : i32
      %dma_wait3A_87 = arith.constant 0 : i32
      %dma_wait3A_88 = tpu.memref_slice %arg7[%dma_wait3A, %dma_wait3A_87] : memref<96x128xf32, #tpu.memory_space<vmem>> -> memref<96x128xf32, #tpu.memory_space<vmem>>
      %dma_wait3A_89 = arith.constant 0 : i32
      %dma_wait3A_90 = tpu.memref_slice %arg9[%add3A_12, %dma_wait3A_89] : memref<10112x128xf32, #tpu.memory_space<vmem_shared>> -> memref<96x128xf32, #tpu.memory_space<vmem_shared>>
      %dma_wait3A_91 = arith.constant 0 : i32
      %dma_wait3A_92 = tpu.memref_slice %arg9[%add3A_12, %dma_wait3A_91] : memref<10112x128xf32, #tpu.memory_space<vmem_shared>> -> memref<96x128xf32, #tpu.memory_space<vmem_shared>>
      %dma_wait3A_93 = arith.constant 0 : i32
      %dma_wait3A_94 = arith.constant 0 : i32
      %dma_wait3A_95 = tpu.memref_slice %arg7[%dma_wait3A_93, %dma_wait3A_94] : memref<96x128xf32, #tpu.memory_space<vmem>> -> memref<96x128xf32, #tpu.memory_space<vmem>>
      tpu.wait_dma2 semaphore(%run_scoped3A : memref<!tpu.dma_semaphore, #tpu.memory_space<semaphore_mem>>) src(%dma_wait3A_95 : memref<96x128xf32, #tpu.memory_space<vmem>>) dst(%dma_wait3A_92 : memref<96x128xf32, #tpu.memory_space<vmem_shared>>)
      tpu.yield
    }) : () -> ()
    %mul3A_13 = arith.constant 632 : i32
    %mul3A_14 = arith.muli %arg1, %mul3A_13 : i32
    %add3A_15 = arith.constant 192 : i32
    %add3A_16 = arith.addi %mul3A_14, %add3A_15 : i32
    "tpu.region"() ({
      %run_scoped3A = tpu.sem_alloc : memref<!tpu.dma_semaphore, #tpu.memory_space<semaphore_mem>>
      %dma_start3A = arith.constant 0 : i32
      %dma_start3A_78 = arith.constant 0 : i32
      %dma_start3A_79 = tpu.memref_slice %arg7[%dma_start3A, %dma_start3A_78] : memref<96x128xf32, #tpu.memory_space<vmem>> -> memref<96x128xf32, #tpu.memory_space<vmem>>
      %dma_start3A_80 = arith.constant 0 : i32
      %dma_start3A_81 = tpu.memref_slice %arg9[%add3A_16, %dma_start3A_80] : memref<10112x128xf32, #tpu.memory_space<vmem_shared>> -> memref<96x128xf32, #tpu.memory_space<vmem_shared>>
      %dma_start3A_82 = arith.constant 0 : i32
      %dma_start3A_83 = tpu.memref_slice %arg9[%add3A_16, %dma_start3A_82] : memref<10112x128xf32, #tpu.memory_space<vmem_shared>> -> memref<96x128xf32, #tpu.memory_space<vmem_shared>>
      %dma_start3A_84 = arith.constant 0 : i32
      %dma_start3A_85 = arith.constant 0 : i32
      %dma_start3A_86 = tpu.memref_slice %arg7[%dma_start3A_84, %dma_start3A_85] : memref<96x128xf32, #tpu.memory_space<vmem>> -> memref<96x128xf32, #tpu.memory_space<vmem>>
      tpu.enqueue_dma source(%dma_start3A_86 : memref<96x128xf32, #tpu.memory_space<vmem>>) target(%dma_start3A_83 : memref<96x128xf32, #tpu.memory_space<vmem_shared>>) target_semaphore(%run_scoped3A : memref<!tpu.dma_semaphore, #tpu.memory_space<semaphore_mem>>)
      %dma_wait3A = arith.constant 0 : i32
      %dma_wait3A_87 = arith.constant 0 : i32
      %dma_wait3A_88 = tpu.memref_slice %arg7[%dma_wait3A, %dma_wait3A_87] : memref<96x128xf32, #tpu.memory_space<vmem>> -> memref<96x128xf32, #tpu.memory_space<vmem>>
      %dma_wait3A_89 = arith.constant 0 : i32
      %dma_wait3A_90 = tpu.memref_slice %arg9[%add3A_16, %dma_wait3A_89] : memref<10112x128xf32, #tpu.memory_space<vmem_shared>> -> memref<96x128xf32, #tpu.memory_space<vmem_shared>>
      %dma_wait3A_91 = arith.constant 0 : i32
      %dma_wait3A_92 = tpu.memref_slice %arg9[%add3A_16, %dma_wait3A_91] : memref<10112x128xf32, #tpu.memory_space<vmem_shared>> -> memref<96x128xf32, #tpu.memory_space<vmem_shared>>
      %dma_wait3A_93 = arith.constant 0 : i32
      %dma_wait3A_94 = arith.constant 0 : i32
      %dma_wait3A_95 = tpu.memref_slice %arg7[%dma_wait3A_93, %dma_wait3A_94] : memref<96x128xf32, #tpu.memory_space<vmem>> -> memref<96x128xf32, #tpu.memory_space<vmem>>
      tpu.wait_dma2 semaphore(%run_scoped3A : memref<!tpu.dma_semaphore, #tpu.memory_space<semaphore_mem>>) src(%dma_wait3A_95 : memref<96x128xf32, #tpu.memory_space<vmem>>) dst(%dma_wait3A_92 : memref<96x128xf32, #tpu.memory_space<vmem_shared>>)
      tpu.yield
    }) : () -> ()
    %mul3A_17 = arith.constant 632 : i32
    %mul3A_18 = arith.muli %arg1, %mul3A_17 : i32
    %add3A_19 = arith.constant 288 : i32
    %add3A_20 = arith.addi %mul3A_18, %add3A_19 : i32
    "tpu.region"() ({
      %run_scoped3A = tpu.sem_alloc : memref<!tpu.dma_semaphore, #tpu.memory_space<semaphore_mem>>
      %dma_start3A = arith.constant 0 : i32
      %dma_start3A_78 = arith.constant 0 : i32
      %dma_start3A_79 = tpu.memref_slice %arg7[%dma_start3A, %dma_start3A_78] : memref<96x128xf32, #tpu.memory_space<vmem>> -> memref<96x128xf32, #tpu.memory_space<vmem>>
      %dma_start3A_80 = arith.constant 0 : i32
      %dma_start3A_81 = tpu.memref_slice %arg9[%add3A_20, %dma_start3A_80] : memref<10112x128xf32, #tpu.memory_space<vmem_shared>> -> memref<96x128xf32, #tpu.memory_space<vmem_shared>>
      %dma_start3A_82 = arith.constant 0 : i32
      %dma_start3A_83 = tpu.memref_slice %arg9[%add3A_20, %dma_start3A_82] : memref<10112x128xf32, #tpu.memory_space<vmem_shared>> -> memref<96x128xf32, #tpu.memory_space<vmem_shared>>
      %dma_start3A_84 = arith.constant 0 : i32
      %dma_start3A_85 = arith.constant 0 : i32
      %dma_start3A_86 = tpu.memref_slice %arg7[%dma_start3A_84, %dma_start3A_85] : memref<96x128xf32, #tpu.memory_space<vmem>> -> memref<96x128xf32, #tpu.memory_space<vmem>>
      tpu.enqueue_dma source(%dma_start3A_86 : memref<96x128xf32, #tpu.memory_space<vmem>>) target(%dma_start3A_83 : memref<96x128xf32, #tpu.memory_space<vmem_shared>>) target_semaphore(%run_scoped3A : memref<!tpu.dma_semaphore, #tpu.memory_space<semaphore_mem>>)
      %dma_wait3A = arith.constant 0 : i32
      %dma_wait3A_87 = arith.constant 0 : i32
      %dma_wait3A_88 = tpu.memref_slice %arg7[%dma_wait3A, %dma_wait3A_87] : memref<96x128xf32, #tpu.memory_space<vmem>> -> memref<96x128xf32, #tpu.memory_space<vmem>>
      %dma_wait3A_89 = arith.constant 0 : i32
      %dma_wait3A_90 = tpu.memref_slice %arg9[%add3A_20, %dma_wait3A_89] : memref<10112x128xf32, #tpu.memory_space<vmem_shared>> -> memref<96x128xf32, #tpu.memory_space<vmem_shared>>
      %dma_wait3A_91 = arith.constant 0 : i32
      %dma_wait3A_92 = tpu.memref_slice %arg9[%add3A_20, %dma_wait3A_91] : memref<10112x128xf32, #tpu.memory_space<vmem_shared>> -> memref<96x128xf32, #tpu.memory_space<vmem_shared>>
      %dma_wait3A_93 = arith.constant 0 : i32
      %dma_wait3A_94 = arith.constant 0 : i32
      %dma_wait3A_95 = tpu.memref_slice %arg7[%dma_wait3A_93, %dma_wait3A_94] : memref<96x128xf32, #tpu.memory_space<vmem>> -> memref<96x128xf32, #tpu.memory_space<vmem>>
      tpu.wait_dma2 semaphore(%run_scoped3A : memref<!tpu.dma_semaphore, #tpu.memory_space<semaphore_mem>>) src(%dma_wait3A_95 : memref<96x128xf32, #tpu.memory_space<vmem>>) dst(%dma_wait3A_92 : memref<96x128xf32, #tpu.memory_space<vmem_shared>>)
      tpu.yield
    }) : () -> ()
    %mul3A_21 = arith.constant 632 : i32
    %mul3A_22 = arith.muli %arg1, %mul3A_21 : i32
    %add3A_23 = arith.constant 384 : i32
    %add3A_24 = arith.addi %mul3A_22, %add3A_23 : i32
    "tpu.region"() ({
      %run_scoped3A = tpu.sem_alloc : memref<!tpu.dma_semaphore, #tpu.memory_space<semaphore_mem>>
      %dma_start3A = arith.constant 0 : i32
      %dma_start3A_78 = arith.constant 0 : i32
      %dma_start3A_79 = tpu.memref_slice %arg7[%dma_start3A, %dma_start3A_78] : memref<96x128xf32, #tpu.memory_space<vmem>> -> memref<96x128xf32, #tpu.memory_space<vmem>>
      %dma_start3A_80 = arith.constant 0 : i32
      %dma_start3A_81 = tpu.memref_slice %arg9[%add3A_24, %dma_start3A_80] : memref<10112x128xf32, #tpu.memory_space<vmem_shared>> -> memref<96x128xf32, #tpu.memory_space<vmem_shared>>
      %dma_start3A_82 = arith.constant 0 : i32
      %dma_start3A_83 = tpu.memref_slice %arg9[%add3A_24, %dma_start3A_82] : memref<10112x128xf32, #tpu.memory_space<vmem_shared>> -> memref<96x128xf32, #tpu.memory_space<vmem_shared>>
      %dma_start3A_84 = arith.constant 0 : i32
      %dma_start3A_85 = arith.constant 0 : i32
      %dma_start3A_86 = tpu.memref_slice %arg7[%dma_start3A_84, %dma_start3A_85] : memref<96x128xf32, #tpu.memory_space<vmem>> -> memref<96x128xf32, #tpu.memory_space<vmem>>
      tpu.enqueue_dma source(%dma_start3A_86 : memref<96x128xf32, #tpu.memory_space<vmem>>) target(%dma_start3A_83 : memref<96x128xf32, #tpu.memory_space<vmem_shared>>) target_semaphore(%run_scoped3A : memref<!tpu.dma_semaphore, #tpu.memory_space<semaphore_mem>>)
      %dma_wait3A = arith.constant 0 : i32
      %dma_wait3A_87 = arith.constant 0 : i32
      %dma_wait3A_88 = tpu.memref_slice %arg7[%dma_wait3A, %dma_wait3A_87] : memref<96x128xf32, #tpu.memory_space<vmem>> -> memref<96x128xf32, #tpu.memory_space<vmem>>
      %dma_wait3A_89 = arith.constant 0 : i32
      %dma_wait3A_90 = tpu.memref_slice %arg9[%add3A_24, %dma_wait3A_89] : memref<10112x128xf32, #tpu.memory_space<vmem_shared>> -> memref<96x128xf32, #tpu.memory_space<vmem_shared>>
      %dma_wait3A_91 = arith.constant 0 : i32
      %dma_wait3A_92 = tpu.memref_slice %arg9[%add3A_24, %dma_wait3A_91] : memref<10112x128xf32, #tpu.memory_space<vmem_shared>> -> memref<96x128xf32, #tpu.memory_space<vmem_shared>>
      %dma_wait3A_93 = arith.constant 0 : i32
      %dma_wait3A_94 = arith.constant 0 : i32
      %dma_wait3A_95 = tpu.memref_slice %arg7[%dma_wait3A_93, %dma_wait3A_94] : memref<96x128xf32, #tpu.memory_space<vmem>> -> memref<96x128xf32, #tpu.memory_space<vmem>>
      tpu.wait_dma2 semaphore(%run_scoped3A : memref<!tpu.dma_semaphore, #tpu.memory_space<semaphore_mem>>) src(%dma_wait3A_95 : memref<96x128xf32, #tpu.memory_space<vmem>>) dst(%dma_wait3A_92 : memref<96x128xf32, #tpu.memory_space<vmem_shared>>)
      tpu.yield
    }) : () -> ()
    %mul3A_25 = arith.constant 632 : i32
    %mul3A_26 = arith.muli %arg1, %mul3A_25 : i32
    %add3A_27 = arith.constant 480 : i32
    %add3A_28 = arith.addi %mul3A_26, %add3A_27 : i32
    "tpu.region"() ({
      %run_scoped3A = tpu.sem_alloc : memref<!tpu.dma_semaphore, #tpu.memory_space<semaphore_mem>>
      %dma_start3A = arith.constant 0 : i32
      %dma_start3A_78 = arith.constant 0 : i32
      %dma_start3A_79 = tpu.memref_slice %arg7[%dma_start3A, %dma_start3A_78] : memref<96x128xf32, #tpu.memory_space<vmem>> -> memref<96x128xf32, #tpu.memory_space<vmem>>
      %dma_start3A_80 = arith.constant 0 : i32
      %dma_start3A_81 = tpu.memref_slice %arg9[%add3A_28, %dma_start3A_80] : memref<10112x128xf32, #tpu.memory_space<vmem_shared>> -> memref<96x128xf32, #tpu.memory_space<vmem_shared>>
      %dma_start3A_82 = arith.constant 0 : i32
      %dma_start3A_83 = tpu.memref_slice %arg9[%add3A_28, %dma_start3A_82] : memref<10112x128xf32, #tpu.memory_space<vmem_shared>> -> memref<96x128xf32, #tpu.memory_space<vmem_shared>>
      %dma_start3A_84 = arith.constant 0 : i32
      %dma_start3A_85 = arith.constant 0 : i32
      %dma_start3A_86 = tpu.memref_slice %arg7[%dma_start3A_84, %dma_start3A_85] : memref<96x128xf32, #tpu.memory_space<vmem>> -> memref<96x128xf32, #tpu.memory_space<vmem>>
      tpu.enqueue_dma source(%dma_start3A_86 : memref<96x128xf32, #tpu.memory_space<vmem>>) target(%dma_start3A_83 : memref<96x128xf32, #tpu.memory_space<vmem_shared>>) target_semaphore(%run_scoped3A : memref<!tpu.dma_semaphore, #tpu.memory_space<semaphore_mem>>)
      %dma_wait3A = arith.constant 0 : i32
      %dma_wait3A_87 = arith.constant 0 : i32
      %dma_wait3A_88 = tpu.memref_slice %arg7[%dma_wait3A, %dma_wait3A_87] : memref<96x128xf32, #tpu.memory_space<vmem>> -> memref<96x128xf32, #tpu.memory_space<vmem>>
      %dma_wait3A_89 = arith.constant 0 : i32
      %dma_wait3A_90 = tpu.memref_slice %arg9[%add3A_28, %dma_wait3A_89] : memref<10112x128xf32, #tpu.memory_space<vmem_shared>> -> memref<96x128xf32, #tpu.memory_space<vmem_shared>>
      %dma_wait3A_91 = arith.constant 0 : i32
      %dma_wait3A_92 = tpu.memref_slice %arg9[%add3A_28, %dma_wait3A_91] : memref<10112x128xf32, #tpu.memory_space<vmem_shared>> -> memref<96x128xf32, #tpu.memory_space<vmem_shared>>
      %dma_wait3A_93 = arith.constant 0 : i32
      %dma_wait3A_94 = arith.constant 0 : i32
      %dma_wait3A_95 = tpu.memref_slice %arg7[%dma_wait3A_93, %dma_wait3A_94] : memref<96x128xf32, #tpu.memory_space<vmem>> -> memref<96x128xf32, #tpu.memory_space<vmem>>
      tpu.wait_dma2 semaphore(%run_scoped3A : memref<!tpu.dma_semaphore, #tpu.memory_space<semaphore_mem>>) src(%dma_wait3A_95 : memref<96x128xf32, #tpu.memory_space<vmem>>) dst(%dma_wait3A_92 : memref<96x128xf32, #tpu.memory_space<vmem_shared>>)
      tpu.yield
    }) : () -> ()
    %mul3A_29 = arith.constant 632 : i32
    %mul3A_30 = arith.muli %arg1, %mul3A_29 : i32
    %add3A_31 = arith.constant 576 : i32
    %add3A_32 = arith.addi %mul3A_30, %add3A_31 : i32
    "tpu.region"() ({
      %run_scoped3A = tpu.sem_alloc : memref<!tpu.dma_semaphore, #tpu.memory_space<semaphore_mem>>
      %dma_start3A = arith.constant 0 : i32
      %dma_start3A_78 = arith.constant 0 : i32
      %dma_start3A_79 = tpu.memref_slice %arg7[%dma_start3A, %dma_start3A_78] : memref<96x128xf32, #tpu.memory_space<vmem>> -> memref<56x128xf32, #tpu.memory_space<vmem>>
      %dma_start3A_80 = arith.constant 0 : i32
      %dma_start3A_81 = tpu.memref_slice %arg9[%add3A_32, %dma_start3A_80] : memref<10112x128xf32, #tpu.memory_space<vmem_shared>> -> memref<56x128xf32, #tpu.memory_space<vmem_shared>>
      %dma_start3A_82 = arith.constant 0 : i32
      %dma_start3A_83 = tpu.memref_slice %arg9[%add3A_32, %dma_start3A_82] : memref<10112x128xf32, #tpu.memory_space<vmem_shared>> -> memref<56x128xf32, #tpu.memory_space<vmem_shared>>
      %dma_start3A_84 = arith.constant 0 : i32
      %dma_start3A_85 = arith.constant 0 : i32
      %dma_start3A_86 = tpu.memref_slice %arg7[%dma_start3A_84, %dma_start3A_85] : memref<96x128xf32, #tpu.memory_space<vmem>> -> memref<56x128xf32, #tpu.memory_space<vmem>>
      tpu.enqueue_dma source(%dma_start3A_86 : memref<56x128xf32, #tpu.memory_space<vmem>>) target(%dma_start3A_83 : memref<56x128xf32, #tpu.memory_space<vmem_shared>>) target_semaphore(%run_scoped3A : memref<!tpu.dma_semaphore, #tpu.memory_space<semaphore_mem>>)
      %dma_wait3A = arith.constant 0 : i32
      %dma_wait3A_87 = arith.constant 0 : i32
      %dma_wait3A_88 = tpu.memref_slice %arg7[%dma_wait3A, %dma_wait3A_87] : memref<96x128xf32, #tpu.memory_space<vmem>> -> memref<56x128xf32, #tpu.memory_space<vmem>>
      %dma_wait3A_89 = arith.constant 0 : i32
      %dma_wait3A_90 = tpu.memref_slice %arg9[%add3A_32, %dma_wait3A_89] : memref<10112x128xf32, #tpu.memory_space<vmem_shared>> -> memref<56x128xf32, #tpu.memory_space<vmem_shared>>
      %dma_wait3A_91 = arith.constant 0 : i32
      %dma_wait3A_92 = tpu.memref_slice %arg9[%add3A_32, %dma_wait3A_91] : memref<10112x128xf32, #tpu.memory_space<vmem_shared>> -> memref<56x128xf32, #tpu.memory_space<vmem_shared>>
      %dma_wait3A_93 = arith.constant 0 : i32
      %dma_wait3A_94 = arith.constant 0 : i32
      %dma_wait3A_95 = tpu.memref_slice %arg7[%dma_wait3A_93, %dma_wait3A_94] : memref<96x128xf32, #tpu.memory_space<vmem>> -> memref<56x128xf32, #tpu.memory_space<vmem>>
      tpu.wait_dma2 semaphore(%run_scoped3A : memref<!tpu.dma_semaphore, #tpu.memory_space<semaphore_mem>>) src(%dma_wait3A_95 : memref<56x128xf32, #tpu.memory_space<vmem>>) dst(%dma_wait3A_92 : memref<56x128xf32, #tpu.memory_space<vmem_shared>>)
      tpu.yield
    }) : () -> ()
    %barrier3A = arith.constant 0 : index
    tpu.barrier barrier_id(%barrier3A)
    %eq3A = arith.constant 0 : i32
    %eq3A_33 = arith.cmpi eq, %arg0, %eq3A : i32
    %mul3A_34 = arith.constant 128 : i32
    %mul3A_35 = arith.muli %arg1, %mul3A_34 : i32
    %mul3A_36 = arith.constant 82 : i32
    %mul3A_37 = arith.muli %arg1, %mul3A_36 : i32
    %add3A_38 = arith.constant 2048 : i32
    %add3A_39 = arith.addi %add3A_38, %mul3A_37 : i32
    %select_n3A = arith.select %eq3A_33, %mul3A_35, %add3A_39 : i32
    %eq3A_40 = arith.constant 0 : i32
    %eq3A_41 = arith.cmpi eq, %arg0, %eq3A_40 : i32
    %jit3A = arith.constant 64 : i32
    %jit3A_42 = arith.constant 41 : i32
    %select_n3A_43 = arith.select %eq3A_41, %jit3A, %jit3A_42 : i32
    %scan3A_44 = arith.constant 0 : i32
    %scan3A_45 = arith.constant 64 : i32
    %scan3A_46 = arith.addi %scan3A_44, %scan3A_45 : i32
    %scan3A_47 = arith.constant 1 : i32
    scf.for %scan3A_78 = %scan3A_44 to %scan3A_46 step %scan3A_47  : i32 {
      %mul3A_79 = arith.constant 1 : i32
      %mul3A_80 = arith.muli %scan3A_78, %mul3A_79 : i32
      %add3A_81 = arith.constant 0 : i32
      %add3A_82 = arith.addi %add3A_81, %mul3A_80 : i32
      %lt3A = arith.cmpi slt, %add3A_82, %select_n3A_43 : i32
      %convert_element_type3A = arith.extui %lt3A : i1 to i32
      %cond3A = arith.constant 0 : i32
      %cond3A_83 = arith.cmpi ne, %convert_element_type3A, %cond3A : i32
      scf.if %cond3A_83 {
        %mul3A_84 = arith.constant 2 : i32
        %mul3A_85 = arith.muli %add3A_82, %mul3A_84 : i32
        %add3A_86 = arith.addi %select_n3A, %mul3A_85 : i32
        "tpu.region"() ({
          %run_scoped3A = tpu.sem_alloc : memref<!tpu.dma_semaphore, #tpu.memory_space<semaphore_mem>>
          %dma_start3A_143 = arith.constant 0 : i32
          %dma_start3A_144 = arith.constant 0 : i32
          %dma_start3A_145 = tpu.memref_slice %arg3[%add3A_86, %dma_start3A_143, %dma_start3A_144] : memref<3360x2x96xi32, #tpu.memory_space<hbm>> -> memref<1x2x96xi32, #tpu.memory_space<hbm>>
          %dma_start3A_146 = tpu.memref_squeeze %dma_start3A_145 : memref<1x2x96xi32, #tpu.memory_space<hbm>> -> memref<2x96xi32, #tpu.memory_space<hbm>>
          %dma_start3A_147 = arith.constant 0 : i32
          %dma_start3A_148 = arith.constant 0 : i32
          %dma_start3A_149 = tpu.memref_slice %arg3[%add3A_86, %dma_start3A_147, %dma_start3A_148] : memref<3360x2x96xi32, #tpu.memory_space<hbm>> -> memref<1x2x96xi32, #tpu.memory_space<hbm>>
          %dma_start3A_150 = tpu.memref_squeeze %dma_start3A_149 : memref<1x2x96xi32, #tpu.memory_space<hbm>> -> memref<2x96xi32, #tpu.memory_space<hbm>>
          tpu.enqueue_dma source(%dma_start3A_150 : memref<2x96xi32, #tpu.memory_space<hbm>>) target(%arg5 : memref<2x96xi32, #tpu.memory_space<vmem>>) target_semaphore(%run_scoped3A : memref<!tpu.dma_semaphore, #tpu.memory_space<semaphore_mem>>)
          %dma_wait3A_151 = arith.constant 0 : i32
          %dma_wait3A_152 = arith.constant 0 : i32
          %dma_wait3A_153 = tpu.memref_slice %arg3[%add3A_86, %dma_wait3A_151, %dma_wait3A_152] : memref<3360x2x96xi32, #tpu.memory_space<hbm>> -> memref<1x2x96xi32, #tpu.memory_space<hbm>>
          %dma_wait3A_154 = tpu.memref_squeeze %dma_wait3A_153 : memref<1x2x96xi32, #tpu.memory_space<hbm>> -> memref<2x96xi32, #tpu.memory_space<hbm>>
          %dma_wait3A_155 = arith.constant 0 : i32
          %dma_wait3A_156 = arith.constant 0 : i32
          %dma_wait3A_157 = tpu.memref_slice %arg3[%add3A_86, %dma_wait3A_155, %dma_wait3A_156] : memref<3360x2x96xi32, #tpu.memory_space<hbm>> -> memref<1x2x96xi32, #tpu.memory_space<hbm>>
          %dma_wait3A_158 = tpu.memref_squeeze %dma_wait3A_157 : memref<1x2x96xi32, #tpu.memory_space<hbm>> -> memref<2x96xi32, #tpu.memory_space<hbm>>
          tpu.wait_dma2 semaphore(%run_scoped3A : memref<!tpu.dma_semaphore, #tpu.memory_space<semaphore_mem>>) src(%dma_wait3A_158 : memref<2x96xi32, #tpu.memory_space<hbm>>) dst(%arg5 : memref<2x96xi32, #tpu.memory_space<vmem>>)
          tpu.yield
        }) : () -> ()
        %dma_start3A = arith.constant 1 : i32
        %dma_start3A_87 = arith.constant 0 : i32
        %dma_start3A_88 = tpu.memref_slice %arg5[%dma_start3A, %dma_start3A_87] : memref<2x96xi32, #tpu.memory_space<vmem>> -> memref<1x96xi32, #tpu.memory_space<vmem>>
        %dma_start3A_89 = tpu.memref_squeeze %dma_start3A_88 : memref<1x96xi32, #tpu.memory_space<vmem>> -> memref<96xi32, #tpu.memory_space<vmem>>
        %dma_start3A_90 = arith.constant 0 : i32
        %dma_start3A_91 = arith.constant 0 : i32
        %dma_start3A_92 = tpu.memref_slice %arg2[%dma_start3A_90, %dma_start3A_91] : memref<10112x128xf32, #tpu.memory_space<hbm>> -> memref<10112x128xf32, #tpu.memory_space<hbm>>
        tpu.enqueue_indirect_dma source(%dma_start3A_92 : memref<10112x128xf32, #tpu.memory_space<hbm>>) target(%arg7 : memref<96x128xf32, #tpu.memory_space<vmem>>) offsets(%dma_start3A_89 : memref<96xi32, #tpu.memory_space<vmem>>) semaphore(%arg10 : memref<!tpu.dma_semaphore, #tpu.memory_space<semaphore_mem>>)
        %add3A_93 = arith.constant 1 : i32
        %add3A_94 = arith.addi %add3A_86, %add3A_93 : i32
        "tpu.region"() ({
          %run_scoped3A = tpu.sem_alloc : memref<!tpu.dma_semaphore, #tpu.memory_space<semaphore_mem>>
          %dma_start3A_143 = arith.constant 0 : i32
          %dma_start3A_144 = arith.constant 0 : i32
          %dma_start3A_145 = tpu.memref_slice %arg3[%add3A_94, %dma_start3A_143, %dma_start3A_144] : memref<3360x2x96xi32, #tpu.memory_space<hbm>> -> memref<1x2x96xi32, #tpu.memory_space<hbm>>
          %dma_start3A_146 = tpu.memref_squeeze %dma_start3A_145 : memref<1x2x96xi32, #tpu.memory_space<hbm>> -> memref<2x96xi32, #tpu.memory_space<hbm>>
          %dma_start3A_147 = arith.constant 0 : i32
          %dma_start3A_148 = arith.constant 0 : i32
          %dma_start3A_149 = tpu.memref_slice %arg3[%add3A_94, %dma_start3A_147, %dma_start3A_148] : memref<3360x2x96xi32, #tpu.memory_space<hbm>> -> memref<1x2x96xi32, #tpu.memory_space<hbm>>
          %dma_start3A_150 = tpu.memref_squeeze %dma_start3A_149 : memref<1x2x96xi32, #tpu.memory_space<hbm>> -> memref<2x96xi32, #tpu.memory_space<hbm>>
          tpu.enqueue_dma source(%dma_start3A_150 : memref<2x96xi32, #tpu.memory_space<hbm>>) target(%arg6 : memref<2x96xi32, #tpu.memory_space<vmem>>) target_semaphore(%run_scoped3A : memref<!tpu.dma_semaphore, #tpu.memory_space<semaphore_mem>>)
          %dma_wait3A_151 = arith.constant 0 : i32
          %dma_wait3A_152 = arith.constant 0 : i32
          %dma_wait3A_153 = tpu.memref_slice %arg3[%add3A_94, %dma_wait3A_151, %dma_wait3A_152] : memref<3360x2x96xi32, #tpu.memory_space<hbm>> -> memref<1x2x96xi32, #tpu.memory_space<hbm>>
          %dma_wait3A_154 = tpu.memref_squeeze %dma_wait3A_153 : memref<1x2x96xi32, #tpu.memory_space<hbm>> -> memref<2x96xi32, #tpu.memory_space<hbm>>
          %dma_wait3A_155 = arith.constant 0 : i32
          %dma_wait3A_156 = arith.constant 0 : i32
          %dma_wait3A_157 = tpu.memref_slice %arg3[%add3A_94, %dma_wait3A_155, %dma_wait3A_156] : memref<3360x2x96xi32, #tpu.memory_space<hbm>> -> memref<1x2x96xi32, #tpu.memory_space<hbm>>
          %dma_wait3A_158 = tpu.memref_squeeze %dma_wait3A_157 : memref<1x2x96xi32, #tpu.memory_space<hbm>> -> memref<2x96xi32, #tpu.memory_space<hbm>>
          tpu.wait_dma2 semaphore(%run_scoped3A : memref<!tpu.dma_semaphore, #tpu.memory_space<semaphore_mem>>) src(%dma_wait3A_158 : memref<2x96xi32, #tpu.memory_space<hbm>>) dst(%arg6 : memref<2x96xi32, #tpu.memory_space<vmem>>)
          tpu.yield
        }) : () -> ()
        %dma_start3A_95 = arith.constant 1 : i32
        %dma_start3A_96 = arith.constant 0 : i32
        %dma_start3A_97 = tpu.memref_slice %arg6[%dma_start3A_95, %dma_start3A_96] : memref<2x96xi32, #tpu.memory_space<vmem>> -> memref<1x96xi32, #tpu.memory_space<vmem>>
        %dma_start3A_98 = tpu.memref_squeeze %dma_start3A_97 : memref<1x96xi32, #tpu.memory_space<vmem>> -> memref<96xi32, #tpu.memory_space<vmem>>
        %dma_start3A_99 = arith.constant 0 : i32
        %dma_start3A_100 = arith.constant 0 : i32
        %dma_start3A_101 = tpu.memref_slice %arg2[%dma_start3A_99, %dma_start3A_100] : memref<10112x128xf32, #tpu.memory_space<hbm>> -> memref<10112x128xf32, #tpu.memory_space<hbm>>
        tpu.enqueue_indirect_dma source(%dma_start3A_101 : memref<10112x128xf32, #tpu.memory_space<hbm>>) target(%arg8 : memref<96x128xf32, #tpu.memory_space<vmem>>) offsets(%dma_start3A_98 : memref<96xi32, #tpu.memory_space<vmem>>) semaphore(%arg11 : memref<!tpu.dma_semaphore, #tpu.memory_space<semaphore_mem>>)
        %dma_wait3A = arith.constant 1 : i32
        %dma_wait3A_102 = arith.constant 0 : i32
        %dma_wait3A_103 = tpu.memref_slice %arg5[%dma_wait3A, %dma_wait3A_102] : memref<2x96xi32, #tpu.memory_space<vmem>> -> memref<1x96xi32, #tpu.memory_space<vmem>>
        %dma_wait3A_104 = tpu.memref_squeeze %dma_wait3A_103 : memref<1x96xi32, #tpu.memory_space<vmem>> -> memref<96xi32, #tpu.memory_space<vmem>>
        %dma_wait3A_105 = arith.constant 0 : i32
        %dma_wait3A_106 = arith.constant 0 : i32
        %dma_wait3A_107 = tpu.memref_slice %arg2[%dma_wait3A_105, %dma_wait3A_106] : memref<10112x128xf32, #tpu.memory_space<hbm>> -> memref<10112x128xf32, #tpu.memory_space<hbm>>
        tpu.wait_indirect_dma semaphore(%arg10 : memref<!tpu.dma_semaphore, #tpu.memory_space<semaphore_mem>>) src(%dma_wait3A_107 : memref<10112x128xf32, #tpu.memory_space<hbm>>) dst(%arg7 : memref<96x128xf32, #tpu.memory_space<vmem>>)
        %dma_start3A_108 = arith.constant 0 : i32
        %dma_start3A_109 = arith.constant 0 : i32
        %dma_start3A_110 = tpu.memref_slice %arg5[%dma_start3A_108, %dma_start3A_109] : memref<2x96xi32, #tpu.memory_space<vmem>> -> memref<1x96xi32, #tpu.memory_space<vmem>>
        %dma_start3A_111 = tpu.memref_squeeze %dma_start3A_110 : memref<1x96xi32, #tpu.memory_space<vmem>> -> memref<96xi32, #tpu.memory_space<vmem>>
        %dma_start3A_112 = arith.constant 0 : i32
        %dma_start3A_113 = arith.constant 0 : i32
        %dma_start3A_114 = tpu.memref_slice %arg9[%dma_start3A_112, %dma_start3A_113] : memref<10112x128xf32, #tpu.memory_space<vmem_shared>> -> memref<10112x128xf32, #tpu.memory_space<vmem_shared>>
        tpu.enqueue_indirect_dma source(%arg7 : memref<96x128xf32, #tpu.memory_space<vmem>>) target(%dma_start3A_114 : memref<10112x128xf32, #tpu.memory_space<vmem_shared>>) offsets(%dma_start3A_111 : memref<96xi32, #tpu.memory_space<vmem>>) semaphore(%arg12 : memref<!tpu.dma_semaphore, #tpu.memory_space<semaphore_mem>>) {add = true}
        %dma_wait3A_115 = arith.constant 1 : i32
        %dma_wait3A_116 = arith.constant 0 : i32
        %dma_wait3A_117 = tpu.memref_slice %arg6[%dma_wait3A_115, %dma_wait3A_116] : memref<2x96xi32, #tpu.memory_space<vmem>> -> memref<1x96xi32, #tpu.memory_space<vmem>>
        %dma_wait3A_118 = tpu.memref_squeeze %dma_wait3A_117 : memref<1x96xi32, #tpu.memory_space<vmem>> -> memref<96xi32, #tpu.memory_space<vmem>>
        %dma_wait3A_119 = arith.constant 0 : i32
        %dma_wait3A_120 = arith.constant 0 : i32
        %dma_wait3A_121 = tpu.memref_slice %arg2[%dma_wait3A_119, %dma_wait3A_120] : memref<10112x128xf32, #tpu.memory_space<hbm>> -> memref<10112x128xf32, #tpu.memory_space<hbm>>
        tpu.wait_indirect_dma semaphore(%arg11 : memref<!tpu.dma_semaphore, #tpu.memory_space<semaphore_mem>>) src(%dma_wait3A_121 : memref<10112x128xf32, #tpu.memory_space<hbm>>) dst(%arg8 : memref<96x128xf32, #tpu.memory_space<vmem>>)
        %dma_start3A_122 = arith.constant 0 : i32
        %dma_start3A_123 = arith.constant 0 : i32
        %dma_start3A_124 = tpu.memref_slice %arg6[%dma_start3A_122, %dma_start3A_123] : memref<2x96xi32, #tpu.memory_space<vmem>> -> memref<1x96xi32, #tpu.memory_space<vmem>>
        %dma_start3A_125 = tpu.memref_squeeze %dma_start3A_124 : memref<1x96xi32, #tpu.memory_space<vmem>> -> memref<96xi32, #tpu.memory_space<vmem>>
        %dma_start3A_126 = arith.constant 0 : i32
        %dma_start3A_127 = arith.constant 0 : i32
        %dma_start3A_128 = tpu.memref_slice %arg9[%dma_start3A_126, %dma_start3A_127] : memref<10112x128xf32, #tpu.memory_space<vmem_shared>> -> memref<10112x128xf32, #tpu.memory_space<vmem_shared>>
        tpu.enqueue_indirect_dma source(%arg8 : memref<96x128xf32, #tpu.memory_space<vmem>>) target(%dma_start3A_128 : memref<10112x128xf32, #tpu.memory_space<vmem_shared>>) offsets(%dma_start3A_125 : memref<96xi32, #tpu.memory_space<vmem>>) semaphore(%arg13 : memref<!tpu.dma_semaphore, #tpu.memory_space<semaphore_mem>>) {add = true}
        %dma_wait3A_129 = arith.constant 0 : i32
        %dma_wait3A_130 = arith.constant 0 : i32
        %dma_wait3A_131 = tpu.memref_slice %arg5[%dma_wait3A_129, %dma_wait3A_130] : memref<2x96xi32, #tpu.memory_space<vmem>> -> memref<1x96xi32, #tpu.memory_space<vmem>>
        %dma_wait3A_132 = tpu.memref_squeeze %dma_wait3A_131 : memref<1x96xi32, #tpu.memory_space<vmem>> -> memref<96xi32, #tpu.memory_space<vmem>>
        %dma_wait3A_133 = arith.constant 0 : i32
        %dma_wait3A_134 = arith.constant 0 : i32
        %dma_wait3A_135 = tpu.memref_slice %arg9[%dma_wait3A_133, %dma_wait3A_134] : memref<10112x128xf32, #tpu.memory_space<vmem_shared>> -> memref<10112x128xf32, #tpu.memory_space<vmem_shared>>
        tpu.wait_indirect_dma semaphore(%arg12 : memref<!tpu.dma_semaphore, #tpu.memory_space<semaphore_mem>>) src(%arg7 : memref<96x128xf32, #tpu.memory_space<vmem>>) dst(%dma_wait3A_135 : memref<10112x128xf32, #tpu.memory_space<vmem_shared>>)
        %dma_wait3A_136 = arith.constant 0 : i32
        %dma_wait3A_137 = arith.constant 0 : i32
        %dma_wait3A_138 = tpu.memref_slice %arg6[%dma_wait3A_136, %dma_wait3A_137] : memref<2x96xi32, #tpu.memory_space<vmem>> -> memref<1x96xi32, #tpu.memory_space<vmem>>
        %dma_wait3A_139 = tpu.memref_squeeze %dma_wait3A_138 : memref<1x96xi32, #tpu.memory_space<vmem>> -> memref<96xi32, #tpu.memory_space<vmem>>
        %dma_wait3A_140 = arith.constant 0 : i32
        %dma_wait3A_141 = arith.constant 0 : i32
        %dma_wait3A_142 = tpu.memref_slice %arg9[%dma_wait3A_140, %dma_wait3A_141] : memref<10112x128xf32, #tpu.memory_space<vmem_shared>> -> memref<10112x128xf32, #tpu.memory_space<vmem_shared>>
        tpu.wait_indirect_dma semaphore(%arg13 : memref<!tpu.dma_semaphore, #tpu.memory_space<semaphore_mem>>) src(%arg8 : memref<96x128xf32, #tpu.memory_space<vmem>>) dst(%dma_wait3A_142 : memref<10112x128xf32, #tpu.memory_space<vmem_shared>>)
      } else {
      }
    }
    %scan3A_48 = arith.constant 64 : i32
    %barrier3A_49 = arith.constant 0 : index
    tpu.barrier barrier_id(%barrier3A_49)
    %mul3A_50 = arith.constant 632 : i32
    %mul3A_51 = arith.muli %arg1, %mul3A_50 : i32
    %add3A_52 = arith.constant 0 : i32
    %add3A_53 = arith.addi %mul3A_51, %add3A_52 : i32
    "tpu.region"() ({
      %run_scoped3A = tpu.sem_alloc : memref<!tpu.dma_semaphore, #tpu.memory_space<semaphore_mem>>
      %dma_start3A = arith.constant 0 : i32
      %dma_start3A_78 = arith.constant 0 : i32
      %dma_start3A_79 = tpu.memref_slice %arg4[%arg0, %dma_start3A, %dma_start3A_78] : memref<2x10112x128xf32, #tpu.memory_space<hbm>> -> memref<1x10112x128xf32, #tpu.memory_space<hbm>>
      %dma_start3A_80 = tpu.memref_squeeze %dma_start3A_79 : memref<1x10112x128xf32, #tpu.memory_space<hbm>> -> memref<10112x128xf32, #tpu.memory_space<hbm>>
      %dma_start3A_81 = arith.constant 0 : i32
      %dma_start3A_82 = tpu.memref_slice %dma_start3A_80[%add3A_53, %dma_start3A_81] : memref<10112x128xf32, #tpu.memory_space<hbm>> -> memref<96x128xf32, #tpu.memory_space<hbm>>
      %dma_start3A_83 = arith.constant 0 : i32
      %dma_start3A_84 = tpu.memref_slice %arg9[%add3A_53, %dma_start3A_83] : memref<10112x128xf32, #tpu.memory_space<vmem_shared>> -> memref<96x128xf32, #tpu.memory_space<vmem_shared>>
      tpu.enqueue_dma source(%dma_start3A_84 : memref<96x128xf32, #tpu.memory_space<vmem_shared>>) target(%dma_start3A_82 : memref<96x128xf32, #tpu.memory_space<hbm>>) target_semaphore(%run_scoped3A : memref<!tpu.dma_semaphore, #tpu.memory_space<semaphore_mem>>)
      %dma_wait3A = arith.constant 0 : i32
      %dma_wait3A_85 = arith.constant 0 : i32
      %dma_wait3A_86 = tpu.memref_slice %arg4[%arg0, %dma_wait3A, %dma_wait3A_85] : memref<2x10112x128xf32, #tpu.memory_space<hbm>> -> memref<1x10112x128xf32, #tpu.memory_space<hbm>>
      %dma_wait3A_87 = tpu.memref_squeeze %dma_wait3A_86 : memref<1x10112x128xf32, #tpu.memory_space<hbm>> -> memref<10112x128xf32, #tpu.memory_space<hbm>>
      %dma_wait3A_88 = arith.constant 0 : i32
      %dma_wait3A_89 = tpu.memref_slice %dma_wait3A_87[%add3A_53, %dma_wait3A_88] : memref<10112x128xf32, #tpu.memory_space<hbm>> -> memref<96x128xf32, #tpu.memory_space<hbm>>
      %dma_wait3A_90 = arith.constant 0 : i32
      %dma_wait3A_91 = tpu.memref_slice %arg9[%add3A_53, %dma_wait3A_90] : memref<10112x128xf32, #tpu.memory_space<vmem_shared>> -> memref<96x128xf32, #tpu.memory_space<vmem_shared>>
      tpu.wait_dma2 semaphore(%run_scoped3A : memref<!tpu.dma_semaphore, #tpu.memory_space<semaphore_mem>>) src(%dma_wait3A_91 : memref<96x128xf32, #tpu.memory_space<vmem_shared>>) dst(%dma_wait3A_89 : memref<96x128xf32, #tpu.memory_space<hbm>>)
      tpu.yield
    }) : () -> ()
    %mul3A_54 = arith.constant 632 : i32
    %mul3A_55 = arith.muli %arg1, %mul3A_54 : i32
    %add3A_56 = arith.constant 96 : i32
    %add3A_57 = arith.addi %mul3A_55, %add3A_56 : i32
    "tpu.region"() ({
      %run_scoped3A = tpu.sem_alloc : memref<!tpu.dma_semaphore, #tpu.memory_space<semaphore_mem>>
      %dma_start3A = arith.constant 0 : i32
      %dma_start3A_78 = arith.constant 0 : i32
      %dma_start3A_79 = tpu.memref_slice %arg4[%arg0, %dma_start3A, %dma_start3A_78] : memref<2x10112x128xf32, #tpu.memory_space<hbm>> -> memref<1x10112x128xf32, #tpu.memory_space<hbm>>
      %dma_start3A_80 = tpu.memref_squeeze %dma_start3A_79 : memref<1x10112x128xf32, #tpu.memory_space<hbm>> -> memref<10112x128xf32, #tpu.memory_space<hbm>>
      %dma_start3A_81 = arith.constant 0 : i32
      %dma_start3A_82 = tpu.memref_slice %dma_start3A_80[%add3A_57, %dma_start3A_81] : memref<10112x128xf32, #tpu.memory_space<hbm>> -> memref<96x128xf32, #tpu.memory_space<hbm>>
      %dma_start3A_83 = arith.constant 0 : i32
      %dma_start3A_84 = tpu.memref_slice %arg9[%add3A_57, %dma_start3A_83] : memref<10112x128xf32, #tpu.memory_space<vmem_shared>> -> memref<96x128xf32, #tpu.memory_space<vmem_shared>>
      tpu.enqueue_dma source(%dma_start3A_84 : memref<96x128xf32, #tpu.memory_space<vmem_shared>>) target(%dma_start3A_82 : memref<96x128xf32, #tpu.memory_space<hbm>>) target_semaphore(%run_scoped3A : memref<!tpu.dma_semaphore, #tpu.memory_space<semaphore_mem>>)
      %dma_wait3A = arith.constant 0 : i32
      %dma_wait3A_85 = arith.constant 0 : i32
      %dma_wait3A_86 = tpu.memref_slice %arg4[%arg0, %dma_wait3A, %dma_wait3A_85] : memref<2x10112x128xf32, #tpu.memory_space<hbm>> -> memref<1x10112x128xf32, #tpu.memory_space<hbm>>
      %dma_wait3A_87 = tpu.memref_squeeze %dma_wait3A_86 : memref<1x10112x128xf32, #tpu.memory_space<hbm>> -> memref<10112x128xf32, #tpu.memory_space<hbm>>
      %dma_wait3A_88 = arith.constant 0 : i32
      %dma_wait3A_89 = tpu.memref_slice %dma_wait3A_87[%add3A_57, %dma_wait3A_88] : memref<10112x128xf32, #tpu.memory_space<hbm>> -> memref<96x128xf32, #tpu.memory_space<hbm>>
      %dma_wait3A_90 = arith.constant 0 : i32
      %dma_wait3A_91 = tpu.memref_slice %arg9[%add3A_57, %dma_wait3A_90] : memref<10112x128xf32, #tpu.memory_space<vmem_shared>> -> memref<96x128xf32, #tpu.memory_space<vmem_shared>>
      tpu.wait_dma2 semaphore(%run_scoped3A : memref<!tpu.dma_semaphore, #tpu.memory_space<semaphore_mem>>) src(%dma_wait3A_91 : memref<96x128xf32, #tpu.memory_space<vmem_shared>>) dst(%dma_wait3A_89 : memref<96x128xf32, #tpu.memory_space<hbm>>)
      tpu.yield
    }) : () -> ()
    %mul3A_58 = arith.constant 632 : i32
    %mul3A_59 = arith.muli %arg1, %mul3A_58 : i32
    %add3A_60 = arith.constant 192 : i32
    %add3A_61 = arith.addi %mul3A_59, %add3A_60 : i32
    "tpu.region"() ({
      %run_scoped3A = tpu.sem_alloc : memref<!tpu.dma_semaphore, #tpu.memory_space<semaphore_mem>>
      %dma_start3A = arith.constant 0 : i32
      %dma_start3A_78 = arith.constant 0 : i32
      %dma_start3A_79 = tpu.memref_slice %arg4[%arg0, %dma_start3A, %dma_start3A_78] : memref<2x10112x128xf32, #tpu.memory_space<hbm>> -> memref<1x10112x128xf32, #tpu.memory_space<hbm>>
      %dma_start3A_80 = tpu.memref_squeeze %dma_start3A_79 : memref<1x10112x128xf32, #tpu.memory_space<hbm>> -> memref<10112x128xf32, #tpu.memory_space<hbm>>
      %dma_start3A_81 = arith.constant 0 : i32
      %dma_start3A_82 = tpu.memref_slice %dma_start3A_80[%add3A_61, %dma_start3A_81] : memref<10112x128xf32, #tpu.memory_space<hbm>> -> memref<96x128xf32, #tpu.memory_space<hbm>>
      %dma_start3A_83 = arith.constant 0 : i32
      %dma_start3A_84 = tpu.memref_slice %arg9[%add3A_61, %dma_start3A_83] : memref<10112x128xf32, #tpu.memory_space<vmem_shared>> -> memref<96x128xf32, #tpu.memory_space<vmem_shared>>
      tpu.enqueue_dma source(%dma_start3A_84 : memref<96x128xf32, #tpu.memory_space<vmem_shared>>) target(%dma_start3A_82 : memref<96x128xf32, #tpu.memory_space<hbm>>) target_semaphore(%run_scoped3A : memref<!tpu.dma_semaphore, #tpu.memory_space<semaphore_mem>>)
      %dma_wait3A = arith.constant 0 : i32
      %dma_wait3A_85 = arith.constant 0 : i32
      %dma_wait3A_86 = tpu.memref_slice %arg4[%arg0, %dma_wait3A, %dma_wait3A_85] : memref<2x10112x128xf32, #tpu.memory_space<hbm>> -> memref<1x10112x128xf32, #tpu.memory_space<hbm>>
      %dma_wait3A_87 = tpu.memref_squeeze %dma_wait3A_86 : memref<1x10112x128xf32, #tpu.memory_space<hbm>> -> memref<10112x128xf32, #tpu.memory_space<hbm>>
      %dma_wait3A_88 = arith.constant 0 : i32
      %dma_wait3A_89 = tpu.memref_slice %dma_wait3A_87[%add3A_61, %dma_wait3A_88] : memref<10112x128xf32, #tpu.memory_space<hbm>> -> memref<96x128xf32, #tpu.memory_space<hbm>>
      %dma_wait3A_90 = arith.constant 0 : i32
      %dma_wait3A_91 = tpu.memref_slice %arg9[%add3A_61, %dma_wait3A_90] : memref<10112x128xf32, #tpu.memory_space<vmem_shared>> -> memref<96x128xf32, #tpu.memory_space<vmem_shared>>
      tpu.wait_dma2 semaphore(%run_scoped3A : memref<!tpu.dma_semaphore, #tpu.memory_space<semaphore_mem>>) src(%dma_wait3A_91 : memref<96x128xf32, #tpu.memory_space<vmem_shared>>) dst(%dma_wait3A_89 : memref<96x128xf32, #tpu.memory_space<hbm>>)
      tpu.yield
    }) : () -> ()
    %mul3A_62 = arith.constant 632 : i32
    %mul3A_63 = arith.muli %arg1, %mul3A_62 : i32
    %add3A_64 = arith.constant 288 : i32
    %add3A_65 = arith.addi %mul3A_63, %add3A_64 : i32
    "tpu.region"() ({
      %run_scoped3A = tpu.sem_alloc : memref<!tpu.dma_semaphore, #tpu.memory_space<semaphore_mem>>
      %dma_start3A = arith.constant 0 : i32
      %dma_start3A_78 = arith.constant 0 : i32
      %dma_start3A_79 = tpu.memref_slice %arg4[%arg0, %dma_start3A, %dma_start3A_78] : memref<2x10112x128xf32, #tpu.memory_space<hbm>> -> memref<1x10112x128xf32, #tpu.memory_space<hbm>>
      %dma_start3A_80 = tpu.memref_squeeze %dma_start3A_79 : memref<1x10112x128xf32, #tpu.memory_space<hbm>> -> memref<10112x128xf32, #tpu.memory_space<hbm>>
      %dma_start3A_81 = arith.constant 0 : i32
      %dma_start3A_82 = tpu.memref_slice %dma_start3A_80[%add3A_65, %dma_start3A_81] : memref<10112x128xf32, #tpu.memory_space<hbm>> -> memref<96x128xf32, #tpu.memory_space<hbm>>
      %dma_start3A_83 = arith.constant 0 : i32
      %dma_start3A_84 = tpu.memref_slice %arg9[%add3A_65, %dma_start3A_83] : memref<10112x128xf32, #tpu.memory_space<vmem_shared>> -> memref<96x128xf32, #tpu.memory_space<vmem_shared>>
      tpu.enqueue_dma source(%dma_start3A_84 : memref<96x128xf32, #tpu.memory_space<vmem_shared>>) target(%dma_start3A_82 : memref<96x128xf32, #tpu.memory_space<hbm>>) target_semaphore(%run_scoped3A : memref<!tpu.dma_semaphore, #tpu.memory_space<semaphore_mem>>)
      %dma_wait3A = arith.constant 0 : i32
      %dma_wait3A_85 = arith.constant 0 : i32
      %dma_wait3A_86 = tpu.memref_slice %arg4[%arg0, %dma_wait3A, %dma_wait3A_85] : memref<2x10112x128xf32, #tpu.memory_space<hbm>> -> memref<1x10112x128xf32, #tpu.memory_space<hbm>>
      %dma_wait3A_87 = tpu.memref_squeeze %dma_wait3A_86 : memref<1x10112x128xf32, #tpu.memory_space<hbm>> -> memref<10112x128xf32, #tpu.memory_space<hbm>>
      %dma_wait3A_88 = arith.constant 0 : i32
      %dma_wait3A_89 = tpu.memref_slice %dma_wait3A_87[%add3A_65, %dma_wait3A_88] : memref<10112x128xf32, #tpu.memory_space<hbm>> -> memref<96x128xf32, #tpu.memory_space<hbm>>
      %dma_wait3A_90 = arith.constant 0 : i32
      %dma_wait3A_91 = tpu.memref_slice %arg9[%add3A_65, %dma_wait3A_90] : memref<10112x128xf32, #tpu.memory_space<vmem_shared>> -> memref<96x128xf32, #tpu.memory_space<vmem_shared>>
      tpu.wait_dma2 semaphore(%run_scoped3A : memref<!tpu.dma_semaphore, #tpu.memory_space<semaphore_mem>>) src(%dma_wait3A_91 : memref<96x128xf32, #tpu.memory_space<vmem_shared>>) dst(%dma_wait3A_89 : memref<96x128xf32, #tpu.memory_space<hbm>>)
      tpu.yield
    }) : () -> ()
    %mul3A_66 = arith.constant 632 : i32
    %mul3A_67 = arith.muli %arg1, %mul3A_66 : i32
    %add3A_68 = arith.constant 384 : i32
    %add3A_69 = arith.addi %mul3A_67, %add3A_68 : i32
    "tpu.region"() ({
      %run_scoped3A = tpu.sem_alloc : memref<!tpu.dma_semaphore, #tpu.memory_space<semaphore_mem>>
      %dma_start3A = arith.constant 0 : i32
      %dma_start3A_78 = arith.constant 0 : i32
      %dma_start3A_79 = tpu.memref_slice %arg4[%arg0, %dma_start3A, %dma_start3A_78] : memref<2x10112x128xf32, #tpu.memory_space<hbm>> -> memref<1x10112x128xf32, #tpu.memory_space<hbm>>
      %dma_start3A_80 = tpu.memref_squeeze %dma_start3A_79 : memref<1x10112x128xf32, #tpu.memory_space<hbm>> -> memref<10112x128xf32, #tpu.memory_space<hbm>>
      %dma_start3A_81 = arith.constant 0 : i32
      %dma_start3A_82 = tpu.memref_slice %dma_start3A_80[%add3A_69, %dma_start3A_81] : memref<10112x128xf32, #tpu.memory_space<hbm>> -> memref<96x128xf32, #tpu.memory_space<hbm>>
      %dma_start3A_83 = arith.constant 0 : i32
      %dma_start3A_84 = tpu.memref_slice %arg9[%add3A_69, %dma_start3A_83] : memref<10112x128xf32, #tpu.memory_space<vmem_shared>> -> memref<96x128xf32, #tpu.memory_space<vmem_shared>>
      tpu.enqueue_dma source(%dma_start3A_84 : memref<96x128xf32, #tpu.memory_space<vmem_shared>>) target(%dma_start3A_82 : memref<96x128xf32, #tpu.memory_space<hbm>>) target_semaphore(%run_scoped3A : memref<!tpu.dma_semaphore, #tpu.memory_space<semaphore_mem>>)
      %dma_wait3A = arith.constant 0 : i32
      %dma_wait3A_85 = arith.constant 0 : i32
      %dma_wait3A_86 = tpu.memref_slice %arg4[%arg0, %dma_wait3A, %dma_wait3A_85] : memref<2x10112x128xf32, #tpu.memory_space<hbm>> -> memref<1x10112x128xf32, #tpu.memory_space<hbm>>
      %dma_wait3A_87 = tpu.memref_squeeze %dma_wait3A_86 : memref<1x10112x128xf32, #tpu.memory_space<hbm>> -> memref<10112x128xf32, #tpu.memory_space<hbm>>
      %dma_wait3A_88 = arith.constant 0 : i32
      %dma_wait3A_89 = tpu.memref_slice %dma_wait3A_87[%add3A_69, %dma_wait3A_88] : memref<10112x128xf32, #tpu.memory_space<hbm>> -> memref<96x128xf32, #tpu.memory_space<hbm>>
      %dma_wait3A_90 = arith.constant 0 : i32
      %dma_wait3A_91 = tpu.memref_slice %arg9[%add3A_69, %dma_wait3A_90] : memref<10112x128xf32, #tpu.memory_space<vmem_shared>> -> memref<96x128xf32, #tpu.memory_space<vmem_shared>>
      tpu.wait_dma2 semaphore(%run_scoped3A : memref<!tpu.dma_semaphore, #tpu.memory_space<semaphore_mem>>) src(%dma_wait3A_91 : memref<96x128xf32, #tpu.memory_space<vmem_shared>>) dst(%dma_wait3A_89 : memref<96x128xf32, #tpu.memory_space<hbm>>)
      tpu.yield
    }) : () -> ()
    %mul3A_70 = arith.constant 632 : i32
    %mul3A_71 = arith.muli %arg1, %mul3A_70 : i32
    %add3A_72 = arith.constant 480 : i32
    %add3A_73 = arith.addi %mul3A_71, %add3A_72 : i32
    "tpu.region"() ({
      %run_scoped3A = tpu.sem_alloc : memref<!tpu.dma_semaphore, #tpu.memory_space<semaphore_mem>>
      %dma_start3A = arith.constant 0 : i32
      %dma_start3A_78 = arith.constant 0 : i32
      %dma_start3A_79 = tpu.memref_slice %arg4[%arg0, %dma_start3A, %dma_start3A_78] : memref<2x10112x128xf32, #tpu.memory_space<hbm>> -> memref<1x10112x128xf32, #tpu.memory_space<hbm>>
      %dma_start3A_80 = tpu.memref_squeeze %dma_start3A_79 : memref<1x10112x128xf32, #tpu.memory_space<hbm>> -> memref<10112x128xf32, #tpu.memory_space<hbm>>
      %dma_start3A_81 = arith.constant 0 : i32
      %dma_start3A_82 = tpu.memref_slice %dma_start3A_80[%add3A_73, %dma_start3A_81] : memref<10112x128xf32, #tpu.memory_space<hbm>> -> memref<96x128xf32, #tpu.memory_space<hbm>>
      %dma_start3A_83 = arith.constant 0 : i32
      %dma_start3A_84 = tpu.memref_slice %arg9[%add3A_73, %dma_start3A_83] : memref<10112x128xf32, #tpu.memory_space<vmem_shared>> -> memref<96x128xf32, #tpu.memory_space<vmem_shared>>
      tpu.enqueue_dma source(%dma_start3A_84 : memref<96x128xf32, #tpu.memory_space<vmem_shared>>) target(%dma_start3A_82 : memref<96x128xf32, #tpu.memory_space<hbm>>) target_semaphore(%run_scoped3A : memref<!tpu.dma_semaphore, #tpu.memory_space<semaphore_mem>>)
      %dma_wait3A = arith.constant 0 : i32
      %dma_wait3A_85 = arith.constant 0 : i32
      %dma_wait3A_86 = tpu.memref_slice %arg4[%arg0, %dma_wait3A, %dma_wait3A_85] : memref<2x10112x128xf32, #tpu.memory_space<hbm>> -> memref<1x10112x128xf32, #tpu.memory_space<hbm>>
      %dma_wait3A_87 = tpu.memref_squeeze %dma_wait3A_86 : memref<1x10112x128xf32, #tpu.memory_space<hbm>> -> memref<10112x128xf32, #tpu.memory_space<hbm>>
      %dma_wait3A_88 = arith.constant 0 : i32
      %dma_wait3A_89 = tpu.memref_slice %dma_wait3A_87[%add3A_73, %dma_wait3A_88] : memref<10112x128xf32, #tpu.memory_space<hbm>> -> memref<96x128xf32, #tpu.memory_space<hbm>>
      %dma_wait3A_90 = arith.constant 0 : i32
      %dma_wait3A_91 = tpu.memref_slice %arg9[%add3A_73, %dma_wait3A_90] : memref<10112x128xf32, #tpu.memory_space<vmem_shared>> -> memref<96x128xf32, #tpu.memory_space<vmem_shared>>
      tpu.wait_dma2 semaphore(%run_scoped3A : memref<!tpu.dma_semaphore, #tpu.memory_space<semaphore_mem>>) src(%dma_wait3A_91 : memref<96x128xf32, #tpu.memory_space<vmem_shared>>) dst(%dma_wait3A_89 : memref<96x128xf32, #tpu.memory_space<hbm>>)
      tpu.yield
    }) : () -> ()
    %mul3A_74 = arith.constant 632 : i32
    %mul3A_75 = arith.muli %arg1, %mul3A_74 : i32
    %add3A_76 = arith.constant 576 : i32
    %add3A_77 = arith.addi %mul3A_75, %add3A_76 : i32
    "tpu.region"() ({
      %run_scoped3A = tpu.sem_alloc : memref<!tpu.dma_semaphore, #tpu.memory_space<semaphore_mem>>
      %dma_start3A = arith.constant 0 : i32
      %dma_start3A_78 = arith.constant 0 : i32
      %dma_start3A_79 = tpu.memref_slice %arg4[%arg0, %dma_start3A, %dma_start3A_78] : memref<2x10112x128xf32, #tpu.memory_space<hbm>> -> memref<1x10112x128xf32, #tpu.memory_space<hbm>>
      %dma_start3A_80 = tpu.memref_squeeze %dma_start3A_79 : memref<1x10112x128xf32, #tpu.memory_space<hbm>> -> memref<10112x128xf32, #tpu.memory_space<hbm>>
      %dma_start3A_81 = arith.constant 0 : i32
      %dma_start3A_82 = tpu.memref_slice %dma_start3A_80[%add3A_77, %dma_start3A_81] : memref<10112x128xf32, #tpu.memory_space<hbm>> -> memref<56x128xf32, #tpu.memory_space<hbm>>
      %dma_start3A_83 = arith.constant 0 : i32
      %dma_start3A_84 = tpu.memref_slice %arg9[%add3A_77, %dma_start3A_83] : memref<10112x128xf32, #tpu.memory_space<vmem_shared>> -> memref<56x128xf32, #tpu.memory_space<vmem_shared>>
      tpu.enqueue_dma source(%dma_start3A_84 : memref<56x128xf32, #tpu.memory_space<vmem_shared>>) target(%dma_start3A_82 : memref<56x128xf32, #tpu.memory_space<hbm>>) target_semaphore(%run_scoped3A : memref<!tpu.dma_semaphore, #tpu.memory_space<semaphore_mem>>)
      %dma_wait3A = arith.constant 0 : i32
      %dma_wait3A_85 = arith.constant 0 : i32
      %dma_wait3A_86 = tpu.memref_slice %arg4[%arg0, %dma_wait3A, %dma_wait3A_85] : memref<2x10112x128xf32, #tpu.memory_space<hbm>> -> memref<1x10112x128xf32, #tpu.memory_space<hbm>>
      %dma_wait3A_87 = tpu.memref_squeeze %dma_wait3A_86 : memref<1x10112x128xf32, #tpu.memory_space<hbm>> -> memref<10112x128xf32, #tpu.memory_space<hbm>>
      %dma_wait3A_88 = arith.constant 0 : i32
      %dma_wait3A_89 = tpu.memref_slice %dma_wait3A_87[%add3A_77, %dma_wait3A_88] : memref<10112x128xf32, #tpu.memory_space<hbm>> -> memref<56x128xf32, #tpu.memory_space<hbm>>
      %dma_wait3A_90 = arith.constant 0 : i32
      %dma_wait3A_91 = tpu.memref_slice %arg9[%add3A_77, %dma_wait3A_90] : memref<10112x128xf32, #tpu.memory_space<vmem_shared>> -> memref<56x128xf32, #tpu.memory_space<vmem_shared>>
      tpu.wait_dma2 semaphore(%run_scoped3A : memref<!tpu.dma_semaphore, #tpu.memory_space<semaphore_mem>>) src(%dma_wait3A_91 : memref<56x128xf32, #tpu.memory_space<vmem_shared>>) dst(%dma_wait3A_89 : memref<56x128xf32, #tpu.memory_space<hbm>>)
      tpu.yield
    }) : () -> ()
    return
  }
}

module attributes {stable_mosaic.version = 14 : i64} {
  func.func @body(%arg0: memref<2x10112x128xf32, #tpu.memory_space<vmem>>, %arg1: memref<32x10112xf32, #tpu.memory_space<vmem>>, %arg2: memref<128x128xf32, #tpu.memory_space<vmem>>, %arg3: memref<1x128xf32, #tpu.memory_space<vmem>>, %arg4: memref<10112x128xf32, #tpu.memory_space<vmem>>) attributes {dimension_semantics = [], scalar_prefetch = 0 : i64, scratch_operands = 0 : i64, tpu.core_type = #tpu.core_type<tc>} {
    %get3A = arith.constant 0 : index
    %get3A_0 = arith.constant 0 : index
    %get3A_1 = arith.constant 0 : index
    %get3A_2 = vector.load %arg0[%get3A, %get3A_0, %get3A_1] : memref<2x10112x128xf32, #tpu.memory_space<vmem>>, vector<1x10112x128xf32>
    %get3A_3 = vector.shape_cast %get3A_2 : vector<1x10112x128xf32> to vector<10112x128xf32>
    %get3A_4 = arith.constant 1 : index
    %get3A_5 = arith.constant 0 : index
    %get3A_6 = arith.constant 0 : index
    %get3A_7 = vector.load %arg0[%get3A_4, %get3A_5, %get3A_6] : memref<2x10112x128xf32, #tpu.memory_space<vmem>>, vector<1x10112x128xf32>
    %get3A_8 = vector.shape_cast %get3A_7 : vector<1x10112x128xf32> to vector<10112x128xf32>
    %add3A = arith.addf %get3A_3, %get3A_8 : vector<10112x128xf32>
    %get3A_9 = arith.constant 0 : index
    %get3A_10 = arith.constant 0 : index
    %get3A_11 = vector.load %arg1[%get3A_9, %get3A_10] : memref<32x10112xf32, #tpu.memory_space<vmem>>, vector<32x10112xf32>
    %reduce_sum3A = arith.constant dense<0.000000e+00> : vector<10112xf32>
    %reduce_sum3A_12 = vector.multi_reduction <add>, %get3A_11, %reduce_sum3A [0] : vector<32x10112xf32> to vector<10112xf32>
    %broadcast_in_dim3A = vector.shape_cast %reduce_sum3A_12 : vector<10112xf32> to vector<10112x1xf32>
    %get3A_13 = arith.constant 0 : index
    %get3A_14 = arith.constant 0 : index
    %get3A_15 = vector.load %arg2[%get3A_13, %get3A_14] : memref<128x128xf32, #tpu.memory_space<vmem>>, vector<128x128xf32>
    %dot_general3A = arith.constant dense<0.000000e+00> : vector<10112x128xf32>
    %dot_general3A_16 = tpu.matmul %add3A, %get3A_15, %dot_general3A {dimension_numbers = #tpu.dot_dimension_numbers<[1], [0], [0], [1], [0, 0, 1, 1], [], []>, precision = #tpu.contract_precision<fp32>, transpose_lhs_hint = false} : vector<10112x128xf32>, vector<128x128xf32>, vector<10112x128xf32> -> vector<10112x128xf32>
    %get3A_17 = arith.constant 0 : index
    %get3A_18 = arith.constant 0 : index
    %get3A_19 = vector.load %arg3[%get3A_17, %get3A_18] : memref<1x128xf32, #tpu.memory_space<vmem>>, vector<1x128xf32>
    %mul3A = vector.broadcast %broadcast_in_dim3A : vector<10112x1xf32> to vector<10112x128xf32>
    %mul3A_20 = vector.broadcast %get3A_19 : vector<1x128xf32> to vector<10112x128xf32>
    %mul3A_21 = arith.mulf %mul3A, %mul3A_20 : vector<10112x128xf32>
    %add3A_22 = arith.addf %dot_general3A_16, %mul3A_21 : vector<10112x128xf32>
    %swap3A = arith.constant 0 : index
    %swap3A_23 = arith.constant 0 : index
    %swap3A_24 = vector.load %arg4[%swap3A, %swap3A_23] : memref<10112x128xf32, #tpu.memory_space<vmem>>, vector<10112x128xf32>
    tpu.vector_store %arg4[%swap3A, %swap3A_23], %add3A_22 {strides = array<i32>} : memref<10112x128xf32, #tpu.memory_space<vmem>>, vector<10112x128xf32>,
    return
  }
}

module attributes {stable_mosaic.version = 14 : i64} {
  func.func @body(%arg0: memref<2x10112x128xf32, #tpu.memory_space<vmem>>, %arg1: memref<32x10112xf32, #tpu.memory_space<vmem>>, %arg2: memref<128x128xf32, #tpu.memory_space<vmem>>, %arg3: memref<1x128xf32, #tpu.memory_space<vmem>>, %arg4: memref<10112x128xf32, #tpu.memory_space<vmem>>) attributes {dimension_semantics = [], scalar_prefetch = 0 : i64, scratch_operands = 0 : i64, tpu.core_type = #tpu.core_type<tc>} {
    %get3A = arith.constant 0 : index
    %get3A_0 = arith.constant 0 : index
    %get3A_1 = arith.constant 0 : index
    %get3A_2 = vector.load %arg0[%get3A, %get3A_0, %get3A_1] : memref<2x10112x128xf32, #tpu.memory_space<vmem>>, vector<1x10112x128xf32>
    %get3A_3 = vector.shape_cast %get3A_2 : vector<1x10112x128xf32> to vector<10112x128xf32>
    %get3A_4 = arith.constant 1 : index
    %get3A_5 = arith.constant 0 : index
    %get3A_6 = arith.constant 0 : index
    %get3A_7 = vector.load %arg0[%get3A_4, %get3A_5, %get3A_6] : memref<2x10112x128xf32, #tpu.memory_space<vmem>>, vector<1x10112x128xf32>
    %get3A_8 = vector.shape_cast %get3A_7 : vector<1x10112x128xf32> to vector<10112x128xf32>
    %add3A = arith.addf %get3A_3, %get3A_8 : vector<10112x128xf32>
    %get3A_9 = arith.constant 0 : index
    %get3A_10 = arith.constant 0 : index
    %get3A_11 = vector.load %arg1[%get3A_9, %get3A_10] : memref<32x10112xf32, #tpu.memory_space<vmem>>, vector<32x10112xf32>
    %reduce_sum3A = arith.constant dense<0.000000e+00> : vector<10112xf32>
    %reduce_sum3A_12 = vector.multi_reduction <add>, %get3A_11, %reduce_sum3A [0] : vector<32x10112xf32> to vector<10112xf32>
    %broadcast_in_dim3A = vector.shape_cast %reduce_sum3A_12 : vector<10112xf32> to vector<10112x1xf32>
    %get3A_13 = arith.constant 0 : index
    %get3A_14 = arith.constant 0 : index
    %get3A_15 = vector.load %arg2[%get3A_13, %get3A_14] : memref<128x128xf32, #tpu.memory_space<vmem>>, vector<128x128xf32>
    %dot_general3A = arith.constant dense<0.000000e+00> : vector<10112x128xf32>
    %dot_general3A_16 = tpu.matmul %add3A, %get3A_15, %dot_general3A {dimension_numbers = #tpu.dot_dimension_numbers<[1], [0], [0], [1], [0, 0, 1, 1], [], []>, precision = #tpu.contract_precision<fp32>, transpose_lhs_hint = false} : vector<10112x128xf32>, vector<128x128xf32>, vector<10112x128xf32> -> vector<10112x128xf32>
    %get3A_17 = arith.constant 0 : index
    %get3A_18 = arith.constant 0 : index
    %get3A_19 = vector.load %arg3[%get3A_17, %get3A_18] : memref<1x128xf32, #tpu.memory_space<vmem>>, vector<1x128xf32>
    %mul3A = vector.broadcast %broadcast_in_dim3A : vector<10112x1xf32> to vector<10112x128xf32>
    %mul3A_20 = vector.broadcast %get3A_19 : vector<1x128xf32> to vector<10112x128xf32>
    %mul3A_21 = arith.mulf %mul3A, %mul3A_20 : vector<10112x128xf32>
    %add3A_22 = arith.addf %dot_general3A_16, %mul3A_21 : vector<10112x128xf32>
    %max3A = arith.constant 0.000000e+00 : f32
    %max3A_23 = vector.broadcast %max3A : f32 to vector<10112x128xf32>
    %max3A_24 = arith.maximumf %add3A_22, %max3A_23 : vector<10112x128xf32>
    %swap3A = arith.constant 0 : index
    %swap3A_25 = arith.constant 0 : index
    %swap3A_26 = vector.load %arg4[%swap3A, %swap3A_25] : memref<10112x128xf32, #tpu.memory_space<vmem>>, vector<10112x128xf32>
    tpu.vector_store %arg4[%swap3A, %swap3A_25], %max3A_24 {strides = array<i32>} : memref<10112x128xf32, #tpu.memory_space<vmem>>, vector<10112x128xf32>,
    return
  }
}

module attributes {stable_mosaic.version = 14 : i64} {
  func.func @body(%arg0: memref<2x10112x128xf32, #tpu.memory_space<vmem>>, %arg1: memref<32x10112xf32, #tpu.memory_space<vmem>>, %arg2: memref<128x128xf32, #tpu.memory_space<vmem>>, %arg3: memref<1x128xf32, #tpu.memory_space<vmem>>, %arg4: memref<128x128xf32, #tpu.memory_space<vmem>>, %arg5: memref<1x128xf32, #tpu.memory_space<vmem>>, %arg6: memref<10112x128xf32, #tpu.memory_space<vmem>>) attributes {dimension_semantics = [], scalar_prefetch = 0 : i64, scratch_operands = 0 : i64, tpu.core_type = #tpu.core_type<tc>} {
    %get3A = arith.constant 0 : index
    %get3A_0 = arith.constant 0 : index
    %get3A_1 = arith.constant 0 : index
    %get3A_2 = vector.load %arg0[%get3A, %get3A_0, %get3A_1] : memref<2x10112x128xf32, #tpu.memory_space<vmem>>, vector<1x10112x128xf32>
    %get3A_3 = vector.shape_cast %get3A_2 : vector<1x10112x128xf32> to vector<10112x128xf32>
    %get3A_4 = arith.constant 1 : index
    %get3A_5 = arith.constant 0 : index
    %get3A_6 = arith.constant 0 : index
    %get3A_7 = vector.load %arg0[%get3A_4, %get3A_5, %get3A_6] : memref<2x10112x128xf32, #tpu.memory_space<vmem>>, vector<1x10112x128xf32>
    %get3A_8 = vector.shape_cast %get3A_7 : vector<1x10112x128xf32> to vector<10112x128xf32>
    %add3A = arith.addf %get3A_3, %get3A_8 : vector<10112x128xf32>
    %get3A_9 = arith.constant 0 : index
    %get3A_10 = arith.constant 0 : index
    %get3A_11 = vector.load %arg1[%get3A_9, %get3A_10] : memref<32x10112xf32, #tpu.memory_space<vmem>>, vector<32x10112xf32>
    %reduce_sum3A = arith.constant dense<0.000000e+00> : vector<10112xf32>
    %reduce_sum3A_12 = vector.multi_reduction <add>, %get3A_11, %reduce_sum3A [0] : vector<32x10112xf32> to vector<10112xf32>
    %broadcast_in_dim3A = vector.shape_cast %reduce_sum3A_12 : vector<10112xf32> to vector<10112x1xf32>
    %get3A_13 = arith.constant 0 : index
    %get3A_14 = arith.constant 0 : index
    %get3A_15 = vector.load %arg2[%get3A_13, %get3A_14] : memref<128x128xf32, #tpu.memory_space<vmem>>, vector<128x128xf32>
    %dot_general3A = arith.constant dense<0.000000e+00> : vector<10112x128xf32>
    %dot_general3A_16 = tpu.matmul %add3A, %get3A_15, %dot_general3A {dimension_numbers = #tpu.dot_dimension_numbers<[1], [0], [0], [1], [0, 0, 1, 1], [], []>, precision = #tpu.contract_precision<fp32>, transpose_lhs_hint = false} : vector<10112x128xf32>, vector<128x128xf32>, vector<10112x128xf32> -> vector<10112x128xf32>
    %get3A_17 = arith.constant 0 : index
    %get3A_18 = arith.constant 0 : index
    %get3A_19 = vector.load %arg3[%get3A_17, %get3A_18] : memref<1x128xf32, #tpu.memory_space<vmem>>, vector<1x128xf32>
    %mul3A = vector.broadcast %broadcast_in_dim3A : vector<10112x1xf32> to vector<10112x128xf32>
    %mul3A_20 = vector.broadcast %get3A_19 : vector<1x128xf32> to vector<10112x128xf32>
    %mul3A_21 = arith.mulf %mul3A, %mul3A_20 : vector<10112x128xf32>
    %add3A_22 = arith.addf %dot_general3A_16, %mul3A_21 : vector<10112x128xf32>
    %max3A = arith.constant 0.000000e+00 : f32
    %max3A_23 = vector.broadcast %max3A : f32 to vector<10112x128xf32>
    %max3A_24 = arith.maximumf %add3A_22, %max3A_23 : vector<10112x128xf32>
    %get3A_25 = arith.constant 0 : index
    %get3A_26 = arith.constant 0 : index
    %get3A_27 = vector.load %arg4[%get3A_25, %get3A_26] : memref<128x128xf32, #tpu.memory_space<vmem>>, vector<128x128xf32>
    %dot_general3A_28 = arith.constant dense<0.000000e+00> : vector<10112x128xf32>
    %dot_general3A_29 = tpu.matmul %max3A_24, %get3A_27, %dot_general3A_28 {dimension_numbers = #tpu.dot_dimension_numbers<[1], [0], [0], [1], [0, 0, 1, 1], [], []>, precision = #tpu.contract_precision<fp32>, transpose_lhs_hint = false} : vector<10112x128xf32>, vector<128x128xf32>, vector<10112x128xf32> -> vector<10112x128xf32>
    %get3A_30 = arith.constant 0 : index
    %get3A_31 = arith.constant 0 : index
    %get3A_32 = vector.load %arg5[%get3A_30, %get3A_31] : memref<1x128xf32, #tpu.memory_space<vmem>>, vector<1x128xf32>
    %add3A_33 = vector.broadcast %get3A_32 : vector<1x128xf32> to vector<10112x128xf32>
    %add3A_34 = arith.addf %dot_general3A_29, %add3A_33 : vector<10112x128xf32>
    %swap3A = arith.constant 0 : index
    %swap3A_35 = arith.constant 0 : index
    %swap3A_36 = vector.load %arg6[%swap3A, %swap3A_35] : memref<10112x128xf32, #tpu.memory_space<vmem>>, vector<10112x128xf32>
    tpu.vector_store %arg6[%swap3A, %swap3A_35], %add3A_34 {strides = array<i32>} : memref<10112x128xf32, #tpu.memory_space<vmem>>, vector<10112x128xf32>,
    return
  }
}

</mosaic_0001>

<sc_bundles>
// kernel: kernel.11.cloned.1.call-start
scs
__scs_entry_jumppad:
0x0: {  	(pc) =	sbr.rel $0x88, $3  }
0x1: {  	(tag) =	ssettag $0x0;
	lr =	simm.s32 $0x1  }
0x2: {  	[smem:$0x3F99] =	sst lr;
	_ =	strace $0xD0000000  }
0x3: {  	_ = 	snop  }
0x4: {  	_ = 	snop  }
0x5: {  	_ = 	snop  }
0x6: {  	_ = 	snop  }
0x7: {  	_ = 	snop  }
__scs_overlays_trampoline_lowered:
0x8: {  	[smem:$0x3FA8] =	sst s0  }
0x9: {  	[smem:$0x3FA9] =	sst s1  }
0xa: {  	[smem:$0x3FAA] =	sst s2  }
0xb: {  	[smem:$0x3FAB] =	sst s3  }
0xc: {  	[smem:$0x3FAC] =	sst s4  }
0xd: {  	[smem:$0x3FAD] =	sst s5  }
0xe: {  	[smem:$0x3FAE] =	sst s6  }
0xf: {  	[smem:$0x3FAF] =	sst s7  }
0x10: {  	[smem:$0x3FB0] =	sst s8  }
0x11: {  	[smem:$0x3FB1] =	sst s9;
	s0 =	simm.s32 @!p0 $0x0  }
0x12: {  	s1 =	sld [smem:$0x3F97];
	s0 =	simm.s32 @p0 $0x1  }
0x13: {  	[smem:$0x3FB2] =	sst s0;
	s0 =	simm.s32 @!p1 $0x0  }
0x14: {  	s2 =	sld [smem:$0x3F96];
	s0 =	simm.s32 @p1 $0x1  }
0x15: {  	[smem:$0x3FB3] =	sst s0;
	s0 =	simm.s32 @!p2 $0x0  }
0x16: {  	s3 =	sld [smem:$0x3FDB];
	s0 =	simm.s32 @p2 $0x1  }
0x17: {  	s4 =	simm.s32 $0x1BF5;
	[smem:$0x3FB5] =	sst s0  }
0x18: {  	s0 =	sld [smem:$0x3F98];
	_ =	swait.ge [sflag:s4], $0x0  }
0x19: {  	s7 =	sld [smem:$0x3F99]  }
0x1a: {  	s8 =	sadd.s32 $0xFFFFE003, lr  }
0x1b: {  	s9 =	sadd.s32 $0xFFFFFEF7, lr;
	s5 =	simm.s32 $0xFFFFFFFF;
	p2 =	slt.u32 s8, $0xFFFFF086  }
0x1c: {  	p1 =	slt.u32 s9, $0xF7A;
	s5 =	simm.s32 @!p2 $0x0  }
0x1d: {  	s5 =	simm.s32 @p1 $0x1;
	p0 =	seq.s32 s7, s2  }
0x1e: {  	s7 =	smul.u32 @!p0 $0xF7A, s2;
	p2 =	seq.s32 @!p0 s5, $0x0  }
0x1f: {  	s9 =	smul.u32 $0xF7A, s1;
	s8 =	simm.s32 @!p0 $0x1BF5;
	p2 =	por !p2, p0  }
0x20: {  	[sflag:s8] =	ssyncset.s32 @!p0 $0xFFFFF086;
	s6 =	sadd.s32 @!p0 s3, s7;
	s7 =	simm.s32 @!p0 $0x108  }
0x21: {  	s3 =	sadd.s32 s3, s9;
	s6 =	sadd.s32 @!p0 $0x88, s6;
	s7 =	simm.s32 @p2 $0x1082  }
0x22: {  	[simem:s7], [sflag:s8] =	dma.local @!p0 [hbm:s6], $0xF7A  }
0x23: {  	s9 =	sor.u32 $0xD0000000, s2;
	s6 =	simm.s32 $0x108;
	_ =	swait.ge @!p0 [sflag:s8], $0x0  }
0x24: {  	s3 =	sadd.s32 $0x88, s3;
	s6 =	simm.s32 @!p1 $0x1082;
	[sflag:s4] =	ssyncset.s32 $0xFFFFF086  }
0x25: {  	[simem:s6], [sflag:s4] =	dma.local [hbm:s3], $0xF7A  }
0x26: {  	[smem:$0x3F99] =	sst s1;
	(tag) =	ssettag s2;
	_ =	strace s9  }
0x27: {  	s1 =	sld [smem:$0x3FA9]  }
0x28: {  	s2 =	sld [smem:$0x3FAA]  }
0x29: {  	s4 =	sld [smem:$0x3FAC]  }
0x2a: {  	p0 =	seq.s32 s5, $0x0;
	s5 =	sld [smem:$0x3FAD]  }
0x2b: {  	s6 =	sld [smem:$0x3FAE]  }
0x2c: {  	s7 =	sld [smem:$0x3FAF]  }
0x2d: {  	s3 =	simm.s32 $0x108;
	s8 =	sld [smem:$0x3FB0]  }
0x2e: {  	s3 =	simm.s32 @!p0 $0x1082;
	s9 =	sld [smem:$0x3FB1]  }
0x2f: {  	lr =	sadd.s32 s0, s3;
	s0 =	sld [smem:$0x3FA8]  }
0x30: {  	s3 =	sld [smem:$0x3FAB]  }
0x31: {  	[smem:$0x3FB4] =	sst s10  }
0x32: {  	s10 =	sld [smem:$0x3FB2];
	_ =	sdelay $0x3  }
0x33: {  	p0 =	seq.s32 s10, $0x1;
	s10 =	sld [smem:$0x3FB4];
	_ =	sdelay $0x3  }
0x34: {  	[smem:$0x3FB4] =	sst s10  }
0x35: {  	s10 =	sld [smem:$0x3FB3];
	_ =	sdelay $0x3  }
0x36: {  	p1 =	seq.s32 s10, $0x1;
	s10 =	sld [smem:$0x3FB4];
	_ =	sdelay $0x3  }
0x37: {  	[smem:$0x3FB4] =	sst s10  }
0x38: {  	s10 =	sld [smem:$0x3FB5]  }
0x39: {  	_ = 	snop;
	(pc) =	sbr.ind lr, $3  }
0x3a: {  	_ = 	snop  }
0x3b: {  	_ = 	snop  }
0x3c: {  	p2 =	seq.s32 s10, $0x1;
	s10 =	sld [smem:$0x3FB4]  }
0x3d: {  	_ =	shalt  }
0x3e: {  	_ =	shalt  }
0x3f: {  	_ =	shalt  }
0x40: {  	_ =	shalt  }
0x41: {  	_ =	shalt  }
0x42: {  	_ =	shalt  }
0x43: {  	_ =	shalt  }
0x44: {  	_ =	shalt  }
0x45: {  	_ =	shalt  }
0x46: {  	_ =	shalt  }
0x47: {  	_ =	shalt  }
0x48: {  	_ =	shalt  }
0x49: {  	_ =	shalt  }
0x4a: {  	_ =	shalt  }
0x4b: {  	_ =	shalt  }
0x4c: {  	_ =	shalt  }
0x4d: {  	_ =	shalt  }
0x4e: {  	_ =	shalt  }
0x4f: {  	_ =	shalt  }
0x50: {  	_ =	shalt  }
0x51: {  	_ =	shalt  }
0x52: {  	_ =	shalt  }
0x53: {  	_ =	shalt  }
0x54: {  	_ =	shalt  }
0x55: {  	_ =	shalt  }
0x56: {  	_ =	shalt  }
0x57: {  	_ =	shalt  }
0x58: {  	_ =	shalt  }
0x59: {  	_ =	shalt  }
0x5a: {  	_ =	shalt  }
0x5b: {  	_ =	shalt  }
0x5c: {  	_ =	shalt  }
0x5d: {  	_ =	shalt  }
0x5e: {  	_ =	shalt  }
0x5f: {  	_ =	shalt  }
0x60: {  	_ =	shalt  }
0x61: {  	_ =	shalt  }
0x62: {  	_ =	shalt  }
0x63: {  	_ =	shalt  }
0x64: {  	_ =	shalt  }
0x65: {  	_ =	shalt  }
0x66: {  	_ =	shalt  }
0x67: {  	_ =	shalt  }
0x68: {  	_ =	shalt  }
0x69: {  	_ =	shalt  }
0x6a: {  	_ =	shalt  }
0x6b: {  	_ =	shalt  }
0x6c: {  	_ =	shalt  }
0x6d: {  	_ =	shalt  }
0x6e: {  	_ =	shalt  }
0x6f: {  	_ =	shalt  }
0x70: {  	_ =	shalt  }
0x71: {  	_ =	shalt  }
0x72: {  	_ =	shalt  }
0x73: {  	_ =	shalt  }
0x74: {  	_ =	shalt  }
0x75: {  	_ =	shalt  }
0x76: {  	_ =	shalt  }
0x77: {  	_ =	shalt  }
0x78: {  	_ =	shalt  }
0x79: {  	_ =	shalt  }
0x7a: {  	_ =	shalt  }
0x7b: {  	_ =	shalt  }
0x7c: {  	_ =	shalt  }
0x7d: {  	_ =	shalt  }
0x7e: {  	_ =	shalt  }
0x7f: {  	_ =	shalt  }
0x80: {  	_ =	shalt  }
0x81: {  	_ =	shalt  }
0x82: {  	_ =	shalt  }
0x83: {  	_ =	shalt  }
0x84: {  	_ =	shalt  }
0x85: {  	_ =	shalt  }
0x86: {  	_ =	shalt  }
0x87: {  	_ =	shalt  }
.Lfunc_end0:
.L_simem_size_0:
called_computation_lowered:
.L_overlay_start_0:
0x88: {  	s2 =	sld [smem:$0x3FD9]  }
0x89: {  	s3 =	sld [smem:$0x3FFE];
	_ =	sdelay $0x1  }
0x8a: {  	s1 =	srdreg.scid  }
0x8b: {  	s0 =	sand.u32 $0x1, s1  }
0x8c: {  	s16 =	sshll.u32 s0, $0xA;
	s2 =	sadd.s32 s3, s2  }
0x8d: {  	s2 =	sadd.s32 s2, s16  }
0x8e: {  	[smem:$0x3FC0] =	sst s2  }
0x8f: {  	_ = 	snop  }
0x90: {  	(tm) =	ssettm $0x1  }
0x91: {  	s17 =	sld [smem:$0x3FFB];
	_ =	sdelay $0x3  }
0x92: {  	_ =	strace s17  }
0x93: {  	s2 =	sld [smem:$0x3FFC];
	_ =	sdelay $0x3  }
0x94: {  	_ =	strace s2  }
0x95: {  	s2 =	sld [smem:$0x3FFD];
	_ =	sdelay $0x3  }
0x96: {  	_ =	strace s2  }
0x97: {  	_ =	strace $0x8FFFFFFF  }
0x98: {  	s18 =	sld [smem:$0x3FDB];
	_ =	sdelay $0x1  }
0x99: {  	s19 =	simm.s32 $_scs_section_size  }
0x9a: {  	s4 =	simm.s32 $_size__tile_overlayer_lowered;
	s5 =	simm.s32 $_tile_overlayer_lowered  }
0x9b: {  	s22 =	simm.s32 $0x1BFF;
	s21 =	sshll.u32 s5, $0x1;
	s2 =	sadd.s32 s19, s18  }
0x9c: {  	s6 =	simm.s32 $0x0;
	s20 =	sshll.u32 s4, $0x1;
	s4 =	sadd.s32 s21, s2  }
0x9d: {  	[timem:s6], [sflag:s22] =	dma.local [hbm:s4], s20  }
0x9e: {  	_ =	swait.ge [sflag:s22], s20  }
0x9f: {  	s3 =	ssub.s32 $0x0, s20;
	[sflag:s22] =	ssyncset.done $0x0  }
0xa0: {  	[sflag:s22] =	ssyncadd.s32 s3;
	_ =	sdelay $0x1  }
0xa1: {  	s23 =	simm.s32 $0x1B8B  }
0xa2: {  	_ =	swait.ge [sflag:s23], $0x1  }
0xa3: {  	[sflag:s23] =	ssyncset.done $0x0  }
0xa4: {  	s25 =	simm.s32 $0x1B8E;
	s24 =	sld [smem:$0x3FFE];
	[sflag:s23] =	ssyncadd.s32 $0xFFFFFFFF  }
0xa5: {  	s26 =	simm.s32 $execute0_lowered;
	[smem:$0x3FD2] =	sst s25  }
0xa6: {  	s4 =	sshll.u32 s26, $0x1;
	_ =	strace $0x80000046;
	[dreg:$0x1] =	wrdreg $0xFFFFFFFF  }
0xa7: {  	s28 =	simm.s32 $_size_execute0_lowered;
	s2 =	sadd.s32 s2, s4;
	[dreg:$0x0] =	wrdreg $0x0  }
0xa8: {  	s4 =	sshll.u32 s28, $0x1;
	[dreg:$0x2] =	wrdreg s2  }
0xa9: {  	[dreg:$0x3] =	wrdreg s4  }
0xaa: {  	[dreg:$0x4] =	wrdreg $0xC0  }
0xab: {  	_ =	task [dreg:s6], $0x5FFFF  }
0xac: {  	[dreg:$0x1] =	wrdreg $0xFFFFFFFF  }
0xad: {  	[dreg:$0x0] =	wrdreg $0x60  }
0xae: {  	[dreg:$0x2] =	wrdreg s24  }
0xaf: {  	[dreg:$0x3] =	wrdreg $0x9  }
0xb0: {  	_ =	task.clear_ibuf [dreg:s6], $0x4FFFF;
	_ =	strace $0x90000046  }
0xb1: {  	s29 =	simm.s32 $0x9;
	_ =	strace $0x80000048  }
0xb2: {  	_ =	swait.ge [sflag:s29], $0x1  }
0xb3: {  	[sflag:s29] =	ssyncadd.s32 $0xFFFFFFFF  }
0xb4: {  	_ =	strace $0x90000048  }
0xb5: {  	_ =	sfence  }
0xb6: {  	s30 =	sld [smem:$0x0];
	_ =	sdelay $0x2  }
0xb7: {  	s31 =	sshll.u32 s1, $0xD;
	s1 =	sshrl.u32 s1, $0x2  }
0xb8: {  	s3 =	sand.u32 $0x4000, s31;
	s1 =	sadd.s32 s1, s30  }
0xb9: {  	s0 =	sor.u32 s3, s0;
	s1 =	sshll.u32 s1, $0x11  }
0xba: {  	s0 =	sor.u32 s1, s0  }
0xbb: {  	s0 =	sadd.s32 $0x8F2B, s0  }
0xbc: {  	[sflag:s0] =	ssyncadd.remote.s32 $0x1  }
0xbd: {  	_ =	sfence.sel $0xFFFF  }
0xbe: {  	[dreg:$0x0] =	wrdreg $0xFFFFFFFF;
	(pc) =	sbr.abs _section_cstart, $3  }
0xbf: {  	[dreg:$0x1] =	wrdreg $0xFFFFFFFF  }
0xc0: {  	_ =	task.clear_ibuf [dreg:s6], $0x2FFFF;
	_ =	strace $0x9FFFFFFF  }
0xc1: {  	(tm) =	ssettm $0x7FFFFFFF  }
tec
execute0_lowered:
.L_overlay_start_1:
0x0: {  	(tag) =	ssettag $0x1  }
0x1: {  	s0 =	srdreg.scid  }
0x2: {  	s3 =	sand.u32 $0x1, s0  }
0x3: {  	s4 =	rddreg [dreg:$0x0];
	s0 =	stileid.u32;
	s1 =	sshll.u32 s3, $0x4  }
0x4: {  	s2 =	simm.s32 $0x0;
	s8 =	simm.s32 $0x80;
	s5 =	sor.u32 s0, s1  }
0x5: {  	s9 =	simm.s32 $0x400;
	[smem:$0x7FF] =	sst s2;
	s6 =	sshrl.u32 s5, $0x3  }
0x6: {  	s7 =	sshll.u32 s0, $0x7;
	s3 =	ssub.s32 $0x2, s3;
	s6 =	smul.u32 $0x13C00, s6  }
0x7: {  	s1 =	rddreg [dreg:$0x1];
	s7 =	sand.u32 $0x380, s7;
	s5 =	smul.u32 $0x4E2, s5  }
0x8: {  	_ =	strace $0x80000047;
	s30 =	sshrl.u32 s3, $0x1;
	s6 =	sor.u32 s7, s6  }
0x9: {  	s31 =	ssub.s32 s3, s30;
	s5 =	sadd.s32 s5, s4;
	s6 =	sshrl.u32 s6, $0x3  }
0xa: {  	s3 =	sadd.s32 $0x3200, s5;
	s5 =	smax.u32 s31, $0x1;
	s4 =	sadd.s32 s6, s4  }
0xb: {  	v0 =	vimm.f32 $0.0e+00;
	v1 =	vimm.f32 $1.000000000e+00;
	s7 =	simm.s32 $0x2780;
	s6 =	simm.s32 $0x1;
	s4 =	sadd.s32 $0xD000, s4  }
.LBB2_1:
0xc: {  	s10 =	simm.s32 $0x40;
	s11 =	simm.s32 $0x0  }
.LBB2_2:
0xd: {  	p0 =	sne.s32 s10, $0x9DC0;
	[tilespmem:s11+$0x2780] =	vst v0;
	s11 =	smov.u32 s10;
	s10 =	sadd.s32 $0x40, s10  }
.Ltmp0:
0xe: {  	(pc) =	sbr.rel @p0 .LBB2_2-.Ltmp0, $2  }
0xf: {  	_ =	sdelay $0x2  }
0x10: {  	s11 =	sshra.s32 s11, $0x2  }
0x11: {  	[tilespmem:s11+$0x2780] =	vst v0;
	s10 =	simm.s32 $0x0  }
0x12: {  	[tilespmem:s10], [sflag:$0x1] =	stream.linear.gather [hbm4b:s3+s10], $0x2710, $0x38;
	[tilespmem:$0x4F00] =	vst v63  }
0x13: {  	_ =	swait.ge [sflag:s6], $0x2710  }
0x14: {  	[sflag:s6] =	ssyncset.done $0x0  }
0x15: {  	s11 =	simm.s32 $0x0;
	s10 =	simm.s32 $0x40;
	[sflag:s6] =	ssyncadd.s32 $0xFFFFD8F0  }
.LBB2_4:
0x16: {  	p0 =	sne.s32 s10, $0x9C00;
	v2 =	vld [tilespmem:s11+$0x0];
	_ =	sdelay $0x3  }
.Ltmp1:
0x17: {  	(pc) =	sbr.rel @p0 .LBB2_4-.Ltmp1, $2  }
0x18: {  	_ =	sdelay $0x2  }
0x19: {  	s11 =	sshra.s32 s10, $0x2;
	s10 =	sadd.s32 $0x40, s10;
	[tilespmem:v2+s7+$0x0] =	vst.idx.add.f32.msk $0xffff, v1  }
0x1a: {  	v2 =	vld [tilespmem:s11+$0x0];
	_ =	sdelay $0x5  }
0x1b: {  	s2 =	sadd.s32 $0x1, s2  }
0x1c: {  	p0 =	sne.s32 s2, s5  }
.Ltmp2:
0x1d: {  	[tilespmem:v2+s7+$0x0] =	vst.idx.add.f32.msk $0xffff, v1;
	(pc) =	sbr.rel @p0 .LBB2_1-.Ltmp2, $4  }
0x1e: {  	[hbm4b:s4+s8] =	stream.strided.scatter [tilespmem:s7], [sflag:$0x1], $0x2780, s9, s8, $0x38;
	[tilespmem:$0x4F00] =	vst v63  }
0x1f: {  	_ =	swait.ge [sflag:s6], $0x2780  }
0x20: {  	[sflag:s6] =	ssyncset.done $0x0  }
0x21: {  	[sflag:s6] =	ssyncadd.s32 $0xFFFFD880  }
0x22: {  	_ =	sfence.sel $0x180000  }
0x23: {  	[bflag:$0x0] =	sbarrier.arrive $0xFFFF  }
0x24: {  	p0 =	sne.s32 s0, $0x0;
	_ =	strace $0x90000047  }
0x25: {  	s0 =	sadd.s32 @!p0 $0x100000, s1;
	[bflag:$0x2] =	sbarrier.arrive $0xFFFF  }
0x26: {  	[sflag:s0] =	ssyncadd.tile.s32 @!p0 $0x1;
	_ =	shalt  }
.Lfunc_end2:
_tile_overlayer_lowered:
.L_overlay_start_2:
0x27: {  	(tag) =	ssettag $0x2  }
0x28: {  	s0 =	rddreg [dreg:$0x0];
	s2 =	stileid.u32  }
0x29: {  	s1 =	rddreg [dreg:$0x1];
	p0 =	sne.s32 s2, $0x0  }
0x2a: {  	s3 =	rddreg [dreg:$0x2];
	[bflag:$0x3] =	sbarrier.arrive $0xFFFF;
	s2 =	simm.s32 @!p0 $0x1C01  }
0x2b: {  	[timem:s3], [sflag:s2] =	dma.local @!p0 [hbm:s0], s1  }
0x2c: {  	s0 =	simm.s32 @!p0 $0x1  }
0x2d: {  	_ =	swait.ge @!p0 [sflag:s0], s1  }
0x2e: {  	s1 =	ssub.s32 @!p0 $0x0, s1;
	[sflag:s0] =	ssyncset.done @!p0 $0x0  }
0x2f: {  	[sflag:s0] =	ssyncadd.s32 @!p0 s1  }
0x30: {  	[bflag:$0x3] =	sbarrier.arrive $0xFFFF  }
0x31: {  	_ =	shalt  }

// kernel: kernel.14.cloned.1.call-start
scs
__scs_entry_jumppad:
0x0: {  	(pc) =	sbr.rel $0x88, $3  }
0x1: {  	(tag) =	ssettag $0x0;
	lr =	simm.s32 $0x1  }
0x2: {  	[smem:$0x3F99] =	sst lr;
	_ =	strace $0xD0000000  }
0x3: {  	_ = 	snop  }
0x4: {  	_ = 	snop  }
0x5: {  	_ = 	snop  }
0x6: {  	_ = 	snop  }
0x7: {  	_ = 	snop  }
__scs_overlays_trampoline_lowered:
0x8: {  	[smem:$0x3FA8] =	sst s0  }
0x9: {  	[smem:$0x3FA9] =	sst s1  }
0xa: {  	[smem:$0x3FAA] =	sst s2  }
0xb: {  	[smem:$0x3FAB] =	sst s3  }
0xc: {  	[smem:$0x3FAC] =	sst s4  }
0xd: {  	[smem:$0x3FAD] =	sst s5  }
0xe: {  	[smem:$0x3FAE] =	sst s6  }
0xf: {  	[smem:$0x3FAF] =	sst s7  }
0x10: {  	[smem:$0x3FB0] =	sst s8  }
0x11: {  	[smem:$0x3FB1] =	sst s9;
	s0 =	simm.s32 @!p0 $0x0  }
0x12: {  	s1 =	sld [smem:$0x3F97];
	s0 =	simm.s32 @p0 $0x1  }
0x13: {  	[smem:$0x3FB2] =	sst s0;
	s0 =	simm.s32 @!p1 $0x0  }
0x14: {  	s2 =	sld [smem:$0x3F96];
	s0 =	simm.s32 @p1 $0x1  }
0x15: {  	[smem:$0x3FB3] =	sst s0;
	s0 =	simm.s32 @!p2 $0x0  }
0x16: {  	s3 =	sld [smem:$0x3FDB];
	s0 =	simm.s32 @p2 $0x1  }
0x17: {  	s4 =	simm.s32 $0x1BF5;
	[smem:$0x3FB5] =	sst s0  }
0x18: {  	s0 =	sld [smem:$0x3F98];
	_ =	swait.ge [sflag:s4], $0x0  }
0x19: {  	s7 =	sld [smem:$0x3F99]  }
0x1a: {  	s8 =	sadd.s32 $0xFFFFE003, lr  }
0x1b: {  	s9 =	sadd.s32 $0xFFFFFEF7, lr;
	s5 =	simm.s32 $0xFFFFFFFF;
	p2 =	slt.u32 s8, $0xFFFFF086  }
0x1c: {  	p1 =	slt.u32 s9, $0xF7A;
	s5 =	simm.s32 @!p2 $0x0  }
0x1d: {  	s5 =	simm.s32 @p1 $0x1;
	p0 =	seq.s32 s7, s2  }
0x1e: {  	s7 =	smul.u32 @!p0 $0xF7A, s2;
	p2 =	seq.s32 @!p0 s5, $0x0  }
0x1f: {  	s9 =	smul.u32 $0xF7A, s1;
	s8 =	simm.s32 @!p0 $0x1BF5;
	p2 =	por !p2, p0  }
0x20: {  	[sflag:s8] =	ssyncset.s32 @!p0 $0xFFFFF086;
	s6 =	sadd.s32 @!p0 s3, s7;
	s7 =	simm.s32 @!p0 $0x108  }
0x21: {  	s3 =	sadd.s32 s3, s9;
	s6 =	sadd.s32 @!p0 $0x88, s6;
	s7 =	simm.s32 @p2 $0x1082  }
0x22: {  	[simem:s7], [sflag:s8] =	dma.local @!p0 [hbm:s6], $0xF7A  }
0x23: {  	s9 =	sor.u32 $0xD0000000, s2;
	s6 =	simm.s32 $0x108;
	_ =	swait.ge @!p0 [sflag:s8], $0x0  }
0x24: {  	s3 =	sadd.s32 $0x88, s3;
	s6 =	simm.s32 @!p1 $0x1082;
	[sflag:s4] =	ssyncset.s32 $0xFFFFF086  }
0x25: {  	[simem:s6], [sflag:s4] =	dma.local [hbm:s3], $0xF7A  }
0x26: {  	[smem:$0x3F99] =	sst s1;
	(tag) =	ssettag s2;
	_ =	strace s9  }
0x27: {  	s1 =	sld [smem:$0x3FA9]  }
0x28: {  	s2 =	sld [smem:$0x3FAA]  }
0x29: {  	s4 =	sld [smem:$0x3FAC]  }
0x2a: {  	p0 =	seq.s32 s5, $0x0;
	s5 =	sld [smem:$0x3FAD]  }
0x2b: {  	s6 =	sld [smem:$0x3FAE]  }
0x2c: {  	s7 =	sld [smem:$0x3FAF]  }
0x2d: {  	s3 =	simm.s32 $0x108;
	s8 =	sld [smem:$0x3FB0]  }
0x2e: {  	s3 =	simm.s32 @!p0 $0x1082;
	s9 =	sld [smem:$0x3FB1]  }
0x2f: {  	lr =	sadd.s32 s0, s3;
	s0 =	sld [smem:$0x3FA8]  }
0x30: {  	s3 =	sld [smem:$0x3FAB]  }
0x31: {  	[smem:$0x3FB4] =	sst s10  }
0x32: {  	s10 =	sld [smem:$0x3FB2];
	_ =	sdelay $0x3  }
0x33: {  	p0 =	seq.s32 s10, $0x1;
	s10 =	sld [smem:$0x3FB4];
	_ =	sdelay $0x3  }
0x34: {  	[smem:$0x3FB4] =	sst s10  }
0x35: {  	s10 =	sld [smem:$0x3FB3];
	_ =	sdelay $0x3  }
0x36: {  	p1 =	seq.s32 s10, $0x1;
	s10 =	sld [smem:$0x3FB4];
	_ =	sdelay $0x3  }
0x37: {  	[smem:$0x3FB4] =	sst s10  }
0x38: {  	s10 =	sld [smem:$0x3FB5]  }
0x39: {  	_ = 	snop;
	(pc) =	sbr.ind lr, $3  }
0x3a: {  	_ = 	snop  }
0x3b: {  	_ = 	snop  }
0x3c: {  	p2 =	seq.s32 s10, $0x1;
	s10 =	sld [smem:$0x3FB4]  }
0x3d: {  	_ =	shalt  }
0x3e: {  	_ =	shalt  }
0x3f: {  	_ =	shalt  }
0x40: {  	_ =	shalt  }
0x41: {  	_ =	shalt  }
0x42: {  	_ =	shalt  }
0x43: {  	_ =	shalt  }
0x44: {  	_ =	shalt  }
0x45: {  	_ =	shalt  }
0x46: {  	_ =	shalt  }
0x47: {  	_ =	shalt  }
0x48: {  	_ =	shalt  }
0x49: {  	_ =	shalt  }
0x4a: {  	_ =	shalt  }
0x4b: {  	_ =	shalt  }
0x4c: {  	_ =	shalt  }
0x4d: {  	_ =	shalt  }
0x4e: {  	_ =	shalt  }
0x4f: {  	_ =	shalt  }
0x50: {  	_ =	shalt  }
0x51: {  	_ =	shalt  }
0x52: {  	_ =	shalt  }
0x53: {  	_ =	shalt  }
0x54: {  	_ =	shalt  }
0x55: {  	_ =	shalt  }
0x56: {  	_ =	shalt  }
0x57: {  	_ =	shalt  }
0x58: {  	_ =	shalt  }
0x59: {  	_ =	shalt  }
0x5a: {  	_ =	shalt  }
0x5b: {  	_ =	shalt  }
0x5c: {  	_ =	shalt  }
0x5d: {  	_ =	shalt  }
0x5e: {  	_ =	shalt  }
0x5f: {  	_ =	shalt  }
0x60: {  	_ =	shalt  }
0x61: {  	_ =	shalt  }
0x62: {  	_ =	shalt  }
0x63: {  	_ =	shalt  }
0x64: {  	_ =	shalt  }
0x65: {  	_ =	shalt  }
0x66: {  	_ =	shalt  }
0x67: {  	_ =	shalt  }
0x68: {  	_ =	shalt  }
0x69: {  	_ =	shalt  }
0x6a: {  	_ =	shalt  }
0x6b: {  	_ =	shalt  }
0x6c: {  	_ =	shalt  }
0x6d: {  	_ =	shalt  }
0x6e: {  	_ =	shalt  }
0x6f: {  	_ =	shalt  }
0x70: {  	_ =	shalt  }
0x71: {  	_ =	shalt  }
0x72: {  	_ =	shalt  }
0x73: {  	_ =	shalt  }
0x74: {  	_ =	shalt  }
0x75: {  	_ =	shalt  }
0x76: {  	_ =	shalt  }
0x77: {  	_ =	shalt  }
0x78: {  	_ =	shalt  }
0x79: {  	_ =	shalt  }
0x7a: {  	_ =	shalt  }
0x7b: {  	_ =	shalt  }
0x7c: {  	_ =	shalt  }
0x7d: {  	_ =	shalt  }
0x7e: {  	_ =	shalt  }
0x7f: {  	_ =	shalt  }
0x80: {  	_ =	shalt  }
0x81: {  	_ =	shalt  }
0x82: {  	_ =	shalt  }
0x83: {  	_ =	shalt  }
0x84: {  	_ =	shalt  }
0x85: {  	_ =	shalt  }
0x86: {  	_ =	shalt  }
0x87: {  	_ =	shalt  }
.Lfunc_end0:
.L_simem_size_0:
called_computation.1_lowered:
.L_overlay_start_0:
0x88: {  	s2 =	sld [smem:$0x3FD9]  }
0x89: {  	s3 =	sld [smem:$0x3FFE];
	_ =	sdelay $0x1  }
0x8a: {  	s1 =	srdreg.scid  }
0x8b: {  	s0 =	sand.u32 $0x1, s1  }
0x8c: {  	s17 =	sshll.u32 s0, $0xA;
	s2 =	sadd.s32 s3, s2  }
0x8d: {  	s2 =	sadd.s32 s2, s17  }
0x8e: {  	[smem:$0x3FC0] =	sst s2  }
0x8f: {  	_ = 	snop  }
0x90: {  	s18 =	sld [smem:$0x3FD0];
	(tm) =	ssettm $0x1  }
0x91: {  	s19 =	sld [smem:$0x3FFB];
	_ =	sdelay $0x3  }
0x92: {  	_ =	strace s19  }
0x93: {  	s2 =	sld [smem:$0x3FFC];
	_ =	sdelay $0x3  }
0x94: {  	_ =	strace s2  }
0x95: {  	s2 =	sld [smem:$0x3FFD];
	_ =	sdelay $0x3  }
0x96: {  	_ =	strace s2  }
0x97: {  	_ =	strace $0x8FFFFFFF  }
0x98: {  	s20 =	sld [smem:$0x3FDB];
	_ =	sdelay $0x1  }
0x99: {  	s4 =	simm.s32 $_scs_section_size  }
0x9a: {  	s5 =	simm.s32 $_size__tile_overlayer_lowered;
	s6 =	simm.s32 $_tile_overlayer_lowered  }
0x9b: {  	s7 =	simm.s32 $0x1BFF;
	s21 =	sshll.u32 s6, $0x1;
	s4 =	sadd.s32 s4, s20  }
0x9c: {  	s22 =	simm.s32 $0x0;
	s5 =	sshll.u32 s5, $0x1;
	s6 =	sadd.s32 s21, s4  }
0x9d: {  	[timem:s22], [sflag:s7] =	dma.local [hbm:s6], s5  }
0x9e: {  	_ =	swait.ge [sflag:s7], s5  }
0x9f: {  	s5 =	ssub.s32 $0x0, s5;
	[sflag:s7] =	ssyncset.done $0x0  }
0xa0: {  	[sflag:s7] =	ssyncadd.s32 s5;
	_ =	sdelay $0x1  }
0xa1: {  	s23 =	simm.s32 $0x1B8B  }
0xa2: {  	_ =	swait.ge [sflag:s23], $0x1  }
0xa3: {  	[sflag:s23] =	ssyncset.done $0x0  }
0xa4: {  	[sflag:s23] =	ssyncadd.s32 $0xFFFFFFFF  }
0xa5: {  	s5 =	sld [smem:$0x0]  }
0xa6: {  	s6 =	sand.u32 $0xFFFFFFFE, s1  }
0xa7: {  	p0 =	sne.s32 s1, s6  }
0xa8: {  	s6 =	sshll.u32 @p0 s6, $0xE  }
0xa9: {  	s6 =	sadd.s32 @p0 $0x11B8D, s6;
	s7 =	sshll.u32 @p0 s5, $0x11  }
0xaa: {  	s6 =	sor.u32 @p0 s7, s6  }
0xab: {  	[sflag:s6] =	ssyncadd.remote.s32 @p0 $0x1;
	_ =	sdelay $0x1  }
0xac: {  	s6 =	simm.s32 @p0 $0x1B8D  }
0xad: {  	_ =	swait.eq @p0 [sflag:s6], $0x1  }
0xae: {  	[sflag:s6] =	ssyncadd.s32 @p0 $0xFFFFFFFF  }
0xaf: {  	s7 =	sshll.u32 @!p0 s1, $0xE  }
0xb0: {  	s7 =	sor.u32 @!p0 $0x4000, s7;
	s6 =	simm.s32 @!p0 $0x1B8D  }
0xb1: {  	s5 =	sshll.u32 @!p0 s5, $0x11;
	s7 =	sadd.s32 @!p0 $0x11B8D, s7;
	_ =	swait.eq @!p0 [sflag:s6], $0x1  }
0xb2: {  	s5 =	sor.u32 @!p0 s5, s7;
	[sflag:s6] =	ssyncadd.s32 @!p0 $0xFFFFFFFF  }
0xb3: {  	s25 =	simm.s32 $0x1B8E;
	s24 =	sld [smem:$0x3FFE];
	[sflag:s5] =	ssyncadd.remote.s32 @!p0 $0x1  }
0xb4: {  	s26 =	simm.s32 $execute0_lowered;
	[smem:$0x3FD2] =	sst s25  }
0xb5: {  	s6 =	sshll.u32 s26, $0x1;
	_ =	strace $0x80000049;
	[dreg:$0x1] =	wrdreg $0xFFFFFFFF  }
0xb6: {  	s28 =	simm.s32 $_size_execute0_lowered;
	s4 =	sadd.s32 s4, s6;
	[dreg:$0x0] =	wrdreg $0x0  }
0xb7: {  	s6 =	sshll.u32 s28, $0x1;
	[dreg:$0x2] =	wrdreg s4  }
0xb8: {  	[dreg:$0x3] =	wrdreg s6  }
0xb9: {  	[dreg:$0x4] =	wrdreg $0xC0  }
0xba: {  	_ =	task [dreg:s22], $0x5FFFF  }
0xbb: {  	[dreg:$0x1] =	wrdreg $0xFFFFFFFF  }
0xbc: {  	[dreg:$0x0] =	wrdreg $0x60  }
0xbd: {  	[dreg:$0x2] =	wrdreg s24  }
0xbe: {  	[dreg:$0x3] =	wrdreg s18  }
0xbf: {  	[dreg:$0x4] =	wrdreg $0x62000  }
0xc0: {  	[dreg:$0x5] =	wrdreg $0xA  }
0xc1: {  	_ =	task.clear_ibuf [dreg:s22], $0x6FFFF;
	_ =	strace $0x90000049  }
0xc2: {  	s29 =	simm.s32 $0xA;
	_ =	strace $0x8000004B  }
0xc3: {  	_ =	swait.ge [sflag:s29], $0x1  }
0xc4: {  	[sflag:s29] =	ssyncadd.s32 $0xFFFFFFFF  }
0xc5: {  	_ =	strace $0x9000004B  }
0xc6: {  	_ =	sfence  }
0xc7: {  	s30 =	sld [smem:$0x0];
	_ =	sdelay $0x2  }
0xc8: {  	s31 =	sshll.u32 s1, $0xD;
	s1 =	sshrl.u32 s1, $0x2  }
0xc9: {  	s4 =	sand.u32 $0x4000, s31;
	s1 =	sadd.s32 s1, s30  }
0xca: {  	s0 =	sor.u32 s4, s0;
	s1 =	sshll.u32 s1, $0x11  }
0xcb: {  	s0 =	sor.u32 s1, s0  }
0xcc: {  	s0 =	sadd.s32 $0x8F2B, s0  }
0xcd: {  	[sflag:s0] =	ssyncadd.remote.s32 $0x1  }
0xce: {  	_ =	sfence.sel $0xFFFF  }
0xcf: {  	[dreg:$0x0] =	wrdreg $0xFFFFFFFF;
	(pc) =	sbr.abs _section_cstart, $3  }
0xd0: {  	[dreg:$0x1] =	wrdreg $0xFFFFFFFF  }
0xd1: {  	_ =	task.clear_ibuf [dreg:s22], $0x2FFFF;
	_ =	strace $0x9FFFFFFF  }
0xd2: {  	(tm) =	ssettm $0x7FFFFFFF  }
0xd3: {  	_ =	shalt  }
tec
execute0_lowered:
.L_overlay_start_1:
0x0: {  	(tag) =	ssettag $0x1  }
0x1: {  	s5 =	rddreg [dreg:$0x0];
	s0 =	stileid.u32  }
0x2: {  	s13 =	rddreg [dreg:$0x1];
	s10 =	smul.u32 $0x278, s0  }
0x3: {  	s1 =	rddreg [dreg:$0x2];
	s8 =	smul.u32 $0x4F000, s0  }
0x4: {  	s2 =	simm.s32 $0x0;
	s3 =	srdreg.scid;
	s22 =	smul.u32 $0x52, s0  }
0x5: {  	[smem:$0x7FF] =	sst s2;
	s11 =	sand.u32 $0x1, s3;
	s24 =	smul.u32 $0x2780, s0  }
0x6: {  	s4 =	sadd.s32 $0x16E00, s5;
	s23 =	sshll.u32 s0, $0x7;
	s6 =	smul.u32 $0x27800, s11  }
0x7: {  	_ =	strace $0x8000004A;
	s7 =	ssub.s32 $0x2, s11;
	p0 =	seq.s32 s11, $0x0  }
0x8: {  	s11 =	simm.s32 $0x40;
	s25 =	sshrl.u32 s7, $0x1;
	s15 =	sadd.s32 $0x60, s10  }
0x9: {  	s26 =	sshrl.u32 s8, $0x2;
	s17 =	sadd.s32 $0xC0, s10;
	s18 =	sadd.s32 $0x120, s10  }
0xa: {  	s19 =	sadd.s32 $0x180, s10;
	s20 =	sadd.s32 $0x1E0, s10;
	s21 =	sadd.s32 $0x240, s10  }
0xb: {  	s22 =	sor.u32 $0x800, s22;
	s11 =	simm.s32 @!p0 $0x29;
	s14 =	sadd.s32 s6, s5  }
0xc: {  	s16 =	ssub.s32 s7, s25;
	s28 =	sshll.u32 s15, $0x7;
	s5 =	sadd.s32 s26, s1  }
0xd: {  	s29 =	sshll.u32 s17, $0x7;
	s30 =	sshll.u32 s18, $0x7;
	s9 =	sshll.u32 s19, $0x7  }
0xe: {  	s12 =	sshll.u32 s20, $0x7;
	s31 =	sshll.u32 s21, $0x7;
	s22 =	smov.u32 @p0 s23  }
0xf: {  	s25 =	sshll.u32 s15, $0x4;
	s26 =	sshll.u32 s17, $0x4;
	s3 =	sshll.u32 s19, $0x4  }
0x10: {  	s15 =	simm.s32 $0x200;
	s6 =	sadd.s32 s28, s1;
	s7 =	sadd.s32 s29, s1  }
0x11: {  	s8 =	sadd.s32 s30, s1;
	s9 =	sadd.s32 s9, s1;
	s10 =	sadd.s32 s12, s1  }
0x12: {  	s12 =	sadd.s32 s31, s1;
	s23 =	sadd.s32 $0x3E600, s14;
	s28 =	sshll.u32 s18, $0x4  }
0x13: {  	s0 =	sshll.u32 s22, $0x5;
	s29 =	sshll.u32 s20, $0x4;
	s30 =	sshll.u32 s21, $0x4  }
0x14: {  	s31 =	smax.u32 s16, $0x1;
	s16 =	simm.s32 $0x5;
	s14 =	sadd.s32 s0, s13  }
0x15: {  	[dreg:$0x4] =	wrdreg s31;
	s17 =	sadd.s32 s24, s23;
	s18 =	sadd.s32 s25, s23  }
0x16: {  	s19 =	sadd.s32 s26, s23;
	s20 =	sadd.s32 s28, s23;
	s21 =	sadd.s32 s3, s23  }
0x17: {  	v0 =	vimm.f32 $0.0e+00;
	s22 =	sadd.s32 s29, s23;
	s23 =	sadd.s32 s30, s23;
	s14 =	sadd.s32 $0x20, s14  }
.LBB2_1:
0x18: {  	s24 =	simm.s32 $0x0;
	s25 =	simm.s32 $0x200  }
.LBB2_2:
0x19: {  	p0 =	sne.s32 s25, $0xBE00;
	[tilespmem:s24+$0x270] =	vst v0  }
0x1a: {  	[tilespmem:s24+$0x200] =	vst v0  }
0x1b: {  	[tilespmem:s24+$0x210] =	vst v0  }
.Ltmp0:
0x1c: {  	[tilespmem:s24+$0x220] =	vst v0;
	(pc) =	sbr.rel @p0 .LBB2_2-.Ltmp0, $4  }
0x1d: {  	[tilespmem:s24+$0x230] =	vst v0  }
0x1e: {  	[tilespmem:s24+$0x240] =	vst v0  }
0x1f: {  	[tilespmem:s24+$0x250] =	vst v0  }
0x20: {  	[tilespmem:s24+$0x260] =	vst v0;
	s24 =	sshra.s32 s25, $0x2;
	s25 =	sadd.s32 $0x200, s25  }
0x21: {  	[tilespmem:s24+$0x270] =	vst v0  }
0x22: {  	[tilespmem:s24+$0x200] =	vst v0  }
0x23: {  	[tilespmem:s24+$0x210] =	vst v0  }
0x24: {  	[tilespmem:s24+$0x220] =	vst v0  }
0x25: {  	[tilespmem:s24+$0x230] =	vst v0  }
0x26: {  	[tilespmem:s24+$0x240] =	vst v0  }
0x27: {  	[tilespmem:s24+$0x250] =	vst v0  }
0x28: {  	[tilespmem:s24+$0x260] =	vst v0  }
0x29: {  	[spmem:s5] =	stream.linear.scatter [tilespmem:s15], [sflag:$0x5], $0x3000, $0x38;
	[tilespmem:$0x19E00] =	vst v63  }
0x2a: {  	_ =	swait.ge [sflag:s16], $0x3000  }
0x2b: {  	[sflag:s16] =	ssyncset.done $0x0  }
0x2c: {  	[sflag:s16] =	ssyncadd.s32 $0xFFFFD000  }
0x2d: {  	[spmem:s6] =	stream.linear.scatter [tilespmem:s15], [sflag:$0x5], $0x3000, $0x38;
	[tilespmem:$0x19E00] =	vst v63  }
0x2e: {  	_ =	swait.ge [sflag:s16], $0x3000  }
0x2f: {  	[sflag:s16] =	ssyncset.done $0x0  }
0x30: {  	[sflag:s16] =	ssyncadd.s32 $0xFFFFD000  }
0x31: {  	[spmem:s7] =	stream.linear.scatter [tilespmem:s15], [sflag:$0x5], $0x3000, $0x38;
	[tilespmem:$0x19E00] =	vst v63  }
0x32: {  	_ =	swait.ge [sflag:s16], $0x3000  }
0x33: {  	[sflag:s16] =	ssyncset.done $0x0  }
0x34: {  	[sflag:s16] =	ssyncadd.s32 $0xFFFFD000  }
0x35: {  	[spmem:s8] =	stream.linear.scatter [tilespmem:s15], [sflag:$0x5], $0x3000, $0x38;
	[tilespmem:$0x19E00] =	vst v63  }
0x36: {  	_ =	swait.ge [sflag:s16], $0x3000  }
0x37: {  	[sflag:s16] =	ssyncset.done $0x0  }
0x38: {  	[sflag:s16] =	ssyncadd.s32 $0xFFFFD000  }
0x39: {  	[spmem:s9] =	stream.linear.scatter [tilespmem:s15], [sflag:$0x5], $0x3000, $0x38;
	[tilespmem:$0x19E00] =	vst v63  }
0x3a: {  	_ =	swait.ge [sflag:s16], $0x3000  }
0x3b: {  	[sflag:s16] =	ssyncset.done $0x0  }
0x3c: {  	[sflag:s16] =	ssyncadd.s32 $0xFFFFD000  }
0x3d: {  	[spmem:s10] =	stream.linear.scatter [tilespmem:s15], [sflag:$0x5], $0x3000, $0x38;
	[tilespmem:$0x19E00] =	vst v63  }
0x3e: {  	_ =	swait.ge [sflag:s16], $0x3000  }
0x3f: {  	[sflag:s16] =	ssyncset.done $0x0  }
0x40: {  	[sflag:s16] =	ssyncadd.s32 $0xFFFFD000  }
0x41: {  	[spmem:s12] =	stream.linear.scatter [tilespmem:s15], [sflag:$0x5], $0x1C00, $0x38;
	[tilespmem:$0x19E00] =	vst v63  }
0x42: {  	_ =	swait.ge [sflag:s16], $0x1C00  }
0x43: {  	p0 =	sle.u32 s11, $0x0;
	[sflag:s16] =	ssyncset.done $0x0  }
0x44: {  	s24 =	sadd.s32 @!p0 $0xFFFFFFE0, s14;
	[sflag:s16] =	ssyncadd.s32 $0xFFFFE400  }
0x45: {  	s25 =	simm.s32 @!p0 $0x0;
	s26 =	simm.s32 @!p0 $0x5;
	[bflag:$0x0] =	sbarrier.arrive $0xFFFF  }
0x46: {  	[tilespmem:s25], [sflag:$0x5] =	stream.linear.gather @!p0 [hbm4b:s24+s25], $0x100, $0x38;
	[tilespmem:$0x19E00] =	vst v63  }
0x47: {  	_ =	swait.ge @!p0 [sflag:s26], $0x100  }
0x48: {  	s28 =	simm.s32 @!p0 $0x60;
	[sflag:s26] =	ssyncset.done @!p0 $0x0  }
0x49: {  	s29 =	simm.s32 @!p0 $0x80;
	s24 =	simm.s32 @!p0 $0x200;
	[sflag:s26] =	ssyncadd.s32 @!p0 $0xFFFFFF00  }
0x4a: {  	[tilespmem:s24], [sflag:$0x1] =	stream.indirect.gather @!p0 [hbm4b:s4+s28], $0x80, s29, s28, $0xb8;
	[tilespmem:$0x19E00] =	vst v63  }
0x4b: {  	s29 =	simm.s32 @!p0 $0x100  }
0x4c: {  	[tilespmem:s29], [sflag:$0x5] =	stream.linear.gather @!p0 [hbm4b:s14+s25], $0x100, $0x38;
	[tilespmem:$0x19E00] =	vst v63  }
0x4d: {  	_ =	swait.ge @!p0 [sflag:s26], $0x100  }
0x4e: {  	s30 =	simm.s32 @!p0 $0x1;
	[sflag:s26] =	ssyncset.done @!p0 $0x0  }
0x4f: {  	s31 =	simm.s32 @!p0 $0x3200;
	[sflag:s26] =	ssyncadd.s32 @!p0 $0xFFFFFF00;
	s26 =	simm.s32 @!p0 $0x180  }
0x50: {  	[tilespmem:s31], [sflag:$0x2] =	stream.indirect.gather @!p0 [hbm4b:s4+s28], $0x80, s26, s28, $0xb8;
	[tilespmem:$0x19E00] =	vst v63  }
0x51: {  	_ =	swait.ge @!p0 [sflag:s30], $0x3000  }
0x52: {  	[sflag:s30] =	ssyncset.done @!p0 $0x0  }
0x53: {  	s26 =	simm.s32 @!p0 $0x2;
	[sflag:s30] =	ssyncadd.s32 @!p0 $0xFFFFD000  }
0x54: {  	[spmem:s1] =	stream.indirect.scatter.add.f32 @!p0 [tilespmem:s24], [sflag:$0x3], $0x80, s25, s28, $0xb8;
	[tilespmem:$0x19E00] =	vst v63  }
0x55: {  	_ =	swait.ge @!p0 [sflag:s26], $0x3000  }
0x56: {  	[sflag:s26] =	ssyncset.done @!p0 $0x0  }
0x57: {  	s24 =	simm.s32 @!p0 $0x3;
	[sflag:s26] =	ssyncadd.s32 @!p0 $0xFFFFD000  }
0x58: {  	[spmem:s1] =	stream.indirect.scatter.add.f32 @!p0 [tilespmem:s31], [sflag:$0x4], $0x80, s29, s28, $0xb8;
	[tilespmem:$0x19E00] =	vst v63  }
0x59: {  	_ =	swait.ge @!p0 [sflag:s24], $0x3000  }
0x5a: {  	[sflag:s24] =	ssyncset.done @!p0 $0x0  }
0x5b: {  	s28 =	simm.s32 @!p0 $0x4;
	[sflag:s24] =	ssyncadd.s32 @!p0 $0xFFFFD000  }
0x5c: {  	s25 =	simm.s32 $0x1;
	_ =	swait.ge @!p0 [sflag:s28], $0x3000  }
0x5d: {  	s26 =	simm.s32 $0x2;
	s24 =	sadd.s32 $0x40, s14;
	[sflag:s28] =	ssyncset.done @!p0 $0x0  }
.LBB2_4:
0x5e: {  	[sflag:s28] =	ssyncadd.s32 @!p0 $0xFFFFD000  }
0x5f: {  	p0 =	sge.u32 s25, s11;
	s25 =	smov.u32 s26;
	s26 =	sadd.s32 $0x1, s26  }
0x60: {  	s28 =	sadd.s32 @!p0 $0xFFFFFFE0, s24;
	s29 =	simm.s32 @!p0 $0x0;
	s30 =	simm.s32 @!p0 $0x5  }
0x61: {  	[tilespmem:s29], [sflag:$0x5] =	stream.linear.gather @!p0 [hbm4b:s28+s29], $0x100, $0x38;
	[tilespmem:$0x19E00] =	vst v63  }
0x62: {  	p1 =	sne.s32 s26, $0x40;
	_ =	swait.ge @!p0 [sflag:s30], $0x100  }
0x63: {  	s28 =	simm.s32 @!p0 $0x200;
	[sflag:s30] =	ssyncset.done @!p0 $0x0  }
0x64: {  	s31 =	simm.s32 @!p0 $0x60;
	s0 =	simm.s32 @!p0 $0x80;
	[sflag:s30] =	ssyncadd.s32 @!p0 $0xFFFFFF00  }
0x65: {  	[tilespmem:s28], [sflag:$0x1] =	stream.indirect.gather @!p0 [hbm4b:s4+s31], $0x80, s0, s31, $0xb8;
	[tilespmem:$0x19E00] =	vst v63  }
0x66: {  	s0 =	simm.s32 @!p0 $0x100  }
0x67: {  	[tilespmem:s0], [sflag:$0x5] =	stream.linear.gather @!p0 [hbm4b:s24+s29], $0x100, $0x38;
	[tilespmem:$0x19E00] =	vst v63  }
0x68: {  	_ =	swait.ge @!p0 [sflag:s30], $0x100  }
0x69: {  	s3 =	simm.s32 @!p0 $0x1;
	[sflag:s30] =	ssyncset.done @!p0 $0x0  }
0x6a: {  	s13 =	simm.s32 @!p0 $0x3200;
	[sflag:s30] =	ssyncadd.s32 @!p0 $0xFFFFFF00;
	s30 =	simm.s32 @!p0 $0x180  }
0x6b: {  	[tilespmem:s13], [sflag:$0x2] =	stream.indirect.gather @!p0 [hbm4b:s4+s31], $0x80, s30, s31, $0xb8;
	[tilespmem:$0x19E00] =	vst v63  }
0x6c: {  	_ =	swait.ge @!p0 [sflag:s3], $0x3000  }
0x6d: {  	[sflag:s3] =	ssyncset.done @!p0 $0x0  }
0x6e: {  	[sflag:s3] =	ssyncadd.s32 @!p0 $0xFFFFD000;
	s3 =	simm.s32 @!p0 $0x2  }
0x6f: {  	[spmem:s1] =	stream.indirect.scatter.add.f32 @!p0 [tilespmem:s28], [sflag:$0x3], $0x80, s29, s31, $0xb8;
	[tilespmem:$0x19E00] =	vst v63  }
0x70: {  	_ =	swait.ge @!p0 [sflag:s3], $0x3000  }
0x71: {  	[sflag:s3] =	ssyncset.done @!p0 $0x0  }
0x72: {  	[sflag:s3] =	ssyncadd.s32 @!p0 $0xFFFFD000;
	s3 =	simm.s32 @!p0 $0x3  }
0x73: {  	[spmem:s1] =	stream.indirect.scatter.add.f32 @!p0 [tilespmem:s13], [sflag:$0x4], $0x80, s0, s31, $0xb8;
	[tilespmem:$0x19E00] =	vst v63  }
.Ltmp1:
0x74: {  	_ =	swait.ge @!p0 [sflag:s3], $0x3000;
	(pc) =	sbr.rel @p1 .LBB2_4-.Ltmp1, $4  }
0x75: {  	[sflag:s3] =	ssyncset.done @!p0 $0x0  }
0x76: {  	s28 =	simm.s32 @!p0 $0x4;
	[sflag:s3] =	ssyncadd.s32 @!p0 $0xFFFFD000  }
0x77: {  	_ =	swait.ge @!p0 [sflag:s28], $0x3000  }
0x78: {  	s24 =	sadd.s32 $0x40, s24;
	[sflag:s28] =	ssyncset.done @!p0 $0x0  }
0x79: {  	p1 =	sge.u32 s25, s11;
	[sflag:s28] =	ssyncadd.s32 @!p0 $0xFFFFD000  }
0x7a: {  	s0 =	sadd.s32 @!p1 $0xFFFFFFE0, s24;
	s3 =	simm.s32 @!p1 $0x0;
	s13 =	simm.s32 @!p1 $0x5  }
0x7b: {  	[tilespmem:s3], [sflag:$0x5] =	stream.linear.gather @!p1 [hbm4b:s0+s3], $0x100, $0x38;
	[tilespmem:$0x19E00] =	vst v63  }
0x7c: {  	_ =	swait.ge @!p1 [sflag:s13], $0x100  }
0x7d: {  	s25 =	simm.s32 @!p1 $0x60;
	[sflag:s13] =	ssyncset.done @!p1 $0x0  }
0x7e: {  	s26 =	simm.s32 @!p1 $0x80;
	s0 =	simm.s32 @!p1 $0x200;
	[sflag:s13] =	ssyncadd.s32 @!p1 $0xFFFFFF00  }
0x7f: {  	[tilespmem:s0], [sflag:$0x1] =	stream.indirect.gather @!p1 [hbm4b:s4+s25], $0x80, s26, s25, $0xb8;
	[tilespmem:$0x19E00] =	vst v63  }
0x80: {  	s26 =	simm.s32 @!p1 $0x100  }
0x81: {  	[tilespmem:s26], [sflag:$0x5] =	stream.linear.gather @!p1 [hbm4b:s24+s3], $0x100, $0x38;
	[tilespmem:$0x19E00] =	vst v63  }
0x82: {  	_ =	swait.ge @!p1 [sflag:s13], $0x100  }
0x83: {  	[sflag:s13] =	ssyncset.done @!p1 $0x0  }
0x84: {  	s24 =	simm.s32 @!p1 $0x3200;
	[sflag:s13] =	ssyncadd.s32 @!p1 $0xFFFFFF00;
	s13 =	simm.s32 @!p1 $0x180  }
0x85: {  	[tilespmem:s24], [sflag:$0x2] =	stream.indirect.gather @!p1 [hbm4b:s4+s25], $0x80, s13, s25, $0xb8;
	[tilespmem:$0x19E00] =	vst v63  }
0x86: {  	s13 =	simm.s32 @!p1 $0x1  }
0x87: {  	_ =	swait.ge @!p1 [sflag:s13], $0x3000  }
0x88: {  	[sflag:s13] =	ssyncset.done @!p1 $0x0  }
0x89: {  	[sflag:s13] =	ssyncadd.s32 @!p1 $0xFFFFD000  }
0x8a: {  	[spmem:s1] =	stream.indirect.scatter.add.f32 @!p1 [tilespmem:s0], [sflag:$0x3], $0x80, s3, s25, $0xb8;
	[tilespmem:$0x19E00] =	vst v63  }
0x8b: {  	s0 =	simm.s32 @!p1 $0x2  }
0x8c: {  	_ =	swait.ge @!p1 [sflag:s0], $0x3000  }
0x8d: {  	[sflag:s0] =	ssyncset.done @!p1 $0x0  }
0x8e: {  	[sflag:s0] =	ssyncadd.s32 @!p1 $0xFFFFD000;
	s0 =	simm.s32 @!p1 $0x3  }
0x8f: {  	[spmem:s1] =	stream.indirect.scatter.add.f32 @!p1 [tilespmem:s24], [sflag:$0x4], $0x80, s26, s25, $0xb8;
	[tilespmem:$0x19E00] =	vst v63  }
0x90: {  	_ =	swait.ge @!p1 [sflag:s0], $0x3000  }
0x91: {  	[sflag:s0] =	ssyncset.done @!p1 $0x0  }
0x92: {  	[sflag:s0] =	ssyncadd.s32 @!p1 $0xFFFFD000;
	s0 =	simm.s32 @!p1 $0x4  }
0x93: {  	_ =	swait.ge @!p1 [sflag:s0], $0x3000  }
0x94: {  	s3 =	stileid.u32;
	[sflag:s0] =	ssyncset.done @!p1 $0x0  }
0x95: {  	[sflag:s0] =	ssyncadd.s32 @!p1 $0xFFFFD000;
	s0 =	sshll.u32 s3, $0x6  }
0x96: {  	s13 =	sshrl.u32 s5, $0x3;
	[bflag:$0x0] =	sbarrier.arrive $0xFFFF;
	s0 =	sor.u32 $0x1C05, s0  }
0x97: {  	[hbm:s17], [sflag:s0] =	dma.local [spmem:s13], $0x600  }
0x98: {  	_ =	swait.ge [sflag:s16], $0x600  }
0x99: {  	[sflag:s16] =	ssyncset.done $0x0  }
0x9a: {  	s24 =	sshrl.u32 s6, $0x3;
	[sflag:s16] =	ssyncadd.s32 $0xFFFFFA00  }
0x9b: {  	[hbm:s18], [sflag:s0] =	dma.local [spmem:s24], $0x600  }
0x9c: {  	_ =	swait.ge [sflag:s16], $0x600  }
0x9d: {  	[sflag:s16] =	ssyncset.done $0x0  }
0x9e: {  	s25 =	sshrl.u32 s7, $0x3;
	[sflag:s16] =	ssyncadd.s32 $0xFFFFFA00  }
0x9f: {  	[hbm:s19], [sflag:s0] =	dma.local [spmem:s25], $0x600  }
0xa0: {  	_ =	swait.ge [sflag:s16], $0x600  }
0xa1: {  	[sflag:s16] =	ssyncset.done $0x0  }
0xa2: {  	s26 =	sshrl.u32 s8, $0x3;
	[sflag:s16] =	ssyncadd.s32 $0xFFFFFA00  }
0xa3: {  	[hbm:s20], [sflag:s0] =	dma.local [spmem:s26], $0x600  }
0xa4: {  	_ =	swait.ge [sflag:s16], $0x600  }
0xa5: {  	[sflag:s16] =	ssyncset.done $0x0  }
0xa6: {  	s28 =	sshrl.u32 s9, $0x3;
	[sflag:s16] =	ssyncadd.s32 $0xFFFFFA00  }
0xa7: {  	[hbm:s21], [sflag:s0] =	dma.local [spmem:s28], $0x600  }
0xa8: {  	_ =	swait.ge [sflag:s16], $0x600  }
0xa9: {  	[sflag:s16] =	ssyncset.done $0x0  }
0xaa: {  	s29 =	sshrl.u32 s10, $0x3;
	[sflag:s16] =	ssyncadd.s32 $0xFFFFFA00  }
0xab: {  	[hbm:s22], [sflag:s0] =	dma.local [spmem:s29], $0x600  }
0xac: {  	_ =	swait.ge [sflag:s16], $0x600  }
0xad: {  	[sflag:s16] =	ssyncset.done $0x0  }
0xae: {  	s30 =	sshrl.u32 s12, $0x3;
	[sflag:s16] =	ssyncadd.s32 $0xFFFFFA00  }
0xaf: {  	[hbm:s23], [sflag:s0] =	dma.local [spmem:s30], $0x380  }
0xb0: {  	_ =	swait.ge [sflag:s16], $0x380  }
0xb1: {  	s2 =	sadd.s32 $0x1, s2;
	s31 =	rddreg [dreg:$0x4]  }
0xb2: {  	p0 =	sne.s32 s2, s31  }
.Ltmp2:
0xb3: {  	_ = 	snop;
	(pc) =	sbr.rel @p0 .LBB2_1-.Ltmp2, $3  }
0xb4: {  	_ =	sdelay $0x1  }
0xb5: {  	[sflag:s16] =	ssyncset.done $0x0  }
0xb6: {  	[sflag:s16] =	ssyncadd.s32 $0xFFFFFC80  }
0xb7: {  	_ =	sfence.sel $0x180000  }
0xb8: {  	[bflag:$0x0] =	sbarrier.arrive $0xFFFF  }
0xb9: {  	_ =	strace $0x9000004A  }
0xba: {  	s0 =	stileid.u32;
	[bflag:$0x2] =	sbarrier.arrive $0xFFFF  }
0xbb: {  	p0 =	sne.s32 s0, $0x0;
	s0 =	rddreg [dreg:$0x3]  }
0xbc: {  	s0 =	sadd.s32 @!p0 $0x100000, s0  }
0xbd: {  	[sflag:s0] =	ssyncadd.tile.s32 @!p0 $0x1;
	_ =	shalt  }
.Lfunc_end2:
_tile_overlayer_lowered:
.L_overlay_start_2:
0xbe: {  	(tag) =	ssettag $0x2  }
0xbf: {  	s0 =	rddreg [dreg:$0x0];
	s2 =	stileid.u32  }
0xc0: {  	s1 =	rddreg [dreg:$0x1];
	p0 =	sne.s32 s2, $0x0  }
0xc1: {  	s3 =	rddreg [dreg:$0x2];
	[bflag:$0x3] =	sbarrier.arrive $0xFFFF;
	s2 =	simm.s32 @!p0 $0x1C05  }
0xc2: {  	[timem:s3], [sflag:s2] =	dma.local @!p0 [hbm:s0], s1  }
0xc3: {  	s0 =	simm.s32 @!p0 $0x5  }
0xc4: {  	_ =	swait.ge @!p0 [sflag:s0], s1  }
0xc5: {  	s1 =	ssub.s32 @!p0 $0x0, s1;
	[sflag:s0] =	ssyncset.done @!p0 $0x0  }
0xc6: {  	[sflag:s0] =	ssyncadd.s32 @!p0 s1  }
0xc7: {  	[bflag:$0x3] =	sbarrier.arrive $0xFFFF  }
0xc8: {  	_ =	shalt  }

// kernel: kernel.17.cloned.1.call-start
scs
__scs_entry_jumppad:
0x0: {  	(pc) =	sbr.rel $0x88, $3  }
0x1: {  	(tag) =	ssettag $0x0;
	lr =	simm.s32 $0x1  }
0x2: {  	[smem:$0x3F99] =	sst lr;
	_ =	strace $0xD0000000  }
0x3: {  	_ = 	snop  }
0x4: {  	_ = 	snop  }
0x5: {  	_ = 	snop  }
0x6: {  	_ = 	snop  }
0x7: {  	_ = 	snop  }
__scs_overlays_trampoline_lowered:
0x8: {  	[smem:$0x3FA8] =	sst s0  }
0x9: {  	[smem:$0x3FA9] =	sst s1  }
0xa: {  	[smem:$0x3FAA] =	sst s2  }
0xb: {  	[smem:$0x3FAB] =	sst s3  }
0xc: {  	[smem:$0x3FAC] =	sst s4  }
0xd: {  	[smem:$0x3FAD] =	sst s5  }
0xe: {  	[smem:$0x3FAE] =	sst s6  }
0xf: {  	[smem:$0x3FAF] =	sst s7  }
0x10: {  	[smem:$0x3FB0] =	sst s8  }
0x11: {  	[smem:$0x3FB1] =	sst s9;
	s0 =	simm.s32 @!p0 $0x0  }
0x12: {  	s1 =	sld [smem:$0x3F97];
	s0 =	simm.s32 @p0 $0x1  }
0x13: {  	[smem:$0x3FB2] =	sst s0;
	s0 =	simm.s32 @!p1 $0x0  }
0x14: {  	s2 =	sld [smem:$0x3F96];
	s0 =	simm.s32 @p1 $0x1  }
0x15: {  	[smem:$0x3FB3] =	sst s0;
	s0 =	simm.s32 @!p2 $0x0  }
0x16: {  	s3 =	sld [smem:$0x3FDB];
	s0 =	simm.s32 @p2 $0x1  }
0x17: {  	s4 =	simm.s32 $0x1BF5;
	[smem:$0x3FB5] =	sst s0  }
0x18: {  	s0 =	sld [smem:$0x3F98];
	_ =	swait.ge [sflag:s4], $0x0  }
0x19: {  	s7 =	sld [smem:$0x3F99]  }
0x1a: {  	s8 =	sadd.s32 $0xFFFFE003, lr  }
0x1b: {  	s9 =	sadd.s32 $0xFFFFFEF7, lr;
	s5 =	simm.s32 $0xFFFFFFFF;
	p2 =	slt.u32 s8, $0xFFFFF086  }
0x1c: {  	p1 =	slt.u32 s9, $0xF7A;
	s5 =	simm.s32 @!p2 $0x0  }
0x1d: {  	s5 =	simm.s32 @p1 $0x1;
	p0 =	seq.s32 s7, s2  }
0x1e: {  	s7 =	smul.u32 @!p0 $0xF7A, s2;
	p2 =	seq.s32 @!p0 s5, $0x0  }
0x1f: {  	s9 =	smul.u32 $0xF7A, s1;
	s8 =	simm.s32 @!p0 $0x1BF5;
	p2 =	por !p2, p0  }
0x20: {  	[sflag:s8] =	ssyncset.s32 @!p0 $0xFFFFF086;
	s6 =	sadd.s32 @!p0 s3, s7;
	s7 =	simm.s32 @!p0 $0x108  }
0x21: {  	s3 =	sadd.s32 s3, s9;
	s6 =	sadd.s32 @!p0 $0x88, s6;
	s7 =	simm.s32 @p2 $0x1082  }
0x22: {  	[simem:s7], [sflag:s8] =	dma.local @!p0 [hbm:s6], $0xF7A  }
0x23: {  	s9 =	sor.u32 $0xD0000000, s2;
	s6 =	simm.s32 $0x108;
	_ =	swait.ge @!p0 [sflag:s8], $0x0  }
0x24: {  	s3 =	sadd.s32 $0x88, s3;
	s6 =	simm.s32 @!p1 $0x1082;
	[sflag:s4] =	ssyncset.s32 $0xFFFFF086  }
0x25: {  	[simem:s6], [sflag:s4] =	dma.local [hbm:s3], $0xF7A  }
0x26: {  	[smem:$0x3F99] =	sst s1;
	(tag) =	ssettag s2;
	_ =	strace s9  }
0x27: {  	s1 =	sld [smem:$0x3FA9]  }
0x28: {  	s2 =	sld [smem:$0x3FAA]  }
0x29: {  	s4 =	sld [smem:$0x3FAC]  }
0x2a: {  	p0 =	seq.s32 s5, $0x0;
	s5 =	sld [smem:$0x3FAD]  }
0x2b: {  	s6 =	sld [smem:$0x3FAE]  }
0x2c: {  	s7 =	sld [smem:$0x3FAF]  }
0x2d: {  	s3 =	simm.s32 $0x108;
	s8 =	sld [smem:$0x3FB0]  }
0x2e: {  	s3 =	simm.s32 @!p0 $0x1082;
	s9 =	sld [smem:$0x3FB1]  }
0x2f: {  	lr =	sadd.s32 s0, s3;
	s0 =	sld [smem:$0x3FA8]  }
0x30: {  	s3 =	sld [smem:$0x3FAB]  }
0x31: {  	[smem:$0x3FB4] =	sst s10  }
0x32: {  	s10 =	sld [smem:$0x3FB2];
	_ =	sdelay $0x3  }
0x33: {  	p0 =	seq.s32 s10, $0x1;
	s10 =	sld [smem:$0x3FB4];
	_ =	sdelay $0x3  }
0x34: {  	[smem:$0x3FB4] =	sst s10  }
0x35: {  	s10 =	sld [smem:$0x3FB3];
	_ =	sdelay $0x3  }
0x36: {  	p1 =	seq.s32 s10, $0x1;
	s10 =	sld [smem:$0x3FB4];
	_ =	sdelay $0x3  }
0x37: {  	[smem:$0x3FB4] =	sst s10  }
0x38: {  	s10 =	sld [smem:$0x3FB5]  }
0x39: {  	_ = 	snop;
	(pc) =	sbr.ind lr, $3  }
0x3a: {  	_ = 	snop  }
0x3b: {  	_ = 	snop  }
0x3c: {  	p2 =	seq.s32 s10, $0x1;
	s10 =	sld [smem:$0x3FB4]  }
0x3d: {  	_ =	shalt  }
0x3e: {  	_ =	shalt  }
0x3f: {  	_ =	shalt  }
0x40: {  	_ =	shalt  }
0x41: {  	_ =	shalt  }
0x42: {  	_ =	shalt  }
0x43: {  	_ =	shalt  }
0x44: {  	_ =	shalt  }
0x45: {  	_ =	shalt  }
0x46: {  	_ =	shalt  }
0x47: {  	_ =	shalt  }
0x48: {  	_ =	shalt  }
0x49: {  	_ =	shalt  }
0x4a: {  	_ =	shalt  }
0x4b: {  	_ =	shalt  }
0x4c: {  	_ =	shalt  }
0x4d: {  	_ =	shalt  }
0x4e: {  	_ =	shalt  }
0x4f: {  	_ =	shalt  }
0x50: {  	_ =	shalt  }
0x51: {  	_ =	shalt  }
0x52: {  	_ =	shalt  }
0x53: {  	_ =	shalt  }
0x54: {  	_ =	shalt  }
0x55: {  	_ =	shalt  }
0x56: {  	_ =	shalt  }
0x57: {  	_ =	shalt  }
0x58: {  	_ =	shalt  }
0x59: {  	_ =	shalt  }
0x5a: {  	_ =	shalt  }
0x5b: {  	_ =	shalt  }
0x5c: {  	_ =	shalt  }
0x5d: {  	_ =	shalt  }
0x5e: {  	_ =	shalt  }
0x5f: {  	_ =	shalt  }
0x60: {  	_ =	shalt  }
0x61: {  	_ =	shalt  }
0x62: {  	_ =	shalt  }
0x63: {  	_ =	shalt  }
0x64: {  	_ =	shalt  }
0x65: {  	_ =	shalt  }
0x66: {  	_ =	shalt  }
0x67: {  	_ =	shalt  }
0x68: {  	_ =	shalt  }
0x69: {  	_ =	shalt  }
0x6a: {  	_ =	shalt  }
0x6b: {  	_ =	shalt  }
0x6c: {  	_ =	shalt  }
0x6d: {  	_ =	shalt  }
0x6e: {  	_ =	shalt  }
0x6f: {  	_ =	shalt  }
0x70: {  	_ =	shalt  }
0x71: {  	_ =	shalt  }
0x72: {  	_ =	shalt  }
0x73: {  	_ =	shalt  }
0x74: {  	_ =	shalt  }
0x75: {  	_ =	shalt  }
0x76: {  	_ =	shalt  }
0x77: {  	_ =	shalt  }
0x78: {  	_ =	shalt  }
0x79: {  	_ =	shalt  }
0x7a: {  	_ =	shalt  }
0x7b: {  	_ =	shalt  }
0x7c: {  	_ =	shalt  }
0x7d: {  	_ =	shalt  }
0x7e: {  	_ =	shalt  }
0x7f: {  	_ =	shalt  }
0x80: {  	_ =	shalt  }
0x81: {  	_ =	shalt  }
0x82: {  	_ =	shalt  }
0x83: {  	_ =	shalt  }
0x84: {  	_ =	shalt  }
0x85: {  	_ =	shalt  }
0x86: {  	_ =	shalt  }
0x87: {  	_ =	shalt  }
.Lfunc_end0:
.L_simem_size_0:
called_computation.2_lowered:
.L_overlay_start_0:
0x88: {  	s2 =	sld [smem:$0x3FD9]  }
0x89: {  	s3 =	sld [smem:$0x3FFE];
	_ =	sdelay $0x1  }
0x8a: {  	s1 =	srdreg.scid  }
0x8b: {  	s0 =	sand.u32 $0x1, s1  }
0x8c: {  	s17 =	sshll.u32 s0, $0xA;
	s2 =	sadd.s32 s3, s2  }
0x8d: {  	s2 =	sadd.s32 s2, s17  }
0x8e: {  	[smem:$0x3FC0] =	sst s2  }
0x8f: {  	_ = 	snop  }
0x90: {  	s2 =	sld [smem:$0x3FD0];
	(tm) =	ssettm $0x1  }
0x91: {  	s18 =	sld [smem:$0x3FFB];
	_ =	sdelay $0x3  }
0x92: {  	_ =	strace s18  }
0x93: {  	s3 =	sld [smem:$0x3FFC];
	_ =	sdelay $0x3  }
0x94: {  	_ =	strace s3  }
0x95: {  	s3 =	sld [smem:$0x3FFD];
	_ =	sdelay $0x3  }
0x96: {  	_ =	strace s3  }
0x97: {  	_ =	strace $0x8FFFFFFF  }
0x98: {  	s19 =	sld [smem:$0x3FDB];
	_ =	sdelay $0x1  }
0x99: {  	s4 =	simm.s32 $_scs_section_size  }
0x9a: {  	s5 =	simm.s32 $_size__tile_overlayer_lowered;
	s6 =	simm.s32 $_tile_overlayer_lowered  }
0x9b: {  	s22 =	simm.s32 $0x1BFF;
	s21 =	sshll.u32 s6, $0x1;
	s3 =	sadd.s32 s4, s19  }
0x9c: {  	s7 =	simm.s32 $0x0;
	s20 =	sshll.u32 s5, $0x1;
	s5 =	sadd.s32 s21, s3  }
0x9d: {  	[timem:s7], [sflag:s22] =	dma.local [hbm:s5], s20  }
0x9e: {  	_ =	swait.ge [sflag:s22], s20  }
0x9f: {  	s4 =	ssub.s32 $0x0, s20;
	[sflag:s22] =	ssyncset.done $0x0  }
0xa0: {  	[sflag:s22] =	ssyncadd.s32 s4;
	_ =	sdelay $0x1  }
0xa1: {  	s23 =	simm.s32 $0x1B8B  }
0xa2: {  	_ =	swait.ge [sflag:s23], $0x1  }
0xa3: {  	[sflag:s23] =	ssyncset.done $0x0  }
0xa4: {  	s25 =	simm.s32 $0x1B8E;
	s24 =	sld [smem:$0x3FFE];
	[sflag:s23] =	ssyncadd.s32 $0xFFFFFFFF  }
0xa5: {  	s26 =	simm.s32 $execute0_lowered;
	[smem:$0x3FD2] =	sst s25  }
0xa6: {  	s5 =	sshll.u32 s26, $0x1;
	_ =	strace $0x8000004C;
	[dreg:$0x1] =	wrdreg $0xFFFFFFFF  }
0xa7: {  	s28 =	simm.s32 $_size_execute0_lowered;
	s3 =	sadd.s32 s3, s5;
	[dreg:$0x0] =	wrdreg $0x0  }
0xa8: {  	s5 =	sshll.u32 s28, $0x1;
	[dreg:$0x2] =	wrdreg s3  }
0xa9: {  	[dreg:$0x3] =	wrdreg s5  }
0xaa: {  	[dreg:$0x4] =	wrdreg $0xC0  }
0xab: {  	_ =	task [dreg:s7], $0x5FFFF  }
0xac: {  	[dreg:$0x1] =	wrdreg $0xFFFFFFFF  }
0xad: {  	[dreg:$0x0] =	wrdreg $0x60  }
0xae: {  	[dreg:$0x2] =	wrdreg s24  }
0xaf: {  	[dreg:$0x3] =	wrdreg s2  }
0xb0: {  	[dreg:$0x4] =	wrdreg $0x62000  }
0xb1: {  	[dreg:$0x5] =	wrdreg $0x9  }
0xb2: {  	_ =	task.clear_ibuf [dreg:s7], $0x6FFFF;
	_ =	strace $0x9000004C  }
0xb3: {  	s29 =	simm.s32 $0x9;
	_ =	strace $0x8000004E  }
0xb4: {  	_ =	swait.ge [sflag:s29], $0x1  }
0xb5: {  	[sflag:s29] =	ssyncadd.s32 $0xFFFFFFFF  }
0xb6: {  	_ =	strace $0x9000004E  }
0xb7: {  	_ =	sfence  }
0xb8: {  	s30 =	sld [smem:$0x0];
	_ =	sdelay $0x2  }
0xb9: {  	s31 =	sshll.u32 s1, $0xD;
	s1 =	sshrl.u32 s1, $0x2  }
0xba: {  	s3 =	sand.u32 $0x4000, s31;
	s1 =	sadd.s32 s1, s30  }
0xbb: {  	s0 =	sor.u32 s3, s0;
	s1 =	sshll.u32 s1, $0x11  }
0xbc: {  	s0 =	sor.u32 s1, s0  }
0xbd: {  	s0 =	sadd.s32 $0x8F2B, s0  }
0xbe: {  	[sflag:s0] =	ssyncadd.remote.s32 $0x1  }
0xbf: {  	_ =	sfence.sel $0xFFFF  }
0xc0: {  	[dreg:$0x0] =	wrdreg $0xFFFFFFFF;
	(pc) =	sbr.abs _section_cstart, $3  }
0xc1: {  	[dreg:$0x1] =	wrdreg $0xFFFFFFFF  }
0xc2: {  	_ =	task.clear_ibuf [dreg:s7], $0x2FFFF;
	_ =	strace $0x9FFFFFFF  }
0xc3: {  	(tm) =	ssettm $0x7FFFFFFF  }
tec
execute0_lowered:
.L_overlay_start_1:
0x0: {  	(tag) =	ssettag $0x1  }
0x1: {  	s5 =	rddreg [dreg:$0x0];
	s0 =	stileid.u32  }
0x2: {  	s13 =	rddreg [dreg:$0x1];
	s10 =	smul.u32 $0x278, s0  }
0x3: {  	s1 =	rddreg [dreg:$0x2];
	s8 =	smul.u32 $0x4F000, s0  }
0x4: {  	s2 =	simm.s32 $0x0;
	s3 =	srdreg.scid;
	s22 =	smul.u32 $0x52, s0  }
0x5: {  	[smem:$0x7FF] =	sst s2;
	s11 =	sand.u32 $0x1, s3;
	s24 =	smul.u32 $0x2780, s0  }
0x6: {  	s4 =	sadd.s32 $0x3200, s5;
	s23 =	sshll.u32 s0, $0x7;
	s6 =	smul.u32 $0x27800, s11  }
0x7: {  	_ =	strace $0x8000004D;
	s7 =	ssub.s32 $0x2, s11;
	p0 =	seq.s32 s11, $0x0  }
0x8: {  	s11 =	simm.s32 $0x40;
	s25 =	sshrl.u32 s7, $0x1;
	s15 =	sadd.s32 $0x60, s10  }
0x9: {  	s26 =	sshrl.u32 s8, $0x2;
	s17 =	sadd.s32 $0xC0, s10;
	s18 =	sadd.s32 $0x120, s10  }
0xa: {  	s19 =	sadd.s32 $0x180, s10;
	s20 =	sadd.s32 $0x1E0, s10;
	s21 =	sadd.s32 $0x240, s10  }
0xb: {  	s22 =	sor.u32 $0x800, s22;
	s11 =	simm.s32 @!p0 $0x29;
	s14 =	sadd.s32 s6, s5  }
0xc: {  	s16 =	ssub.s32 s7, s25;
	s28 =	sshll.u32 s15, $0x7;
	s5 =	sadd.s32 s26, s1  }
0xd: {  	s29 =	sshll.u32 s17, $0x7;
	s30 =	sshll.u32 s18, $0x7;
	s9 =	sshll.u32 s19, $0x7  }
0xe: {  	s12 =	sshll.u32 s20, $0x7;
	s31 =	sshll.u32 s21, $0x7;
	s22 =	smov.u32 @p0 s23  }
0xf: {  	s25 =	sshll.u32 s15, $0x4;
	s26 =	sshll.u32 s17, $0x4;
	s3 =	sshll.u32 s19, $0x4  }
0x10: {  	s15 =	simm.s32 $0x200;
	s6 =	sadd.s32 s28, s1;
	s7 =	sadd.s32 s29, s1  }
0x11: {  	s8 =	sadd.s32 s30, s1;
	s9 =	sadd.s32 s9, s1;
	s10 =	sadd.s32 s12, s1  }
0x12: {  	s12 =	sadd.s32 s31, s1;
	s23 =	sadd.s32 $0x2AA00, s14;
	s28 =	sshll.u32 s18, $0x4  }
0x13: {  	s0 =	sshll.u32 s22, $0x5;
	s29 =	sshll.u32 s20, $0x4;
	s30 =	sshll.u32 s21, $0x4  }
0x14: {  	s31 =	smax.u32 s16, $0x1;
	s16 =	simm.s32 $0x5;
	s14 =	sadd.s32 s0, s13  }
0x15: {  	[dreg:$0x4] =	wrdreg s31;
	s17 =	sadd.s32 s24, s23;
	s18 =	sadd.s32 s25, s23  }
0x16: {  	s19 =	sadd.s32 s26, s23;
	s20 =	sadd.s32 s28, s23;
	s21 =	sadd.s32 s3, s23  }
0x17: {  	v0 =	vimm.f32 $0.0e+00;
	s22 =	sadd.s32 s29, s23;
	s23 =	sadd.s32 s30, s23;
	s14 =	sadd.s32 $0x20, s14  }
.LBB2_1:
0x18: {  	s24 =	simm.s32 $0x0;
	s25 =	simm.s32 $0x200  }
.LBB2_2:
0x19: {  	p0 =	sne.s32 s25, $0xBE00;
	[tilespmem:s24+$0x270] =	vst v0  }
0x1a: {  	[tilespmem:s24+$0x200] =	vst v0  }
0x1b: {  	[tilespmem:s24+$0x210] =	vst v0  }
.Ltmp0:
0x1c: {  	[tilespmem:s24+$0x220] =	vst v0;
	(pc) =	sbr.rel @p0 .LBB2_2-.Ltmp0, $4  }
0x1d: {  	[tilespmem:s24+$0x230] =	vst v0  }
0x1e: {  	[tilespmem:s24+$0x240] =	vst v0  }
0x1f: {  	[tilespmem:s24+$0x250] =	vst v0  }
0x20: {  	[tilespmem:s24+$0x260] =	vst v0;
	s24 =	sshra.s32 s25, $0x2;
	s25 =	sadd.s32 $0x200, s25  }
0x21: {  	[tilespmem:s24+$0x270] =	vst v0  }
0x22: {  	[tilespmem:s24+$0x200] =	vst v0  }
0x23: {  	[tilespmem:s24+$0x210] =	vst v0  }
0x24: {  	[tilespmem:s24+$0x220] =	vst v0  }
0x25: {  	[tilespmem:s24+$0x230] =	vst v0  }
0x26: {  	[tilespmem:s24+$0x240] =	vst v0  }
0x27: {  	[tilespmem:s24+$0x250] =	vst v0  }
0x28: {  	[tilespmem:s24+$0x260] =	vst v0  }
0x29: {  	[spmem:s5] =	stream.linear.scatter [tilespmem:s15], [sflag:$0x5], $0x3000, $0x38;
	[tilespmem:$0x19E00] =	vst v63  }
0x2a: {  	_ =	swait.ge [sflag:s16], $0x3000  }
0x2b: {  	[sflag:s16] =	ssyncset.done $0x0  }
0x2c: {  	[sflag:s16] =	ssyncadd.s32 $0xFFFFD000  }
0x2d: {  	[spmem:s6] =	stream.linear.scatter [tilespmem:s15], [sflag:$0x5], $0x3000, $0x38;
	[tilespmem:$0x19E00] =	vst v63  }
0x2e: {  	_ =	swait.ge [sflag:s16], $0x3000  }
0x2f: {  	[sflag:s16] =	ssyncset.done $0x0  }
0x30: {  	[sflag:s16] =	ssyncadd.s32 $0xFFFFD000  }
0x31: {  	[spmem:s7] =	stream.linear.scatter [tilespmem:s15], [sflag:$0x5], $0x3000, $0x38;
	[tilespmem:$0x19E00] =	vst v63  }
0x32: {  	_ =	swait.ge [sflag:s16], $0x3000  }
0x33: {  	[sflag:s16] =	ssyncset.done $0x0  }
0x34: {  	[sflag:s16] =	ssyncadd.s32 $0xFFFFD000  }
0x35: {  	[spmem:s8] =	stream.linear.scatter [tilespmem:s15], [sflag:$0x5], $0x3000, $0x38;
	[tilespmem:$0x19E00] =	vst v63  }
0x36: {  	_ =	swait.ge [sflag:s16], $0x3000  }
0x37: {  	[sflag:s16] =	ssyncset.done $0x0  }
0x38: {  	[sflag:s16] =	ssyncadd.s32 $0xFFFFD000  }
0x39: {  	[spmem:s9] =	stream.linear.scatter [tilespmem:s15], [sflag:$0x5], $0x3000, $0x38;
	[tilespmem:$0x19E00] =	vst v63  }
0x3a: {  	_ =	swait.ge [sflag:s16], $0x3000  }
0x3b: {  	[sflag:s16] =	ssyncset.done $0x0  }
0x3c: {  	[sflag:s16] =	ssyncadd.s32 $0xFFFFD000  }
0x3d: {  	[spmem:s10] =	stream.linear.scatter [tilespmem:s15], [sflag:$0x5], $0x3000, $0x38;
	[tilespmem:$0x19E00] =	vst v63  }
0x3e: {  	_ =	swait.ge [sflag:s16], $0x3000  }
0x3f: {  	[sflag:s16] =	ssyncset.done $0x0  }
0x40: {  	[sflag:s16] =	ssyncadd.s32 $0xFFFFD000  }
0x41: {  	[spmem:s12] =	stream.linear.scatter [tilespmem:s15], [sflag:$0x5], $0x1C00, $0x38;
	[tilespmem:$0x19E00] =	vst v63  }
0x42: {  	_ =	swait.ge [sflag:s16], $0x1C00  }
0x43: {  	p0 =	sle.u32 s11, $0x0;
	[sflag:s16] =	ssyncset.done $0x0  }
0x44: {  	s24 =	sadd.s32 @!p0 $0xFFFFFFE0, s14;
	[sflag:s16] =	ssyncadd.s32 $0xFFFFE400  }
0x45: {  	s25 =	simm.s32 @!p0 $0x0;
	s26 =	simm.s32 @!p0 $0x5;
	[bflag:$0x0] =	sbarrier.arrive $0xFFFF  }
0x46: {  	[tilespmem:s25], [sflag:$0x5] =	stream.linear.gather @!p0 [hbm4b:s24+s25], $0x100, $0x38;
	[tilespmem:$0x19E00] =	vst v63  }
0x47: {  	_ =	swait.ge @!p0 [sflag:s26], $0x100  }
0x48: {  	s28 =	simm.s32 @!p0 $0x60;
	[sflag:s26] =	ssyncset.done @!p0 $0x0  }
0x49: {  	s29 =	simm.s32 @!p0 $0x80;
	s24 =	simm.s32 @!p0 $0x200;
	[sflag:s26] =	ssyncadd.s32 @!p0 $0xFFFFFF00  }
0x4a: {  	[tilespmem:s24], [sflag:$0x1] =	stream.indirect.gather @!p0 [hbm4b:s4+s28], $0x80, s29, s28, $0xb8;
	[tilespmem:$0x19E00] =	vst v63  }
0x4b: {  	s29 =	simm.s32 @!p0 $0x100  }
0x4c: {  	[tilespmem:s29], [sflag:$0x5] =	stream.linear.gather @!p0 [hbm4b:s14+s25], $0x100, $0x38;
	[tilespmem:$0x19E00] =	vst v63  }
0x4d: {  	_ =	swait.ge @!p0 [sflag:s26], $0x100  }
0x4e: {  	s30 =	simm.s32 @!p0 $0x1;
	[sflag:s26] =	ssyncset.done @!p0 $0x0  }
0x4f: {  	s31 =	simm.s32 @!p0 $0x3200;
	[sflag:s26] =	ssyncadd.s32 @!p0 $0xFFFFFF00;
	s26 =	simm.s32 @!p0 $0x180  }
0x50: {  	[tilespmem:s31], [sflag:$0x2] =	stream.indirect.gather @!p0 [hbm4b:s4+s28], $0x80, s26, s28, $0xb8;
	[tilespmem:$0x19E00] =	vst v63  }
0x51: {  	_ =	swait.ge @!p0 [sflag:s30], $0x3000  }
0x52: {  	[sflag:s30] =	ssyncset.done @!p0 $0x0  }
0x53: {  	s26 =	simm.s32 @!p0 $0x2;
	[sflag:s30] =	ssyncadd.s32 @!p0 $0xFFFFD000  }
0x54: {  	[spmem:s1] =	stream.indirect.scatter.add.f32 @!p0 [tilespmem:s24], [sflag:$0x3], $0x80, s25, s28, $0xb8;
	[tilespmem:$0x19E00] =	vst v63  }
0x55: {  	_ =	swait.ge @!p0 [sflag:s26], $0x3000  }
0x56: {  	[sflag:s26] =	ssyncset.done @!p0 $0x0  }
0x57: {  	s24 =	simm.s32 @!p0 $0x3;
	[sflag:s26] =	ssyncadd.s32 @!p0 $0xFFFFD000  }
0x58: {  	[spmem:s1] =	stream.indirect.scatter.add.f32 @!p0 [tilespmem:s31], [sflag:$0x4], $0x80, s29, s28, $0xb8;
	[tilespmem:$0x19E00] =	vst v63  }
0x59: {  	_ =	swait.ge @!p0 [sflag:s24], $0x3000  }
0x5a: {  	[sflag:s24] =	ssyncset.done @!p0 $0x0  }
0x5b: {  	s28 =	simm.s32 @!p0 $0x4;
	[sflag:s24] =	ssyncadd.s32 @!p0 $0xFFFFD000  }
0x5c: {  	s25 =	simm.s32 $0x1;
	_ =	swait.ge @!p0 [sflag:s28], $0x3000  }
0x5d: {  	s26 =	simm.s32 $0x2;
	s24 =	sadd.s32 $0x40, s14;
	[sflag:s28] =	ssyncset.done @!p0 $0x0  }
.LBB2_4:
0x5e: {  	[sflag:s28] =	ssyncadd.s32 @!p0 $0xFFFFD000  }
0x5f: {  	p0 =	sge.u32 s25, s11;
	s25 =	smov.u32 s26;
	s26 =	sadd.s32 $0x1, s26  }
0x60: {  	s28 =	sadd.s32 @!p0 $0xFFFFFFE0, s24;
	s29 =	simm.s32 @!p0 $0x0;
	s30 =	simm.s32 @!p0 $0x5  }
0x61: {  	[tilespmem:s29], [sflag:$0x5] =	stream.linear.gather @!p0 [hbm4b:s28+s29], $0x100, $0x38;
	[tilespmem:$0x19E00] =	vst v63  }
0x62: {  	p1 =	sne.s32 s26, $0x40;
	_ =	swait.ge @!p0 [sflag:s30], $0x100  }
0x63: {  	s28 =	simm.s32 @!p0 $0x200;
	[sflag:s30] =	ssyncset.done @!p0 $0x0  }
0x64: {  	s31 =	simm.s32 @!p0 $0x60;
	s0 =	simm.s32 @!p0 $0x80;
	[sflag:s30] =	ssyncadd.s32 @!p0 $0xFFFFFF00  }
0x65: {  	[tilespmem:s28], [sflag:$0x1] =	stream.indirect.gather @!p0 [hbm4b:s4+s31], $0x80, s0, s31, $0xb8;
	[tilespmem:$0x19E00] =	vst v63  }
0x66: {  	s0 =	simm.s32 @!p0 $0x100  }
0x67: {  	[tilespmem:s0], [sflag:$0x5] =	stream.linear.gather @!p0 [hbm4b:s24+s29], $0x100, $0x38;
	[tilespmem:$0x19E00] =	vst v63  }
0x68: {  	_ =	swait.ge @!p0 [sflag:s30], $0x100  }
0x69: {  	s3 =	simm.s32 @!p0 $0x1;
	[sflag:s30] =	ssyncset.done @!p0 $0x0  }
0x6a: {  	s13 =	simm.s32 @!p0 $0x3200;
	[sflag:s30] =	ssyncadd.s32 @!p0 $0xFFFFFF00;
	s30 =	simm.s32 @!p0 $0x180  }
0x6b: {  	[tilespmem:s13], [sflag:$0x2] =	stream.indirect.gather @!p0 [hbm4b:s4+s31], $0x80, s30, s31, $0xb8;
	[tilespmem:$0x19E00] =	vst v63  }
0x6c: {  	_ =	swait.ge @!p0 [sflag:s3], $0x3000  }
0x6d: {  	[sflag:s3] =	ssyncset.done @!p0 $0x0  }
0x6e: {  	[sflag:s3] =	ssyncadd.s32 @!p0 $0xFFFFD000;
	s3 =	simm.s32 @!p0 $0x2  }
0x6f: {  	[spmem:s1] =	stream.indirect.scatter.add.f32 @!p0 [tilespmem:s28], [sflag:$0x3], $0x80, s29, s31, $0xb8;
	[tilespmem:$0x19E00] =	vst v63  }
0x70: {  	_ =	swait.ge @!p0 [sflag:s3], $0x3000  }
0x71: {  	[sflag:s3] =	ssyncset.done @!p0 $0x0  }
0x72: {  	[sflag:s3] =	ssyncadd.s32 @!p0 $0xFFFFD000;
	s3 =	simm.s32 @!p0 $0x3  }
0x73: {  	[spmem:s1] =	stream.indirect.scatter.add.f32 @!p0 [tilespmem:s13], [sflag:$0x4], $0x80, s0, s31, $0xb8;
	[tilespmem:$0x19E00] =	vst v63  }
.Ltmp1:
0x74: {  	_ =	swait.ge @!p0 [sflag:s3], $0x3000;
	(pc) =	sbr.rel @p1 .LBB2_4-.Ltmp1, $4  }
0x75: {  	[sflag:s3] =	ssyncset.done @!p0 $0x0  }
0x76: {  	s28 =	simm.s32 @!p0 $0x4;
	[sflag:s3] =	ssyncadd.s32 @!p0 $0xFFFFD000  }
0x77: {  	_ =	swait.ge @!p0 [sflag:s28], $0x3000  }
0x78: {  	s24 =	sadd.s32 $0x40, s24;
	[sflag:s28] =	ssyncset.done @!p0 $0x0  }
0x79: {  	p1 =	sge.u32 s25, s11;
	[sflag:s28] =	ssyncadd.s32 @!p0 $0xFFFFD000  }
0x7a: {  	s0 =	sadd.s32 @!p1 $0xFFFFFFE0, s24;
	s3 =	simm.s32 @!p1 $0x0;
	s13 =	simm.s32 @!p1 $0x5  }
0x7b: {  	[tilespmem:s3], [sflag:$0x5] =	stream.linear.gather @!p1 [hbm4b:s0+s3], $0x100, $0x38;
	[tilespmem:$0x19E00] =	vst v63  }
0x7c: {  	_ =	swait.ge @!p1 [sflag:s13], $0x100  }
0x7d: {  	s25 =	simm.s32 @!p1 $0x60;
	[sflag:s13] =	ssyncset.done @!p1 $0x0  }
0x7e: {  	s26 =	simm.s32 @!p1 $0x80;
	s0 =	simm.s32 @!p1 $0x200;
	[sflag:s13] =	ssyncadd.s32 @!p1 $0xFFFFFF00  }
0x7f: {  	[tilespmem:s0], [sflag:$0x1] =	stream.indirect.gather @!p1 [hbm4b:s4+s25], $0x80, s26, s25, $0xb8;
	[tilespmem:$0x19E00] =	vst v63  }
0x80: {  	s26 =	simm.s32 @!p1 $0x100  }
0x81: {  	[tilespmem:s26], [sflag:$0x5] =	stream.linear.gather @!p1 [hbm4b:s24+s3], $0x100, $0x38;
	[tilespmem:$0x19E00] =	vst v63  }
0x82: {  	_ =	swait.ge @!p1 [sflag:s13], $0x100  }
0x83: {  	[sflag:s13] =	ssyncset.done @!p1 $0x0  }
0x84: {  	s24 =	simm.s32 @!p1 $0x3200;
	[sflag:s13] =	ssyncadd.s32 @!p1 $0xFFFFFF00;
	s13 =	simm.s32 @!p1 $0x180  }
0x85: {  	[tilespmem:s24], [sflag:$0x2] =	stream.indirect.gather @!p1 [hbm4b:s4+s25], $0x80, s13, s25, $0xb8;
	[tilespmem:$0x19E00] =	vst v63  }
0x86: {  	s13 =	simm.s32 @!p1 $0x1  }
0x87: {  	_ =	swait.ge @!p1 [sflag:s13], $0x3000  }
0x88: {  	[sflag:s13] =	ssyncset.done @!p1 $0x0  }
0x89: {  	[sflag:s13] =	ssyncadd.s32 @!p1 $0xFFFFD000  }
0x8a: {  	[spmem:s1] =	stream.indirect.scatter.add.f32 @!p1 [tilespmem:s0], [sflag:$0x3], $0x80, s3, s25, $0xb8;
	[tilespmem:$0x19E00] =	vst v63  }
0x8b: {  	s0 =	simm.s32 @!p1 $0x2  }
0x8c: {  	_ =	swait.ge @!p1 [sflag:s0], $0x3000  }
0x8d: {  	[sflag:s0] =	ssyncset.done @!p1 $0x0  }
0x8e: {  	[sflag:s0] =	ssyncadd.s32 @!p1 $0xFFFFD000;
	s0 =	simm.s32 @!p1 $0x3  }
0x8f: {  	[spmem:s1] =	stream.indirect.scatter.add.f32 @!p1 [tilespmem:s24], [sflag:$0x4], $0x80, s26, s25, $0xb8;
	[tilespmem:$0x19E00] =	vst v63  }
0x90: {  	_ =	swait.ge @!p1 [sflag:s0], $0x3000  }
0x91: {  	[sflag:s0] =	ssyncset.done @!p1 $0x0  }
0x92: {  	[sflag:s0] =	ssyncadd.s32 @!p1 $0xFFFFD000;
	s0 =	simm.s32 @!p1 $0x4  }
0x93: {  	_ =	swait.ge @!p1 [sflag:s0], $0x3000  }
0x94: {  	s3 =	stileid.u32;
	[sflag:s0] =	ssyncset.done @!p1 $0x0  }
0x95: {  	[sflag:s0] =	ssyncadd.s32 @!p1 $0xFFFFD000;
	s0 =	sshll.u32 s3, $0x6  }
0x96: {  	s13 =	sshrl.u32 s5, $0x3;
	[bflag:$0x0] =	sbarrier.arrive $0xFFFF;
	s0 =	sor.u32 $0x1C05, s0  }
0x97: {  	[hbm:s17], [sflag:s0] =	dma.local [spmem:s13], $0x600  }
0x98: {  	_ =	swait.ge [sflag:s16], $0x600  }
0x99: {  	[sflag:s16] =	ssyncset.done $0x0  }
0x9a: {  	s24 =	sshrl.u32 s6, $0x3;
	[sflag:s16] =	ssyncadd.s32 $0xFFFFFA00  }
0x9b: {  	[hbm:s18], [sflag:s0] =	dma.local [spmem:s24], $0x600  }
0x9c: {  	_ =	swait.ge [sflag:s16], $0x600  }
0x9d: {  	[sflag:s16] =	ssyncset.done $0x0  }
0x9e: {  	s25 =	sshrl.u32 s7, $0x3;
	[sflag:s16] =	ssyncadd.s32 $0xFFFFFA00  }
0x9f: {  	[hbm:s19], [sflag:s0] =	dma.local [spmem:s25], $0x600  }
0xa0: {  	_ =	swait.ge [sflag:s16], $0x600  }
0xa1: {  	[sflag:s16] =	ssyncset.done $0x0  }
0xa2: {  	s26 =	sshrl.u32 s8, $0x3;
	[sflag:s16] =	ssyncadd.s32 $0xFFFFFA00  }
0xa3: {  	[hbm:s20], [sflag:s0] =	dma.local [spmem:s26], $0x600  }
0xa4: {  	_ =	swait.ge [sflag:s16], $0x600  }
0xa5: {  	[sflag:s16] =	ssyncset.done $0x0  }
0xa6: {  	s28 =	sshrl.u32 s9, $0x3;
	[sflag:s16] =	ssyncadd.s32 $0xFFFFFA00  }
0xa7: {  	[hbm:s21], [sflag:s0] =	dma.local [spmem:s28], $0x600  }
0xa8: {  	_ =	swait.ge [sflag:s16], $0x600  }
0xa9: {  	[sflag:s16] =	ssyncset.done $0x0  }
0xaa: {  	s29 =	sshrl.u32 s10, $0x3;
	[sflag:s16] =	ssyncadd.s32 $0xFFFFFA00  }
0xab: {  	[hbm:s22], [sflag:s0] =	dma.local [spmem:s29], $0x600  }
0xac: {  	_ =	swait.ge [sflag:s16], $0x600  }
0xad: {  	[sflag:s16] =	ssyncset.done $0x0  }
0xae: {  	s30 =	sshrl.u32 s12, $0x3;
	[sflag:s16] =	ssyncadd.s32 $0xFFFFFA00  }
0xaf: {  	[hbm:s23], [sflag:s0] =	dma.local [spmem:s30], $0x380  }
0xb0: {  	_ =	swait.ge [sflag:s16], $0x380  }
0xb1: {  	s2 =	sadd.s32 $0x1, s2;
	s31 =	rddreg [dreg:$0x4]  }
0xb2: {  	p0 =	sne.s32 s2, s31  }
.Ltmp2:
0xb3: {  	_ = 	snop;
	(pc) =	sbr.rel @p0 .LBB2_1-.Ltmp2, $3  }
0xb4: {  	_ =	sdelay $0x1  }
0xb5: {  	[sflag:s16] =	ssyncset.done $0x0  }
0xb6: {  	[sflag:s16] =	ssyncadd.s32 $0xFFFFFC80  }
0xb7: {  	_ =	sfence.sel $0x180000  }
0xb8: {  	[bflag:$0x0] =	sbarrier.arrive $0xFFFF  }
0xb9: {  	_ =	strace $0x9000004D  }
0xba: {  	s0 =	stileid.u32;
	[bflag:$0x2] =	sbarrier.arrive $0xFFFF  }
0xbb: {  	p0 =	sne.s32 s0, $0x0;
	s0 =	rddreg [dreg:$0x3]  }
0xbc: {  	s0 =	sadd.s32 @!p0 $0x100000, s0  }
0xbd: {  	[sflag:s0] =	ssyncadd.tile.s32 @!p0 $0x1;
	_ =	shalt  }
.Lfunc_end2:
_tile_overlayer_lowered:
.L_overlay_start_2:
0xbe: {  	(tag) =	ssettag $0x2  }
0xbf: {  	s0 =	rddreg [dreg:$0x0];
	s2 =	stileid.u32  }
0xc0: {  	s1 =	rddreg [dreg:$0x1];
	p0 =	sne.s32 s2, $0x0  }
0xc1: {  	s3 =	rddreg [dreg:$0x2];
	[bflag:$0x3] =	sbarrier.arrive $0xFFFF;
	s2 =	simm.s32 @!p0 $0x1C05  }
0xc2: {  	[timem:s3], [sflag:s2] =	dma.local @!p0 [hbm:s0], s1  }
0xc3: {  	s0 =	simm.s32 @!p0 $0x5  }
0xc4: {  	_ =	swait.ge @!p0 [sflag:s0], s1  }
0xc5: {  	s1 =	ssub.s32 @!p0 $0x0, s1;
	[sflag:s0] =	ssyncset.done @!p0 $0x0  }
0xc6: {  	[sflag:s0] =	ssyncadd.s32 @!p0 s1  }
0xc7: {  	[bflag:$0x3] =	sbarrier.arrive $0xFFFF  }
0xc8: {  	_ =	shalt  }

// kernel: kernel.20.cloned.1.call-start
scs
__scs_entry_jumppad:
0x0: {  	(pc) =	sbr.rel $0x88, $3  }
0x1: {  	(tag) =	ssettag $0x0;
	lr =	simm.s32 $0x1  }
0x2: {  	[smem:$0x3F99] =	sst lr;
	_ =	strace $0xD0000000  }
0x3: {  	_ = 	snop  }
0x4: {  	_ = 	snop  }
0x5: {  	_ = 	snop  }
0x6: {  	_ = 	snop  }
0x7: {  	_ = 	snop  }
__scs_overlays_trampoline_lowered:
0x8: {  	[smem:$0x3FA8] =	sst s0  }
0x9: {  	[smem:$0x3FA9] =	sst s1  }
0xa: {  	[smem:$0x3FAA] =	sst s2  }
0xb: {  	[smem:$0x3FAB] =	sst s3  }
0xc: {  	[smem:$0x3FAC] =	sst s4  }
0xd: {  	[smem:$0x3FAD] =	sst s5  }
0xe: {  	[smem:$0x3FAE] =	sst s6  }
0xf: {  	[smem:$0x3FAF] =	sst s7  }
0x10: {  	[smem:$0x3FB0] =	sst s8  }
0x11: {  	[smem:$0x3FB1] =	sst s9;
	s0 =	simm.s32 @!p0 $0x0  }
0x12: {  	s1 =	sld [smem:$0x3F97];
	s0 =	simm.s32 @p0 $0x1  }
0x13: {  	[smem:$0x3FB2] =	sst s0;
	s0 =	simm.s32 @!p1 $0x0  }
0x14: {  	s2 =	sld [smem:$0x3F96];
	s0 =	simm.s32 @p1 $0x1  }
0x15: {  	[smem:$0x3FB3] =	sst s0;
	s0 =	simm.s32 @!p2 $0x0  }
0x16: {  	s3 =	sld [smem:$0x3FDB];
	s0 =	simm.s32 @p2 $0x1  }
0x17: {  	s4 =	simm.s32 $0x1BF5;
	[smem:$0x3FB5] =	sst s0  }
0x18: {  	s0 =	sld [smem:$0x3F98];
	_ =	swait.ge [sflag:s4], $0x0  }
0x19: {  	s7 =	sld [smem:$0x3F99]  }
0x1a: {  	s8 =	sadd.s32 $0xFFFFE003, lr  }
0x1b: {  	s9 =	sadd.s32 $0xFFFFFEF7, lr;
	s5 =	simm.s32 $0xFFFFFFFF;
	p2 =	slt.u32 s8, $0xFFFFF086  }
0x1c: {  	p1 =	slt.u32 s9, $0xF7A;
	s5 =	simm.s32 @!p2 $0x0  }
0x1d: {  	s5 =	simm.s32 @p1 $0x1;
	p0 =	seq.s32 s7, s2  }
0x1e: {  	s7 =	smul.u32 @!p0 $0xF7A, s2;
	p2 =	seq.s32 @!p0 s5, $0x0  }
0x1f: {  	s9 =	smul.u32 $0xF7A, s1;
	s8 =	simm.s32 @!p0 $0x1BF5;
	p2 =	por !p2, p0  }
0x20: {  	[sflag:s8] =	ssyncset.s32 @!p0 $0xFFFFF086;
	s6 =	sadd.s32 @!p0 s3, s7;
	s7 =	simm.s32 @!p0 $0x108  }
0x21: {  	s3 =	sadd.s32 s3, s9;
	s6 =	sadd.s32 @!p0 $0x88, s6;
	s7 =	simm.s32 @p2 $0x1082  }
0x22: {  	[simem:s7], [sflag:s8] =	dma.local @!p0 [hbm:s6], $0xF7A  }
0x23: {  	s9 =	sor.u32 $0xD0000000, s2;
	s6 =	simm.s32 $0x108;
	_ =	swait.ge @!p0 [sflag:s8], $0x0  }
0x24: {  	s3 =	sadd.s32 $0x88, s3;
	s6 =	simm.s32 @!p1 $0x1082;
	[sflag:s4] =	ssyncset.s32 $0xFFFFF086  }
0x25: {  	[simem:s6], [sflag:s4] =	dma.local [hbm:s3], $0xF7A  }
0x26: {  	[smem:$0x3F99] =	sst s1;
	(tag) =	ssettag s2;
	_ =	strace s9  }
0x27: {  	s1 =	sld [smem:$0x3FA9]  }
0x28: {  	s2 =	sld [smem:$0x3FAA]  }
0x29: {  	s4 =	sld [smem:$0x3FAC]  }
0x2a: {  	p0 =	seq.s32 s5, $0x0;
	s5 =	sld [smem:$0x3FAD]  }
0x2b: {  	s6 =	sld [smem:$0x3FAE]  }
0x2c: {  	s7 =	sld [smem:$0x3FAF]  }
0x2d: {  	s3 =	simm.s32 $0x108;
	s8 =	sld [smem:$0x3FB0]  }
0x2e: {  	s3 =	simm.s32 @!p0 $0x1082;
	s9 =	sld [smem:$0x3FB1]  }
0x2f: {  	lr =	sadd.s32 s0, s3;
	s0 =	sld [smem:$0x3FA8]  }
0x30: {  	s3 =	sld [smem:$0x3FAB]  }
0x31: {  	[smem:$0x3FB4] =	sst s10  }
0x32: {  	s10 =	sld [smem:$0x3FB2];
	_ =	sdelay $0x3  }
0x33: {  	p0 =	seq.s32 s10, $0x1;
	s10 =	sld [smem:$0x3FB4];
	_ =	sdelay $0x3  }
0x34: {  	[smem:$0x3FB4] =	sst s10  }
0x35: {  	s10 =	sld [smem:$0x3FB3];
	_ =	sdelay $0x3  }
0x36: {  	p1 =	seq.s32 s10, $0x1;
	s10 =	sld [smem:$0x3FB4];
	_ =	sdelay $0x3  }
0x37: {  	[smem:$0x3FB4] =	sst s10  }
0x38: {  	s10 =	sld [smem:$0x3FB5]  }
0x39: {  	_ = 	snop;
	(pc) =	sbr.ind lr, $3  }
0x3a: {  	_ = 	snop  }
0x3b: {  	_ = 	snop  }
0x3c: {  	p2 =	seq.s32 s10, $0x1;
	s10 =	sld [smem:$0x3FB4]  }
0x3d: {  	_ =	shalt  }
0x3e: {  	_ =	shalt  }
0x3f: {  	_ =	shalt  }
0x40: {  	_ =	shalt  }
0x41: {  	_ =	shalt  }
0x42: {  	_ =	shalt  }
0x43: {  	_ =	shalt  }
0x44: {  	_ =	shalt  }
0x45: {  	_ =	shalt  }
0x46: {  	_ =	shalt  }
0x47: {  	_ =	shalt  }
0x48: {  	_ =	shalt  }
0x49: {  	_ =	shalt  }
0x4a: {  	_ =	shalt  }
0x4b: {  	_ =	shalt  }
0x4c: {  	_ =	shalt  }
0x4d: {  	_ =	shalt  }
0x4e: {  	_ =	shalt  }
0x4f: {  	_ =	shalt  }
0x50: {  	_ =	shalt  }
0x51: {  	_ =	shalt  }
0x52: {  	_ =	shalt  }
0x53: {  	_ =	shalt  }
0x54: {  	_ =	shalt  }
0x55: {  	_ =	shalt  }
0x56: {  	_ =	shalt  }
0x57: {  	_ =	shalt  }
0x58: {  	_ =	shalt  }
0x59: {  	_ =	shalt  }
0x5a: {  	_ =	shalt  }
0x5b: {  	_ =	shalt  }
0x5c: {  	_ =	shalt  }
0x5d: {  	_ =	shalt  }
0x5e: {  	_ =	shalt  }
0x5f: {  	_ =	shalt  }
0x60: {  	_ =	shalt  }
0x61: {  	_ =	shalt  }
0x62: {  	_ =	shalt  }
0x63: {  	_ =	shalt  }
0x64: {  	_ =	shalt  }
0x65: {  	_ =	shalt  }
0x66: {  	_ =	shalt  }
0x67: {  	_ =	shalt  }
0x68: {  	_ =	shalt  }
0x69: {  	_ =	shalt  }
0x6a: {  	_ =	shalt  }
0x6b: {  	_ =	shalt  }
0x6c: {  	_ =	shalt  }
0x6d: {  	_ =	shalt  }
0x6e: {  	_ =	shalt  }
0x6f: {  	_ =	shalt  }
0x70: {  	_ =	shalt  }
0x71: {  	_ =	shalt  }
0x72: {  	_ =	shalt  }
0x73: {  	_ =	shalt  }
0x74: {  	_ =	shalt  }
0x75: {  	_ =	shalt  }
0x76: {  	_ =	shalt  }
0x77: {  	_ =	shalt  }
0x78: {  	_ =	shalt  }
0x79: {  	_ =	shalt  }
0x7a: {  	_ =	shalt  }
0x7b: {  	_ =	shalt  }
0x7c: {  	_ =	shalt  }
0x7d: {  	_ =	shalt  }
0x7e: {  	_ =	shalt  }
0x7f: {  	_ =	shalt  }
0x80: {  	_ =	shalt  }
0x81: {  	_ =	shalt  }
0x82: {  	_ =	shalt  }
0x83: {  	_ =	shalt  }
0x84: {  	_ =	shalt  }
0x85: {  	_ =	shalt  }
0x86: {  	_ =	shalt  }
0x87: {  	_ =	shalt  }
.Lfunc_end0:
.L_simem_size_0:
called_computation.3_lowered:
.L_overlay_start_0:
0x88: {  	s2 =	sld [smem:$0x3FD9]  }
0x89: {  	s3 =	sld [smem:$0x3FFE];
	_ =	sdelay $0x1  }
0x8a: {  	s1 =	srdreg.scid  }
0x8b: {  	s0 =	sand.u32 $0x1, s1  }
0x8c: {  	s17 =	sshll.u32 s0, $0xA;
	s2 =	sadd.s32 s3, s2  }
0x8d: {  	s2 =	sadd.s32 s2, s17  }
0x8e: {  	[smem:$0x3FC0] =	sst s2  }
0x8f: {  	_ = 	snop  }
0x90: {  	s2 =	sld [smem:$0x3FD0];
	(tm) =	ssettm $0x1  }
0x91: {  	s18 =	sld [smem:$0x3FFB];
	_ =	sdelay $0x3  }
0x92: {  	_ =	strace s18  }
0x93: {  	s3 =	sld [smem:$0x3FFC];
	_ =	sdelay $0x3  }
0x94: {  	_ =	strace s3  }
0x95: {  	s3 =	sld [smem:$0x3FFD];
	_ =	sdelay $0x3  }
0x96: {  	_ =	strace s3  }
0x97: {  	_ =	strace $0x8FFFFFFF  }
0x98: {  	s19 =	sld [smem:$0x3FDB];
	_ =	sdelay $0x1  }
0x99: {  	s4 =	simm.s32 $_scs_section_size  }
0x9a: {  	s5 =	simm.s32 $_size__tile_overlayer_lowered;
	s6 =	simm.s32 $_tile_overlayer_lowered  }
0x9b: {  	s22 =	simm.s32 $0x1BFF;
	s21 =	sshll.u32 s6, $0x1;
	s3 =	sadd.s32 s4, s19  }
0x9c: {  	s7 =	simm.s32 $0x0;
	s20 =	sshll.u32 s5, $0x1;
	s5 =	sadd.s32 s21, s3  }
0x9d: {  	[timem:s7], [sflag:s22] =	dma.local [hbm:s5], s20  }
0x9e: {  	_ =	swait.ge [sflag:s22], s20  }
0x9f: {  	s4 =	ssub.s32 $0x0, s20;
	[sflag:s22] =	ssyncset.done $0x0  }
0xa0: {  	[sflag:s22] =	ssyncadd.s32 s4;
	_ =	sdelay $0x1  }
0xa1: {  	s23 =	simm.s32 $0x1B8B  }
0xa2: {  	_ =	swait.ge [sflag:s23], $0x1  }
0xa3: {  	[sflag:s23] =	ssyncset.done $0x0  }
0xa4: {  	s25 =	simm.s32 $0x1B8E;
	s24 =	sld [smem:$0x3FFE];
	[sflag:s23] =	ssyncadd.s32 $0xFFFFFFFF  }
0xa5: {  	s26 =	simm.s32 $execute0_lowered;
	[smem:$0x3FD2] =	sst s25  }
0xa6: {  	s5 =	sshll.u32 s26, $0x1;
	_ =	strace $0x8000004F;
	[dreg:$0x1] =	wrdreg $0xFFFFFFFF  }
0xa7: {  	s28 =	simm.s32 $_size_execute0_lowered;
	s3 =	sadd.s32 s3, s5;
	[dreg:$0x0] =	wrdreg $0x0  }
0xa8: {  	s5 =	sshll.u32 s28, $0x1;
	[dreg:$0x2] =	wrdreg s3  }
0xa9: {  	[dreg:$0x3] =	wrdreg s5  }
0xaa: {  	[dreg:$0x4] =	wrdreg $0xC0  }
0xab: {  	_ =	task [dreg:s7], $0x5FFFF  }
0xac: {  	[dreg:$0x1] =	wrdreg $0xFFFFFFFF  }
0xad: {  	[dreg:$0x0] =	wrdreg $0x60  }
0xae: {  	[dreg:$0x2] =	wrdreg s24  }
0xaf: {  	[dreg:$0x3] =	wrdreg s2  }
0xb0: {  	[dreg:$0x4] =	wrdreg $0x62000  }
0xb1: {  	[dreg:$0x5] =	wrdreg $0x9  }
0xb2: {  	_ =	task.clear_ibuf [dreg:s7], $0x6FFFF;
	_ =	strace $0x9000004F  }
0xb3: {  	s29 =	simm.s32 $0x9;
	_ =	strace $0x80000051  }
0xb4: {  	_ =	swait.ge [sflag:s29], $0x1  }
0xb5: {  	[sflag:s29] =	ssyncadd.s32 $0xFFFFFFFF  }
0xb6: {  	_ =	strace $0x90000051  }
0xb7: {  	_ =	sfence  }
0xb8: {  	s30 =	sld [smem:$0x0];
	_ =	sdelay $0x2  }
0xb9: {  	s31 =	sshll.u32 s1, $0xD;
	s1 =	sshrl.u32 s1, $0x2  }
0xba: {  	s3 =	sand.u32 $0x4000, s31;
	s1 =	sadd.s32 s1, s30  }
0xbb: {  	s0 =	sor.u32 s3, s0;
	s1 =	sshll.u32 s1, $0x11  }
0xbc: {  	s0 =	sor.u32 s1, s0  }
0xbd: {  	s0 =	sadd.s32 $0x8F2B, s0  }
0xbe: {  	[sflag:s0] =	ssyncadd.remote.s32 $0x1  }
0xbf: {  	_ =	sfence.sel $0xFFFF  }
0xc0: {  	[dreg:$0x0] =	wrdreg $0xFFFFFFFF;
	(pc) =	sbr.abs _section_cstart, $3  }
0xc1: {  	[dreg:$0x1] =	wrdreg $0xFFFFFFFF  }
0xc2: {  	_ =	task.clear_ibuf [dreg:s7], $0x2FFFF;
	_ =	strace $0x9FFFFFFF  }
0xc3: {  	(tm) =	ssettm $0x7FFFFFFF  }
tec
execute0_lowered:
.L_overlay_start_1:
0x0: {  	(tag) =	ssettag $0x1  }
0x1: {  	s5 =	rddreg [dreg:$0x0];
	s0 =	stileid.u32  }
0x2: {  	s13 =	rddreg [dreg:$0x1];
	s10 =	smul.u32 $0x278, s0  }
0x3: {  	s1 =	rddreg [dreg:$0x2];
	s8 =	smul.u32 $0x4F000, s0  }
0x4: {  	s2 =	simm.s32 $0x0;
	s3 =	srdreg.scid;
	s22 =	smul.u32 $0x52, s0  }
0x5: {  	[smem:$0x7FF] =	sst s2;
	s11 =	sand.u32 $0x1, s3;
	s24 =	smul.u32 $0x2780, s0  }
0x6: {  	s4 =	sadd.s32 $0x3200, s5;
	s23 =	sshll.u32 s0, $0x7;
	s6 =	smul.u32 $0x27800, s11  }
0x7: {  	_ =	strace $0x80000050;
	s7 =	ssub.s32 $0x2, s11;
	p0 =	seq.s32 s11, $0x0  }
0x8: {  	s11 =	simm.s32 $0x40;
	s25 =	sshrl.u32 s7, $0x1;
	s15 =	sadd.s32 $0x60, s10  }
0x9: {  	s26 =	sshrl.u32 s8, $0x2;
	s17 =	sadd.s32 $0xC0, s10;
	s18 =	sadd.s32 $0x120, s10  }
0xa: {  	s19 =	sadd.s32 $0x180, s10;
	s20 =	sadd.s32 $0x1E0, s10;
	s21 =	sadd.s32 $0x240, s10  }
0xb: {  	s22 =	sor.u32 $0x800, s22;
	s11 =	simm.s32 @!p0 $0x29;
	s14 =	sadd.s32 s6, s5  }
0xc: {  	s16 =	ssub.s32 s7, s25;
	s28 =	sshll.u32 s15, $0x7;
	s5 =	sadd.s32 s26, s1  }
0xd: {  	s29 =	sshll.u32 s17, $0x7;
	s30 =	sshll.u32 s18, $0x7;
	s9 =	sshll.u32 s19, $0x7  }
0xe: {  	s12 =	sshll.u32 s20, $0x7;
	s31 =	sshll.u32 s21, $0x7;
	s22 =	smov.u32 @p0 s23  }
0xf: {  	s25 =	sshll.u32 s15, $0x4;
	s26 =	sshll.u32 s17, $0x4;
	s3 =	sshll.u32 s19, $0x4  }
0x10: {  	s15 =	simm.s32 $0x200;
	s6 =	sadd.s32 s28, s1;
	s7 =	sadd.s32 s29, s1  }
0x11: {  	s8 =	sadd.s32 s30, s1;
	s9 =	sadd.s32 s9, s1;
	s10 =	sadd.s32 s12, s1  }
0x12: {  	s12 =	sadd.s32 s31, s1;
	s23 =	sadd.s32 $0x2AA00, s14;
	s28 =	sshll.u32 s18, $0x4  }
0x13: {  	s0 =	sshll.u32 s22, $0x5;
	s29 =	sshll.u32 s20, $0x4;
	s30 =	sshll.u32 s21, $0x4  }
0x14: {  	s31 =	smax.u32 s16, $0x1;
	s16 =	simm.s32 $0x5;
	s14 =	sadd.s32 s0, s13  }
0x15: {  	[dreg:$0x4] =	wrdreg s31;
	s17 =	sadd.s32 s24, s23;
	s18 =	sadd.s32 s25, s23  }
0x16: {  	s19 =	sadd.s32 s26, s23;
	s20 =	sadd.s32 s28, s23;
	s21 =	sadd.s32 s3, s23  }
0x17: {  	v0 =	vimm.f32 $0.0e+00;
	s22 =	sadd.s32 s29, s23;
	s23 =	sadd.s32 s30, s23;
	s14 =	sadd.s32 $0x20, s14  }
.LBB2_1:
0x18: {  	s24 =	simm.s32 $0x0;
	s25 =	simm.s32 $0x200  }
.LBB2_2:
0x19: {  	p0 =	sne.s32 s25, $0xBE00;
	[tilespmem:s24+$0x270] =	vst v0  }
0x1a: {  	[tilespmem:s24+$0x200] =	vst v0  }
0x1b: {  	[tilespmem:s24+$0x210] =	vst v0  }
.Ltmp0:
0x1c: {  	[tilespmem:s24+$0x220] =	vst v0;
	(pc) =	sbr.rel @p0 .LBB2_2-.Ltmp0, $4  }
0x1d: {  	[tilespmem:s24+$0x230] =	vst v0  }
0x1e: {  	[tilespmem:s24+$0x240] =	vst v0  }
0x1f: {  	[tilespmem:s24+$0x250] =	vst v0  }
0x20: {  	[tilespmem:s24+$0x260] =	vst v0;
	s24 =	sshra.s32 s25, $0x2;
	s25 =	sadd.s32 $0x200, s25  }
0x21: {  	[tilespmem:s24+$0x270] =	vst v0  }
0x22: {  	[tilespmem:s24+$0x200] =	vst v0  }
0x23: {  	[tilespmem:s24+$0x210] =	vst v0  }
0x24: {  	[tilespmem:s24+$0x220] =	vst v0  }
0x25: {  	[tilespmem:s24+$0x230] =	vst v0  }
0x26: {  	[tilespmem:s24+$0x240] =	vst v0  }
0x27: {  	[tilespmem:s24+$0x250] =	vst v0  }
0x28: {  	[tilespmem:s24+$0x260] =	vst v0  }
0x29: {  	[spmem:s5] =	stream.linear.scatter [tilespmem:s15], [sflag:$0x5], $0x3000, $0x38;
	[tilespmem:$0x19E00] =	vst v63  }
0x2a: {  	_ =	swait.ge [sflag:s16], $0x3000  }
0x2b: {  	[sflag:s16] =	ssyncset.done $0x0  }
0x2c: {  	[sflag:s16] =	ssyncadd.s32 $0xFFFFD000  }
0x2d: {  	[spmem:s6] =	stream.linear.scatter [tilespmem:s15], [sflag:$0x5], $0x3000, $0x38;
	[tilespmem:$0x19E00] =	vst v63  }
0x2e: {  	_ =	swait.ge [sflag:s16], $0x3000  }
0x2f: {  	[sflag:s16] =	ssyncset.done $0x0  }
0x30: {  	[sflag:s16] =	ssyncadd.s32 $0xFFFFD000  }
0x31: {  	[spmem:s7] =	stream.linear.scatter [tilespmem:s15], [sflag:$0x5], $0x3000, $0x38;
	[tilespmem:$0x19E00] =	vst v63  }
0x32: {  	_ =	swait.ge [sflag:s16], $0x3000  }
0x33: {  	[sflag:s16] =	ssyncset.done $0x0  }
0x34: {  	[sflag:s16] =	ssyncadd.s32 $0xFFFFD000  }
0x35: {  	[spmem:s8] =	stream.linear.scatter [tilespmem:s15], [sflag:$0x5], $0x3000, $0x38;
	[tilespmem:$0x19E00] =	vst v63  }
0x36: {  	_ =	swait.ge [sflag:s16], $0x3000  }
0x37: {  	[sflag:s16] =	ssyncset.done $0x0  }
0x38: {  	[sflag:s16] =	ssyncadd.s32 $0xFFFFD000  }
0x39: {  	[spmem:s9] =	stream.linear.scatter [tilespmem:s15], [sflag:$0x5], $0x3000, $0x38;
	[tilespmem:$0x19E00] =	vst v63  }
0x3a: {  	_ =	swait.ge [sflag:s16], $0x3000  }
0x3b: {  	[sflag:s16] =	ssyncset.done $0x0  }
0x3c: {  	[sflag:s16] =	ssyncadd.s32 $0xFFFFD000  }
0x3d: {  	[spmem:s10] =	stream.linear.scatter [tilespmem:s15], [sflag:$0x5], $0x3000, $0x38;
	[tilespmem:$0x19E00] =	vst v63  }
0x3e: {  	_ =	swait.ge [sflag:s16], $0x3000  }
0x3f: {  	[sflag:s16] =	ssyncset.done $0x0  }
0x40: {  	[sflag:s16] =	ssyncadd.s32 $0xFFFFD000  }
0x41: {  	[spmem:s12] =	stream.linear.scatter [tilespmem:s15], [sflag:$0x5], $0x1C00, $0x38;
	[tilespmem:$0x19E00] =	vst v63  }
0x42: {  	_ =	swait.ge [sflag:s16], $0x1C00  }
0x43: {  	p0 =	sle.u32 s11, $0x0;
	[sflag:s16] =	ssyncset.done $0x0  }
0x44: {  	s24 =	sadd.s32 @!p0 $0xFFFFFFE0, s14;
	[sflag:s16] =	ssyncadd.s32 $0xFFFFE400  }
0x45: {  	s25 =	simm.s32 @!p0 $0x0;
	s26 =	simm.s32 @!p0 $0x5;
	[bflag:$0x0] =	sbarrier.arrive $0xFFFF  }
0x46: {  	[tilespmem:s25], [sflag:$0x5] =	stream.linear.gather @!p0 [hbm4b:s24+s25], $0x100, $0x38;
	[tilespmem:$0x19E00] =	vst v63  }
0x47: {  	_ =	swait.ge @!p0 [sflag:s26], $0x100  }
0x48: {  	s28 =	simm.s32 @!p0 $0x60;
	[sflag:s26] =	ssyncset.done @!p0 $0x0  }
0x49: {  	s29 =	simm.s32 @!p0 $0x80;
	s24 =	simm.s32 @!p0 $0x200;
	[sflag:s26] =	ssyncadd.s32 @!p0 $0xFFFFFF00  }
0x4a: {  	[tilespmem:s24], [sflag:$0x1] =	stream.indirect.gather @!p0 [hbm4b:s4+s28], $0x80, s29, s28, $0xb8;
	[tilespmem:$0x19E00] =	vst v63  }
0x4b: {  	s29 =	simm.s32 @!p0 $0x100  }
0x4c: {  	[tilespmem:s29], [sflag:$0x5] =	stream.linear.gather @!p0 [hbm4b:s14+s25], $0x100, $0x38;
	[tilespmem:$0x19E00] =	vst v63  }
0x4d: {  	_ =	swait.ge @!p0 [sflag:s26], $0x100  }
0x4e: {  	s30 =	simm.s32 @!p0 $0x1;
	[sflag:s26] =	ssyncset.done @!p0 $0x0  }
0x4f: {  	s31 =	simm.s32 @!p0 $0x3200;
	[sflag:s26] =	ssyncadd.s32 @!p0 $0xFFFFFF00;
	s26 =	simm.s32 @!p0 $0x180  }
0x50: {  	[tilespmem:s31], [sflag:$0x2] =	stream.indirect.gather @!p0 [hbm4b:s4+s28], $0x80, s26, s28, $0xb8;
	[tilespmem:$0x19E00] =	vst v63  }
0x51: {  	_ =	swait.ge @!p0 [sflag:s30], $0x3000  }
0x52: {  	[sflag:s30] =	ssyncset.done @!p0 $0x0  }
0x53: {  	s26 =	simm.s32 @!p0 $0x2;
	[sflag:s30] =	ssyncadd.s32 @!p0 $0xFFFFD000  }
0x54: {  	[spmem:s1] =	stream.indirect.scatter.add.f32 @!p0 [tilespmem:s24], [sflag:$0x3], $0x80, s25, s28, $0xb8;
	[tilespmem:$0x19E00] =	vst v63  }
0x55: {  	_ =	swait.ge @!p0 [sflag:s26], $0x3000  }
0x56: {  	[sflag:s26] =	ssyncset.done @!p0 $0x0  }
0x57: {  	s24 =	simm.s32 @!p0 $0x3;
	[sflag:s26] =	ssyncadd.s32 @!p0 $0xFFFFD000  }
0x58: {  	[spmem:s1] =	stream.indirect.scatter.add.f32 @!p0 [tilespmem:s31], [sflag:$0x4], $0x80, s29, s28, $0xb8;
	[tilespmem:$0x19E00] =	vst v63  }
0x59: {  	_ =	swait.ge @!p0 [sflag:s24], $0x3000  }
0x5a: {  	[sflag:s24] =	ssyncset.done @!p0 $0x0  }
0x5b: {  	s28 =	simm.s32 @!p0 $0x4;
	[sflag:s24] =	ssyncadd.s32 @!p0 $0xFFFFD000  }
0x5c: {  	s25 =	simm.s32 $0x1;
	_ =	swait.ge @!p0 [sflag:s28], $0x3000  }
0x5d: {  	s26 =	simm.s32 $0x2;
	s24 =	sadd.s32 $0x40, s14;
	[sflag:s28] =	ssyncset.done @!p0 $0x0  }
.LBB2_4:
0x5e: {  	[sflag:s28] =	ssyncadd.s32 @!p0 $0xFFFFD000  }
0x5f: {  	p0 =	sge.u32 s25, s11;
	s25 =	smov.u32 s26;
	s26 =	sadd.s32 $0x1, s26  }
0x60: {  	s28 =	sadd.s32 @!p0 $0xFFFFFFE0, s24;
	s29 =	simm.s32 @!p0 $0x0;
	s30 =	simm.s32 @!p0 $0x5  }
0x61: {  	[tilespmem:s29], [sflag:$0x5] =	stream.linear.gather @!p0 [hbm4b:s28+s29], $0x100, $0x38;
	[tilespmem:$0x19E00] =	vst v63  }
0x62: {  	p1 =	sne.s32 s26, $0x40;
	_ =	swait.ge @!p0 [sflag:s30], $0x100  }
0x63: {  	s28 =	simm.s32 @!p0 $0x200;
	[sflag:s30] =	ssyncset.done @!p0 $0x0  }
0x64: {  	s31 =	simm.s32 @!p0 $0x60;
	s0 =	simm.s32 @!p0 $0x80;
	[sflag:s30] =	ssyncadd.s32 @!p0 $0xFFFFFF00  }
0x65: {  	[tilespmem:s28], [sflag:$0x1] =	stream.indirect.gather @!p0 [hbm4b:s4+s31], $0x80, s0, s31, $0xb8;
	[tilespmem:$0x19E00] =	vst v63  }
0x66: {  	s0 =	simm.s32 @!p0 $0x100  }
0x67: {  	[tilespmem:s0], [sflag:$0x5] =	stream.linear.gather @!p0 [hbm4b:s24+s29], $0x100, $0x38;
	[tilespmem:$0x19E00] =	vst v63  }
0x68: {  	_ =	swait.ge @!p0 [sflag:s30], $0x100  }
0x69: {  	s3 =	simm.s32 @!p0 $0x1;
	[sflag:s30] =	ssyncset.done @!p0 $0x0  }
0x6a: {  	s13 =	simm.s32 @!p0 $0x3200;
	[sflag:s30] =	ssyncadd.s32 @!p0 $0xFFFFFF00;
	s30 =	simm.s32 @!p0 $0x180  }
0x6b: {  	[tilespmem:s13], [sflag:$0x2] =	stream.indirect.gather @!p0 [hbm4b:s4+s31], $0x80, s30, s31, $0xb8;
	[tilespmem:$0x19E00] =	vst v63  }
0x6c: {  	_ =	swait.ge @!p0 [sflag:s3], $0x3000  }
0x6d: {  	[sflag:s3] =	ssyncset.done @!p0 $0x0  }
0x6e: {  	[sflag:s3] =	ssyncadd.s32 @!p0 $0xFFFFD000;
	s3 =	simm.s32 @!p0 $0x2  }
0x6f: {  	[spmem:s1] =	stream.indirect.scatter.add.f32 @!p0 [tilespmem:s28], [sflag:$0x3], $0x80, s29, s31, $0xb8;
	[tilespmem:$0x19E00] =	vst v63  }
0x70: {  	_ =	swait.ge @!p0 [sflag:s3], $0x3000  }
0x71: {  	[sflag:s3] =	ssyncset.done @!p0 $0x0  }
0x72: {  	[sflag:s3] =	ssyncadd.s32 @!p0 $0xFFFFD000;
	s3 =	simm.s32 @!p0 $0x3  }
0x73: {  	[spmem:s1] =	stream.indirect.scatter.add.f32 @!p0 [tilespmem:s13], [sflag:$0x4], $0x80, s0, s31, $0xb8;
	[tilespmem:$0x19E00] =	vst v63  }
.Ltmp1:
0x74: {  	_ =	swait.ge @!p0 [sflag:s3], $0x3000;
	(pc) =	sbr.rel @p1 .LBB2_4-.Ltmp1, $4  }
0x75: {  	[sflag:s3] =	ssyncset.done @!p0 $0x0  }
0x76: {  	s28 =	simm.s32 @!p0 $0x4;
	[sflag:s3] =	ssyncadd.s32 @!p0 $0xFFFFD000  }
0x77: {  	_ =	swait.ge @!p0 [sflag:s28], $0x3000  }
0x78: {  	s24 =	sadd.s32 $0x40, s24;
	[sflag:s28] =	ssyncset.done @!p0 $0x0  }
0x79: {  	p1 =	sge.u32 s25, s11;
	[sflag:s28] =	ssyncadd.s32 @!p0 $0xFFFFD000  }
0x7a: {  	s0 =	sadd.s32 @!p1 $0xFFFFFFE0, s24;
	s3 =	simm.s32 @!p1 $0x0;
	s13 =	simm.s32 @!p1 $0x5  }
0x7b: {  	[tilespmem:s3], [sflag:$0x5] =	stream.linear.gather @!p1 [hbm4b:s0+s3], $0x100, $0x38;
	[tilespmem:$0x19E00] =	vst v63  }
0x7c: {  	_ =	swait.ge @!p1 [sflag:s13], $0x100  }
0x7d: {  	s25 =	simm.s32 @!p1 $0x60;
	[sflag:s13] =	ssyncset.done @!p1 $0x0  }
0x7e: {  	s26 =	simm.s32 @!p1 $0x80;
	s0 =	simm.s32 @!p1 $0x200;
	[sflag:s13] =	ssyncadd.s32 @!p1 $0xFFFFFF00  }
0x7f: {  	[tilespmem:s0], [sflag:$0x1] =	stream.indirect.gather @!p1 [hbm4b:s4+s25], $0x80, s26, s25, $0xb8;
	[tilespmem:$0x19E00] =	vst v63  }
0x80: {  	s26 =	simm.s32 @!p1 $0x100  }
0x81: {  	[tilespmem:s26], [sflag:$0x5] =	stream.linear.gather @!p1 [hbm4b:s24+s3], $0x100, $0x38;
	[tilespmem:$0x19E00] =	vst v63  }
0x82: {  	_ =	swait.ge @!p1 [sflag:s13], $0x100  }
0x83: {  	[sflag:s13] =	ssyncset.done @!p1 $0x0  }
0x84: {  	s24 =	simm.s32 @!p1 $0x3200;
	[sflag:s13] =	ssyncadd.s32 @!p1 $0xFFFFFF00;
	s13 =	simm.s32 @!p1 $0x180  }
0x85: {  	[tilespmem:s24], [sflag:$0x2] =	stream.indirect.gather @!p1 [hbm4b:s4+s25], $0x80, s13, s25, $0xb8;
	[tilespmem:$0x19E00] =	vst v63  }
0x86: {  	s13 =	simm.s32 @!p1 $0x1  }
0x87: {  	_ =	swait.ge @!p1 [sflag:s13], $0x3000  }
0x88: {  	[sflag:s13] =	ssyncset.done @!p1 $0x0  }
0x89: {  	[sflag:s13] =	ssyncadd.s32 @!p1 $0xFFFFD000  }
0x8a: {  	[spmem:s1] =	stream.indirect.scatter.add.f32 @!p1 [tilespmem:s0], [sflag:$0x3], $0x80, s3, s25, $0xb8;
	[tilespmem:$0x19E00] =	vst v63  }
0x8b: {  	s0 =	simm.s32 @!p1 $0x2  }
0x8c: {  	_ =	swait.ge @!p1 [sflag:s0], $0x3000  }
0x8d: {  	[sflag:s0] =	ssyncset.done @!p1 $0x0  }
0x8e: {  	[sflag:s0] =	ssyncadd.s32 @!p1 $0xFFFFD000;
	s0 =	simm.s32 @!p1 $0x3  }
0x8f: {  	[spmem:s1] =	stream.indirect.scatter.add.f32 @!p1 [tilespmem:s24], [sflag:$0x4], $0x80, s26, s25, $0xb8;
	[tilespmem:$0x19E00] =	vst v63  }
0x90: {  	_ =	swait.ge @!p1 [sflag:s0], $0x3000  }
0x91: {  	[sflag:s0] =	ssyncset.done @!p1 $0x0  }
0x92: {  	[sflag:s0] =	ssyncadd.s32 @!p1 $0xFFFFD000;
	s0 =	simm.s32 @!p1 $0x4  }
0x93: {  	_ =	swait.ge @!p1 [sflag:s0], $0x3000  }
0x94: {  	s3 =	stileid.u32;
	[sflag:s0] =	ssyncset.done @!p1 $0x0  }
0x95: {  	[sflag:s0] =	ssyncadd.s32 @!p1 $0xFFFFD000;
	s0 =	sshll.u32 s3, $0x6  }
0x96: {  	s13 =	sshrl.u32 s5, $0x3;
	[bflag:$0x0] =	sbarrier.arrive $0xFFFF;
	s0 =	sor.u32 $0x1C05, s0  }
0x97: {  	[hbm:s17], [sflag:s0] =	dma.local [spmem:s13], $0x600  }
0x98: {  	_ =	swait.ge [sflag:s16], $0x600  }
0x99: {  	[sflag:s16] =	ssyncset.done $0x0  }
0x9a: {  	s24 =	sshrl.u32 s6, $0x3;
	[sflag:s16] =	ssyncadd.s32 $0xFFFFFA00  }
0x9b: {  	[hbm:s18], [sflag:s0] =	dma.local [spmem:s24], $0x600  }
0x9c: {  	_ =	swait.ge [sflag:s16], $0x600  }
0x9d: {  	[sflag:s16] =	ssyncset.done $0x0  }
0x9e: {  	s25 =	sshrl.u32 s7, $0x3;
	[sflag:s16] =	ssyncadd.s32 $0xFFFFFA00  }
0x9f: {  	[hbm:s19], [sflag:s0] =	dma.local [spmem:s25], $0x600  }
0xa0: {  	_ =	swait.ge [sflag:s16], $0x600  }
0xa1: {  	[sflag:s16] =	ssyncset.done $0x0  }
0xa2: {  	s26 =	sshrl.u32 s8, $0x3;
	[sflag:s16] =	ssyncadd.s32 $0xFFFFFA00  }
0xa3: {  	[hbm:s20], [sflag:s0] =	dma.local [spmem:s26], $0x600  }
0xa4: {  	_ =	swait.ge [sflag:s16], $0x600  }
0xa5: {  	[sflag:s16] =	ssyncset.done $0x0  }
0xa6: {  	s28 =	sshrl.u32 s9, $0x3;
	[sflag:s16] =	ssyncadd.s32 $0xFFFFFA00  }
0xa7: {  	[hbm:s21], [sflag:s0] =	dma.local [spmem:s28], $0x600  }
0xa8: {  	_ =	swait.ge [sflag:s16], $0x600  }
0xa9: {  	[sflag:s16] =	ssyncset.done $0x0  }
0xaa: {  	s29 =	sshrl.u32 s10, $0x3;
	[sflag:s16] =	ssyncadd.s32 $0xFFFFFA00  }
0xab: {  	[hbm:s22], [sflag:s0] =	dma.local [spmem:s29], $0x600  }
0xac: {  	_ =	swait.ge [sflag:s16], $0x600  }
0xad: {  	[sflag:s16] =	ssyncset.done $0x0  }
0xae: {  	s30 =	sshrl.u32 s12, $0x3;
	[sflag:s16] =	ssyncadd.s32 $0xFFFFFA00  }
0xaf: {  	[hbm:s23], [sflag:s0] =	dma.local [spmem:s30], $0x380  }
0xb0: {  	_ =	swait.ge [sflag:s16], $0x380  }
0xb1: {  	s2 =	sadd.s32 $0x1, s2;
	s31 =	rddreg [dreg:$0x4]  }
0xb2: {  	p0 =	sne.s32 s2, s31  }
.Ltmp2:
0xb3: {  	_ = 	snop;
	(pc) =	sbr.rel @p0 .LBB2_1-.Ltmp2, $3  }
0xb4: {  	_ =	sdelay $0x1  }
0xb5: {  	[sflag:s16] =	ssyncset.done $0x0  }
0xb6: {  	[sflag:s16] =	ssyncadd.s32 $0xFFFFFC80  }
0xb7: {  	_ =	sfence.sel $0x180000  }
0xb8: {  	[bflag:$0x0] =	sbarrier.arrive $0xFFFF  }
0xb9: {  	_ =	strace $0x90000050  }
0xba: {  	s0 =	stileid.u32;
	[bflag:$0x2] =	sbarrier.arrive $0xFFFF  }
0xbb: {  	p0 =	sne.s32 s0, $0x0;
	s0 =	rddreg [dreg:$0x3]  }
0xbc: {  	s0 =	sadd.s32 @!p0 $0x100000, s0  }
0xbd: {  	[sflag:s0] =	ssyncadd.tile.s32 @!p0 $0x1;
	_ =	shalt  }
.Lfunc_end2:
_tile_overlayer_lowered:
.L_overlay_start_2:
0xbe: {  	(tag) =	ssettag $0x2  }
0xbf: {  	s0 =	rddreg [dreg:$0x0];
	s2 =	stileid.u32  }
0xc0: {  	s1 =	rddreg [dreg:$0x1];
	p0 =	sne.s32 s2, $0x0  }
0xc1: {  	s3 =	rddreg [dreg:$0x2];
	[bflag:$0x3] =	sbarrier.arrive $0xFFFF;
	s2 =	simm.s32 @!p0 $0x1C05  }
0xc2: {  	[timem:s3], [sflag:s2] =	dma.local @!p0 [hbm:s0], s1  }
0xc3: {  	s0 =	simm.s32 @!p0 $0x5  }
0xc4: {  	_ =	swait.ge @!p0 [sflag:s0], s1  }
0xc5: {  	s1 =	ssub.s32 @!p0 $0x0, s1;
	[sflag:s0] =	ssyncset.done @!p0 $0x0  }
0xc6: {  	[sflag:s0] =	ssyncadd.s32 @!p0 s1  }
0xc7: {  	[bflag:$0x3] =	sbarrier.arrive $0xFFFF  }
0xc8: {  	_ =	shalt  }

// kernel: kernel.23.cloned.1.call-start
scs
__scs_entry_jumppad:
0x0: {  	(pc) =	sbr.rel $0x88, $3  }
0x1: {  	(tag) =	ssettag $0x0;
	lr =	simm.s32 $0x1  }
0x2: {  	[smem:$0x3F99] =	sst lr;
	_ =	strace $0xD0000000  }
0x3: {  	_ = 	snop  }
0x4: {  	_ = 	snop  }
0x5: {  	_ = 	snop  }
0x6: {  	_ = 	snop  }
0x7: {  	_ = 	snop  }
__scs_overlays_trampoline_lowered:
0x8: {  	[smem:$0x3FA8] =	sst s0  }
0x9: {  	[smem:$0x3FA9] =	sst s1  }
0xa: {  	[smem:$0x3FAA] =	sst s2  }
0xb: {  	[smem:$0x3FAB] =	sst s3  }
0xc: {  	[smem:$0x3FAC] =	sst s4  }
0xd: {  	[smem:$0x3FAD] =	sst s5  }
0xe: {  	[smem:$0x3FAE] =	sst s6  }
0xf: {  	[smem:$0x3FAF] =	sst s7  }
0x10: {  	[smem:$0x3FB0] =	sst s8  }
0x11: {  	[smem:$0x3FB1] =	sst s9;
	s0 =	simm.s32 @!p0 $0x0  }
0x12: {  	s1 =	sld [smem:$0x3F97];
	s0 =	simm.s32 @p0 $0x1  }
0x13: {  	[smem:$0x3FB2] =	sst s0;
	s0 =	simm.s32 @!p1 $0x0  }
0x14: {  	s2 =	sld [smem:$0x3F96];
	s0 =	simm.s32 @p1 $0x1  }
0x15: {  	[smem:$0x3FB3] =	sst s0;
	s0 =	simm.s32 @!p2 $0x0  }
0x16: {  	s3 =	sld [smem:$0x3FDB];
	s0 =	simm.s32 @p2 $0x1  }
0x17: {  	s4 =	simm.s32 $0x1BF5;
	[smem:$0x3FB5] =	sst s0  }
0x18: {  	s0 =	sld [smem:$0x3F98];
	_ =	swait.ge [sflag:s4], $0x0  }
0x19: {  	s7 =	sld [smem:$0x3F99]  }
0x1a: {  	s8 =	sadd.s32 $0xFFFFE003, lr  }
0x1b: {  	s9 =	sadd.s32 $0xFFFFFEF7, lr;
	s5 =	simm.s32 $0xFFFFFFFF;
	p2 =	slt.u32 s8, $0xFFFFF086  }
0x1c: {  	p1 =	slt.u32 s9, $0xF7A;
	s5 =	simm.s32 @!p2 $0x0  }
0x1d: {  	s5 =	simm.s32 @p1 $0x1;
	p0 =	seq.s32 s7, s2  }
0x1e: {  	s7 =	smul.u32 @!p0 $0xF7A, s2;
	p2 =	seq.s32 @!p0 s5, $0x0  }
0x1f: {  	s9 =	smul.u32 $0xF7A, s1;
	s8 =	simm.s32 @!p0 $0x1BF5;
	p2 =	por !p2, p0  }
0x20: {  	[sflag:s8] =	ssyncset.s32 @!p0 $0xFFFFF086;
	s6 =	sadd.s32 @!p0 s3, s7;
	s7 =	simm.s32 @!p0 $0x108  }
0x21: {  	s3 =	sadd.s32 s3, s9;
	s6 =	sadd.s32 @!p0 $0x88, s6;
	s7 =	simm.s32 @p2 $0x1082  }
0x22: {  	[simem:s7], [sflag:s8] =	dma.local @!p0 [hbm:s6], $0xF7A  }
0x23: {  	s9 =	sor.u32 $0xD0000000, s2;
	s6 =	simm.s32 $0x108;
	_ =	swait.ge @!p0 [sflag:s8], $0x0  }
0x24: {  	s3 =	sadd.s32 $0x88, s3;
	s6 =	simm.s32 @!p1 $0x1082;
	[sflag:s4] =	ssyncset.s32 $0xFFFFF086  }
0x25: {  	[simem:s6], [sflag:s4] =	dma.local [hbm:s3], $0xF7A  }
0x26: {  	[smem:$0x3F99] =	sst s1;
	(tag) =	ssettag s2;
	_ =	strace s9  }
0x27: {  	s1 =	sld [smem:$0x3FA9]  }
0x28: {  	s2 =	sld [smem:$0x3FAA]  }
0x29: {  	s4 =	sld [smem:$0x3FAC]  }
0x2a: {  	p0 =	seq.s32 s5, $0x0;
	s5 =	sld [smem:$0x3FAD]  }
0x2b: {  	s6 =	sld [smem:$0x3FAE]  }
0x2c: {  	s7 =	sld [smem:$0x3FAF]  }
0x2d: {  	s3 =	simm.s32 $0x108;
	s8 =	sld [smem:$0x3FB0]  }
0x2e: {  	s3 =	simm.s32 @!p0 $0x1082;
	s9 =	sld [smem:$0x3FB1]  }
0x2f: {  	lr =	sadd.s32 s0, s3;
	s0 =	sld [smem:$0x3FA8]  }
0x30: {  	s3 =	sld [smem:$0x3FAB]  }
0x31: {  	[smem:$0x3FB4] =	sst s10  }
0x32: {  	s10 =	sld [smem:$0x3FB2];
	_ =	sdelay $0x3  }
0x33: {  	p0 =	seq.s32 s10, $0x1;
	s10 =	sld [smem:$0x3FB4];
	_ =	sdelay $0x3  }
0x34: {  	[smem:$0x3FB4] =	sst s10  }
0x35: {  	s10 =	sld [smem:$0x3FB3];
	_ =	sdelay $0x3  }
0x36: {  	p1 =	seq.s32 s10, $0x1;
	s10 =	sld [smem:$0x3FB4];
	_ =	sdelay $0x3  }
0x37: {  	[smem:$0x3FB4] =	sst s10  }
0x38: {  	s10 =	sld [smem:$0x3FB5]  }
0x39: {  	_ = 	snop;
	(pc) =	sbr.ind lr, $3  }
0x3a: {  	_ = 	snop  }
0x3b: {  	_ = 	snop  }
0x3c: {  	p2 =	seq.s32 s10, $0x1;
	s10 =	sld [smem:$0x3FB4]  }
0x3d: {  	_ =	shalt  }
0x3e: {  	_ =	shalt  }
0x3f: {  	_ =	shalt  }
0x40: {  	_ =	shalt  }
0x41: {  	_ =	shalt  }
0x42: {  	_ =	shalt  }
0x43: {  	_ =	shalt  }
0x44: {  	_ =	shalt  }
0x45: {  	_ =	shalt  }
0x46: {  	_ =	shalt  }
0x47: {  	_ =	shalt  }
0x48: {  	_ =	shalt  }
0x49: {  	_ =	shalt  }
0x4a: {  	_ =	shalt  }
0x4b: {  	_ =	shalt  }
0x4c: {  	_ =	shalt  }
0x4d: {  	_ =	shalt  }
0x4e: {  	_ =	shalt  }
0x4f: {  	_ =	shalt  }
0x50: {  	_ =	shalt  }
0x51: {  	_ =	shalt  }
0x52: {  	_ =	shalt  }
0x53: {  	_ =	shalt  }
0x54: {  	_ =	shalt  }
0x55: {  	_ =	shalt  }
0x56: {  	_ =	shalt  }
0x57: {  	_ =	shalt  }
0x58: {  	_ =	shalt  }
0x59: {  	_ =	shalt  }
0x5a: {  	_ =	shalt  }
0x5b: {  	_ =	shalt  }
0x5c: {  	_ =	shalt  }
0x5d: {  	_ =	shalt  }
0x5e: {  	_ =	shalt  }
0x5f: {  	_ =	shalt  }
0x60: {  	_ =	shalt  }
0x61: {  	_ =	shalt  }
0x62: {  	_ =	shalt  }
0x63: {  	_ =	shalt  }
0x64: {  	_ =	shalt  }
0x65: {  	_ =	shalt  }
0x66: {  	_ =	shalt  }
0x67: {  	_ =	shalt  }
0x68: {  	_ =	shalt  }
0x69: {  	_ =	shalt  }
0x6a: {  	_ =	shalt  }
0x6b: {  	_ =	shalt  }
0x6c: {  	_ =	shalt  }
0x6d: {  	_ =	shalt  }
0x6e: {  	_ =	shalt  }
0x6f: {  	_ =	shalt  }
0x70: {  	_ =	shalt  }
0x71: {  	_ =	shalt  }
0x72: {  	_ =	shalt  }
0x73: {  	_ =	shalt  }
0x74: {  	_ =	shalt  }
0x75: {  	_ =	shalt  }
0x76: {  	_ =	shalt  }
0x77: {  	_ =	shalt  }
0x78: {  	_ =	shalt  }
0x79: {  	_ =	shalt  }
0x7a: {  	_ =	shalt  }
0x7b: {  	_ =	shalt  }
0x7c: {  	_ =	shalt  }
0x7d: {  	_ =	shalt  }
0x7e: {  	_ =	shalt  }
0x7f: {  	_ =	shalt  }
0x80: {  	_ =	shalt  }
0x81: {  	_ =	shalt  }
0x82: {  	_ =	shalt  }
0x83: {  	_ =	shalt  }
0x84: {  	_ =	shalt  }
0x85: {  	_ =	shalt  }
0x86: {  	_ =	shalt  }
0x87: {  	_ =	shalt  }
.Lfunc_end0:
.L_simem_size_0:
called_computation.4_lowered:
.L_overlay_start_0:
0x88: {  	s2 =	sld [smem:$0x3FD9]  }
0x89: {  	s3 =	sld [smem:$0x3FFE];
	_ =	sdelay $0x1  }
0x8a: {  	s1 =	srdreg.scid  }
0x8b: {  	s0 =	sand.u32 $0x1, s1  }
0x8c: {  	s17 =	sshll.u32 s0, $0xA;
	s2 =	sadd.s32 s3, s2  }
0x8d: {  	s2 =	sadd.s32 s2, s17  }
0x8e: {  	[smem:$0x3FC0] =	sst s2  }
0x8f: {  	_ = 	snop  }
0x90: {  	s2 =	sld [smem:$0x3FD0];
	(tm) =	ssettm $0x1  }
0x91: {  	s18 =	sld [smem:$0x3FFB];
	_ =	sdelay $0x3  }
0x92: {  	_ =	strace s18  }
0x93: {  	s3 =	sld [smem:$0x3FFC];
	_ =	sdelay $0x3  }
0x94: {  	_ =	strace s3  }
0x95: {  	s3 =	sld [smem:$0x3FFD];
	_ =	sdelay $0x3  }
0x96: {  	_ =	strace s3  }
0x97: {  	_ =	strace $0x8FFFFFFF  }
0x98: {  	s19 =	sld [smem:$0x3FDB];
	_ =	sdelay $0x1  }
0x99: {  	s4 =	simm.s32 $_scs_section_size  }
0x9a: {  	s5 =	simm.s32 $_size__tile_overlayer_lowered;
	s6 =	simm.s32 $_tile_overlayer_lowered  }
0x9b: {  	s22 =	simm.s32 $0x1BFF;
	s21 =	sshll.u32 s6, $0x1;
	s3 =	sadd.s32 s4, s19  }
0x9c: {  	s7 =	simm.s32 $0x0;
	s20 =	sshll.u32 s5, $0x1;
	s5 =	sadd.s32 s21, s3  }
0x9d: {  	[timem:s7], [sflag:s22] =	dma.local [hbm:s5], s20  }
0x9e: {  	_ =	swait.ge [sflag:s22], s20  }
0x9f: {  	s4 =	ssub.s32 $0x0, s20;
	[sflag:s22] =	ssyncset.done $0x0  }
0xa0: {  	[sflag:s22] =	ssyncadd.s32 s4;
	_ =	sdelay $0x1  }
0xa1: {  	s23 =	simm.s32 $0x1B8B  }
0xa2: {  	_ =	swait.ge [sflag:s23], $0x1  }
0xa3: {  	[sflag:s23] =	ssyncset.done $0x0  }
0xa4: {  	s25 =	simm.s32 $0x1B8E;
	s24 =	sld [smem:$0x3FFE];
	[sflag:s23] =	ssyncadd.s32 $0xFFFFFFFF  }
0xa5: {  	s26 =	simm.s32 $execute0_lowered;
	[smem:$0x3FD2] =	sst s25  }
0xa6: {  	s5 =	sshll.u32 s26, $0x1;
	_ =	strace $0x80000052;
	[dreg:$0x1] =	wrdreg $0xFFFFFFFF  }
0xa7: {  	s28 =	simm.s32 $_size_execute0_lowered;
	s3 =	sadd.s32 s3, s5;
	[dreg:$0x0] =	wrdreg $0x0  }
0xa8: {  	s5 =	sshll.u32 s28, $0x1;
	[dreg:$0x2] =	wrdreg s3  }
0xa9: {  	[dreg:$0x3] =	wrdreg s5  }
0xaa: {  	[dreg:$0x4] =	wrdreg $0xC0  }
0xab: {  	_ =	task [dreg:s7], $0x5FFFF  }
0xac: {  	[dreg:$0x1] =	wrdreg $0xFFFFFFFF  }
0xad: {  	[dreg:$0x0] =	wrdreg $0x60  }
0xae: {  	[dreg:$0x2] =	wrdreg s24  }
0xaf: {  	[dreg:$0x3] =	wrdreg s2  }
0xb0: {  	[dreg:$0x4] =	wrdreg $0x62000  }
0xb1: {  	[dreg:$0x5] =	wrdreg $0x9  }
0xb2: {  	_ =	task.clear_ibuf [dreg:s7], $0x6FFFF;
	_ =	strace $0x90000052  }
0xb3: {  	s29 =	simm.s32 $0x9;
	_ =	strace $0x80000054  }
0xb4: {  	_ =	swait.ge [sflag:s29], $0x1  }
0xb5: {  	[sflag:s29] =	ssyncadd.s32 $0xFFFFFFFF  }
0xb6: {  	_ =	strace $0x90000054  }
0xb7: {  	_ =	sfence  }
0xb8: {  	s30 =	sld [smem:$0x0];
	_ =	sdelay $0x2  }
0xb9: {  	s31 =	sshll.u32 s1, $0xD;
	s1 =	sshrl.u32 s1, $0x2  }
0xba: {  	s3 =	sand.u32 $0x4000, s31;
	s1 =	sadd.s32 s1, s30  }
0xbb: {  	s0 =	sor.u32 s3, s0;
	s1 =	sshll.u32 s1, $0x11  }
0xbc: {  	s0 =	sor.u32 s1, s0  }
0xbd: {  	s0 =	sadd.s32 $0x8F2B, s0  }
0xbe: {  	[sflag:s0] =	ssyncadd.remote.s32 $0x1  }
0xbf: {  	_ =	sfence.sel $0xFFFF  }
0xc0: {  	[dreg:$0x0] =	wrdreg $0xFFFFFFFF;
	(pc) =	sbr.abs _section_cstart, $3  }
0xc1: {  	[dreg:$0x1] =	wrdreg $0xFFFFFFFF  }
0xc2: {  	_ =	task.clear_ibuf [dreg:s7], $0x2FFFF;
	_ =	strace $0x9FFFFFFF  }
0xc3: {  	(tm) =	ssettm $0x7FFFFFFF  }
tec
execute0_lowered:
.L_overlay_start_1:
0x0: {  	(tag) =	ssettag $0x1  }
0x1: {  	s5 =	rddreg [dreg:$0x0];
	s0 =	stileid.u32  }
0x2: {  	s13 =	rddreg [dreg:$0x1];
	s10 =	smul.u32 $0x278, s0  }
0x3: {  	s1 =	rddreg [dreg:$0x2];
	s8 =	smul.u32 $0x4F000, s0  }
0x4: {  	s2 =	simm.s32 $0x0;
	s3 =	srdreg.scid;
	s22 =	smul.u32 $0x52, s0  }
0x5: {  	[smem:$0x7FF] =	sst s2;
	s11 =	sand.u32 $0x1, s3;
	s24 =	smul.u32 $0x2780, s0  }
0x6: {  	s4 =	sadd.s32 $0x3200, s5;
	s23 =	sshll.u32 s0, $0x7;
	s6 =	smul.u32 $0x27800, s11  }
0x7: {  	_ =	strace $0x80000053;
	s7 =	ssub.s32 $0x2, s11;
	p0 =	seq.s32 s11, $0x0  }
0x8: {  	s11 =	simm.s32 $0x40;
	s25 =	sshrl.u32 s7, $0x1;
	s15 =	sadd.s32 $0x60, s10  }
0x9: {  	s26 =	sshrl.u32 s8, $0x2;
	s17 =	sadd.s32 $0xC0, s10;
	s18 =	sadd.s32 $0x120, s10  }
0xa: {  	s19 =	sadd.s32 $0x180, s10;
	s20 =	sadd.s32 $0x1E0, s10;
	s21 =	sadd.s32 $0x240, s10  }
0xb: {  	s22 =	sor.u32 $0x800, s22;
	s11 =	simm.s32 @!p0 $0x29;
	s14 =	sadd.s32 s6, s5  }
0xc: {  	s16 =	ssub.s32 s7, s25;
	s28 =	sshll.u32 s15, $0x7;
	s5 =	sadd.s32 s26, s1  }
0xd: {  	s29 =	sshll.u32 s17, $0x7;
	s30 =	sshll.u32 s18, $0x7;
	s9 =	sshll.u32 s19, $0x7  }
0xe: {  	s12 =	sshll.u32 s20, $0x7;
	s31 =	sshll.u32 s21, $0x7;
	s22 =	smov.u32 @p0 s23  }
0xf: {  	s25 =	sshll.u32 s15, $0x4;
	s26 =	sshll.u32 s17, $0x4;
	s3 =	sshll.u32 s19, $0x4  }
0x10: {  	s15 =	simm.s32 $0x200;
	s6 =	sadd.s32 s28, s1;
	s7 =	sadd.s32 s29, s1  }
0x11: {  	s8 =	sadd.s32 s30, s1;
	s9 =	sadd.s32 s9, s1;
	s10 =	sadd.s32 s12, s1  }
0x12: {  	s12 =	sadd.s32 s31, s1;
	s23 =	sadd.s32 $0x2AA00, s14;
	s28 =	sshll.u32 s18, $0x4  }
0x13: {  	s0 =	sshll.u32 s22, $0x5;
	s29 =	sshll.u32 s20, $0x4;
	s30 =	sshll.u32 s21, $0x4  }
0x14: {  	s31 =	smax.u32 s16, $0x1;
	s16 =	simm.s32 $0x5;
	s14 =	sadd.s32 s0, s13  }
0x15: {  	[dreg:$0x4] =	wrdreg s31;
	s17 =	sadd.s32 s24, s23;
	s18 =	sadd.s32 s25, s23  }
0x16: {  	s19 =	sadd.s32 s26, s23;
	s20 =	sadd.s32 s28, s23;
	s21 =	sadd.s32 s3, s23  }
0x17: {  	v0 =	vimm.f32 $0.0e+00;
	s22 =	sadd.s32 s29, s23;
	s23 =	sadd.s32 s30, s23;
	s14 =	sadd.s32 $0x20, s14  }
.LBB2_1:
0x18: {  	s24 =	simm.s32 $0x0;
	s25 =	simm.s32 $0x200  }
.LBB2_2:
0x19: {  	p0 =	sne.s32 s25, $0xBE00;
	[tilespmem:s24+$0x270] =	vst v0  }
0x1a: {  	[tilespmem:s24+$0x200] =	vst v0  }
0x1b: {  	[tilespmem:s24+$0x210] =	vst v0  }
.Ltmp0:
0x1c: {  	[tilespmem:s24+$0x220] =	vst v0;
	(pc) =	sbr.rel @p0 .LBB2_2-.Ltmp0, $4  }
0x1d: {  	[tilespmem:s24+$0x230] =	vst v0  }
0x1e: {  	[tilespmem:s24+$0x240] =	vst v0  }
0x1f: {  	[tilespmem:s24+$0x250] =	vst v0  }
0x20: {  	[tilespmem:s24+$0x260] =	vst v0;
	s24 =	sshra.s32 s25, $0x2;
	s25 =	sadd.s32 $0x200, s25  }
0x21: {  	[tilespmem:s24+$0x270] =	vst v0  }
0x22: {  	[tilespmem:s24+$0x200] =	vst v0  }
0x23: {  	[tilespmem:s24+$0x210] =	vst v0  }
0x24: {  	[tilespmem:s24+$0x220] =	vst v0  }
0x25: {  	[tilespmem:s24+$0x230] =	vst v0  }
0x26: {  	[tilespmem:s24+$0x240] =	vst v0  }
0x27: {  	[tilespmem:s24+$0x250] =	vst v0  }
0x28: {  	[tilespmem:s24+$0x260] =	vst v0  }
0x29: {  	[spmem:s5] =	stream.linear.scatter [tilespmem:s15], [sflag:$0x5], $0x3000, $0x38;
	[tilespmem:$0x19E00] =	vst v63  }
0x2a: {  	_ =	swait.ge [sflag:s16], $0x3000  }
0x2b: {  	[sflag:s16] =	ssyncset.done $0x0  }
0x2c: {  	[sflag:s16] =	ssyncadd.s32 $0xFFFFD000  }
0x2d: {  	[spmem:s6] =	stream.linear.scatter [tilespmem:s15], [sflag:$0x5], $0x3000, $0x38;
	[tilespmem:$0x19E00] =	vst v63  }
0x2e: {  	_ =	swait.ge [sflag:s16], $0x3000  }
0x2f: {  	[sflag:s16] =	ssyncset.done $0x0  }
0x30: {  	[sflag:s16] =	ssyncadd.s32 $0xFFFFD000  }
0x31: {  	[spmem:s7] =	stream.linear.scatter [tilespmem:s15], [sflag:$0x5], $0x3000, $0x38;
	[tilespmem:$0x19E00] =	vst v63  }
0x32: {  	_ =	swait.ge [sflag:s16], $0x3000  }
0x33: {  	[sflag:s16] =	ssyncset.done $0x0  }
0x34: {  	[sflag:s16] =	ssyncadd.s32 $0xFFFFD000  }
0x35: {  	[spmem:s8] =	stream.linear.scatter [tilespmem:s15], [sflag:$0x5], $0x3000, $0x38;
	[tilespmem:$0x19E00] =	vst v63  }
0x36: {  	_ =	swait.ge [sflag:s16], $0x3000  }
0x37: {  	[sflag:s16] =	ssyncset.done $0x0  }
0x38: {  	[sflag:s16] =	ssyncadd.s32 $0xFFFFD000  }
0x39: {  	[spmem:s9] =	stream.linear.scatter [tilespmem:s15], [sflag:$0x5], $0x3000, $0x38;
	[tilespmem:$0x19E00] =	vst v63  }
0x3a: {  	_ =	swait.ge [sflag:s16], $0x3000  }
0x3b: {  	[sflag:s16] =	ssyncset.done $0x0  }
0x3c: {  	[sflag:s16] =	ssyncadd.s32 $0xFFFFD000  }
0x3d: {  	[spmem:s10] =	stream.linear.scatter [tilespmem:s15], [sflag:$0x5], $0x3000, $0x38;
	[tilespmem:$0x19E00] =	vst v63  }
0x3e: {  	_ =	swait.ge [sflag:s16], $0x3000  }
0x3f: {  	[sflag:s16] =	ssyncset.done $0x0  }
0x40: {  	[sflag:s16] =	ssyncadd.s32 $0xFFFFD000  }
0x41: {  	[spmem:s12] =	stream.linear.scatter [tilespmem:s15], [sflag:$0x5], $0x1C00, $0x38;
	[tilespmem:$0x19E00] =	vst v63  }
0x42: {  	_ =	swait.ge [sflag:s16], $0x1C00  }
0x43: {  	p0 =	sle.u32 s11, $0x0;
	[sflag:s16] =	ssyncset.done $0x0  }
0x44: {  	s24 =	sadd.s32 @!p0 $0xFFFFFFE0, s14;
	[sflag:s16] =	ssyncadd.s32 $0xFFFFE400  }
0x45: {  	s25 =	simm.s32 @!p0 $0x0;
	s26 =	simm.s32 @!p0 $0x5;
	[bflag:$0x0] =	sbarrier.arrive $0xFFFF  }
0x46: {  	[tilespmem:s25], [sflag:$0x5] =	stream.linear.gather @!p0 [hbm4b:s24+s25], $0x100, $0x38;
	[tilespmem:$0x19E00] =	vst v63  }
0x47: {  	_ =	swait.ge @!p0 [sflag:s26], $0x100  }
0x48: {  	s28 =	simm.s32 @!p0 $0x60;
	[sflag:s26] =	ssyncset.done @!p0 $0x0  }
0x49: {  	s29 =	simm.s32 @!p0 $0x80;
	s24 =	simm.s32 @!p0 $0x200;
	[sflag:s26] =	ssyncadd.s32 @!p0 $0xFFFFFF00  }
0x4a: {  	[tilespmem:s24], [sflag:$0x1] =	stream.indirect.gather @!p0 [hbm4b:s4+s28], $0x80, s29, s28, $0xb8;
	[tilespmem:$0x19E00] =	vst v63  }
0x4b: {  	s29 =	simm.s32 @!p0 $0x100  }
0x4c: {  	[tilespmem:s29], [sflag:$0x5] =	stream.linear.gather @!p0 [hbm4b:s14+s25], $0x100, $0x38;
	[tilespmem:$0x19E00] =	vst v63  }
0x4d: {  	_ =	swait.ge @!p0 [sflag:s26], $0x100  }
0x4e: {  	s30 =	simm.s32 @!p0 $0x1;
	[sflag:s26] =	ssyncset.done @!p0 $0x0  }
0x4f: {  	s31 =	simm.s32 @!p0 $0x3200;
	[sflag:s26] =	ssyncadd.s32 @!p0 $0xFFFFFF00;
	s26 =	simm.s32 @!p0 $0x180  }
0x50: {  	[tilespmem:s31], [sflag:$0x2] =	stream.indirect.gather @!p0 [hbm4b:s4+s28], $0x80, s26, s28, $0xb8;
	[tilespmem:$0x19E00] =	vst v63  }
0x51: {  	_ =	swait.ge @!p0 [sflag:s30], $0x3000  }
0x52: {  	[sflag:s30] =	ssyncset.done @!p0 $0x0  }
0x53: {  	s26 =	simm.s32 @!p0 $0x2;
	[sflag:s30] =	ssyncadd.s32 @!p0 $0xFFFFD000  }
0x54: {  	[spmem:s1] =	stream.indirect.scatter.add.f32 @!p0 [tilespmem:s24], [sflag:$0x3], $0x80, s25, s28, $0xb8;
	[tilespmem:$0x19E00] =	vst v63  }
0x55: {  	_ =	swait.ge @!p0 [sflag:s26], $0x3000  }
0x56: {  	[sflag:s26] =	ssyncset.done @!p0 $0x0  }
0x57: {  	s24 =	simm.s32 @!p0 $0x3;
	[sflag:s26] =	ssyncadd.s32 @!p0 $0xFFFFD000  }
0x58: {  	[spmem:s1] =	stream.indirect.scatter.add.f32 @!p0 [tilespmem:s31], [sflag:$0x4], $0x80, s29, s28, $0xb8;
	[tilespmem:$0x19E00] =	vst v63  }
0x59: {  	_ =	swait.ge @!p0 [sflag:s24], $0x3000  }
0x5a: {  	[sflag:s24] =	ssyncset.done @!p0 $0x0  }
0x5b: {  	s28 =	simm.s32 @!p0 $0x4;
	[sflag:s24] =	ssyncadd.s32 @!p0 $0xFFFFD000  }
0x5c: {  	s25 =	simm.s32 $0x1;
	_ =	swait.ge @!p0 [sflag:s28], $0x3000  }
0x5d: {  	s26 =	simm.s32 $0x2;
	s24 =	sadd.s32 $0x40, s14;
	[sflag:s28] =	ssyncset.done @!p0 $0x0  }
.LBB2_4:
0x5e: {  	[sflag:s28] =	ssyncadd.s32 @!p0 $0xFFFFD000  }
0x5f: {  	p0 =	sge.u32 s25, s11;
	s25 =	smov.u32 s26;
	s26 =	sadd.s32 $0x1, s26  }
0x60: {  	s28 =	sadd.s32 @!p0 $0xFFFFFFE0, s24;
	s29 =	simm.s32 @!p0 $0x0;
	s30 =	simm.s32 @!p0 $0x5  }
0x61: {  	[tilespmem:s29], [sflag:$0x5] =	stream.linear.gather @!p0 [hbm4b:s28+s29], $0x100, $0x38;
	[tilespmem:$0x19E00] =	vst v63  }
0x62: {  	p1 =	sne.s32 s26, $0x40;
	_ =	swait.ge @!p0 [sflag:s30], $0x100  }
0x63: {  	s28 =	simm.s32 @!p0 $0x200;
	[sflag:s30] =	ssyncset.done @!p0 $0x0  }
0x64: {  	s31 =	simm.s32 @!p0 $0x60;
	s0 =	simm.s32 @!p0 $0x80;
	[sflag:s30] =	ssyncadd.s32 @!p0 $0xFFFFFF00  }
0x65: {  	[tilespmem:s28], [sflag:$0x1] =	stream.indirect.gather @!p0 [hbm4b:s4+s31], $0x80, s0, s31, $0xb8;
	[tilespmem:$0x19E00] =	vst v63  }
0x66: {  	s0 =	simm.s32 @!p0 $0x100  }
0x67: {  	[tilespmem:s0], [sflag:$0x5] =	stream.linear.gather @!p0 [hbm4b:s24+s29], $0x100, $0x38;
	[tilespmem:$0x19E00] =	vst v63  }
0x68: {  	_ =	swait.ge @!p0 [sflag:s30], $0x100  }
0x69: {  	s3 =	simm.s32 @!p0 $0x1;
	[sflag:s30] =	ssyncset.done @!p0 $0x0  }
0x6a: {  	s13 =	simm.s32 @!p0 $0x3200;
	[sflag:s30] =	ssyncadd.s32 @!p0 $0xFFFFFF00;
	s30 =	simm.s32 @!p0 $0x180  }
0x6b: {  	[tilespmem:s13], [sflag:$0x2] =	stream.indirect.gather @!p0 [hbm4b:s4+s31], $0x80, s30, s31, $0xb8;
	[tilespmem:$0x19E00] =	vst v63  }
0x6c: {  	_ =	swait.ge @!p0 [sflag:s3], $0x3000  }
0x6d: {  	[sflag:s3] =	ssyncset.done @!p0 $0x0  }
0x6e: {  	[sflag:s3] =	ssyncadd.s32 @!p0 $0xFFFFD000;
	s3 =	simm.s32 @!p0 $0x2  }
0x6f: {  	[spmem:s1] =	stream.indirect.scatter.add.f32 @!p0 [tilespmem:s28], [sflag:$0x3], $0x80, s29, s31, $0xb8;
	[tilespmem:$0x19E00] =	vst v63  }
0x70: {  	_ =	swait.ge @!p0 [sflag:s3], $0x3000  }
0x71: {  	[sflag:s3] =	ssyncset.done @!p0 $0x0  }
0x72: {  	[sflag:s3] =	ssyncadd.s32 @!p0 $0xFFFFD000;
	s3 =	simm.s32 @!p0 $0x3  }
0x73: {  	[spmem:s1] =	stream.indirect.scatter.add.f32 @!p0 [tilespmem:s13], [sflag:$0x4], $0x80, s0, s31, $0xb8;
	[tilespmem:$0x19E00] =	vst v63  }
.Ltmp1:
0x74: {  	_ =	swait.ge @!p0 [sflag:s3], $0x3000;
	(pc) =	sbr.rel @p1 .LBB2_4-.Ltmp1, $4  }
0x75: {  	[sflag:s3] =	ssyncset.done @!p0 $0x0  }
0x76: {  	s28 =	simm.s32 @!p0 $0x4;
	[sflag:s3] =	ssyncadd.s32 @!p0 $0xFFFFD000  }
0x77: {  	_ =	swait.ge @!p0 [sflag:s28], $0x3000  }
0x78: {  	s24 =	sadd.s32 $0x40, s24;
	[sflag:s28] =	ssyncset.done @!p0 $0x0  }
0x79: {  	p1 =	sge.u32 s25, s11;
	[sflag:s28] =	ssyncadd.s32 @!p0 $0xFFFFD000  }
0x7a: {  	s0 =	sadd.s32 @!p1 $0xFFFFFFE0, s24;
	s3 =	simm.s32 @!p1 $0x0;
	s13 =	simm.s32 @!p1 $0x5  }
0x7b: {  	[tilespmem:s3], [sflag:$0x5] =	stream.linear.gather @!p1 [hbm4b:s0+s3], $0x100, $0x38;
	[tilespmem:$0x19E00] =	vst v63  }
0x7c: {  	_ =	swait.ge @!p1 [sflag:s13], $0x100  }
0x7d: {  	s25 =	simm.s32 @!p1 $0x60;
	[sflag:s13] =	ssyncset.done @!p1 $0x0  }
0x7e: {  	s26 =	simm.s32 @!p1 $0x80;
	s0 =	simm.s32 @!p1 $0x200;
	[sflag:s13] =	ssyncadd.s32 @!p1 $0xFFFFFF00  }
0x7f: {  	[tilespmem:s0], [sflag:$0x1] =	stream.indirect.gather @!p1 [hbm4b:s4+s25], $0x80, s26, s25, $0xb8;
	[tilespmem:$0x19E00] =	vst v63  }
0x80: {  	s26 =	simm.s32 @!p1 $0x100  }
0x81: {  	[tilespmem:s26], [sflag:$0x5] =	stream.linear.gather @!p1 [hbm4b:s24+s3], $0x100, $0x38;
	[tilespmem:$0x19E00] =	vst v63  }
0x82: {  	_ =	swait.ge @!p1 [sflag:s13], $0x100  }
0x83: {  	[sflag:s13] =	ssyncset.done @!p1 $0x0  }
0x84: {  	s24 =	simm.s32 @!p1 $0x3200;
	[sflag:s13] =	ssyncadd.s32 @!p1 $0xFFFFFF00;
	s13 =	simm.s32 @!p1 $0x180  }
0x85: {  	[tilespmem:s24], [sflag:$0x2] =	stream.indirect.gather @!p1 [hbm4b:s4+s25], $0x80, s13, s25, $0xb8;
	[tilespmem:$0x19E00] =	vst v63  }
0x86: {  	s13 =	simm.s32 @!p1 $0x1  }
0x87: {  	_ =	swait.ge @!p1 [sflag:s13], $0x3000  }
0x88: {  	[sflag:s13] =	ssyncset.done @!p1 $0x0  }
0x89: {  	[sflag:s13] =	ssyncadd.s32 @!p1 $0xFFFFD000  }
0x8a: {  	[spmem:s1] =	stream.indirect.scatter.add.f32 @!p1 [tilespmem:s0], [sflag:$0x3], $0x80, s3, s25, $0xb8;
	[tilespmem:$0x19E00] =	vst v63  }
0x8b: {  	s0 =	simm.s32 @!p1 $0x2  }
0x8c: {  	_ =	swait.ge @!p1 [sflag:s0], $0x3000  }
0x8d: {  	[sflag:s0] =	ssyncset.done @!p1 $0x0  }
0x8e: {  	[sflag:s0] =	ssyncadd.s32 @!p1 $0xFFFFD000;
	s0 =	simm.s32 @!p1 $0x3  }
0x8f: {  	[spmem:s1] =	stream.indirect.scatter.add.f32 @!p1 [tilespmem:s24], [sflag:$0x4], $0x80, s26, s25, $0xb8;
	[tilespmem:$0x19E00] =	vst v63  }
0x90: {  	_ =	swait.ge @!p1 [sflag:s0], $0x3000  }
0x91: {  	[sflag:s0] =	ssyncset.done @!p1 $0x0  }
0x92: {  	[sflag:s0] =	ssyncadd.s32 @!p1 $0xFFFFD000;
	s0 =	simm.s32 @!p1 $0x4  }
0x93: {  	_ =	swait.ge @!p1 [sflag:s0], $0x3000  }
0x94: {  	s3 =	stileid.u32;
	[sflag:s0] =	ssyncset.done @!p1 $0x0  }
0x95: {  	[sflag:s0] =	ssyncadd.s32 @!p1 $0xFFFFD000;
	s0 =	sshll.u32 s3, $0x6  }
0x96: {  	s13 =	sshrl.u32 s5, $0x3;
	[bflag:$0x0] =	sbarrier.arrive $0xFFFF;
	s0 =	sor.u32 $0x1C05, s0  }
0x97: {  	[hbm:s17], [sflag:s0] =	dma.local [spmem:s13], $0x600  }
0x98: {  	_ =	swait.ge [sflag:s16], $0x600  }
0x99: {  	[sflag:s16] =	ssyncset.done $0x0  }
0x9a: {  	s24 =	sshrl.u32 s6, $0x3;
	[sflag:s16] =	ssyncadd.s32 $0xFFFFFA00  }
0x9b: {  	[hbm:s18], [sflag:s0] =	dma.local [spmem:s24], $0x600  }
0x9c: {  	_ =	swait.ge [sflag:s16], $0x600  }
0x9d: {  	[sflag:s16] =	ssyncset.done $0x0  }
0x9e: {  	s25 =	sshrl.u32 s7, $0x3;
	[sflag:s16] =	ssyncadd.s32 $0xFFFFFA00  }
0x9f: {  	[hbm:s19], [sflag:s0] =	dma.local [spmem:s25], $0x600  }
0xa0: {  	_ =	swait.ge [sflag:s16], $0x600  }
0xa1: {  	[sflag:s16] =	ssyncset.done $0x0  }
0xa2: {  	s26 =	sshrl.u32 s8, $0x3;
	[sflag:s16] =	ssyncadd.s32 $0xFFFFFA00  }
0xa3: {  	[hbm:s20], [sflag:s0] =	dma.local [spmem:s26], $0x600  }
0xa4: {  	_ =	swait.ge [sflag:s16], $0x600  }
0xa5: {  	[sflag:s16] =	ssyncset.done $0x0  }
0xa6: {  	s28 =	sshrl.u32 s9, $0x3;
	[sflag:s16] =	ssyncadd.s32 $0xFFFFFA00  }
0xa7: {  	[hbm:s21], [sflag:s0] =	dma.local [spmem:s28], $0x600  }
0xa8: {  	_ =	swait.ge [sflag:s16], $0x600  }
0xa9: {  	[sflag:s16] =	ssyncset.done $0x0  }
0xaa: {  	s29 =	sshrl.u32 s10, $0x3;
	[sflag:s16] =	ssyncadd.s32 $0xFFFFFA00  }
0xab: {  	[hbm:s22], [sflag:s0] =	dma.local [spmem:s29], $0x600  }
0xac: {  	_ =	swait.ge [sflag:s16], $0x600  }
0xad: {  	[sflag:s16] =	ssyncset.done $0x0  }
0xae: {  	s30 =	sshrl.u32 s12, $0x3;
	[sflag:s16] =	ssyncadd.s32 $0xFFFFFA00  }
0xaf: {  	[hbm:s23], [sflag:s0] =	dma.local [spmem:s30], $0x380  }
0xb0: {  	_ =	swait.ge [sflag:s16], $0x380  }
0xb1: {  	s2 =	sadd.s32 $0x1, s2;
	s31 =	rddreg [dreg:$0x4]  }
0xb2: {  	p0 =	sne.s32 s2, s31  }
.Ltmp2:
0xb3: {  	_ = 	snop;
	(pc) =	sbr.rel @p0 .LBB2_1-.Ltmp2, $3  }
0xb4: {  	_ =	sdelay $0x1  }
0xb5: {  	[sflag:s16] =	ssyncset.done $0x0  }
0xb6: {  	[sflag:s16] =	ssyncadd.s32 $0xFFFFFC80  }
0xb7: {  	_ =	sfence.sel $0x180000  }
0xb8: {  	[bflag:$0x0] =	sbarrier.arrive $0xFFFF  }
0xb9: {  	_ =	strace $0x90000053  }
0xba: {  	s0 =	stileid.u32;
	[bflag:$0x2] =	sbarrier.arrive $0xFFFF  }
0xbb: {  	p0 =	sne.s32 s0, $0x0;
	s0 =	rddreg [dreg:$0x3]  }
0xbc: {  	s0 =	sadd.s32 @!p0 $0x100000, s0  }
0xbd: {  	[sflag:s0] =	ssyncadd.tile.s32 @!p0 $0x1;
	_ =	shalt  }
.Lfunc_end2:
_tile_overlayer_lowered:
.L_overlay_start_2:
0xbe: {  	(tag) =	ssettag $0x2  }
0xbf: {  	s0 =	rddreg [dreg:$0x0];
	s2 =	stileid.u32  }
0xc0: {  	s1 =	rddreg [dreg:$0x1];
	p0 =	sne.s32 s2, $0x0  }
0xc1: {  	s3 =	rddreg [dreg:$0x2];
	[bflag:$0x3] =	sbarrier.arrive $0xFFFF;
	s2 =	simm.s32 @!p0 $0x1C05  }
0xc2: {  	[timem:s3], [sflag:s2] =	dma.local @!p0 [hbm:s0], s1  }
0xc3: {  	s0 =	simm.s32 @!p0 $0x5  }
0xc4: {  	_ =	swait.ge @!p0 [sflag:s0], s1  }
0xc5: {  	s1 =	ssub.s32 @!p0 $0x0, s1;
	[sflag:s0] =	ssyncset.done @!p0 $0x0  }
0xc6: {  	[sflag:s0] =	ssyncadd.s32 @!p0 s1  }
0xc7: {  	[bflag:$0x3] =	sbarrier.arrive $0xFFFF  }
0xc8: {  	_ =	shalt  }

</sc_bundles>
